<compile_context>
chip_gen: v7x
topology: tpu7x:2x2x1
jax: 0.10.2.dev20260603
libtpu: 0.0.44.dev20260713+nightly
codegen_flags: <defaults>
</compile_context>

<pallas_src>
import functools

import jax
import jax.numpy as jnp
from jax import lax
from jax.experimental import pallas as pl
from jax.experimental.pallas import tpu as pltpu
from jax.experimental.pallas import tpu_sc as plsc

N = 10000
E = 320000
D = 128

NC = 2
NS = 16
NW = NC * NS

CHUNK = 128
CH0 = 144
CH1 = 16
EP = NS * (CH0 + CH1) * CHUNK
NPAD = 10112
ROWS_PER_S = NPAD // NS

BLK = 8
NBUF = 2
GPB = BLK // NBUF


def _mm_body(feat_ref, w_ref, b_ref, o_ref):
  o_ref[...] = (
      jnp.dot(feat_ref[...], w_ref[...], preferred_element_type=jnp.float32)
      + b_ref[...]
  )


def _add_body(a_ref, b_ref, o_ref):
  o_ref[...] = a_ref[...] + b_ref[...]


_sc_mesh = plsc.VectorSubcoreMesh(core_axis_name="c", subcore_axis_name="s")


@functools.partial(
    pl.kernel,
    out_type=jax.ShapeDtypeStruct((NC, NPAD, D), jnp.float32),
    mesh=_sc_mesh,
    scratch_types=[
        pltpu.VMEM((2, BLK, CHUNK), jnp.int32),
        pltpu.VMEM((2, BLK, CHUNK), jnp.int32),
        pltpu.VMEM((NBUF, CHUNK, D), jnp.float32),
        pltpu.VMEM_SHARED((NPAD, D), jnp.float32),
        pltpu.SemaphoreType.DMA((NBUF,)),
        pltpu.SemaphoreType.DMA((NBUF,)),
        pltpu.SemaphoreType.DMA,
    ],
)
def _sc_aggregate(src_hbm, dst_hbm, h_hbm, z_hbm, out_hbm,
                  sidx, didx, rows_v, acc, gsem, ssem, isem):
  c = lax.axis_index("c")
  s = lax.axis_index("s")

  pltpu.sync_copy(z_hbm.at[pl.ds(s * ROWS_PER_S, ROWS_PER_S)],
                  acc.at[pl.ds(s * ROWS_PER_S, ROWS_PER_S)])
  plsc.subcore_barrier()

  def fire_gather(slot, row, b):
    pltpu.async_copy(h_hbm.at[sidx.at[slot, row]], rows_v.at[b], gsem.at[b])

  def drain_gather(b):
    pltpu.make_async_copy(h_hbm.at[pl.ds(0, CHUNK)], rows_v.at[b],
                          gsem.at[b]).wait()

  def fire_scatter(slot, row, b):
    pltpu.async_copy(rows_v.at[b], acc.at[didx.at[slot, row]], ssem.at[b],
                     add=True)

  def drain_scatter(b):
    pltpu.make_async_copy(h_hbm.at[pl.ds(0, CHUNK)], rows_v.at[b],
                          ssem.at[b]).wait()

  def run_pipeline(row0, nblk):
    def fire_idx(blk, slot):
      off = row0 + blk * BLK
      pltpu.async_copy(src_hbm.at[pl.ds(off, BLK)], sidx.at[slot], isem)
      pltpu.async_copy(dst_hbm.at[pl.ds(off, BLK)], didx.at[slot], isem)

    def drain_idx():
      pltpu.make_async_copy(src_hbm.at[pl.ds(0, BLK)], sidx.at[0], isem).wait()
      pltpu.make_async_copy(src_hbm.at[pl.ds(0, BLK)], didx.at[0], isem).wait()

    pltpu.sync_copy(src_hbm.at[pl.ds(row0, BLK)], sidx.at[0])
    pltpu.sync_copy(dst_hbm.at[pl.ds(row0, BLK)], didx.at[0])

    fire_idx(1, 1)
    for b in range(NBUF):
      fire_gather(0, b, b)

    def block_body(blk, p, fire_next, fire_idx_next):
      q = 1 - p
      for gg in range(GPB):
        r0 = NBUF * gg
        for b in range(NBUF):
          drain_gather(b)
          fire_scatter(p, r0 + b, b)
        if gg == GPB - 1 and (fire_next or fire_idx_next):
          drain_idx()
        for b in range(NBUF):
          drain_scatter(b)
          if gg < GPB - 1:
            fire_gather(p, r0 + NBUF + b, b)
          elif fire_next:
            fire_gather(q, b, b)
      if fire_idx_next:
        fire_idx(blk + 2, p)

    def body(blk, carry):
      p = lax.rem(blk, 2)

      @pl.when(blk < nblk - 2)
      def _steady():
        block_body(blk, p, True, True)

      @pl.when(blk == nblk - 2)
      def _penultimate():
        block_body(blk, p, True, False)

      return carry

    lax.fori_loop(0, nblk - 1, body, 0)
    block_body(nblk - 1, (nblk - 1) % 2, False, False)

  @pl.when(c == 0)
  def _core0():
    run_pipeline(s * CH0, CH0 // BLK)

  @pl.when(c == 1)
  def _core1():
    run_pipeline(NS * CH0 + s * CH1, CH1 // BLK)

  plsc.subcore_barrier()
  pltpu.sync_copy(acc.at[pl.ds(s * ROWS_PER_S, ROWS_PER_S)],
                  out_hbm.at[c, pl.ds(s * ROWS_PER_S, ROWS_PER_S)])


def kernel(feat, edge_index, W, b):
  src = edge_index[0].astype(jnp.int32)
  dst = edge_index[1].astype(jnp.int32)
  pad = EP - E
  srcp = jnp.concatenate([src, jnp.zeros((pad,), jnp.int32)]).reshape(-1, CHUNK)
  dstp = jnp.concatenate([dst, jnp.full((pad,), N, jnp.int32)]).reshape(-1, CHUNK)

  h = pl.pallas_call(
      _mm_body,
      grid=(10,),
      in_specs=[
          pl.BlockSpec((N // 10, D), lambda i: (i, 0)),
          pl.BlockSpec((D, D), lambda i: (0, 0)),
          pl.BlockSpec((1, D), lambda i: (0, 0)),
      ],
      out_specs=pl.BlockSpec((N // 10, D), lambda i: (i, 0)),
      out_shape=jax.ShapeDtypeStruct((N, D), jnp.float32),
  )(feat, W, b.reshape(1, D))

  zeros = jnp.zeros((NPAD, D), jnp.float32)
  partials = _sc_aggregate(srcp, dstp, h, zeros)

  out = pl.pallas_call(
      _add_body,
      grid=(10,),
      in_specs=[
          pl.BlockSpec((N // 10, D), lambda i: (i, 0)),
          pl.BlockSpec((N // 10, D), lambda i: (i, 0)),
      ],
      out_specs=pl.BlockSpec((N // 10, D), lambda i: (i, 0)),
      out_shape=jax.ShapeDtypeStruct((N, D), jnp.float32),
  )(partials[0, :N], partials[1, :N])
  return out

# --- scband reference (transcript-rebuilt; emitter-appended) ---
"""Pipeline reference for scband-model-3152505996047 (READ-ONLY COPY).

The authoritative reference and input builder live on the scoring server;
editing this copy changes nothing except your own understanding.
"""

import jax, jax.numpy as jnp
import numpy as np

N_NODES = 10000
N_EDGES = 320000
D_IN = 128
D_OUT = 128

def setup_inputs(seed: int = 0) -> dict:
    key = jax.random.key(seed)
    k1, k2, k3, k4 = jax.random.split(key, 4)
    feat = jax.random.normal(k1, (N_NODES, D_IN), dtype=jnp.float32)
    edge_index = jax.random.randint(k2, (2, N_EDGES), 0, N_NODES, dtype=jnp.int64)
    # Linear layer params (PyTorch nn.Linear default init: U(-1/sqrt(fan_in), 1/sqrt(fan_in)))
    bound = 1.0 / np.sqrt(D_IN)
    W = jax.random.uniform(k3, (D_IN, D_OUT), dtype=jnp.float32, minval=-bound, maxval=bound)
    b = jax.random.uniform(k4, (D_OUT,), dtype=jnp.float32, minval=-bound, maxval=bound)
    return {"feat": feat, "edge_index": edge_index, "W": W, "b": b}

def reference(feat, edge_index, W, b):
    # feat = self.linear(feat)
    h = feat @ W + b
    # update_all(copy_u('h','m'), sum('m','h')):
    # gather source-node features along each edge, scatter-add to destination nodes
    src = edge_index[0]
    dst = edge_index[1]
    msgs = jnp.take(h, src, axis=0)
    out = jax.ops.segment_sum(msgs, dst, num_segments=feat.shape[0])
    return out

if __name__ == "__main__":
    import jax
    _d = setup_inputs()
    print(jax.jit(kernel)(*tuple(_d.values())))

</pallas_src>

<mosaic_0001>
#map = affine_map<(d0, d1) -> (0, 0)>
#map1 = affine_map<(d0, d1) -> (0, 0, 0)>
module attributes {stable_mosaic.version = 14 : i64} {
  func.func @_sc_aggregate(%arg0: i32, %arg1: i32, %arg2: memref<2560x128xi32, #tpu.memory_space<hbm>>, %arg3: memref<2560x128xi32, #tpu.memory_space<hbm>>, %arg4: memref<10000x128xf32, #tpu.memory_space<hbm>>, %arg5: memref<10112x128xf32, #tpu.memory_space<hbm>>, %arg6: memref<2x10112x128xf32, #tpu.memory_space<hbm>>, %arg7: memref<2x8x128xi32, #tpu.memory_space<vmem>>, %arg8: memref<2x8x128xi32, #tpu.memory_space<vmem>>, %arg9: memref<2x128x128xf32, #tpu.memory_space<vmem>>, %arg10: memref<10112x128xf32, #tpu.memory_space<vmem_shared>>, %arg11: memref<2x!tpu.dma_semaphore, #tpu.memory_space<semaphore_mem>>, %arg12: memref<2x!tpu.dma_semaphore, #tpu.memory_space<semaphore_mem>>, %arg13: memref<!tpu.dma_semaphore, #tpu.memory_space<semaphore_mem>>) attributes {dimension_semantics = [#tpu.dimension_semantics<core_parallel>, #tpu.dimension_semantics<subcore_parallel>], iteration_bounds = array<i64: 2, 16>, scalar_prefetch = 0 : i64, scratch_operands = 7 : i64, tpu.core_type = #tpu.core_type<sc_vector_subcore>, window_params = [{transform_indices = #map}, {transform_indices = #map}, {transform_indices = #map}, {transform_indices = #map}, {transform_indices = #map1}]} {
    %mul3A = arith.constant 632 : i32
    %mul3A_0 = arith.muli %arg1, %mul3A : i32
    %mul3A_1 = arith.constant 632 : i32
    %mul3A_2 = arith.muli %arg1, %mul3A_1 : i32
    "tpu.region"() ({
      %run_scoped3A = tpu.sem_alloc : memref<!tpu.dma_semaphore, #tpu.memory_space<semaphore_mem>>
      %dma_start3A = arith.constant 0 : i32
      %dma_start3A_15 = tpu.memref_slice %arg10[%mul3A_2, %dma_start3A] : memref<10112x128xf32, #tpu.memory_space<vmem_shared>> -> memref<632x128xf32, #tpu.memory_space<vmem_shared>>
      %dma_start3A_16 = arith.constant 0 : i32
      %dma_start3A_17 = tpu.memref_slice %arg5[%mul3A_0, %dma_start3A_16] : memref<10112x128xf32, #tpu.memory_space<hbm>> -> memref<632x128xf32, #tpu.memory_space<hbm>>
      tpu.enqueue_dma source(%dma_start3A_17 : memref<632x128xf32, #tpu.memory_space<hbm>>) target(%dma_start3A_15 : memref<632x128xf32, #tpu.memory_space<vmem_shared>>) target_semaphore(%run_scoped3A : memref<!tpu.dma_semaphore, #tpu.memory_space<semaphore_mem>>)
      %dma_wait3A = arith.constant 0 : i32
      %dma_wait3A_18 = tpu.memref_slice %arg10[%mul3A_2, %dma_wait3A] : memref<10112x128xf32, #tpu.memory_space<vmem_shared>> -> memref<632x128xf32, #tpu.memory_space<vmem_shared>>
      %dma_wait3A_19 = arith.constant 0 : i32
      %dma_wait3A_20 = tpu.memref_slice %arg5[%mul3A_0, %dma_wait3A_19] : memref<10112x128xf32, #tpu.memory_space<hbm>> -> memref<632x128xf32, #tpu.memory_space<hbm>>
      tpu.wait_dma2 semaphore(%run_scoped3A : memref<!tpu.dma_semaphore, #tpu.memory_space<semaphore_mem>>) src(%dma_wait3A_20 : memref<632x128xf32, #tpu.memory_space<hbm>>) dst(%dma_wait3A_18 : memref<632x128xf32, #tpu.memory_space<vmem_shared>>)
      tpu.yield
    }) : () -> ()
    %barrier3A = arith.constant 0 : index
    tpu.barrier barrier_id(%barrier3A)
    %eq3A = arith.constant 0 : i32
    %eq3A_3 = arith.cmpi eq, %arg0, %eq3A : i32
    %convert_element_type3A = arith.extui %eq3A_3 : i1 to i32
    %cond3A = arith.constant 0 : i32
    %cond3A_4 = arith.cmpi ne, %convert_element_type3A, %cond3A : i32
    scf.if %cond3A_4 {
      %mul3A_15 = arith.constant 144 : i32
      %mul3A_16 = arith.muli %arg1, %mul3A_15 : i32
      %run_scoped3A = arith.constant 0 : i32
      "tpu.region"() ({
        %run_scoped3A_592 = tpu.sem_alloc : memref<!tpu.dma_semaphore, #tpu.memory_space<semaphore_mem>>
        %dma_start3A_593 = arith.constant 0 : i32
        %dma_start3A_594 = arith.constant 0 : i32
        %dma_start3A_595 = tpu.memref_slice %arg7[%run_scoped3A, %dma_start3A_593, %dma_start3A_594] : memref<2x8x128xi32, #tpu.memory_space<vmem>> -> memref<1x8x128xi32, #tpu.memory_space<vmem>>
        %dma_start3A_596 = tpu.memref_squeeze %dma_start3A_595 : memref<1x8x128xi32, #tpu.memory_space<vmem>> -> memref<8x128xi32, #tpu.memory_space<vmem>>
        %dma_start3A_597 = arith.constant 0 : i32
        %dma_start3A_598 = tpu.memref_slice %arg2[%mul3A_16, %dma_start3A_597] : memref<2560x128xi32, #tpu.memory_space<hbm>> -> memref<8x128xi32, #tpu.memory_space<hbm>>
        %dma_start3A_599 = arith.constant 0 : i32
        %dma_start3A_600 = arith.constant 0 : i32
        %dma_start3A_601 = tpu.memref_slice %arg7[%run_scoped3A, %dma_start3A_599, %dma_start3A_600] : memref<2x8x128xi32, #tpu.memory_space<vmem>> -> memref<1x8x128xi32, #tpu.memory_space<vmem>>
        %dma_start3A_602 = tpu.memref_squeeze %dma_start3A_601 : memref<1x8x128xi32, #tpu.memory_space<vmem>> -> memref<8x128xi32, #tpu.memory_space<vmem>>
        %dma_start3A_603 = arith.constant 0 : i32
        %dma_start3A_604 = tpu.memref_slice %arg2[%mul3A_16, %dma_start3A_603] : memref<2560x128xi32, #tpu.memory_space<hbm>> -> memref<8x128xi32, #tpu.memory_space<hbm>>
        tpu.enqueue_dma source(%dma_start3A_604 : memref<8x128xi32, #tpu.memory_space<hbm>>) target(%dma_start3A_602 : memref<8x128xi32, #tpu.memory_space<vmem>>) target_semaphore(%run_scoped3A_592 : memref<!tpu.dma_semaphore, #tpu.memory_space<semaphore_mem>>)
        %dma_wait3A_605 = arith.constant 0 : i32
        %dma_wait3A_606 = arith.constant 0 : i32
        %dma_wait3A_607 = tpu.memref_slice %arg7[%run_scoped3A, %dma_wait3A_605, %dma_wait3A_606] : memref<2x8x128xi32, #tpu.memory_space<vmem>> -> memref<1x8x128xi32, #tpu.memory_space<vmem>>
        %dma_wait3A_608 = tpu.memref_squeeze %dma_wait3A_607 : memref<1x8x128xi32, #tpu.memory_space<vmem>> -> memref<8x128xi32, #tpu.memory_space<vmem>>
        %dma_wait3A_609 = arith.constant 0 : i32
        %dma_wait3A_610 = tpu.memref_slice %arg2[%mul3A_16, %dma_wait3A_609] : memref<2560x128xi32, #tpu.memory_space<hbm>> -> memref<8x128xi32, #tpu.memory_space<hbm>>
        %dma_wait3A_611 = arith.constant 0 : i32
        %dma_wait3A_612 = arith.constant 0 : i32
        %dma_wait3A_613 = tpu.memref_slice %arg7[%run_scoped3A, %dma_wait3A_611, %dma_wait3A_612] : memref<2x8x128xi32, #tpu.memory_space<vmem>> -> memref<1x8x128xi32, #tpu.memory_space<vmem>>
        %dma_wait3A_614 = tpu.memref_squeeze %dma_wait3A_613 : memref<1x8x128xi32, #tpu.memory_space<vmem>> -> memref<8x128xi32, #tpu.memory_space<vmem>>
        %dma_wait3A_615 = arith.constant 0 : i32
        %dma_wait3A_616 = tpu.memref_slice %arg2[%mul3A_16, %dma_wait3A_615] : memref<2560x128xi32, #tpu.memory_space<hbm>> -> memref<8x128xi32, #tpu.memory_space<hbm>>
        tpu.wait_dma2 semaphore(%run_scoped3A_592 : memref<!tpu.dma_semaphore, #tpu.memory_space<semaphore_mem>>) src(%dma_wait3A_616 : memref<8x128xi32, #tpu.memory_space<hbm>>) dst(%dma_wait3A_614 : memref<8x128xi32, #tpu.memory_space<vmem>>)
        tpu.yield
      }) : () -> ()
      %run_scoped3A_17 = arith.constant 0 : i32
      "tpu.region"() ({
        %run_scoped3A_592 = tpu.sem_alloc : memref<!tpu.dma_semaphore, #tpu.memory_space<semaphore_mem>>
        %dma_start3A_593 = arith.constant 0 : i32
        %dma_start3A_594 = arith.constant 0 : i32
        %dma_start3A_595 = tpu.memref_slice %arg8[%run_scoped3A_17, %dma_start3A_593, %dma_start3A_594] : memref<2x8x128xi32, #tpu.memory_space<vmem>> -> memref<1x8x128xi32, #tpu.memory_space<vmem>>
        %dma_start3A_596 = tpu.memref_squeeze %dma_start3A_595 : memref<1x8x128xi32, #tpu.memory_space<vmem>> -> memref<8x128xi32, #tpu.memory_space<vmem>>
        %dma_start3A_597 = arith.constant 0 : i32
        %dma_start3A_598 = tpu.memref_slice %arg3[%mul3A_16, %dma_start3A_597] : memref<2560x128xi32, #tpu.memory_space<hbm>> -> memref<8x128xi32, #tpu.memory_space<hbm>>
        %dma_start3A_599 = arith.constant 0 : i32
        %dma_start3A_600 = arith.constant 0 : i32
        %dma_start3A_601 = tpu.memref_slice %arg8[%run_scoped3A_17, %dma_start3A_599, %dma_start3A_600] : memref<2x8x128xi32, #tpu.memory_space<vmem>> -> memref<1x8x128xi32, #tpu.memory_space<vmem>>
        %dma_start3A_602 = tpu.memref_squeeze %dma_start3A_601 : memref<1x8x128xi32, #tpu.memory_space<vmem>> -> memref<8x128xi32, #tpu.memory_space<vmem>>
        %dma_start3A_603 = arith.constant 0 : i32
        %dma_start3A_604 = tpu.memref_slice %arg3[%mul3A_16, %dma_start3A_603] : memref<2560x128xi32, #tpu.memory_space<hbm>> -> memref<8x128xi32, #tpu.memory_space<hbm>>
        tpu.enqueue_dma source(%dma_start3A_604 : memref<8x128xi32, #tpu.memory_space<hbm>>) target(%dma_start3A_602 : memref<8x128xi32, #tpu.memory_space<vmem>>) target_semaphore(%run_scoped3A_592 : memref<!tpu.dma_semaphore, #tpu.memory_space<semaphore_mem>>)
        %dma_wait3A_605 = arith.constant 0 : i32
        %dma_wait3A_606 = arith.constant 0 : i32
        %dma_wait3A_607 = tpu.memref_slice %arg8[%run_scoped3A_17, %dma_wait3A_605, %dma_wait3A_606] : memref<2x8x128xi32, #tpu.memory_space<vmem>> -> memref<1x8x128xi32, #tpu.memory_space<vmem>>
        %dma_wait3A_608 = tpu.memref_squeeze %dma_wait3A_607 : memref<1x8x128xi32, #tpu.memory_space<vmem>> -> memref<8x128xi32, #tpu.memory_space<vmem>>
        %dma_wait3A_609 = arith.constant 0 : i32
        %dma_wait3A_610 = tpu.memref_slice %arg3[%mul3A_16, %dma_wait3A_609] : memref<2560x128xi32, #tpu.memory_space<hbm>> -> memref<8x128xi32, #tpu.memory_space<hbm>>
        %dma_wait3A_611 = arith.constant 0 : i32
        %dma_wait3A_612 = arith.constant 0 : i32
        %dma_wait3A_613 = tpu.memref_slice %arg8[%run_scoped3A_17, %dma_wait3A_611, %dma_wait3A_612] : memref<2x8x128xi32, #tpu.memory_space<vmem>> -> memref<1x8x128xi32, #tpu.memory_space<vmem>>
        %dma_wait3A_614 = tpu.memref_squeeze %dma_wait3A_613 : memref<1x8x128xi32, #tpu.memory_space<vmem>> -> memref<8x128xi32, #tpu.memory_space<vmem>>
        %dma_wait3A_615 = arith.constant 0 : i32
        %dma_wait3A_616 = tpu.memref_slice %arg3[%mul3A_16, %dma_wait3A_615] : memref<2560x128xi32, #tpu.memory_space<hbm>> -> memref<8x128xi32, #tpu.memory_space<hbm>>
        tpu.wait_dma2 semaphore(%run_scoped3A_592 : memref<!tpu.dma_semaphore, #tpu.memory_space<semaphore_mem>>) src(%dma_wait3A_616 : memref<8x128xi32, #tpu.memory_space<hbm>>) dst(%dma_wait3A_614 : memref<8x128xi32, #tpu.memory_space<vmem>>)
        tpu.yield
      }) : () -> ()
      %add3A = arith.constant 8 : i32
      %add3A_18 = arith.addi %mul3A_16, %add3A : i32
      %dma_start3A = arith.constant 1 : i32
      %dma_start3A_19 = arith.constant 0 : i32
      %dma_start3A_20 = arith.constant 0 : i32
      %dma_start3A_21 = tpu.memref_slice %arg7[%dma_start3A, %dma_start3A_19, %dma_start3A_20] : memref<2x8x128xi32, #tpu.memory_space<vmem>> -> memref<1x8x128xi32, #tpu.memory_space<vmem>>
      %dma_start3A_22 = tpu.memref_squeeze %dma_start3A_21 : memref<1x8x128xi32, #tpu.memory_space<vmem>> -> memref<8x128xi32, #tpu.memory_space<vmem>>
      %dma_start3A_23 = arith.constant 0 : i32
      %dma_start3A_24 = tpu.memref_slice %arg2[%add3A_18, %dma_start3A_23] : memref<2560x128xi32, #tpu.memory_space<hbm>> -> memref<8x128xi32, #tpu.memory_space<hbm>>
      %dma_start3A_25 = arith.constant 0 : i32
      %dma_start3A_26 = arith.constant 0 : i32
      %dma_start3A_27 = tpu.memref_slice %arg7[%dma_start3A, %dma_start3A_25, %dma_start3A_26] : memref<2x8x128xi32, #tpu.memory_space<vmem>> -> memref<1x8x128xi32, #tpu.memory_space<vmem>>
      %dma_start3A_28 = tpu.memref_squeeze %dma_start3A_27 : memref<1x8x128xi32, #tpu.memory_space<vmem>> -> memref<8x128xi32, #tpu.memory_space<vmem>>
      %dma_start3A_29 = arith.constant 0 : i32
      %dma_start3A_30 = tpu.memref_slice %arg2[%add3A_18, %dma_start3A_29] : memref<2560x128xi32, #tpu.memory_space<hbm>> -> memref<8x128xi32, #tpu.memory_space<hbm>>
      tpu.enqueue_dma source(%dma_start3A_30 : memref<8x128xi32, #tpu.memory_space<hbm>>) target(%dma_start3A_28 : memref<8x128xi32, #tpu.memory_space<vmem>>) target_semaphore(%arg13 : memref<!tpu.dma_semaphore, #tpu.memory_space<semaphore_mem>>)
      %dma_start3A_31 = arith.constant 1 : i32
      %dma_start3A_32 = arith.constant 0 : i32
      %dma_start3A_33 = arith.constant 0 : i32
      %dma_start3A_34 = tpu.memref_slice %arg8[%dma_start3A_31, %dma_start3A_32, %dma_start3A_33] : memref<2x8x128xi32, #tpu.memory_space<vmem>> -> memref<1x8x128xi32, #tpu.memory_space<vmem>>
      %dma_start3A_35 = tpu.memref_squeeze %dma_start3A_34 : memref<1x8x128xi32, #tpu.memory_space<vmem>> -> memref<8x128xi32, #tpu.memory_space<vmem>>
      %dma_start3A_36 = arith.constant 0 : i32
      %dma_start3A_37 = tpu.memref_slice %arg3[%add3A_18, %dma_start3A_36] : memref<2560x128xi32, #tpu.memory_space<hbm>> -> memref<8x128xi32, #tpu.memory_space<hbm>>
      %dma_start3A_38 = arith.constant 0 : i32
      %dma_start3A_39 = arith.constant 0 : i32
      %dma_start3A_40 = tpu.memref_slice %arg8[%dma_start3A_31, %dma_start3A_38, %dma_start3A_39] : memref<2x8x128xi32, #tpu.memory_space<vmem>> -> memref<1x8x128xi32, #tpu.memory_space<vmem>>
      %dma_start3A_41 = tpu.memref_squeeze %dma_start3A_40 : memref<1x8x128xi32, #tpu.memory_space<vmem>> -> memref<8x128xi32, #tpu.memory_space<vmem>>
      %dma_start3A_42 = arith.constant 0 : i32
      %dma_start3A_43 = tpu.memref_slice %arg3[%add3A_18, %dma_start3A_42] : memref<2560x128xi32, #tpu.memory_space<hbm>> -> memref<8x128xi32, #tpu.memory_space<hbm>>
      tpu.enqueue_dma source(%dma_start3A_43 : memref<8x128xi32, #tpu.memory_space<hbm>>) target(%dma_start3A_41 : memref<8x128xi32, #tpu.memory_space<vmem>>) target_semaphore(%arg13 : memref<!tpu.dma_semaphore, #tpu.memory_space<semaphore_mem>>)
      %dma_start3A_44 = arith.constant 0 : i32
      %dma_start3A_45 = arith.constant 0 : i32
      %dma_start3A_46 = arith.constant 0 : i32
      %dma_start3A_47 = arith.constant 0 : i32
      %dma_start3A_48 = arith.constant 0 : i32
      %dma_start3A_49 = arith.constant 0 : i32
      %dma_start3A_50 = tpu.memref_slice %arg9[%dma_start3A_46, %dma_start3A_48, %dma_start3A_49] : memref<2x128x128xf32, #tpu.memory_space<vmem>> -> memref<1x128x128xf32, #tpu.memory_space<vmem>>
      %dma_start3A_51 = tpu.memref_squeeze %dma_start3A_50 : memref<1x128x128xf32, #tpu.memory_space<vmem>> -> memref<128x128xf32, #tpu.memory_space<vmem>>
      %dma_start3A_52 = arith.constant 0 : i32
      %dma_start3A_53 = tpu.memref_slice %arg7[%dma_start3A_44, %dma_start3A_45, %dma_start3A_52] : memref<2x8x128xi32, #tpu.memory_space<vmem>> -> memref<1x1x128xi32, #tpu.memory_space<vmem>>
      %dma_start3A_54 = tpu.memref_squeeze %dma_start3A_53 : memref<1x1x128xi32, #tpu.memory_space<vmem>> -> memref<128xi32, #tpu.memory_space<vmem>>
      %dma_start3A_55 = arith.constant 0 : i32
      %dma_start3A_56 = arith.constant 0 : i32
      %dma_start3A_57 = tpu.memref_slice %arg4[%dma_start3A_55, %dma_start3A_56] : memref<10000x128xf32, #tpu.memory_space<hbm>> -> memref<10000x128xf32, #tpu.memory_space<hbm>>
      %dma_start3A_58 = tpu.memref_slice %arg11[%dma_start3A_47] : memref<2x!tpu.dma_semaphore, #tpu.memory_space<semaphore_mem>> -> memref<1x!tpu.dma_semaphore, #tpu.memory_space<semaphore_mem>>
      %dma_start3A_59 = tpu.memref_squeeze %dma_start3A_58 : memref<1x!tpu.dma_semaphore, #tpu.memory_space<semaphore_mem>> -> memref<!tpu.dma_semaphore, #tpu.memory_space<semaphore_mem>>
      tpu.enqueue_indirect_dma source(%dma_start3A_57 : memref<10000x128xf32, #tpu.memory_space<hbm>>) target(%dma_start3A_51 : memref<128x128xf32, #tpu.memory_space<vmem>>) offsets(%dma_start3A_54 : memref<128xi32, #tpu.memory_space<vmem>>) semaphore(%dma_start3A_59 : memref<!tpu.dma_semaphore, #tpu.memory_space<semaphore_mem>>)
      %dma_start3A_60 = arith.constant 0 : i32
      %dma_start3A_61 = arith.constant 1 : i32
      %dma_start3A_62 = arith.constant 1 : i32
      %dma_start3A_63 = arith.constant 1 : i32
      %dma_start3A_64 = arith.constant 0 : i32
      %dma_start3A_65 = arith.constant 0 : i32
      %dma_start3A_66 = tpu.memref_slice %arg9[%dma_start3A_62, %dma_start3A_64, %dma_start3A_65] : memref<2x128x128xf32, #tpu.memory_space<vmem>> -> memref<1x128x128xf32, #tpu.memory_space<vmem>>
      %dma_start3A_67 = tpu.memref_squeeze %dma_start3A_66 : memref<1x128x128xf32, #tpu.memory_space<vmem>> -> memref<128x128xf32, #tpu.memory_space<vmem>>
      %dma_start3A_68 = arith.constant 0 : i32
      %dma_start3A_69 = tpu.memref_slice %arg7[%dma_start3A_60, %dma_start3A_61, %dma_start3A_68] : memref<2x8x128xi32, #tpu.memory_space<vmem>> -> memref<1x1x128xi32, #tpu.memory_space<vmem>>
      %dma_start3A_70 = tpu.memref_squeeze %dma_start3A_69 : memref<1x1x128xi32, #tpu.memory_space<vmem>> -> memref<128xi32, #tpu.memory_space<vmem>>
      %dma_start3A_71 = arith.constant 0 : i32
      %dma_start3A_72 = arith.constant 0 : i32
      %dma_start3A_73 = tpu.memref_slice %arg4[%dma_start3A_71, %dma_start3A_72] : memref<10000x128xf32, #tpu.memory_space<hbm>> -> memref<10000x128xf32, #tpu.memory_space<hbm>>
      %dma_start3A_74 = tpu.memref_slice %arg11[%dma_start3A_63] : memref<2x!tpu.dma_semaphore, #tpu.memory_space<semaphore_mem>> -> memref<1x!tpu.dma_semaphore, #tpu.memory_space<semaphore_mem>>
      %dma_start3A_75 = tpu.memref_squeeze %dma_start3A_74 : memref<1x!tpu.dma_semaphore, #tpu.memory_space<semaphore_mem>> -> memref<!tpu.dma_semaphore, #tpu.memory_space<semaphore_mem>>
      tpu.enqueue_indirect_dma source(%dma_start3A_73 : memref<10000x128xf32, #tpu.memory_space<hbm>>) target(%dma_start3A_67 : memref<128x128xf32, #tpu.memory_space<vmem>>) offsets(%dma_start3A_70 : memref<128xi32, #tpu.memory_space<vmem>>) semaphore(%dma_start3A_75 : memref<!tpu.dma_semaphore, #tpu.memory_space<semaphore_mem>>)
      %scan3A = arith.constant 0 : i32
      %scan3A_76 = arith.constant 0 : i32
      %scan3A_77 = arith.constant 17 : i32
      %scan3A_78 = arith.addi %scan3A_76, %scan3A_77 : i32
      %scan3A_79 = arith.constant 1 : i32
      scf.for %scan3A_592 = %scan3A_76 to %scan3A_78 step %scan3A_79  : i32 {
        %rem3A = arith.constant 2 : i32
        %rem3A_593 = arith.remsi %scan3A_592, %rem3A : i32
        %lt3A = arith.constant 16 : i32
        %lt3A_594 = arith.cmpi slt, %scan3A_592, %lt3A : i32
        %convert_element_type3A_595 = arith.extui %lt3A_594 : i1 to i32
        %cond3A_596 = arith.constant 0 : i32
        %cond3A_597 = arith.cmpi ne, %convert_element_type3A_595, %cond3A_596 : i32
        scf.if %cond3A_597 {
          %sub3A = arith.constant 1 : i32
          %sub3A_603 = arith.subi %sub3A, %rem3A_593 : i32
          %dma_wait3A_604 = arith.constant 0 : i32
          %dma_wait3A_605 = arith.constant 0 : i32
          %dma_wait3A_606 = arith.constant 0 : i32
          %dma_wait3A_607 = arith.constant 0 : i32
          %dma_wait3A_608 = tpu.memref_slice %arg9[%dma_wait3A_604, %dma_wait3A_606, %dma_wait3A_607] : memref<2x128x128xf32, #tpu.memory_space<vmem>> -> memref<1x128x128xf32, #tpu.memory_space<vmem>>
          %dma_wait3A_609 = tpu.memref_squeeze %dma_wait3A_608 : memref<1x128x128xf32, #tpu.memory_space<vmem>> -> memref<128x128xf32, #tpu.memory_space<vmem>>
          %dma_wait3A_610 = arith.constant 0 : i32
          %dma_wait3A_611 = arith.constant 0 : i32
          %dma_wait3A_612 = tpu.memref_slice %arg4[%dma_wait3A_610, %dma_wait3A_611] : memref<10000x128xf32, #tpu.memory_space<hbm>> -> memref<128x128xf32, #tpu.memory_space<hbm>>
          %dma_wait3A_613 = tpu.memref_slice %arg11[%dma_wait3A_605] : memref<2x!tpu.dma_semaphore, #tpu.memory_space<semaphore_mem>> -> memref<1x!tpu.dma_semaphore, #tpu.memory_space<semaphore_mem>>
          %dma_wait3A_614 = tpu.memref_squeeze %dma_wait3A_613 : memref<1x!tpu.dma_semaphore, #tpu.memory_space<semaphore_mem>> -> memref<!tpu.dma_semaphore, #tpu.memory_space<semaphore_mem>>
          %dma_wait3A_615 = arith.constant 0 : i32
          %dma_wait3A_616 = arith.constant 0 : i32
          %dma_wait3A_617 = tpu.memref_slice %arg9[%dma_wait3A_604, %dma_wait3A_615, %dma_wait3A_616] : memref<2x128x128xf32, #tpu.memory_space<vmem>> -> memref<1x128x128xf32, #tpu.memory_space<vmem>>
          %dma_wait3A_618 = tpu.memref_squeeze %dma_wait3A_617 : memref<1x128x128xf32, #tpu.memory_space<vmem>> -> memref<128x128xf32, #tpu.memory_space<vmem>>
          %dma_wait3A_619 = arith.constant 0 : i32
          %dma_wait3A_620 = arith.constant 0 : i32
          %dma_wait3A_621 = tpu.memref_slice %arg4[%dma_wait3A_619, %dma_wait3A_620] : memref<10000x128xf32, #tpu.memory_space<hbm>> -> memref<128x128xf32, #tpu.memory_space<hbm>>
          tpu.wait_dma2 semaphore(%dma_wait3A_614 : memref<!tpu.dma_semaphore, #tpu.memory_space<semaphore_mem>>) src(%dma_wait3A_621 : memref<128x128xf32, #tpu.memory_space<hbm>>) dst(%dma_wait3A_618 : memref<128x128xf32, #tpu.memory_space<vmem>>)
          %dma_start3A_622 = arith.constant 0 : i32
          %dma_start3A_623 = arith.constant 0 : i32
          %dma_start3A_624 = arith.constant 0 : i32
          %dma_start3A_625 = arith.constant 0 : i32
          %dma_start3A_626 = arith.constant 0 : i32
          %dma_start3A_627 = tpu.memref_slice %arg9[%dma_start3A_622, %dma_start3A_625, %dma_start3A_626] : memref<2x128x128xf32, #tpu.memory_space<vmem>> -> memref<1x128x128xf32, #tpu.memory_space<vmem>>
          %dma_start3A_628 = tpu.memref_squeeze %dma_start3A_627 : memref<1x128x128xf32, #tpu.memory_space<vmem>> -> memref<128x128xf32, #tpu.memory_space<vmem>>
          %dma_start3A_629 = arith.constant 0 : i32
          %dma_start3A_630 = tpu.memref_slice %arg8[%rem3A_593, %dma_start3A_623, %dma_start3A_629] : memref<2x8x128xi32, #tpu.memory_space<vmem>> -> memref<1x1x128xi32, #tpu.memory_space<vmem>>
          %dma_start3A_631 = tpu.memref_squeeze %dma_start3A_630 : memref<1x1x128xi32, #tpu.memory_space<vmem>> -> memref<128xi32, #tpu.memory_space<vmem>>
          %dma_start3A_632 = arith.constant 0 : i32
          %dma_start3A_633 = arith.constant 0 : i32
          %dma_start3A_634 = tpu.memref_slice %arg10[%dma_start3A_632, %dma_start3A_633] : memref<10112x128xf32, #tpu.memory_space<vmem_shared>> -> memref<10112x128xf32, #tpu.memory_space<vmem_shared>>
          %dma_start3A_635 = tpu.memref_slice %arg12[%dma_start3A_624] : memref<2x!tpu.dma_semaphore, #tpu.memory_space<semaphore_mem>> -> memref<1x!tpu.dma_semaphore, #tpu.memory_space<semaphore_mem>>
          %dma_start3A_636 = tpu.memref_squeeze %dma_start3A_635 : memref<1x!tpu.dma_semaphore, #tpu.memory_space<semaphore_mem>> -> memref<!tpu.dma_semaphore, #tpu.memory_space<semaphore_mem>>
          tpu.enqueue_indirect_dma source(%dma_start3A_628 : memref<128x128xf32, #tpu.memory_space<vmem>>) target(%dma_start3A_634 : memref<10112x128xf32, #tpu.memory_space<vmem_shared>>) offsets(%dma_start3A_631 : memref<128xi32, #tpu.memory_space<vmem>>) semaphore(%dma_start3A_636 : memref<!tpu.dma_semaphore, #tpu.memory_space<semaphore_mem>>) {add = true}
          %dma_wait3A_637 = arith.constant 1 : i32
          %dma_wait3A_638 = arith.constant 1 : i32
          %dma_wait3A_639 = arith.constant 0 : i32
          %dma_wait3A_640 = arith.constant 0 : i32
          %dma_wait3A_641 = tpu.memref_slice %arg9[%dma_wait3A_637, %dma_wait3A_639, %dma_wait3A_640] : memref<2x128x128xf32, #tpu.memory_space<vmem>> -> memref<1x128x128xf32, #tpu.memory_space<vmem>>
          %dma_wait3A_642 = tpu.memref_squeeze %dma_wait3A_641 : memref<1x128x128xf32, #tpu.memory_space<vmem>> -> memref<128x128xf32, #tpu.memory_space<vmem>>
          %dma_wait3A_643 = arith.constant 0 : i32
          %dma_wait3A_644 = arith.constant 0 : i32
          %dma_wait3A_645 = tpu.memref_slice %arg4[%dma_wait3A_643, %dma_wait3A_644] : memref<10000x128xf32, #tpu.memory_space<hbm>> -> memref<128x128xf32, #tpu.memory_space<hbm>>
          %dma_wait3A_646 = tpu.memref_slice %arg11[%dma_wait3A_638] : memref<2x!tpu.dma_semaphore, #tpu.memory_space<semaphore_mem>> -> memref<1x!tpu.dma_semaphore, #tpu.memory_space<semaphore_mem>>
          %dma_wait3A_647 = tpu.memref_squeeze %dma_wait3A_646 : memref<1x!tpu.dma_semaphore, #tpu.memory_space<semaphore_mem>> -> memref<!tpu.dma_semaphore, #tpu.memory_space<semaphore_mem>>
          %dma_wait3A_648 = arith.constant 0 : i32
          %dma_wait3A_649 = arith.constant 0 : i32
          %dma_wait3A_650 = tpu.memref_slice %arg9[%dma_wait3A_637, %dma_wait3A_648, %dma_wait3A_649] : memref<2x128x128xf32, #tpu.memory_space<vmem>> -> memref<1x128x128xf32, #tpu.memory_space<vmem>>
          %dma_wait3A_651 = tpu.memref_squeeze %dma_wait3A_650 : memref<1x128x128xf32, #tpu.memory_space<vmem>> -> memref<128x128xf32, #tpu.memory_space<vmem>>
          %dma_wait3A_652 = arith.constant 0 : i32
          %dma_wait3A_653 = arith.constant 0 : i32
          %dma_wait3A_654 = tpu.memref_slice %arg4[%dma_wait3A_652, %dma_wait3A_653] : memref<10000x128xf32, #tpu.memory_space<hbm>> -> memref<128x128xf32, #tpu.memory_space<hbm>>
          tpu.wait_dma2 semaphore(%dma_wait3A_647 : memref<!tpu.dma_semaphore, #tpu.memory_space<semaphore_mem>>) src(%dma_wait3A_654 : memref<128x128xf32, #tpu.memory_space<hbm>>) dst(%dma_wait3A_651 : memref<128x128xf32, #tpu.memory_space<vmem>>)
          %dma_start3A_655 = arith.constant 1 : i32
          %dma_start3A_656 = arith.constant 1 : i32
          %dma_start3A_657 = arith.constant 1 : i32
          %dma_start3A_658 = arith.constant 0 : i32
          %dma_start3A_659 = arith.constant 0 : i32
          %dma_start3A_660 = tpu.memref_slice %arg9[%dma_start3A_655, %dma_start3A_658, %dma_start3A_659] : memref<2x128x128xf32, #tpu.memory_space<vmem>> -> memref<1x128x128xf32, #tpu.memory_space<vmem>>
          %dma_start3A_661 = tpu.memref_squeeze %dma_start3A_660 : memref<1x128x128xf32, #tpu.memory_space<vmem>> -> memref<128x128xf32, #tpu.memory_space<vmem>>
          %dma_start3A_662 = arith.constant 0 : i32
          %dma_start3A_663 = tpu.memref_slice %arg8[%rem3A_593, %dma_start3A_656, %dma_start3A_662] : memref<2x8x128xi32, #tpu.memory_space<vmem>> -> memref<1x1x128xi32, #tpu.memory_space<vmem>>
          %dma_start3A_664 = tpu.memref_squeeze %dma_start3A_663 : memref<1x1x128xi32, #tpu.memory_space<vmem>> -> memref<128xi32, #tpu.memory_space<vmem>>
          %dma_start3A_665 = arith.constant 0 : i32
          %dma_start3A_666 = arith.constant 0 : i32
          %dma_start3A_667 = tpu.memref_slice %arg10[%dma_start3A_665, %dma_start3A_666] : memref<10112x128xf32, #tpu.memory_space<vmem_shared>> -> memref<10112x128xf32, #tpu.memory_space<vmem_shared>>
          %dma_start3A_668 = tpu.memref_slice %arg12[%dma_start3A_657] : memref<2x!tpu.dma_semaphore, #tpu.memory_space<semaphore_mem>> -> memref<1x!tpu.dma_semaphore, #tpu.memory_space<semaphore_mem>>
          %dma_start3A_669 = tpu.memref_squeeze %dma_start3A_668 : memref<1x!tpu.dma_semaphore, #tpu.memory_space<semaphore_mem>> -> memref<!tpu.dma_semaphore, #tpu.memory_space<semaphore_mem>>
          tpu.enqueue_indirect_dma source(%dma_start3A_661 : memref<128x128xf32, #tpu.memory_space<vmem>>) target(%dma_start3A_667 : memref<10112x128xf32, #tpu.memory_space<vmem_shared>>) offsets(%dma_start3A_664 : memref<128xi32, #tpu.memory_space<vmem>>) semaphore(%dma_start3A_669 : memref<!tpu.dma_semaphore, #tpu.memory_space<semaphore_mem>>) {add = true}
          %dma_wait3A_670 = arith.constant 0 : i32
          %dma_wait3A_671 = arith.constant 0 : i32
          %dma_wait3A_672 = arith.constant 0 : i32
          %dma_wait3A_673 = arith.constant 0 : i32
          %dma_wait3A_674 = tpu.memref_slice %arg9[%dma_wait3A_670, %dma_wait3A_672, %dma_wait3A_673] : memref<2x128x128xf32, #tpu.memory_space<vmem>> -> memref<1x128x128xf32, #tpu.memory_space<vmem>>
          %dma_wait3A_675 = tpu.memref_squeeze %dma_wait3A_674 : memref<1x128x128xf32, #tpu.memory_space<vmem>> -> memref<128x128xf32, #tpu.memory_space<vmem>>
          %dma_wait3A_676 = arith.constant 0 : i32
          %dma_wait3A_677 = arith.constant 0 : i32
          %dma_wait3A_678 = tpu.memref_slice %arg4[%dma_wait3A_676, %dma_wait3A_677] : memref<10000x128xf32, #tpu.memory_space<hbm>> -> memref<128x128xf32, #tpu.memory_space<hbm>>
          %dma_wait3A_679 = tpu.memref_slice %arg12[%dma_wait3A_671] : memref<2x!tpu.dma_semaphore, #tpu.memory_space<semaphore_mem>> -> memref<1x!tpu.dma_semaphore, #tpu.memory_space<semaphore_mem>>
          %dma_wait3A_680 = tpu.memref_squeeze %dma_wait3A_679 : memref<1x!tpu.dma_semaphore, #tpu.memory_space<semaphore_mem>> -> memref<!tpu.dma_semaphore, #tpu.memory_space<semaphore_mem>>
          %dma_wait3A_681 = arith.constant 0 : i32
          %dma_wait3A_682 = arith.constant 0 : i32
          %dma_wait3A_683 = tpu.memref_slice %arg9[%dma_wait3A_670, %dma_wait3A_681, %dma_wait3A_682] : memref<2x128x128xf32, #tpu.memory_space<vmem>> -> memref<1x128x128xf32, #tpu.memory_space<vmem>>
          %dma_wait3A_684 = tpu.memref_squeeze %dma_wait3A_683 : memref<1x128x128xf32, #tpu.memory_space<vmem>> -> memref<128x128xf32, #tpu.memory_space<vmem>>
          %dma_wait3A_685 = arith.constant 0 : i32
          %dma_wait3A_686 = arith.constant 0 : i32
          %dma_wait3A_687 = tpu.memref_slice %arg4[%dma_wait3A_685, %dma_wait3A_686] : memref<10000x128xf32, #tpu.memory_space<hbm>> -> memref<128x128xf32, #tpu.memory_space<hbm>>
          tpu.wait_dma2 semaphore(%dma_wait3A_680 : memref<!tpu.dma_semaphore, #tpu.memory_space<semaphore_mem>>) src(%dma_wait3A_687 : memref<128x128xf32, #tpu.memory_space<hbm>>) dst(%dma_wait3A_684 : memref<128x128xf32, #tpu.memory_space<vmem>>)
          %dma_start3A_688 = arith.constant 2 : i32
          %dma_start3A_689 = arith.constant 0 : i32
          %dma_start3A_690 = arith.constant 0 : i32
          %dma_start3A_691 = arith.constant 0 : i32
          %dma_start3A_692 = arith.constant 0 : i32
          %dma_start3A_693 = tpu.memref_slice %arg9[%dma_start3A_689, %dma_start3A_691, %dma_start3A_692] : memref<2x128x128xf32, #tpu.memory_space<vmem>> -> memref<1x128x128xf32, #tpu.memory_space<vmem>>
          %dma_start3A_694 = tpu.memref_squeeze %dma_start3A_693 : memref<1x128x128xf32, #tpu.memory_space<vmem>> -> memref<128x128xf32, #tpu.memory_space<vmem>>
          %dma_start3A_695 = arith.constant 0 : i32
          %dma_start3A_696 = tpu.memref_slice %arg7[%rem3A_593, %dma_start3A_688, %dma_start3A_695] : memref<2x8x128xi32, #tpu.memory_space<vmem>> -> memref<1x1x128xi32, #tpu.memory_space<vmem>>
          %dma_start3A_697 = tpu.memref_squeeze %dma_start3A_696 : memref<1x1x128xi32, #tpu.memory_space<vmem>> -> memref<128xi32, #tpu.memory_space<vmem>>
          %dma_start3A_698 = arith.constant 0 : i32
          %dma_start3A_699 = arith.constant 0 : i32
          %dma_start3A_700 = tpu.memref_slice %arg4[%dma_start3A_698, %dma_start3A_699] : memref<10000x128xf32, #tpu.memory_space<hbm>> -> memref<10000x128xf32, #tpu.memory_space<hbm>>
          %dma_start3A_701 = tpu.memref_slice %arg11[%dma_start3A_690] : memref<2x!tpu.dma_semaphore, #tpu.memory_space<semaphore_mem>> -> memref<1x!tpu.dma_semaphore, #tpu.memory_space<semaphore_mem>>
          %dma_start3A_702 = tpu.memref_squeeze %dma_start3A_701 : memref<1x!tpu.dma_semaphore, #tpu.memory_space<semaphore_mem>> -> memref<!tpu.dma_semaphore, #tpu.memory_space<semaphore_mem>>
          tpu.enqueue_indirect_dma source(%dma_start3A_700 : memref<10000x128xf32, #tpu.memory_space<hbm>>) target(%dma_start3A_694 : memref<128x128xf32, #tpu.memory_space<vmem>>) offsets(%dma_start3A_697 : memref<128xi32, #tpu.memory_space<vmem>>) semaphore(%dma_start3A_702 : memref<!tpu.dma_semaphore, #tpu.memory_space<semaphore_mem>>)
          %dma_wait3A_703 = arith.constant 1 : i32
          %dma_wait3A_704 = arith.constant 1 : i32
          %dma_wait3A_705 = arith.constant 0 : i32
          %dma_wait3A_706 = arith.constant 0 : i32
          %dma_wait3A_707 = tpu.memref_slice %arg9[%dma_wait3A_703, %dma_wait3A_705, %dma_wait3A_706] : memref<2x128x128xf32, #tpu.memory_space<vmem>> -> memref<1x128x128xf32, #tpu.memory_space<vmem>>
          %dma_wait3A_708 = tpu.memref_squeeze %dma_wait3A_707 : memref<1x128x128xf32, #tpu.memory_space<vmem>> -> memref<128x128xf32, #tpu.memory_space<vmem>>
          %dma_wait3A_709 = arith.constant 0 : i32
          %dma_wait3A_710 = arith.constant 0 : i32
          %dma_wait3A_711 = tpu.memref_slice %arg4[%dma_wait3A_709, %dma_wait3A_710] : memref<10000x128xf32, #tpu.memory_space<hbm>> -> memref<128x128xf32, #tpu.memory_space<hbm>>
          %dma_wait3A_712 = tpu.memref_slice %arg12[%dma_wait3A_704] : memref<2x!tpu.dma_semaphore, #tpu.memory_space<semaphore_mem>> -> memref<1x!tpu.dma_semaphore, #tpu.memory_space<semaphore_mem>>
          %dma_wait3A_713 = tpu.memref_squeeze %dma_wait3A_712 : memref<1x!tpu.dma_semaphore, #tpu.memory_space<semaphore_mem>> -> memref<!tpu.dma_semaphore, #tpu.memory_space<semaphore_mem>>
          %dma_wait3A_714 = arith.constant 0 : i32
          %dma_wait3A_715 = arith.constant 0 : i32
          %dma_wait3A_716 = tpu.memref_slice %arg9[%dma_wait3A_703, %dma_wait3A_714, %dma_wait3A_715] : memref<2x128x128xf32, #tpu.memory_space<vmem>> -> memref<1x128x128xf32, #tpu.memory_space<vmem>>
          %dma_wait3A_717 = tpu.memref_squeeze %dma_wait3A_716 : memref<1x128x128xf32, #tpu.memory_space<vmem>> -> memref<128x128xf32, #tpu.memory_space<vmem>>
          %dma_wait3A_718 = arith.constant 0 : i32
          %dma_wait3A_719 = arith.constant 0 : i32
          %dma_wait3A_720 = tpu.memref_slice %arg4[%dma_wait3A_718, %dma_wait3A_719] : memref<10000x128xf32, #tpu.memory_space<hbm>> -> memref<128x128xf32, #tpu.memory_space<hbm>>
          tpu.wait_dma2 semaphore(%dma_wait3A_713 : memref<!tpu.dma_semaphore, #tpu.memory_space<semaphore_mem>>) src(%dma_wait3A_720 : memref<128x128xf32, #tpu.memory_space<hbm>>) dst(%dma_wait3A_717 : memref<128x128xf32, #tpu.memory_space<vmem>>)
          %dma_start3A_721 = arith.constant 3 : i32
          %dma_start3A_722 = arith.constant 1 : i32
          %dma_start3A_723 = arith.constant 1 : i32
          %dma_start3A_724 = arith.constant 0 : i32
          %dma_start3A_725 = arith.constant 0 : i32
          %dma_start3A_726 = tpu.memref_slice %arg9[%dma_start3A_722, %dma_start3A_724, %dma_start3A_725] : memref<2x128x128xf32, #tpu.memory_space<vmem>> -> memref<1x128x128xf32, #tpu.memory_space<vmem>>
          %dma_start3A_727 = tpu.memref_squeeze %dma_start3A_726 : memref<1x128x128xf32, #tpu.memory_space<vmem>> -> memref<128x128xf32, #tpu.memory_space<vmem>>
          %dma_start3A_728 = arith.constant 0 : i32
          %dma_start3A_729 = tpu.memref_slice %arg7[%rem3A_593, %dma_start3A_721, %dma_start3A_728] : memref<2x8x128xi32, #tpu.memory_space<vmem>> -> memref<1x1x128xi32, #tpu.memory_space<vmem>>
          %dma_start3A_730 = tpu.memref_squeeze %dma_start3A_729 : memref<1x1x128xi32, #tpu.memory_space<vmem>> -> memref<128xi32, #tpu.memory_space<vmem>>
          %dma_start3A_731 = arith.constant 0 : i32
          %dma_start3A_732 = arith.constant 0 : i32
          %dma_start3A_733 = tpu.memref_slice %arg4[%dma_start3A_731, %dma_start3A_732] : memref<10000x128xf32, #tpu.memory_space<hbm>> -> memref<10000x128xf32, #tpu.memory_space<hbm>>
          %dma_start3A_734 = tpu.memref_slice %arg11[%dma_start3A_723] : memref<2x!tpu.dma_semaphore, #tpu.memory_space<semaphore_mem>> -> memref<1x!tpu.dma_semaphore, #tpu.memory_space<semaphore_mem>>
          %dma_start3A_735 = tpu.memref_squeeze %dma_start3A_734 : memref<1x!tpu.dma_semaphore, #tpu.memory_space<semaphore_mem>> -> memref<!tpu.dma_semaphore, #tpu.memory_space<semaphore_mem>>
          tpu.enqueue_indirect_dma source(%dma_start3A_733 : memref<10000x128xf32, #tpu.memory_space<hbm>>) target(%dma_start3A_727 : memref<128x128xf32, #tpu.memory_space<vmem>>) offsets(%dma_start3A_730 : memref<128xi32, #tpu.memory_space<vmem>>) semaphore(%dma_start3A_735 : memref<!tpu.dma_semaphore, #tpu.memory_space<semaphore_mem>>)
          %dma_wait3A_736 = arith.constant 0 : i32
          %dma_wait3A_737 = arith.constant 0 : i32
          %dma_wait3A_738 = arith.constant 0 : i32
          %dma_wait3A_739 = arith.constant 0 : i32
          %dma_wait3A_740 = tpu.memref_slice %arg9[%dma_wait3A_736, %dma_wait3A_738, %dma_wait3A_739] : memref<2x128x128xf32, #tpu.memory_space<vmem>> -> memref<1x128x128xf32, #tpu.memory_space<vmem>>
          %dma_wait3A_741 = tpu.memref_squeeze %dma_wait3A_740 : memref<1x128x128xf32, #tpu.memory_space<vmem>> -> memref<128x128xf32, #tpu.memory_space<vmem>>
          %dma_wait3A_742 = arith.constant 0 : i32
          %dma_wait3A_743 = arith.constant 0 : i32
          %dma_wait3A_744 = tpu.memref_slice %arg4[%dma_wait3A_742, %dma_wait3A_743] : memref<10000x128xf32, #tpu.memory_space<hbm>> -> memref<128x128xf32, #tpu.memory_space<hbm>>
          %dma_wait3A_745 = tpu.memref_slice %arg11[%dma_wait3A_737] : memref<2x!tpu.dma_semaphore, #tpu.memory_space<semaphore_mem>> -> memref<1x!tpu.dma_semaphore, #tpu.memory_space<semaphore_mem>>
          %dma_wait3A_746 = tpu.memref_squeeze %dma_wait3A_745 : memref<1x!tpu.dma_semaphore, #tpu.memory_space<semaphore_mem>> -> memref<!tpu.dma_semaphore, #tpu.memory_space<semaphore_mem>>
          %dma_wait3A_747 = arith.constant 0 : i32
          %dma_wait3A_748 = arith.constant 0 : i32
          %dma_wait3A_749 = tpu.memref_slice %arg9[%dma_wait3A_736, %dma_wait3A_747, %dma_wait3A_748] : memref<2x128x128xf32, #tpu.memory_space<vmem>> -> memref<1x128x128xf32, #tpu.memory_space<vmem>>
          %dma_wait3A_750 = tpu.memref_squeeze %dma_wait3A_749 : memref<1x128x128xf32, #tpu.memory_space<vmem>> -> memref<128x128xf32, #tpu.memory_space<vmem>>
          %dma_wait3A_751 = arith.constant 0 : i32
          %dma_wait3A_752 = arith.constant 0 : i32
          %dma_wait3A_753 = tpu.memref_slice %arg4[%dma_wait3A_751, %dma_wait3A_752] : memref<10000x128xf32, #tpu.memory_space<hbm>> -> memref<128x128xf32, #tpu.memory_space<hbm>>
          tpu.wait_dma2 semaphore(%dma_wait3A_746 : memref<!tpu.dma_semaphore, #tpu.memory_space<semaphore_mem>>) src(%dma_wait3A_753 : memref<128x128xf32, #tpu.memory_space<hbm>>) dst(%dma_wait3A_750 : memref<128x128xf32, #tpu.memory_space<vmem>>)
          %dma_start3A_754 = arith.constant 0 : i32
          %dma_start3A_755 = arith.constant 2 : i32
          %dma_start3A_756 = arith.constant 0 : i32
          %dma_start3A_757 = arith.constant 0 : i32
          %dma_start3A_758 = arith.constant 0 : i32
          %dma_start3A_759 = tpu.memref_slice %arg9[%dma_start3A_754, %dma_start3A_757, %dma_start3A_758] : memref<2x128x128xf32, #tpu.memory_space<vmem>> -> memref<1x128x128xf32, #tpu.memory_space<vmem>>
          %dma_start3A_760 = tpu.memref_squeeze %dma_start3A_759 : memref<1x128x128xf32, #tpu.memory_space<vmem>> -> memref<128x128xf32, #tpu.memory_space<vmem>>
          %dma_start3A_761 = arith.constant 0 : i32
          %dma_start3A_762 = tpu.memref_slice %arg8[%rem3A_593, %dma_start3A_755, %dma_start3A_761] : memref<2x8x128xi32, #tpu.memory_space<vmem>> -> memref<1x1x128xi32, #tpu.memory_space<vmem>>
          %dma_start3A_763 = tpu.memref_squeeze %dma_start3A_762 : memref<1x1x128xi32, #tpu.memory_space<vmem>> -> memref<128xi32, #tpu.memory_space<vmem>>
          %dma_start3A_764 = arith.constant 0 : i32
          %dma_start3A_765 = arith.constant 0 : i32
          %dma_start3A_766 = tpu.memref_slice %arg10[%dma_start3A_764, %dma_start3A_765] : memref<10112x128xf32, #tpu.memory_space<vmem_shared>> -> memref<10112x128xf32, #tpu.memory_space<vmem_shared>>
          %dma_start3A_767 = tpu.memref_slice %arg12[%dma_start3A_756] : memref<2x!tpu.dma_semaphore, #tpu.memory_space<semaphore_mem>> -> memref<1x!tpu.dma_semaphore, #tpu.memory_space<semaphore_mem>>
          %dma_start3A_768 = tpu.memref_squeeze %dma_start3A_767 : memref<1x!tpu.dma_semaphore, #tpu.memory_space<semaphore_mem>> -> memref<!tpu.dma_semaphore, #tpu.memory_space<semaphore_mem>>
          tpu.enqueue_indirect_dma source(%dma_start3A_760 : memref<128x128xf32, #tpu.memory_space<vmem>>) target(%dma_start3A_766 : memref<10112x128xf32, #tpu.memory_space<vmem_shared>>) offsets(%dma_start3A_763 : memref<128xi32, #tpu.memory_space<vmem>>) semaphore(%dma_start3A_768 : memref<!tpu.dma_semaphore, #tpu.memory_space<semaphore_mem>>) {add = true}
          %dma_wait3A_769 = arith.constant 1 : i32
          %dma_wait3A_770 = arith.constant 1 : i32
          %dma_wait3A_771 = arith.constant 0 : i32
          %dma_wait3A_772 = arith.constant 0 : i32
          %dma_wait3A_773 = tpu.memref_slice %arg9[%dma_wait3A_769, %dma_wait3A_771, %dma_wait3A_772] : memref<2x128x128xf32, #tpu.memory_space<vmem>> -> memref<1x128x128xf32, #tpu.memory_space<vmem>>
          %dma_wait3A_774 = tpu.memref_squeeze %dma_wait3A_773 : memref<1x128x128xf32, #tpu.memory_space<vmem>> -> memref<128x128xf32, #tpu.memory_space<vmem>>
          %dma_wait3A_775 = arith.constant 0 : i32
          %dma_wait3A_776 = arith.constant 0 : i32
          %dma_wait3A_777 = tpu.memref_slice %arg4[%dma_wait3A_775, %dma_wait3A_776] : memref<10000x128xf32, #tpu.memory_space<hbm>> -> memref<128x128xf32, #tpu.memory_space<hbm>>
          %dma_wait3A_778 = tpu.memref_slice %arg11[%dma_wait3A_770] : memref<2x!tpu.dma_semaphore, #tpu.memory_space<semaphore_mem>> -> memref<1x!tpu.dma_semaphore, #tpu.memory_space<semaphore_mem>>
          %dma_wait3A_779 = tpu.memref_squeeze %dma_wait3A_778 : memref<1x!tpu.dma_semaphore, #tpu.memory_space<semaphore_mem>> -> memref<!tpu.dma_semaphore, #tpu.memory_space<semaphore_mem>>
          %dma_wait3A_780 = arith.constant 0 : i32
          %dma_wait3A_781 = arith.constant 0 : i32
          %dma_wait3A_782 = tpu.memref_slice %arg9[%dma_wait3A_769, %dma_wait3A_780, %dma_wait3A_781] : memref<2x128x128xf32, #tpu.memory_space<vmem>> -> memref<1x128x128xf32, #tpu.memory_space<vmem>>
          %dma_wait3A_783 = tpu.memref_squeeze %dma_wait3A_782 : memref<1x128x128xf32, #tpu.memory_space<vmem>> -> memref<128x128xf32, #tpu.memory_space<vmem>>
          %dma_wait3A_784 = arith.constant 0 : i32
          %dma_wait3A_785 = arith.constant 0 : i32
          %dma_wait3A_786 = tpu.memref_slice %arg4[%dma_wait3A_784, %dma_wait3A_785] : memref<10000x128xf32, #tpu.memory_space<hbm>> -> memref<128x128xf32, #tpu.memory_space<hbm>>
          tpu.wait_dma2 semaphore(%dma_wait3A_779 : memref<!tpu.dma_semaphore, #tpu.memory_space<semaphore_mem>>) src(%dma_wait3A_786 : memref<128x128xf32, #tpu.memory_space<hbm>>) dst(%dma_wait3A_783 : memref<128x128xf32, #tpu.memory_space<vmem>>)
          %dma_start3A_787 = arith.constant 1 : i32
          %dma_start3A_788 = arith.constant 3 : i32
          %dma_start3A_789 = arith.constant 1 : i32
          %dma_start3A_790 = arith.constant 0 : i32
          %dma_start3A_791 = arith.constant 0 : i32
          %dma_start3A_792 = tpu.memref_slice %arg9[%dma_start3A_787, %dma_start3A_790, %dma_start3A_791] : memref<2x128x128xf32, #tpu.memory_space<vmem>> -> memref<1x128x128xf32, #tpu.memory_space<vmem>>
          %dma_start3A_793 = tpu.memref_squeeze %dma_start3A_792 : memref<1x128x128xf32, #tpu.memory_space<vmem>> -> memref<128x128xf32, #tpu.memory_space<vmem>>
          %dma_start3A_794 = arith.constant 0 : i32
          %dma_start3A_795 = tpu.memref_slice %arg8[%rem3A_593, %dma_start3A_788, %dma_start3A_794] : memref<2x8x128xi32, #tpu.memory_space<vmem>> -> memref<1x1x128xi32, #tpu.memory_space<vmem>>
          %dma_start3A_796 = tpu.memref_squeeze %dma_start3A_795 : memref<1x1x128xi32, #tpu.memory_space<vmem>> -> memref<128xi32, #tpu.memory_space<vmem>>
          %dma_start3A_797 = arith.constant 0 : i32
          %dma_start3A_798 = arith.constant 0 : i32
          %dma_start3A_799 = tpu.memref_slice %arg10[%dma_start3A_797, %dma_start3A_798] : memref<10112x128xf32, #tpu.memory_space<vmem_shared>> -> memref<10112x128xf32, #tpu.memory_space<vmem_shared>>
          %dma_start3A_800 = tpu.memref_slice %arg12[%dma_start3A_789] : memref<2x!tpu.dma_semaphore, #tpu.memory_space<semaphore_mem>> -> memref<1x!tpu.dma_semaphore, #tpu.memory_space<semaphore_mem>>
          %dma_start3A_801 = tpu.memref_squeeze %dma_start3A_800 : memref<1x!tpu.dma_semaphore, #tpu.memory_space<semaphore_mem>> -> memref<!tpu.dma_semaphore, #tpu.memory_space<semaphore_mem>>
          tpu.enqueue_indirect_dma source(%dma_start3A_793 : memref<128x128xf32, #tpu.memory_space<vmem>>) target(%dma_start3A_799 : memref<10112x128xf32, #tpu.memory_space<vmem_shared>>) offsets(%dma_start3A_796 : memref<128xi32, #tpu.memory_space<vmem>>) semaphore(%dma_start3A_801 : memref<!tpu.dma_semaphore, #tpu.memory_space<semaphore_mem>>) {add = true}
          %dma_wait3A_802 = arith.constant 0 : i32
          %dma_wait3A_803 = arith.constant 0 : i32
          %dma_wait3A_804 = arith.constant 0 : i32
          %dma_wait3A_805 = arith.constant 0 : i32
          %dma_wait3A_806 = tpu.memref_slice %arg9[%dma_wait3A_802, %dma_wait3A_804, %dma_wait3A_805] : memref<2x128x128xf32, #tpu.memory_space<vmem>> -> memref<1x128x128xf32, #tpu.memory_space<vmem>>
          %dma_wait3A_807 = tpu.memref_squeeze %dma_wait3A_806 : memref<1x128x128xf32, #tpu.memory_space<vmem>> -> memref<128x128xf32, #tpu.memory_space<vmem>>
          %dma_wait3A_808 = arith.constant 0 : i32
          %dma_wait3A_809 = arith.constant 0 : i32
          %dma_wait3A_810 = tpu.memref_slice %arg4[%dma_wait3A_808, %dma_wait3A_809] : memref<10000x128xf32, #tpu.memory_space<hbm>> -> memref<128x128xf32, #tpu.memory_space<hbm>>
          %dma_wait3A_811 = tpu.memref_slice %arg12[%dma_wait3A_803] : memref<2x!tpu.dma_semaphore, #tpu.memory_space<semaphore_mem>> -> memref<1x!tpu.dma_semaphore, #tpu.memory_space<semaphore_mem>>
          %dma_wait3A_812 = tpu.memref_squeeze %dma_wait3A_811 : memref<1x!tpu.dma_semaphore, #tpu.memory_space<semaphore_mem>> -> memref<!tpu.dma_semaphore, #tpu.memory_space<semaphore_mem>>
          %dma_wait3A_813 = arith.constant 0 : i32
          %dma_wait3A_814 = arith.constant 0 : i32
          %dma_wait3A_815 = tpu.memref_slice %arg9[%dma_wait3A_802, %dma_wait3A_813, %dma_wait3A_814] : memref<2x128x128xf32, #tpu.memory_space<vmem>> -> memref<1x128x128xf32, #tpu.memory_space<vmem>>
          %dma_wait3A_816 = tpu.memref_squeeze %dma_wait3A_815 : memref<1x128x128xf32, #tpu.memory_space<vmem>> -> memref<128x128xf32, #tpu.memory_space<vmem>>
          %dma_wait3A_817 = arith.constant 0 : i32
          %dma_wait3A_818 = arith.constant 0 : i32
          %dma_wait3A_819 = tpu.memref_slice %arg4[%dma_wait3A_817, %dma_wait3A_818] : memref<10000x128xf32, #tpu.memory_space<hbm>> -> memref<128x128xf32, #tpu.memory_space<hbm>>
          tpu.wait_dma2 semaphore(%dma_wait3A_812 : memref<!tpu.dma_semaphore, #tpu.memory_space<semaphore_mem>>) src(%dma_wait3A_819 : memref<128x128xf32, #tpu.memory_space<hbm>>) dst(%dma_wait3A_816 : memref<128x128xf32, #tpu.memory_space<vmem>>)
          %dma_start3A_820 = arith.constant 4 : i32
          %dma_start3A_821 = arith.constant 0 : i32
          %dma_start3A_822 = arith.constant 0 : i32
          %dma_start3A_823 = arith.constant 0 : i32
          %dma_start3A_824 = arith.constant 0 : i32
          %dma_start3A_825 = tpu.memref_slice %arg9[%dma_start3A_821, %dma_start3A_823, %dma_start3A_824] : memref<2x128x128xf32, #tpu.memory_space<vmem>> -> memref<1x128x128xf32, #tpu.memory_space<vmem>>
          %dma_start3A_826 = tpu.memref_squeeze %dma_start3A_825 : memref<1x128x128xf32, #tpu.memory_space<vmem>> -> memref<128x128xf32, #tpu.memory_space<vmem>>
          %dma_start3A_827 = arith.constant 0 : i32
          %dma_start3A_828 = tpu.memref_slice %arg7[%rem3A_593, %dma_start3A_820, %dma_start3A_827] : memref<2x8x128xi32, #tpu.memory_space<vmem>> -> memref<1x1x128xi32, #tpu.memory_space<vmem>>
          %dma_start3A_829 = tpu.memref_squeeze %dma_start3A_828 : memref<1x1x128xi32, #tpu.memory_space<vmem>> -> memref<128xi32, #tpu.memory_space<vmem>>
          %dma_start3A_830 = arith.constant 0 : i32
          %dma_start3A_831 = arith.constant 0 : i32
          %dma_start3A_832 = tpu.memref_slice %arg4[%dma_start3A_830, %dma_start3A_831] : memref<10000x128xf32, #tpu.memory_space<hbm>> -> memref<10000x128xf32, #tpu.memory_space<hbm>>
          %dma_start3A_833 = tpu.memref_slice %arg11[%dma_start3A_822] : memref<2x!tpu.dma_semaphore, #tpu.memory_space<semaphore_mem>> -> memref<1x!tpu.dma_semaphore, #tpu.memory_space<semaphore_mem>>
          %dma_start3A_834 = tpu.memref_squeeze %dma_start3A_833 : memref<1x!tpu.dma_semaphore, #tpu.memory_space<semaphore_mem>> -> memref<!tpu.dma_semaphore, #tpu.memory_space<semaphore_mem>>
          tpu.enqueue_indirect_dma source(%dma_start3A_832 : memref<10000x128xf32, #tpu.memory_space<hbm>>) target(%dma_start3A_826 : memref<128x128xf32, #tpu.memory_space<vmem>>) offsets(%dma_start3A_829 : memref<128xi32, #tpu.memory_space<vmem>>) semaphore(%dma_start3A_834 : memref<!tpu.dma_semaphore, #tpu.memory_space<semaphore_mem>>)
          %dma_wait3A_835 = arith.constant 1 : i32
          %dma_wait3A_836 = arith.constant 1 : i32
          %dma_wait3A_837 = arith.constant 0 : i32
          %dma_wait3A_838 = arith.constant 0 : i32
          %dma_wait3A_839 = tpu.memref_slice %arg9[%dma_wait3A_835, %dma_wait3A_837, %dma_wait3A_838] : memref<2x128x128xf32, #tpu.memory_space<vmem>> -> memref<1x128x128xf32, #tpu.memory_space<vmem>>
          %dma_wait3A_840 = tpu.memref_squeeze %dma_wait3A_839 : memref<1x128x128xf32, #tpu.memory_space<vmem>> -> memref<128x128xf32, #tpu.memory_space<vmem>>
          %dma_wait3A_841 = arith.constant 0 : i32
          %dma_wait3A_842 = arith.constant 0 : i32
          %dma_wait3A_843 = tpu.memref_slice %arg4[%dma_wait3A_841, %dma_wait3A_842] : memref<10000x128xf32, #tpu.memory_space<hbm>> -> memref<128x128xf32, #tpu.memory_space<hbm>>
          %dma_wait3A_844 = tpu.memref_slice %arg12[%dma_wait3A_836] : memref<2x!tpu.dma_semaphore, #tpu.memory_space<semaphore_mem>> -> memref<1x!tpu.dma_semaphore, #tpu.memory_space<semaphore_mem>>
          %dma_wait3A_845 = tpu.memref_squeeze %dma_wait3A_844 : memref<1x!tpu.dma_semaphore, #tpu.memory_space<semaphore_mem>> -> memref<!tpu.dma_semaphore, #tpu.memory_space<semaphore_mem>>
          %dma_wait3A_846 = arith.constant 0 : i32
          %dma_wait3A_847 = arith.constant 0 : i32
          %dma_wait3A_848 = tpu.memref_slice %arg9[%dma_wait3A_835, %dma_wait3A_846, %dma_wait3A_847] : memref<2x128x128xf32, #tpu.memory_space<vmem>> -> memref<1x128x128xf32, #tpu.memory_space<vmem>>
          %dma_wait3A_849 = tpu.memref_squeeze %dma_wait3A_848 : memref<1x128x128xf32, #tpu.memory_space<vmem>> -> memref<128x128xf32, #tpu.memory_space<vmem>>
          %dma_wait3A_850 = arith.constant 0 : i32
          %dma_wait3A_851 = arith.constant 0 : i32
          %dma_wait3A_852 = tpu.memref_slice %arg4[%dma_wait3A_850, %dma_wait3A_851] : memref<10000x128xf32, #tpu.memory_space<hbm>> -> memref<128x128xf32, #tpu.memory_space<hbm>>
          tpu.wait_dma2 semaphore(%dma_wait3A_845 : memref<!tpu.dma_semaphore, #tpu.memory_space<semaphore_mem>>) src(%dma_wait3A_852 : memref<128x128xf32, #tpu.memory_space<hbm>>) dst(%dma_wait3A_849 : memref<128x128xf32, #tpu.memory_space<vmem>>)
          %dma_start3A_853 = arith.constant 5 : i32
          %dma_start3A_854 = arith.constant 1 : i32
          %dma_start3A_855 = arith.constant 1 : i32
          %dma_start3A_856 = arith.constant 0 : i32
          %dma_start3A_857 = arith.constant 0 : i32
          %dma_start3A_858 = tpu.memref_slice %arg9[%dma_start3A_854, %dma_start3A_856, %dma_start3A_857] : memref<2x128x128xf32, #tpu.memory_space<vmem>> -> memref<1x128x128xf32, #tpu.memory_space<vmem>>
          %dma_start3A_859 = tpu.memref_squeeze %dma_start3A_858 : memref<1x128x128xf32, #tpu.memory_space<vmem>> -> memref<128x128xf32, #tpu.memory_space<vmem>>
          %dma_start3A_860 = arith.constant 0 : i32
          %dma_start3A_861 = tpu.memref_slice %arg7[%rem3A_593, %dma_start3A_853, %dma_start3A_860] : memref<2x8x128xi32, #tpu.memory_space<vmem>> -> memref<1x1x128xi32, #tpu.memory_space<vmem>>
          %dma_start3A_862 = tpu.memref_squeeze %dma_start3A_861 : memref<1x1x128xi32, #tpu.memory_space<vmem>> -> memref<128xi32, #tpu.memory_space<vmem>>
          %dma_start3A_863 = arith.constant 0 : i32
          %dma_start3A_864 = arith.constant 0 : i32
          %dma_start3A_865 = tpu.memref_slice %arg4[%dma_start3A_863, %dma_start3A_864] : memref<10000x128xf32, #tpu.memory_space<hbm>> -> memref<10000x128xf32, #tpu.memory_space<hbm>>
          %dma_start3A_866 = tpu.memref_slice %arg11[%dma_start3A_855] : memref<2x!tpu.dma_semaphore, #tpu.memory_space<semaphore_mem>> -> memref<1x!tpu.dma_semaphore, #tpu.memory_space<semaphore_mem>>
          %dma_start3A_867 = tpu.memref_squeeze %dma_start3A_866 : memref<1x!tpu.dma_semaphore, #tpu.memory_space<semaphore_mem>> -> memref<!tpu.dma_semaphore, #tpu.memory_space<semaphore_mem>>
          tpu.enqueue_indirect_dma source(%dma_start3A_865 : memref<10000x128xf32, #tpu.memory_space<hbm>>) target(%dma_start3A_859 : memref<128x128xf32, #tpu.memory_space<vmem>>) offsets(%dma_start3A_862 : memref<128xi32, #tpu.memory_space<vmem>>) semaphore(%dma_start3A_867 : memref<!tpu.dma_semaphore, #tpu.memory_space<semaphore_mem>>)
          %dma_wait3A_868 = arith.constant 0 : i32
          %dma_wait3A_869 = arith.constant 0 : i32
          %dma_wait3A_870 = arith.constant 0 : i32
          %dma_wait3A_871 = arith.constant 0 : i32
          %dma_wait3A_872 = tpu.memref_slice %arg9[%dma_wait3A_868, %dma_wait3A_870, %dma_wait3A_871] : memref<2x128x128xf32, #tpu.memory_space<vmem>> -> memref<1x128x128xf32, #tpu.memory_space<vmem>>
          %dma_wait3A_873 = tpu.memref_squeeze %dma_wait3A_872 : memref<1x128x128xf32, #tpu.memory_space<vmem>> -> memref<128x128xf32, #tpu.memory_space<vmem>>
          %dma_wait3A_874 = arith.constant 0 : i32
          %dma_wait3A_875 = arith.constant 0 : i32
          %dma_wait3A_876 = tpu.memref_slice %arg4[%dma_wait3A_874, %dma_wait3A_875] : memref<10000x128xf32, #tpu.memory_space<hbm>> -> memref<128x128xf32, #tpu.memory_space<hbm>>
          %dma_wait3A_877 = tpu.memref_slice %arg11[%dma_wait3A_869] : memref<2x!tpu.dma_semaphore, #tpu.memory_space<semaphore_mem>> -> memref<1x!tpu.dma_semaphore, #tpu.memory_space<semaphore_mem>>
          %dma_wait3A_878 = tpu.memref_squeeze %dma_wait3A_877 : memref<1x!tpu.dma_semaphore, #tpu.memory_space<semaphore_mem>> -> memref<!tpu.dma_semaphore, #tpu.memory_space<semaphore_mem>>
          %dma_wait3A_879 = arith.constant 0 : i32
          %dma_wait3A_880 = arith.constant 0 : i32
          %dma_wait3A_881 = tpu.memref_slice %arg9[%dma_wait3A_868, %dma_wait3A_879, %dma_wait3A_880] : memref<2x128x128xf32, #tpu.memory_space<vmem>> -> memref<1x128x128xf32, #tpu.memory_space<vmem>>
          %dma_wait3A_882 = tpu.memref_squeeze %dma_wait3A_881 : memref<1x128x128xf32, #tpu.memory_space<vmem>> -> memref<128x128xf32, #tpu.memory_space<vmem>>
          %dma_wait3A_883 = arith.constant 0 : i32
          %dma_wait3A_884 = arith.constant 0 : i32
          %dma_wait3A_885 = tpu.memref_slice %arg4[%dma_wait3A_883, %dma_wait3A_884] : memref<10000x128xf32, #tpu.memory_space<hbm>> -> memref<128x128xf32, #tpu.memory_space<hbm>>
          tpu.wait_dma2 semaphore(%dma_wait3A_878 : memref<!tpu.dma_semaphore, #tpu.memory_space<semaphore_mem>>) src(%dma_wait3A_885 : memref<128x128xf32, #tpu.memory_space<hbm>>) dst(%dma_wait3A_882 : memref<128x128xf32, #tpu.memory_space<vmem>>)
          %dma_start3A_886 = arith.constant 0 : i32
          %dma_start3A_887 = arith.constant 4 : i32
          %dma_start3A_888 = arith.constant 0 : i32
          %dma_start3A_889 = arith.constant 0 : i32
          %dma_start3A_890 = arith.constant 0 : i32
          %dma_start3A_891 = tpu.memref_slice %arg9[%dma_start3A_886, %dma_start3A_889, %dma_start3A_890] : memref<2x128x128xf32, #tpu.memory_space<vmem>> -> memref<1x128x128xf32, #tpu.memory_space<vmem>>
          %dma_start3A_892 = tpu.memref_squeeze %dma_start3A_891 : memref<1x128x128xf32, #tpu.memory_space<vmem>> -> memref<128x128xf32, #tpu.memory_space<vmem>>
          %dma_start3A_893 = arith.constant 0 : i32
          %dma_start3A_894 = tpu.memref_slice %arg8[%rem3A_593, %dma_start3A_887, %dma_start3A_893] : memref<2x8x128xi32, #tpu.memory_space<vmem>> -> memref<1x1x128xi32, #tpu.memory_space<vmem>>
          %dma_start3A_895 = tpu.memref_squeeze %dma_start3A_894 : memref<1x1x128xi32, #tpu.memory_space<vmem>> -> memref<128xi32, #tpu.memory_space<vmem>>
          %dma_start3A_896 = arith.constant 0 : i32
          %dma_start3A_897 = arith.constant 0 : i32
          %dma_start3A_898 = tpu.memref_slice %arg10[%dma_start3A_896, %dma_start3A_897] : memref<10112x128xf32, #tpu.memory_space<vmem_shared>> -> memref<10112x128xf32, #tpu.memory_space<vmem_shared>>
          %dma_start3A_899 = tpu.memref_slice %arg12[%dma_start3A_888] : memref<2x!tpu.dma_semaphore, #tpu.memory_space<semaphore_mem>> -> memref<1x!tpu.dma_semaphore, #tpu.memory_space<semaphore_mem>>
          %dma_start3A_900 = tpu.memref_squeeze %dma_start3A_899 : memref<1x!tpu.dma_semaphore, #tpu.memory_space<semaphore_mem>> -> memref<!tpu.dma_semaphore, #tpu.memory_space<semaphore_mem>>
          tpu.enqueue_indirect_dma source(%dma_start3A_892 : memref<128x128xf32, #tpu.memory_space<vmem>>) target(%dma_start3A_898 : memref<10112x128xf32, #tpu.memory_space<vmem_shared>>) offsets(%dma_start3A_895 : memref<128xi32, #tpu.memory_space<vmem>>) semaphore(%dma_start3A_900 : memref<!tpu.dma_semaphore, #tpu.memory_space<semaphore_mem>>) {add = true}
          %dma_wait3A_901 = arith.constant 1 : i32
          %dma_wait3A_902 = arith.constant 1 : i32
          %dma_wait3A_903 = arith.constant 0 : i32
          %dma_wait3A_904 = arith.constant 0 : i32
          %dma_wait3A_905 = tpu.memref_slice %arg9[%dma_wait3A_901, %dma_wait3A_903, %dma_wait3A_904] : memref<2x128x128xf32, #tpu.memory_space<vmem>> -> memref<1x128x128xf32, #tpu.memory_space<vmem>>
          %dma_wait3A_906 = tpu.memref_squeeze %dma_wait3A_905 : memref<1x128x128xf32, #tpu.memory_space<vmem>> -> memref<128x128xf32, #tpu.memory_space<vmem>>
          %dma_wait3A_907 = arith.constant 0 : i32
          %dma_wait3A_908 = arith.constant 0 : i32
          %dma_wait3A_909 = tpu.memref_slice %arg4[%dma_wait3A_907, %dma_wait3A_908] : memref<10000x128xf32, #tpu.memory_space<hbm>> -> memref<128x128xf32, #tpu.memory_space<hbm>>
          %dma_wait3A_910 = tpu.memref_slice %arg11[%dma_wait3A_902] : memref<2x!tpu.dma_semaphore, #tpu.memory_space<semaphore_mem>> -> memref<1x!tpu.dma_semaphore, #tpu.memory_space<semaphore_mem>>
          %dma_wait3A_911 = tpu.memref_squeeze %dma_wait3A_910 : memref<1x!tpu.dma_semaphore, #tpu.memory_space<semaphore_mem>> -> memref<!tpu.dma_semaphore, #tpu.memory_space<semaphore_mem>>
          %dma_wait3A_912 = arith.constant 0 : i32
          %dma_wait3A_913 = arith.constant 0 : i32
          %dma_wait3A_914 = tpu.memref_slice %arg9[%dma_wait3A_901, %dma_wait3A_912, %dma_wait3A_913] : memref<2x128x128xf32, #tpu.memory_space<vmem>> -> memref<1x128x128xf32, #tpu.memory_space<vmem>>
          %dma_wait3A_915 = tpu.memref_squeeze %dma_wait3A_914 : memref<1x128x128xf32, #tpu.memory_space<vmem>> -> memref<128x128xf32, #tpu.memory_space<vmem>>
          %dma_wait3A_916 = arith.constant 0 : i32
          %dma_wait3A_917 = arith.constant 0 : i32
          %dma_wait3A_918 = tpu.memref_slice %arg4[%dma_wait3A_916, %dma_wait3A_917] : memref<10000x128xf32, #tpu.memory_space<hbm>> -> memref<128x128xf32, #tpu.memory_space<hbm>>
          tpu.wait_dma2 semaphore(%dma_wait3A_911 : memref<!tpu.dma_semaphore, #tpu.memory_space<semaphore_mem>>) src(%dma_wait3A_918 : memref<128x128xf32, #tpu.memory_space<hbm>>) dst(%dma_wait3A_915 : memref<128x128xf32, #tpu.memory_space<vmem>>)
          %dma_start3A_919 = arith.constant 1 : i32
          %dma_start3A_920 = arith.constant 5 : i32
          %dma_start3A_921 = arith.constant 1 : i32
          %dma_start3A_922 = arith.constant 0 : i32
          %dma_start3A_923 = arith.constant 0 : i32
          %dma_start3A_924 = tpu.memref_slice %arg9[%dma_start3A_919, %dma_start3A_922, %dma_start3A_923] : memref<2x128x128xf32, #tpu.memory_space<vmem>> -> memref<1x128x128xf32, #tpu.memory_space<vmem>>
          %dma_start3A_925 = tpu.memref_squeeze %dma_start3A_924 : memref<1x128x128xf32, #tpu.memory_space<vmem>> -> memref<128x128xf32, #tpu.memory_space<vmem>>
          %dma_start3A_926 = arith.constant 0 : i32
          %dma_start3A_927 = tpu.memref_slice %arg8[%rem3A_593, %dma_start3A_920, %dma_start3A_926] : memref<2x8x128xi32, #tpu.memory_space<vmem>> -> memref<1x1x128xi32, #tpu.memory_space<vmem>>
          %dma_start3A_928 = tpu.memref_squeeze %dma_start3A_927 : memref<1x1x128xi32, #tpu.memory_space<vmem>> -> memref<128xi32, #tpu.memory_space<vmem>>
          %dma_start3A_929 = arith.constant 0 : i32
          %dma_start3A_930 = arith.constant 0 : i32
          %dma_start3A_931 = tpu.memref_slice %arg10[%dma_start3A_929, %dma_start3A_930] : memref<10112x128xf32, #tpu.memory_space<vmem_shared>> -> memref<10112x128xf32, #tpu.memory_space<vmem_shared>>
          %dma_start3A_932 = tpu.memref_slice %arg12[%dma_start3A_921] : memref<2x!tpu.dma_semaphore, #tpu.memory_space<semaphore_mem>> -> memref<1x!tpu.dma_semaphore, #tpu.memory_space<semaphore_mem>>
          %dma_start3A_933 = tpu.memref_squeeze %dma_start3A_932 : memref<1x!tpu.dma_semaphore, #tpu.memory_space<semaphore_mem>> -> memref<!tpu.dma_semaphore, #tpu.memory_space<semaphore_mem>>
          tpu.enqueue_indirect_dma source(%dma_start3A_925 : memref<128x128xf32, #tpu.memory_space<vmem>>) target(%dma_start3A_931 : memref<10112x128xf32, #tpu.memory_space<vmem_shared>>) offsets(%dma_start3A_928 : memref<128xi32, #tpu.memory_space<vmem>>) semaphore(%dma_start3A_933 : memref<!tpu.dma_semaphore, #tpu.memory_space<semaphore_mem>>) {add = true}
          %dma_wait3A_934 = arith.constant 0 : i32
          %dma_wait3A_935 = arith.constant 0 : i32
          %dma_wait3A_936 = arith.constant 0 : i32
          %dma_wait3A_937 = arith.constant 0 : i32
          %dma_wait3A_938 = tpu.memref_slice %arg9[%dma_wait3A_934, %dma_wait3A_936, %dma_wait3A_937] : memref<2x128x128xf32, #tpu.memory_space<vmem>> -> memref<1x128x128xf32, #tpu.memory_space<vmem>>
          %dma_wait3A_939 = tpu.memref_squeeze %dma_wait3A_938 : memref<1x128x128xf32, #tpu.memory_space<vmem>> -> memref<128x128xf32, #tpu.memory_space<vmem>>
          %dma_wait3A_940 = arith.constant 0 : i32
          %dma_wait3A_941 = arith.constant 0 : i32
          %dma_wait3A_942 = tpu.memref_slice %arg4[%dma_wait3A_940, %dma_wait3A_941] : memref<10000x128xf32, #tpu.memory_space<hbm>> -> memref<128x128xf32, #tpu.memory_space<hbm>>
          %dma_wait3A_943 = tpu.memref_slice %arg12[%dma_wait3A_935] : memref<2x!tpu.dma_semaphore, #tpu.memory_space<semaphore_mem>> -> memref<1x!tpu.dma_semaphore, #tpu.memory_space<semaphore_mem>>
          %dma_wait3A_944 = tpu.memref_squeeze %dma_wait3A_943 : memref<1x!tpu.dma_semaphore, #tpu.memory_space<semaphore_mem>> -> memref<!tpu.dma_semaphore, #tpu.memory_space<semaphore_mem>>
          %dma_wait3A_945 = arith.constant 0 : i32
          %dma_wait3A_946 = arith.constant 0 : i32
          %dma_wait3A_947 = tpu.memref_slice %arg9[%dma_wait3A_934, %dma_wait3A_945, %dma_wait3A_946] : memref<2x128x128xf32, #tpu.memory_space<vmem>> -> memref<1x128x128xf32, #tpu.memory_space<vmem>>
          %dma_wait3A_948 = tpu.memref_squeeze %dma_wait3A_947 : memref<1x128x128xf32, #tpu.memory_space<vmem>> -> memref<128x128xf32, #tpu.memory_space<vmem>>
          %dma_wait3A_949 = arith.constant 0 : i32
          %dma_wait3A_950 = arith.constant 0 : i32
          %dma_wait3A_951 = tpu.memref_slice %arg4[%dma_wait3A_949, %dma_wait3A_950] : memref<10000x128xf32, #tpu.memory_space<hbm>> -> memref<128x128xf32, #tpu.memory_space<hbm>>
          tpu.wait_dma2 semaphore(%dma_wait3A_944 : memref<!tpu.dma_semaphore, #tpu.memory_space<semaphore_mem>>) src(%dma_wait3A_951 : memref<128x128xf32, #tpu.memory_space<hbm>>) dst(%dma_wait3A_948 : memref<128x128xf32, #tpu.memory_space<vmem>>)
          %dma_start3A_952 = arith.constant 6 : i32
          %dma_start3A_953 = arith.constant 0 : i32
          %dma_start3A_954 = arith.constant 0 : i32
          %dma_start3A_955 = arith.constant 0 : i32
          %dma_start3A_956 = arith.constant 0 : i32
          %dma_start3A_957 = tpu.memref_slice %arg9[%dma_start3A_953, %dma_start3A_955, %dma_start3A_956] : memref<2x128x128xf32, #tpu.memory_space<vmem>> -> memref<1x128x128xf32, #tpu.memory_space<vmem>>
          %dma_start3A_958 = tpu.memref_squeeze %dma_start3A_957 : memref<1x128x128xf32, #tpu.memory_space<vmem>> -> memref<128x128xf32, #tpu.memory_space<vmem>>
          %dma_start3A_959 = arith.constant 0 : i32
          %dma_start3A_960 = tpu.memref_slice %arg7[%rem3A_593, %dma_start3A_952, %dma_start3A_959] : memref<2x8x128xi32, #tpu.memory_space<vmem>> -> memref<1x1x128xi32, #tpu.memory_space<vmem>>
          %dma_start3A_961 = tpu.memref_squeeze %dma_start3A_960 : memref<1x1x128xi32, #tpu.memory_space<vmem>> -> memref<128xi32, #tpu.memory_space<vmem>>
          %dma_start3A_962 = arith.constant 0 : i32
          %dma_start3A_963 = arith.constant 0 : i32
          %dma_start3A_964 = tpu.memref_slice %arg4[%dma_start3A_962, %dma_start3A_963] : memref<10000x128xf32, #tpu.memory_space<hbm>> -> memref<10000x128xf32, #tpu.memory_space<hbm>>
          %dma_start3A_965 = tpu.memref_slice %arg11[%dma_start3A_954] : memref<2x!tpu.dma_semaphore, #tpu.memory_space<semaphore_mem>> -> memref<1x!tpu.dma_semaphore, #tpu.memory_space<semaphore_mem>>
          %dma_start3A_966 = tpu.memref_squeeze %dma_start3A_965 : memref<1x!tpu.dma_semaphore, #tpu.memory_space<semaphore_mem>> -> memref<!tpu.dma_semaphore, #tpu.memory_space<semaphore_mem>>
          tpu.enqueue_indirect_dma source(%dma_start3A_964 : memref<10000x128xf32, #tpu.memory_space<hbm>>) target(%dma_start3A_958 : memref<128x128xf32, #tpu.memory_space<vmem>>) offsets(%dma_start3A_961 : memref<128xi32, #tpu.memory_space<vmem>>) semaphore(%dma_start3A_966 : memref<!tpu.dma_semaphore, #tpu.memory_space<semaphore_mem>>)
          %dma_wait3A_967 = arith.constant 1 : i32
          %dma_wait3A_968 = arith.constant 1 : i32
          %dma_wait3A_969 = arith.constant 0 : i32
          %dma_wait3A_970 = arith.constant 0 : i32
          %dma_wait3A_971 = tpu.memref_slice %arg9[%dma_wait3A_967, %dma_wait3A_969, %dma_wait3A_970] : memref<2x128x128xf32, #tpu.memory_space<vmem>> -> memref<1x128x128xf32, #tpu.memory_space<vmem>>
          %dma_wait3A_972 = tpu.memref_squeeze %dma_wait3A_971 : memref<1x128x128xf32, #tpu.memory_space<vmem>> -> memref<128x128xf32, #tpu.memory_space<vmem>>
          %dma_wait3A_973 = arith.constant 0 : i32
          %dma_wait3A_974 = arith.constant 0 : i32
          %dma_wait3A_975 = tpu.memref_slice %arg4[%dma_wait3A_973, %dma_wait3A_974] : memref<10000x128xf32, #tpu.memory_space<hbm>> -> memref<128x128xf32, #tpu.memory_space<hbm>>
          %dma_wait3A_976 = tpu.memref_slice %arg12[%dma_wait3A_968] : memref<2x!tpu.dma_semaphore, #tpu.memory_space<semaphore_mem>> -> memref<1x!tpu.dma_semaphore, #tpu.memory_space<semaphore_mem>>
          %dma_wait3A_977 = tpu.memref_squeeze %dma_wait3A_976 : memref<1x!tpu.dma_semaphore, #tpu.memory_space<semaphore_mem>> -> memref<!tpu.dma_semaphore, #tpu.memory_space<semaphore_mem>>
          %dma_wait3A_978 = arith.constant 0 : i32
          %dma_wait3A_979 = arith.constant 0 : i32
          %dma_wait3A_980 = tpu.memref_slice %arg9[%dma_wait3A_967, %dma_wait3A_978, %dma_wait3A_979] : memref<2x128x128xf32, #tpu.memory_space<vmem>> -> memref<1x128x128xf32, #tpu.memory_space<vmem>>
          %dma_wait3A_981 = tpu.memref_squeeze %dma_wait3A_980 : memref<1x128x128xf32, #tpu.memory_space<vmem>> -> memref<128x128xf32, #tpu.memory_space<vmem>>
          %dma_wait3A_982 = arith.constant 0 : i32
          %dma_wait3A_983 = arith.constant 0 : i32
          %dma_wait3A_984 = tpu.memref_slice %arg4[%dma_wait3A_982, %dma_wait3A_983] : memref<10000x128xf32, #tpu.memory_space<hbm>> -> memref<128x128xf32, #tpu.memory_space<hbm>>
          tpu.wait_dma2 semaphore(%dma_wait3A_977 : memref<!tpu.dma_semaphore, #tpu.memory_space<semaphore_mem>>) src(%dma_wait3A_984 : memref<128x128xf32, #tpu.memory_space<hbm>>) dst(%dma_wait3A_981 : memref<128x128xf32, #tpu.memory_space<vmem>>)
          %dma_start3A_985 = arith.constant 7 : i32
          %dma_start3A_986 = arith.constant 1 : i32
          %dma_start3A_987 = arith.constant 1 : i32
          %dma_start3A_988 = arith.constant 0 : i32
          %dma_start3A_989 = arith.constant 0 : i32
          %dma_start3A_990 = tpu.memref_slice %arg9[%dma_start3A_986, %dma_start3A_988, %dma_start3A_989] : memref<2x128x128xf32, #tpu.memory_space<vmem>> -> memref<1x128x128xf32, #tpu.memory_space<vmem>>
          %dma_start3A_991 = tpu.memref_squeeze %dma_start3A_990 : memref<1x128x128xf32, #tpu.memory_space<vmem>> -> memref<128x128xf32, #tpu.memory_space<vmem>>
          %dma_start3A_992 = arith.constant 0 : i32
          %dma_start3A_993 = tpu.memref_slice %arg7[%rem3A_593, %dma_start3A_985, %dma_start3A_992] : memref<2x8x128xi32, #tpu.memory_space<vmem>> -> memref<1x1x128xi32, #tpu.memory_space<vmem>>
          %dma_start3A_994 = tpu.memref_squeeze %dma_start3A_993 : memref<1x1x128xi32, #tpu.memory_space<vmem>> -> memref<128xi32, #tpu.memory_space<vmem>>
          %dma_start3A_995 = arith.constant 0 : i32
          %dma_start3A_996 = arith.constant 0 : i32
          %dma_start3A_997 = tpu.memref_slice %arg4[%dma_start3A_995, %dma_start3A_996] : memref<10000x128xf32, #tpu.memory_space<hbm>> -> memref<10000x128xf32, #tpu.memory_space<hbm>>
          %dma_start3A_998 = tpu.memref_slice %arg11[%dma_start3A_987] : memref<2x!tpu.dma_semaphore, #tpu.memory_space<semaphore_mem>> -> memref<1x!tpu.dma_semaphore, #tpu.memory_space<semaphore_mem>>
          %dma_start3A_999 = tpu.memref_squeeze %dma_start3A_998 : memref<1x!tpu.dma_semaphore, #tpu.memory_space<semaphore_mem>> -> memref<!tpu.dma_semaphore, #tpu.memory_space<semaphore_mem>>
          tpu.enqueue_indirect_dma source(%dma_start3A_997 : memref<10000x128xf32, #tpu.memory_space<hbm>>) target(%dma_start3A_991 : memref<128x128xf32, #tpu.memory_space<vmem>>) offsets(%dma_start3A_994 : memref<128xi32, #tpu.memory_space<vmem>>) semaphore(%dma_start3A_999 : memref<!tpu.dma_semaphore, #tpu.memory_space<semaphore_mem>>)
          %dma_wait3A_1000 = arith.constant 0 : i32
          %dma_wait3A_1001 = arith.constant 0 : i32
          %dma_wait3A_1002 = arith.constant 0 : i32
          %dma_wait3A_1003 = arith.constant 0 : i32
          %dma_wait3A_1004 = tpu.memref_slice %arg9[%dma_wait3A_1000, %dma_wait3A_1002, %dma_wait3A_1003] : memref<2x128x128xf32, #tpu.memory_space<vmem>> -> memref<1x128x128xf32, #tpu.memory_space<vmem>>
          %dma_wait3A_1005 = tpu.memref_squeeze %dma_wait3A_1004 : memref<1x128x128xf32, #tpu.memory_space<vmem>> -> memref<128x128xf32, #tpu.memory_space<vmem>>
          %dma_wait3A_1006 = arith.constant 0 : i32
          %dma_wait3A_1007 = arith.constant 0 : i32
          %dma_wait3A_1008 = tpu.memref_slice %arg4[%dma_wait3A_1006, %dma_wait3A_1007] : memref<10000x128xf32, #tpu.memory_space<hbm>> -> memref<128x128xf32, #tpu.memory_space<hbm>>
          %dma_wait3A_1009 = tpu.memref_slice %arg11[%dma_wait3A_1001] : memref<2x!tpu.dma_semaphore, #tpu.memory_space<semaphore_mem>> -> memref<1x!tpu.dma_semaphore, #tpu.memory_space<semaphore_mem>>
          %dma_wait3A_1010 = tpu.memref_squeeze %dma_wait3A_1009 : memref<1x!tpu.dma_semaphore, #tpu.memory_space<semaphore_mem>> -> memref<!tpu.dma_semaphore, #tpu.memory_space<semaphore_mem>>
          %dma_wait3A_1011 = arith.constant 0 : i32
          %dma_wait3A_1012 = arith.constant 0 : i32
          %dma_wait3A_1013 = tpu.memref_slice %arg9[%dma_wait3A_1000, %dma_wait3A_1011, %dma_wait3A_1012] : memref<2x128x128xf32, #tpu.memory_space<vmem>> -> memref<1x128x128xf32, #tpu.memory_space<vmem>>
          %dma_wait3A_1014 = tpu.memref_squeeze %dma_wait3A_1013 : memref<1x128x128xf32, #tpu.memory_space<vmem>> -> memref<128x128xf32, #tpu.memory_space<vmem>>
          %dma_wait3A_1015 = arith.constant 0 : i32
          %dma_wait3A_1016 = arith.constant 0 : i32
          %dma_wait3A_1017 = tpu.memref_slice %arg4[%dma_wait3A_1015, %dma_wait3A_1016] : memref<10000x128xf32, #tpu.memory_space<hbm>> -> memref<128x128xf32, #tpu.memory_space<hbm>>
          tpu.wait_dma2 semaphore(%dma_wait3A_1010 : memref<!tpu.dma_semaphore, #tpu.memory_space<semaphore_mem>>) src(%dma_wait3A_1017 : memref<128x128xf32, #tpu.memory_space<hbm>>) dst(%dma_wait3A_1014 : memref<128x128xf32, #tpu.memory_space<vmem>>)
          %dma_start3A_1018 = arith.constant 0 : i32
          %dma_start3A_1019 = arith.constant 6 : i32
          %dma_start3A_1020 = arith.constant 0 : i32
          %dma_start3A_1021 = arith.constant 0 : i32
          %dma_start3A_1022 = arith.constant 0 : i32
          %dma_start3A_1023 = tpu.memref_slice %arg9[%dma_start3A_1018, %dma_start3A_1021, %dma_start3A_1022] : memref<2x128x128xf32, #tpu.memory_space<vmem>> -> memref<1x128x128xf32, #tpu.memory_space<vmem>>
          %dma_start3A_1024 = tpu.memref_squeeze %dma_start3A_1023 : memref<1x128x128xf32, #tpu.memory_space<vmem>> -> memref<128x128xf32, #tpu.memory_space<vmem>>
          %dma_start3A_1025 = arith.constant 0 : i32
          %dma_start3A_1026 = tpu.memref_slice %arg8[%rem3A_593, %dma_start3A_1019, %dma_start3A_1025] : memref<2x8x128xi32, #tpu.memory_space<vmem>> -> memref<1x1x128xi32, #tpu.memory_space<vmem>>
          %dma_start3A_1027 = tpu.memref_squeeze %dma_start3A_1026 : memref<1x1x128xi32, #tpu.memory_space<vmem>> -> memref<128xi32, #tpu.memory_space<vmem>>
          %dma_start3A_1028 = arith.constant 0 : i32
          %dma_start3A_1029 = arith.constant 0 : i32
          %dma_start3A_1030 = tpu.memref_slice %arg10[%dma_start3A_1028, %dma_start3A_1029] : memref<10112x128xf32, #tpu.memory_space<vmem_shared>> -> memref<10112x128xf32, #tpu.memory_space<vmem_shared>>
          %dma_start3A_1031 = tpu.memref_slice %arg12[%dma_start3A_1020] : memref<2x!tpu.dma_semaphore, #tpu.memory_space<semaphore_mem>> -> memref<1x!tpu.dma_semaphore, #tpu.memory_space<semaphore_mem>>
          %dma_start3A_1032 = tpu.memref_squeeze %dma_start3A_1031 : memref<1x!tpu.dma_semaphore, #tpu.memory_space<semaphore_mem>> -> memref<!tpu.dma_semaphore, #tpu.memory_space<semaphore_mem>>
          tpu.enqueue_indirect_dma source(%dma_start3A_1024 : memref<128x128xf32, #tpu.memory_space<vmem>>) target(%dma_start3A_1030 : memref<10112x128xf32, #tpu.memory_space<vmem_shared>>) offsets(%dma_start3A_1027 : memref<128xi32, #tpu.memory_space<vmem>>) semaphore(%dma_start3A_1032 : memref<!tpu.dma_semaphore, #tpu.memory_space<semaphore_mem>>) {add = true}
          %dma_wait3A_1033 = arith.constant 1 : i32
          %dma_wait3A_1034 = arith.constant 1 : i32
          %dma_wait3A_1035 = arith.constant 0 : i32
          %dma_wait3A_1036 = arith.constant 0 : i32
          %dma_wait3A_1037 = tpu.memref_slice %arg9[%dma_wait3A_1033, %dma_wait3A_1035, %dma_wait3A_1036] : memref<2x128x128xf32, #tpu.memory_space<vmem>> -> memref<1x128x128xf32, #tpu.memory_space<vmem>>
          %dma_wait3A_1038 = tpu.memref_squeeze %dma_wait3A_1037 : memref<1x128x128xf32, #tpu.memory_space<vmem>> -> memref<128x128xf32, #tpu.memory_space<vmem>>
          %dma_wait3A_1039 = arith.constant 0 : i32
          %dma_wait3A_1040 = arith.constant 0 : i32
          %dma_wait3A_1041 = tpu.memref_slice %arg4[%dma_wait3A_1039, %dma_wait3A_1040] : memref<10000x128xf32, #tpu.memory_space<hbm>> -> memref<128x128xf32, #tpu.memory_space<hbm>>
          %dma_wait3A_1042 = tpu.memref_slice %arg11[%dma_wait3A_1034] : memref<2x!tpu.dma_semaphore, #tpu.memory_space<semaphore_mem>> -> memref<1x!tpu.dma_semaphore, #tpu.memory_space<semaphore_mem>>
          %dma_wait3A_1043 = tpu.memref_squeeze %dma_wait3A_1042 : memref<1x!tpu.dma_semaphore, #tpu.memory_space<semaphore_mem>> -> memref<!tpu.dma_semaphore, #tpu.memory_space<semaphore_mem>>
          %dma_wait3A_1044 = arith.constant 0 : i32
          %dma_wait3A_1045 = arith.constant 0 : i32
          %dma_wait3A_1046 = tpu.memref_slice %arg9[%dma_wait3A_1033, %dma_wait3A_1044, %dma_wait3A_1045] : memref<2x128x128xf32, #tpu.memory_space<vmem>> -> memref<1x128x128xf32, #tpu.memory_space<vmem>>
          %dma_wait3A_1047 = tpu.memref_squeeze %dma_wait3A_1046 : memref<1x128x128xf32, #tpu.memory_space<vmem>> -> memref<128x128xf32, #tpu.memory_space<vmem>>
          %dma_wait3A_1048 = arith.constant 0 : i32
          %dma_wait3A_1049 = arith.constant 0 : i32
          %dma_wait3A_1050 = tpu.memref_slice %arg4[%dma_wait3A_1048, %dma_wait3A_1049] : memref<10000x128xf32, #tpu.memory_space<hbm>> -> memref<128x128xf32, #tpu.memory_space<hbm>>
          tpu.wait_dma2 semaphore(%dma_wait3A_1043 : memref<!tpu.dma_semaphore, #tpu.memory_space<semaphore_mem>>) src(%dma_wait3A_1050 : memref<128x128xf32, #tpu.memory_space<hbm>>) dst(%dma_wait3A_1047 : memref<128x128xf32, #tpu.memory_space<vmem>>)
          %dma_start3A_1051 = arith.constant 1 : i32
          %dma_start3A_1052 = arith.constant 7 : i32
          %dma_start3A_1053 = arith.constant 1 : i32
          %dma_start3A_1054 = arith.constant 0 : i32
          %dma_start3A_1055 = arith.constant 0 : i32
          %dma_start3A_1056 = tpu.memref_slice %arg9[%dma_start3A_1051, %dma_start3A_1054, %dma_start3A_1055] : memref<2x128x128xf32, #tpu.memory_space<vmem>> -> memref<1x128x128xf32, #tpu.memory_space<vmem>>
          %dma_start3A_1057 = tpu.memref_squeeze %dma_start3A_1056 : memref<1x128x128xf32, #tpu.memory_space<vmem>> -> memref<128x128xf32, #tpu.memory_space<vmem>>
          %dma_start3A_1058 = arith.constant 0 : i32
          %dma_start3A_1059 = tpu.memref_slice %arg8[%rem3A_593, %dma_start3A_1052, %dma_start3A_1058] : memref<2x8x128xi32, #tpu.memory_space<vmem>> -> memref<1x1x128xi32, #tpu.memory_space<vmem>>
          %dma_start3A_1060 = tpu.memref_squeeze %dma_start3A_1059 : memref<1x1x128xi32, #tpu.memory_space<vmem>> -> memref<128xi32, #tpu.memory_space<vmem>>
          %dma_start3A_1061 = arith.constant 0 : i32
          %dma_start3A_1062 = arith.constant 0 : i32
          %dma_start3A_1063 = tpu.memref_slice %arg10[%dma_start3A_1061, %dma_start3A_1062] : memref<10112x128xf32, #tpu.memory_space<vmem_shared>> -> memref<10112x128xf32, #tpu.memory_space<vmem_shared>>
          %dma_start3A_1064 = tpu.memref_slice %arg12[%dma_start3A_1053] : memref<2x!tpu.dma_semaphore, #tpu.memory_space<semaphore_mem>> -> memref<1x!tpu.dma_semaphore, #tpu.memory_space<semaphore_mem>>
          %dma_start3A_1065 = tpu.memref_squeeze %dma_start3A_1064 : memref<1x!tpu.dma_semaphore, #tpu.memory_space<semaphore_mem>> -> memref<!tpu.dma_semaphore, #tpu.memory_space<semaphore_mem>>
          tpu.enqueue_indirect_dma source(%dma_start3A_1057 : memref<128x128xf32, #tpu.memory_space<vmem>>) target(%dma_start3A_1063 : memref<10112x128xf32, #tpu.memory_space<vmem_shared>>) offsets(%dma_start3A_1060 : memref<128xi32, #tpu.memory_space<vmem>>) semaphore(%dma_start3A_1065 : memref<!tpu.dma_semaphore, #tpu.memory_space<semaphore_mem>>) {add = true}
          %dma_wait3A_1066 = arith.constant 0 : i32
          %dma_wait3A_1067 = arith.constant 0 : i32
          %dma_wait3A_1068 = arith.constant 0 : i32
          %dma_wait3A_1069 = tpu.memref_slice %arg7[%dma_wait3A_1066, %dma_wait3A_1067, %dma_wait3A_1068] : memref<2x8x128xi32, #tpu.memory_space<vmem>> -> memref<1x8x128xi32, #tpu.memory_space<vmem>>
          %dma_wait3A_1070 = tpu.memref_squeeze %dma_wait3A_1069 : memref<1x8x128xi32, #tpu.memory_space<vmem>> -> memref<8x128xi32, #tpu.memory_space<vmem>>
          %dma_wait3A_1071 = arith.constant 0 : i32
          %dma_wait3A_1072 = arith.constant 0 : i32
          %dma_wait3A_1073 = tpu.memref_slice %arg2[%dma_wait3A_1071, %dma_wait3A_1072] : memref<2560x128xi32, #tpu.memory_space<hbm>> -> memref<8x128xi32, #tpu.memory_space<hbm>>
          %dma_wait3A_1074 = arith.constant 0 : i32
          %dma_wait3A_1075 = arith.constant 0 : i32
          %dma_wait3A_1076 = tpu.memref_slice %arg7[%dma_wait3A_1066, %dma_wait3A_1074, %dma_wait3A_1075] : memref<2x8x128xi32, #tpu.memory_space<vmem>> -> memref<1x8x128xi32, #tpu.memory_space<vmem>>
          %dma_wait3A_1077 = tpu.memref_squeeze %dma_wait3A_1076 : memref<1x8x128xi32, #tpu.memory_space<vmem>> -> memref<8x128xi32, #tpu.memory_space<vmem>>
          %dma_wait3A_1078 = arith.constant 0 : i32
          %dma_wait3A_1079 = arith.constant 0 : i32
          %dma_wait3A_1080 = tpu.memref_slice %arg2[%dma_wait3A_1078, %dma_wait3A_1079] : memref<2560x128xi32, #tpu.memory_space<hbm>> -> memref<8x128xi32, #tpu.memory_space<hbm>>
          tpu.wait_dma2 semaphore(%arg13 : memref<!tpu.dma_semaphore, #tpu.memory_space<semaphore_mem>>) src(%dma_wait3A_1080 : memref<8x128xi32, #tpu.memory_space<hbm>>) dst(%dma_wait3A_1077 : memref<8x128xi32, #tpu.memory_space<vmem>>)
          %dma_wait3A_1081 = arith.constant 0 : i32
          %dma_wait3A_1082 = arith.constant 0 : i32
          %dma_wait3A_1083 = arith.constant 0 : i32
          %dma_wait3A_1084 = tpu.memref_slice %arg8[%dma_wait3A_1081, %dma_wait3A_1082, %dma_wait3A_1083] : memref<2x8x128xi32, #tpu.memory_space<vmem>> -> memref<1x8x128xi32, #tpu.memory_space<vmem>>
          %dma_wait3A_1085 = tpu.memref_squeeze %dma_wait3A_1084 : memref<1x8x128xi32, #tpu.memory_space<vmem>> -> memref<8x128xi32, #tpu.memory_space<vmem>>
          %dma_wait3A_1086 = arith.constant 0 : i32
          %dma_wait3A_1087 = arith.constant 0 : i32
          %dma_wait3A_1088 = tpu.memref_slice %arg2[%dma_wait3A_1086, %dma_wait3A_1087] : memref<2560x128xi32, #tpu.memory_space<hbm>> -> memref<8x128xi32, #tpu.memory_space<hbm>>
          %dma_wait3A_1089 = arith.constant 0 : i32
          %dma_wait3A_1090 = arith.constant 0 : i32
          %dma_wait3A_1091 = tpu.memref_slice %arg8[%dma_wait3A_1081, %dma_wait3A_1089, %dma_wait3A_1090] : memref<2x8x128xi32, #tpu.memory_space<vmem>> -> memref<1x8x128xi32, #tpu.memory_space<vmem>>
          %dma_wait3A_1092 = tpu.memref_squeeze %dma_wait3A_1091 : memref<1x8x128xi32, #tpu.memory_space<vmem>> -> memref<8x128xi32, #tpu.memory_space<vmem>>
          %dma_wait3A_1093 = arith.constant 0 : i32
          %dma_wait3A_1094 = arith.constant 0 : i32
          %dma_wait3A_1095 = tpu.memref_slice %arg2[%dma_wait3A_1093, %dma_wait3A_1094] : memref<2560x128xi32, #tpu.memory_space<hbm>> -> memref<8x128xi32, #tpu.memory_space<hbm>>
          tpu.wait_dma2 semaphore(%arg13 : memref<!tpu.dma_semaphore, #tpu.memory_space<semaphore_mem>>) src(%dma_wait3A_1095 : memref<8x128xi32, #tpu.memory_space<hbm>>) dst(%dma_wait3A_1092 : memref<8x128xi32, #tpu.memory_space<vmem>>)
          %dma_wait3A_1096 = arith.constant 0 : i32
          %dma_wait3A_1097 = arith.constant 0 : i32
          %dma_wait3A_1098 = arith.constant 0 : i32
          %dma_wait3A_1099 = arith.constant 0 : i32
          %dma_wait3A_1100 = tpu.memref_slice %arg9[%dma_wait3A_1096, %dma_wait3A_1098, %dma_wait3A_1099] : memref<2x128x128xf32, #tpu.memory_space<vmem>> -> memref<1x128x128xf32, #tpu.memory_space<vmem>>
          %dma_wait3A_1101 = tpu.memref_squeeze %dma_wait3A_1100 : memref<1x128x128xf32, #tpu.memory_space<vmem>> -> memref<128x128xf32, #tpu.memory_space<vmem>>
          %dma_wait3A_1102 = arith.constant 0 : i32
          %dma_wait3A_1103 = arith.constant 0 : i32
          %dma_wait3A_1104 = tpu.memref_slice %arg4[%dma_wait3A_1102, %dma_wait3A_1103] : memref<10000x128xf32, #tpu.memory_space<hbm>> -> memref<128x128xf32, #tpu.memory_space<hbm>>
          %dma_wait3A_1105 = tpu.memref_slice %arg12[%dma_wait3A_1097] : memref<2x!tpu.dma_semaphore, #tpu.memory_space<semaphore_mem>> -> memref<1x!tpu.dma_semaphore, #tpu.memory_space<semaphore_mem>>
          %dma_wait3A_1106 = tpu.memref_squeeze %dma_wait3A_1105 : memref<1x!tpu.dma_semaphore, #tpu.memory_space<semaphore_mem>> -> memref<!tpu.dma_semaphore, #tpu.memory_space<semaphore_mem>>
          %dma_wait3A_1107 = arith.constant 0 : i32
          %dma_wait3A_1108 = arith.constant 0 : i32
          %dma_wait3A_1109 = tpu.memref_slice %arg9[%dma_wait3A_1096, %dma_wait3A_1107, %dma_wait3A_1108] : memref<2x128x128xf32, #tpu.memory_space<vmem>> -> memref<1x128x128xf32, #tpu.memory_space<vmem>>
          %dma_wait3A_1110 = tpu.memref_squeeze %dma_wait3A_1109 : memref<1x128x128xf32, #tpu.memory_space<vmem>> -> memref<128x128xf32, #tpu.memory_space<vmem>>
          %dma_wait3A_1111 = arith.constant 0 : i32
          %dma_wait3A_1112 = arith.constant 0 : i32
          %dma_wait3A_1113 = tpu.memref_slice %arg4[%dma_wait3A_1111, %dma_wait3A_1112] : memref<10000x128xf32, #tpu.memory_space<hbm>> -> memref<128x128xf32, #tpu.memory_space<hbm>>
          tpu.wait_dma2 semaphore(%dma_wait3A_1106 : memref<!tpu.dma_semaphore, #tpu.memory_space<semaphore_mem>>) src(%dma_wait3A_1113 : memref<128x128xf32, #tpu.memory_space<hbm>>) dst(%dma_wait3A_1110 : memref<128x128xf32, #tpu.memory_space<vmem>>)
          %dma_start3A_1114 = arith.constant 0 : i32
          %dma_start3A_1115 = arith.constant 0 : i32
          %dma_start3A_1116 = arith.constant 0 : i32
          %dma_start3A_1117 = arith.constant 0 : i32
          %dma_start3A_1118 = arith.constant 0 : i32
          %dma_start3A_1119 = tpu.memref_slice %arg9[%dma_start3A_1115, %dma_start3A_1117, %dma_start3A_1118] : memref<2x128x128xf32, #tpu.memory_space<vmem>> -> memref<1x128x128xf32, #tpu.memory_space<vmem>>
          %dma_start3A_1120 = tpu.memref_squeeze %dma_start3A_1119 : memref<1x128x128xf32, #tpu.memory_space<vmem>> -> memref<128x128xf32, #tpu.memory_space<vmem>>
          %dma_start3A_1121 = arith.constant 0 : i32
          %dma_start3A_1122 = tpu.memref_slice %arg7[%sub3A_603, %dma_start3A_1114, %dma_start3A_1121] : memref<2x8x128xi32, #tpu.memory_space<vmem>> -> memref<1x1x128xi32, #tpu.memory_space<vmem>>
          %dma_start3A_1123 = tpu.memref_squeeze %dma_start3A_1122 : memref<1x1x128xi32, #tpu.memory_space<vmem>> -> memref<128xi32, #tpu.memory_space<vmem>>
          %dma_start3A_1124 = arith.constant 0 : i32
          %dma_start3A_1125 = arith.constant 0 : i32
          %dma_start3A_1126 = tpu.memref_slice %arg4[%dma_start3A_1124, %dma_start3A_1125] : memref<10000x128xf32, #tpu.memory_space<hbm>> -> memref<10000x128xf32, #tpu.memory_space<hbm>>
          %dma_start3A_1127 = tpu.memref_slice %arg11[%dma_start3A_1116] : memref<2x!tpu.dma_semaphore, #tpu.memory_space<semaphore_mem>> -> memref<1x!tpu.dma_semaphore, #tpu.memory_space<semaphore_mem>>
          %dma_start3A_1128 = tpu.memref_squeeze %dma_start3A_1127 : memref<1x!tpu.dma_semaphore, #tpu.memory_space<semaphore_mem>> -> memref<!tpu.dma_semaphore, #tpu.memory_space<semaphore_mem>>
          tpu.enqueue_indirect_dma source(%dma_start3A_1126 : memref<10000x128xf32, #tpu.memory_space<hbm>>) target(%dma_start3A_1120 : memref<128x128xf32, #tpu.memory_space<vmem>>) offsets(%dma_start3A_1123 : memref<128xi32, #tpu.memory_space<vmem>>) semaphore(%dma_start3A_1128 : memref<!tpu.dma_semaphore, #tpu.memory_space<semaphore_mem>>)
          %dma_wait3A_1129 = arith.constant 1 : i32
          %dma_wait3A_1130 = arith.constant 1 : i32
          %dma_wait3A_1131 = arith.constant 0 : i32
          %dma_wait3A_1132 = arith.constant 0 : i32
          %dma_wait3A_1133 = tpu.memref_slice %arg9[%dma_wait3A_1129, %dma_wait3A_1131, %dma_wait3A_1132] : memref<2x128x128xf32, #tpu.memory_space<vmem>> -> memref<1x128x128xf32, #tpu.memory_space<vmem>>
          %dma_wait3A_1134 = tpu.memref_squeeze %dma_wait3A_1133 : memref<1x128x128xf32, #tpu.memory_space<vmem>> -> memref<128x128xf32, #tpu.memory_space<vmem>>
          %dma_wait3A_1135 = arith.constant 0 : i32
          %dma_wait3A_1136 = arith.constant 0 : i32
          %dma_wait3A_1137 = tpu.memref_slice %arg4[%dma_wait3A_1135, %dma_wait3A_1136] : memref<10000x128xf32, #tpu.memory_space<hbm>> -> memref<128x128xf32, #tpu.memory_space<hbm>>
          %dma_wait3A_1138 = tpu.memref_slice %arg12[%dma_wait3A_1130] : memref<2x!tpu.dma_semaphore, #tpu.memory_space<semaphore_mem>> -> memref<1x!tpu.dma_semaphore, #tpu.memory_space<semaphore_mem>>
          %dma_wait3A_1139 = tpu.memref_squeeze %dma_wait3A_1138 : memref<1x!tpu.dma_semaphore, #tpu.memory_space<semaphore_mem>> -> memref<!tpu.dma_semaphore, #tpu.memory_space<semaphore_mem>>
          %dma_wait3A_1140 = arith.constant 0 : i32
          %dma_wait3A_1141 = arith.constant 0 : i32
          %dma_wait3A_1142 = tpu.memref_slice %arg9[%dma_wait3A_1129, %dma_wait3A_1140, %dma_wait3A_1141] : memref<2x128x128xf32, #tpu.memory_space<vmem>> -> memref<1x128x128xf32, #tpu.memory_space<vmem>>
          %dma_wait3A_1143 = tpu.memref_squeeze %dma_wait3A_1142 : memref<1x128x128xf32, #tpu.memory_space<vmem>> -> memref<128x128xf32, #tpu.memory_space<vmem>>
          %dma_wait3A_1144 = arith.constant 0 : i32
          %dma_wait3A_1145 = arith.constant 0 : i32
          %dma_wait3A_1146 = tpu.memref_slice %arg4[%dma_wait3A_1144, %dma_wait3A_1145] : memref<10000x128xf32, #tpu.memory_space<hbm>> -> memref<128x128xf32, #tpu.memory_space<hbm>>
          tpu.wait_dma2 semaphore(%dma_wait3A_1139 : memref<!tpu.dma_semaphore, #tpu.memory_space<semaphore_mem>>) src(%dma_wait3A_1146 : memref<128x128xf32, #tpu.memory_space<hbm>>) dst(%dma_wait3A_1143 : memref<128x128xf32, #tpu.memory_space<vmem>>)
          %dma_start3A_1147 = arith.constant 1 : i32
          %dma_start3A_1148 = arith.constant 1 : i32
          %dma_start3A_1149 = arith.constant 1 : i32
          %dma_start3A_1150 = arith.constant 0 : i32
          %dma_start3A_1151 = arith.constant 0 : i32
          %dma_start3A_1152 = tpu.memref_slice %arg9[%dma_start3A_1148, %dma_start3A_1150, %dma_start3A_1151] : memref<2x128x128xf32, #tpu.memory_space<vmem>> -> memref<1x128x128xf32, #tpu.memory_space<vmem>>
          %dma_start3A_1153 = tpu.memref_squeeze %dma_start3A_1152 : memref<1x128x128xf32, #tpu.memory_space<vmem>> -> memref<128x128xf32, #tpu.memory_space<vmem>>
          %dma_start3A_1154 = arith.constant 0 : i32
          %dma_start3A_1155 = tpu.memref_slice %arg7[%sub3A_603, %dma_start3A_1147, %dma_start3A_1154] : memref<2x8x128xi32, #tpu.memory_space<vmem>> -> memref<1x1x128xi32, #tpu.memory_space<vmem>>
          %dma_start3A_1156 = tpu.memref_squeeze %dma_start3A_1155 : memref<1x1x128xi32, #tpu.memory_space<vmem>> -> memref<128xi32, #tpu.memory_space<vmem>>
          %dma_start3A_1157 = arith.constant 0 : i32
          %dma_start3A_1158 = arith.constant 0 : i32
          %dma_start3A_1159 = tpu.memref_slice %arg4[%dma_start3A_1157, %dma_start3A_1158] : memref<10000x128xf32, #tpu.memory_space<hbm>> -> memref<10000x128xf32, #tpu.memory_space<hbm>>
          %dma_start3A_1160 = tpu.memref_slice %arg11[%dma_start3A_1149] : memref<2x!tpu.dma_semaphore, #tpu.memory_space<semaphore_mem>> -> memref<1x!tpu.dma_semaphore, #tpu.memory_space<semaphore_mem>>
          %dma_start3A_1161 = tpu.memref_squeeze %dma_start3A_1160 : memref<1x!tpu.dma_semaphore, #tpu.memory_space<semaphore_mem>> -> memref<!tpu.dma_semaphore, #tpu.memory_space<semaphore_mem>>
          tpu.enqueue_indirect_dma source(%dma_start3A_1159 : memref<10000x128xf32, #tpu.memory_space<hbm>>) target(%dma_start3A_1153 : memref<128x128xf32, #tpu.memory_space<vmem>>) offsets(%dma_start3A_1156 : memref<128xi32, #tpu.memory_space<vmem>>) semaphore(%dma_start3A_1161 : memref<!tpu.dma_semaphore, #tpu.memory_space<semaphore_mem>>)
          %add3A_1162 = arith.constant 2 : i32
          %add3A_1163 = arith.addi %scan3A_592, %add3A_1162 : i32
          %mul3A_1164 = arith.constant 8 : i32
          %mul3A_1165 = arith.muli %add3A_1163, %mul3A_1164 : i32
          %add3A_1166 = arith.addi %mul3A_16, %mul3A_1165 : i32
          %dma_start3A_1167 = arith.constant 0 : i32
          %dma_start3A_1168 = arith.constant 0 : i32
          %dma_start3A_1169 = tpu.memref_slice %arg7[%rem3A_593, %dma_start3A_1167, %dma_start3A_1168] : memref<2x8x128xi32, #tpu.memory_space<vmem>> -> memref<1x8x128xi32, #tpu.memory_space<vmem>>
          %dma_start3A_1170 = tpu.memref_squeeze %dma_start3A_1169 : memref<1x8x128xi32, #tpu.memory_space<vmem>> -> memref<8x128xi32, #tpu.memory_space<vmem>>
          %dma_start3A_1171 = arith.constant 0 : i32
          %dma_start3A_1172 = tpu.memref_slice %arg2[%add3A_1166, %dma_start3A_1171] : memref<2560x128xi32, #tpu.memory_space<hbm>> -> memref<8x128xi32, #tpu.memory_space<hbm>>
          %dma_start3A_1173 = arith.constant 0 : i32
          %dma_start3A_1174 = arith.constant 0 : i32
          %dma_start3A_1175 = tpu.memref_slice %arg7[%rem3A_593, %dma_start3A_1173, %dma_start3A_1174] : memref<2x8x128xi32, #tpu.memory_space<vmem>> -> memref<1x8x128xi32, #tpu.memory_space<vmem>>
          %dma_start3A_1176 = tpu.memref_squeeze %dma_start3A_1175 : memref<1x8x128xi32, #tpu.memory_space<vmem>> -> memref<8x128xi32, #tpu.memory_space<vmem>>
          %dma_start3A_1177 = arith.constant 0 : i32
          %dma_start3A_1178 = tpu.memref_slice %arg2[%add3A_1166, %dma_start3A_1177] : memref<2560x128xi32, #tpu.memory_space<hbm>> -> memref<8x128xi32, #tpu.memory_space<hbm>>
          tpu.enqueue_dma source(%dma_start3A_1178 : memref<8x128xi32, #tpu.memory_space<hbm>>) target(%dma_start3A_1176 : memref<8x128xi32, #tpu.memory_space<vmem>>) target_semaphore(%arg13 : memref<!tpu.dma_semaphore, #tpu.memory_space<semaphore_mem>>)
          %dma_start3A_1179 = arith.constant 0 : i32
          %dma_start3A_1180 = arith.constant 0 : i32
          %dma_start3A_1181 = tpu.memref_slice %arg8[%rem3A_593, %dma_start3A_1179, %dma_start3A_1180] : memref<2x8x128xi32, #tpu.memory_space<vmem>> -> memref<1x8x128xi32, #tpu.memory_space<vmem>>
          %dma_start3A_1182 = tpu.memref_squeeze %dma_start3A_1181 : memref<1x8x128xi32, #tpu.memory_space<vmem>> -> memref<8x128xi32, #tpu.memory_space<vmem>>
          %dma_start3A_1183 = arith.constant 0 : i32
          %dma_start3A_1184 = tpu.memref_slice %arg3[%add3A_1166, %dma_start3A_1183] : memref<2560x128xi32, #tpu.memory_space<hbm>> -> memref<8x128xi32, #tpu.memory_space<hbm>>
          %dma_start3A_1185 = arith.constant 0 : i32
          %dma_start3A_1186 = arith.constant 0 : i32
          %dma_start3A_1187 = tpu.memref_slice %arg8[%rem3A_593, %dma_start3A_1185, %dma_start3A_1186] : memref<2x8x128xi32, #tpu.memory_space<vmem>> -> memref<1x8x128xi32, #tpu.memory_space<vmem>>
          %dma_start3A_1188 = tpu.memref_squeeze %dma_start3A_1187 : memref<1x8x128xi32, #tpu.memory_space<vmem>> -> memref<8x128xi32, #tpu.memory_space<vmem>>
          %dma_start3A_1189 = arith.constant 0 : i32
          %dma_start3A_1190 = tpu.memref_slice %arg3[%add3A_1166, %dma_start3A_1189] : memref<2560x128xi32, #tpu.memory_space<hbm>> -> memref<8x128xi32, #tpu.memory_space<hbm>>
          tpu.enqueue_dma source(%dma_start3A_1190 : memref<8x128xi32, #tpu.memory_space<hbm>>) target(%dma_start3A_1188 : memref<8x128xi32, #tpu.memory_space<vmem>>) target_semaphore(%arg13 : memref<!tpu.dma_semaphore, #tpu.memory_space<semaphore_mem>>)
        } else {
        }
        %eq3A_598 = arith.constant 16 : i32
        %eq3A_599 = arith.cmpi eq, %scan3A_592, %eq3A_598 : i32
        %convert_element_type3A_600 = arith.extui %eq3A_599 : i1 to i32
        %cond3A_601 = arith.constant 0 : i32
        %cond3A_602 = arith.cmpi ne, %convert_element_type3A_600, %cond3A_601 : i32
        scf.if %cond3A_602 {
          %sub3A = arith.constant 1 : i32
          %sub3A_603 = arith.subi %sub3A, %rem3A_593 : i32
          %dma_wait3A_604 = arith.constant 0 : i32
          %dma_wait3A_605 = arith.constant 0 : i32
          %dma_wait3A_606 = arith.constant 0 : i32
          %dma_wait3A_607 = arith.constant 0 : i32
          %dma_wait3A_608 = tpu.memref_slice %arg9[%dma_wait3A_604, %dma_wait3A_606, %dma_wait3A_607] : memref<2x128x128xf32, #tpu.memory_space<vmem>> -> memref<1x128x128xf32, #tpu.memory_space<vmem>>
          %dma_wait3A_609 = tpu.memref_squeeze %dma_wait3A_608 : memref<1x128x128xf32, #tpu.memory_space<vmem>> -> memref<128x128xf32, #tpu.memory_space<vmem>>
          %dma_wait3A_610 = arith.constant 0 : i32
          %dma_wait3A_611 = arith.constant 0 : i32
          %dma_wait3A_612 = tpu.memref_slice %arg4[%dma_wait3A_610, %dma_wait3A_611] : memref<10000x128xf32, #tpu.memory_space<hbm>> -> memref<128x128xf32, #tpu.memory_space<hbm>>
          %dma_wait3A_613 = tpu.memref_slice %arg11[%dma_wait3A_605] : memref<2x!tpu.dma_semaphore, #tpu.memory_space<semaphore_mem>> -> memref<1x!tpu.dma_semaphore, #tpu.memory_space<semaphore_mem>>
          %dma_wait3A_614 = tpu.memref_squeeze %dma_wait3A_613 : memref<1x!tpu.dma_semaphore, #tpu.memory_space<semaphore_mem>> -> memref<!tpu.dma_semaphore, #tpu.memory_space<semaphore_mem>>
          %dma_wait3A_615 = arith.constant 0 : i32
          %dma_wait3A_616 = arith.constant 0 : i32
          %dma_wait3A_617 = tpu.memref_slice %arg9[%dma_wait3A_604, %dma_wait3A_615, %dma_wait3A_616] : memref<2x128x128xf32, #tpu.memory_space<vmem>> -> memref<1x128x128xf32, #tpu.memory_space<vmem>>
          %dma_wait3A_618 = tpu.memref_squeeze %dma_wait3A_617 : memref<1x128x128xf32, #tpu.memory_space<vmem>> -> memref<128x128xf32, #tpu.memory_space<vmem>>
          %dma_wait3A_619 = arith.constant 0 : i32
          %dma_wait3A_620 = arith.constant 0 : i32
          %dma_wait3A_621 = tpu.memref_slice %arg4[%dma_wait3A_619, %dma_wait3A_620] : memref<10000x128xf32, #tpu.memory_space<hbm>> -> memref<128x128xf32, #tpu.memory_space<hbm>>
          tpu.wait_dma2 semaphore(%dma_wait3A_614 : memref<!tpu.dma_semaphore, #tpu.memory_space<semaphore_mem>>) src(%dma_wait3A_621 : memref<128x128xf32, #tpu.memory_space<hbm>>) dst(%dma_wait3A_618 : memref<128x128xf32, #tpu.memory_space<vmem>>)
          %dma_start3A_622 = arith.constant 0 : i32
          %dma_start3A_623 = arith.constant 0 : i32
          %dma_start3A_624 = arith.constant 0 : i32
          %dma_start3A_625 = arith.constant 0 : i32
          %dma_start3A_626 = arith.constant 0 : i32
          %dma_start3A_627 = tpu.memref_slice %arg9[%dma_start3A_622, %dma_start3A_625, %dma_start3A_626] : memref<2x128x128xf32, #tpu.memory_space<vmem>> -> memref<1x128x128xf32, #tpu.memory_space<vmem>>
          %dma_start3A_628 = tpu.memref_squeeze %dma_start3A_627 : memref<1x128x128xf32, #tpu.memory_space<vmem>> -> memref<128x128xf32, #tpu.memory_space<vmem>>
          %dma_start3A_629 = arith.constant 0 : i32
          %dma_start3A_630 = tpu.memref_slice %arg8[%rem3A_593, %dma_start3A_623, %dma_start3A_629] : memref<2x8x128xi32, #tpu.memory_space<vmem>> -> memref<1x1x128xi32, #tpu.memory_space<vmem>>
          %dma_start3A_631 = tpu.memref_squeeze %dma_start3A_630 : memref<1x1x128xi32, #tpu.memory_space<vmem>> -> memref<128xi32, #tpu.memory_space<vmem>>
          %dma_start3A_632 = arith.constant 0 : i32
          %dma_start3A_633 = arith.constant 0 : i32
          %dma_start3A_634 = tpu.memref_slice %arg10[%dma_start3A_632, %dma_start3A_633] : memref<10112x128xf32, #tpu.memory_space<vmem_shared>> -> memref<10112x128xf32, #tpu.memory_space<vmem_shared>>
          %dma_start3A_635 = tpu.memref_slice %arg12[%dma_start3A_624] : memref<2x!tpu.dma_semaphore, #tpu.memory_space<semaphore_mem>> -> memref<1x!tpu.dma_semaphore, #tpu.memory_space<semaphore_mem>>
          %dma_start3A_636 = tpu.memref_squeeze %dma_start3A_635 : memref<1x!tpu.dma_semaphore, #tpu.memory_space<semaphore_mem>> -> memref<!tpu.dma_semaphore, #tpu.memory_space<semaphore_mem>>
          tpu.enqueue_indirect_dma source(%dma_start3A_628 : memref<128x128xf32, #tpu.memory_space<vmem>>) target(%dma_start3A_634 : memref<10112x128xf32, #tpu.memory_space<vmem_shared>>) offsets(%dma_start3A_631 : memref<128xi32, #tpu.memory_space<vmem>>) semaphore(%dma_start3A_636 : memref<!tpu.dma_semaphore, #tpu.memory_space<semaphore_mem>>) {add = true}
          %dma_wait3A_637 = arith.constant 1 : i32
          %dma_wait3A_638 = arith.constant 1 : i32
          %dma_wait3A_639 = arith.constant 0 : i32
          %dma_wait3A_640 = arith.constant 0 : i32
          %dma_wait3A_641 = tpu.memref_slice %arg9[%dma_wait3A_637, %dma_wait3A_639, %dma_wait3A_640] : memref<2x128x128xf32, #tpu.memory_space<vmem>> -> memref<1x128x128xf32, #tpu.memory_space<vmem>>
          %dma_wait3A_642 = tpu.memref_squeeze %dma_wait3A_641 : memref<1x128x128xf32, #tpu.memory_space<vmem>> -> memref<128x128xf32, #tpu.memory_space<vmem>>
          %dma_wait3A_643 = arith.constant 0 : i32
          %dma_wait3A_644 = arith.constant 0 : i32
          %dma_wait3A_645 = tpu.memref_slice %arg4[%dma_wait3A_643, %dma_wait3A_644] : memref<10000x128xf32, #tpu.memory_space<hbm>> -> memref<128x128xf32, #tpu.memory_space<hbm>>
          %dma_wait3A_646 = tpu.memref_slice %arg11[%dma_wait3A_638] : memref<2x!tpu.dma_semaphore, #tpu.memory_space<semaphore_mem>> -> memref<1x!tpu.dma_semaphore, #tpu.memory_space<semaphore_mem>>
          %dma_wait3A_647 = tpu.memref_squeeze %dma_wait3A_646 : memref<1x!tpu.dma_semaphore, #tpu.memory_space<semaphore_mem>> -> memref<!tpu.dma_semaphore, #tpu.memory_space<semaphore_mem>>
          %dma_wait3A_648 = arith.constant 0 : i32
          %dma_wait3A_649 = arith.constant 0 : i32
          %dma_wait3A_650 = tpu.memref_slice %arg9[%dma_wait3A_637, %dma_wait3A_648, %dma_wait3A_649] : memref<2x128x128xf32, #tpu.memory_space<vmem>> -> memref<1x128x128xf32, #tpu.memory_space<vmem>>
          %dma_wait3A_651 = tpu.memref_squeeze %dma_wait3A_650 : memref<1x128x128xf32, #tpu.memory_space<vmem>> -> memref<128x128xf32, #tpu.memory_space<vmem>>
          %dma_wait3A_652 = arith.constant 0 : i32
          %dma_wait3A_653 = arith.constant 0 : i32
          %dma_wait3A_654 = tpu.memref_slice %arg4[%dma_wait3A_652, %dma_wait3A_653] : memref<10000x128xf32, #tpu.memory_space<hbm>> -> memref<128x128xf32, #tpu.memory_space<hbm>>
          tpu.wait_dma2 semaphore(%dma_wait3A_647 : memref<!tpu.dma_semaphore, #tpu.memory_space<semaphore_mem>>) src(%dma_wait3A_654 : memref<128x128xf32, #tpu.memory_space<hbm>>) dst(%dma_wait3A_651 : memref<128x128xf32, #tpu.memory_space<vmem>>)
          %dma_start3A_655 = arith.constant 1 : i32
          %dma_start3A_656 = arith.constant 1 : i32
          %dma_start3A_657 = arith.constant 1 : i32
          %dma_start3A_658 = arith.constant 0 : i32
          %dma_start3A_659 = arith.constant 0 : i32
          %dma_start3A_660 = tpu.memref_slice %arg9[%dma_start3A_655, %dma_start3A_658, %dma_start3A_659] : memref<2x128x128xf32, #tpu.memory_space<vmem>> -> memref<1x128x128xf32, #tpu.memory_space<vmem>>
          %dma_start3A_661 = tpu.memref_squeeze %dma_start3A_660 : memref<1x128x128xf32, #tpu.memory_space<vmem>> -> memref<128x128xf32, #tpu.memory_space<vmem>>
          %dma_start3A_662 = arith.constant 0 : i32
          %dma_start3A_663 = tpu.memref_slice %arg8[%rem3A_593, %dma_start3A_656, %dma_start3A_662] : memref<2x8x128xi32, #tpu.memory_space<vmem>> -> memref<1x1x128xi32, #tpu.memory_space<vmem>>
          %dma_start3A_664 = tpu.memref_squeeze %dma_start3A_663 : memref<1x1x128xi32, #tpu.memory_space<vmem>> -> memref<128xi32, #tpu.memory_space<vmem>>
          %dma_start3A_665 = arith.constant 0 : i32
          %dma_start3A_666 = arith.constant 0 : i32
          %dma_start3A_667 = tpu.memref_slice %arg10[%dma_start3A_665, %dma_start3A_666] : memref<10112x128xf32, #tpu.memory_space<vmem_shared>> -> memref<10112x128xf32, #tpu.memory_space<vmem_shared>>
          %dma_start3A_668 = tpu.memref_slice %arg12[%dma_start3A_657] : memref<2x!tpu.dma_semaphore, #tpu.memory_space<semaphore_mem>> -> memref<1x!tpu.dma_semaphore, #tpu.memory_space<semaphore_mem>>
          %dma_start3A_669 = tpu.memref_squeeze %dma_start3A_668 : memref<1x!tpu.dma_semaphore, #tpu.memory_space<semaphore_mem>> -> memref<!tpu.dma_semaphore, #tpu.memory_space<semaphore_mem>>
          tpu.enqueue_indirect_dma source(%dma_start3A_661 : memref<128x128xf32, #tpu.memory_space<vmem>>) target(%dma_start3A_667 : memref<10112x128xf32, #tpu.memory_space<vmem_shared>>) offsets(%dma_start3A_664 : memref<128xi32, #tpu.memory_space<vmem>>) semaphore(%dma_start3A_669 : memref<!tpu.dma_semaphore, #tpu.memory_space<semaphore_mem>>) {add = true}
          %dma_wait3A_670 = arith.constant 0 : i32
          %dma_wait3A_671 = arith.constant 0 : i32
          %dma_wait3A_672 = arith.constant 0 : i32
          %dma_wait3A_673 = arith.constant 0 : i32
          %dma_wait3A_674 = tpu.memref_slice %arg9[%dma_wait3A_670, %dma_wait3A_672, %dma_wait3A_673] : memref<2x128x128xf32, #tpu.memory_space<vmem>> -> memref<1x128x128xf32, #tpu.memory_space<vmem>>
          %dma_wait3A_675 = tpu.memref_squeeze %dma_wait3A_674 : memref<1x128x128xf32, #tpu.memory_space<vmem>> -> memref<128x128xf32, #tpu.memory_space<vmem>>
          %dma_wait3A_676 = arith.constant 0 : i32
          %dma_wait3A_677 = arith.constant 0 : i32
          %dma_wait3A_678 = tpu.memref_slice %arg4[%dma_wait3A_676, %dma_wait3A_677] : memref<10000x128xf32, #tpu.memory_space<hbm>> -> memref<128x128xf32, #tpu.memory_space<hbm>>
          %dma_wait3A_679 = tpu.memref_slice %arg12[%dma_wait3A_671] : memref<2x!tpu.dma_semaphore, #tpu.memory_space<semaphore_mem>> -> memref<1x!tpu.dma_semaphore, #tpu.memory_space<semaphore_mem>>
          %dma_wait3A_680 = tpu.memref_squeeze %dma_wait3A_679 : memref<1x!tpu.dma_semaphore, #tpu.memory_space<semaphore_mem>> -> memref<!tpu.dma_semaphore, #tpu.memory_space<semaphore_mem>>
          %dma_wait3A_681 = arith.constant 0 : i32
          %dma_wait3A_682 = arith.constant 0 : i32
          %dma_wait3A_683 = tpu.memref_slice %arg9[%dma_wait3A_670, %dma_wait3A_681, %dma_wait3A_682] : memref<2x128x128xf32, #tpu.memory_space<vmem>> -> memref<1x128x128xf32, #tpu.memory_space<vmem>>
          %dma_wait3A_684 = tpu.memref_squeeze %dma_wait3A_683 : memref<1x128x128xf32, #tpu.memory_space<vmem>> -> memref<128x128xf32, #tpu.memory_space<vmem>>
          %dma_wait3A_685 = arith.constant 0 : i32
          %dma_wait3A_686 = arith.constant 0 : i32
          %dma_wait3A_687 = tpu.memref_slice %arg4[%dma_wait3A_685, %dma_wait3A_686] : memref<10000x128xf32, #tpu.memory_space<hbm>> -> memref<128x128xf32, #tpu.memory_space<hbm>>
          tpu.wait_dma2 semaphore(%dma_wait3A_680 : memref<!tpu.dma_semaphore, #tpu.memory_space<semaphore_mem>>) src(%dma_wait3A_687 : memref<128x128xf32, #tpu.memory_space<hbm>>) dst(%dma_wait3A_684 : memref<128x128xf32, #tpu.memory_space<vmem>>)
          %dma_start3A_688 = arith.constant 2 : i32
          %dma_start3A_689 = arith.constant 0 : i32
          %dma_start3A_690 = arith.constant 0 : i32
          %dma_start3A_691 = arith.constant 0 : i32
          %dma_start3A_692 = arith.constant 0 : i32
          %dma_start3A_693 = tpu.memref_slice %arg9[%dma_start3A_689, %dma_start3A_691, %dma_start3A_692] : memref<2x128x128xf32, #tpu.memory_space<vmem>> -> memref<1x128x128xf32, #tpu.memory_space<vmem>>
          %dma_start3A_694 = tpu.memref_squeeze %dma_start3A_693 : memref<1x128x128xf32, #tpu.memory_space<vmem>> -> memref<128x128xf32, #tpu.memory_space<vmem>>
          %dma_start3A_695 = arith.constant 0 : i32
          %dma_start3A_696 = tpu.memref_slice %arg7[%rem3A_593, %dma_start3A_688, %dma_start3A_695] : memref<2x8x128xi32, #tpu.memory_space<vmem>> -> memref<1x1x128xi32, #tpu.memory_space<vmem>>
          %dma_start3A_697 = tpu.memref_squeeze %dma_start3A_696 : memref<1x1x128xi32, #tpu.memory_space<vmem>> -> memref<128xi32, #tpu.memory_space<vmem>>
          %dma_start3A_698 = arith.constant 0 : i32
          %dma_start3A_699 = arith.constant 0 : i32
          %dma_start3A_700 = tpu.memref_slice %arg4[%dma_start3A_698, %dma_start3A_699] : memref<10000x128xf32, #tpu.memory_space<hbm>> -> memref<10000x128xf32, #tpu.memory_space<hbm>>
          %dma_start3A_701 = tpu.memref_slice %arg11[%dma_start3A_690] : memref<2x!tpu.dma_semaphore, #tpu.memory_space<semaphore_mem>> -> memref<1x!tpu.dma_semaphore, #tpu.memory_space<semaphore_mem>>
          %dma_start3A_702 = tpu.memref_squeeze %dma_start3A_701 : memref<1x!tpu.dma_semaphore, #tpu.memory_space<semaphore_mem>> -> memref<!tpu.dma_semaphore, #tpu.memory_space<semaphore_mem>>
          tpu.enqueue_indirect_dma source(%dma_start3A_700 : memref<10000x128xf32, #tpu.memory_space<hbm>>) target(%dma_start3A_694 : memref<128x128xf32, #tpu.memory_space<vmem>>) offsets(%dma_start3A_697 : memref<128xi32, #tpu.memory_space<vmem>>) semaphore(%dma_start3A_702 : memref<!tpu.dma_semaphore, #tpu.memory_space<semaphore_mem>>)
          %dma_wait3A_703 = arith.constant 1 : i32
          %dma_wait3A_704 = arith.constant 1 : i32
          %dma_wait3A_705 = arith.constant 0 : i32
          %dma_wait3A_706 = arith.constant 0 : i32
          %dma_wait3A_707 = tpu.memref_slice %arg9[%dma_wait3A_703, %dma_wait3A_705, %dma_wait3A_706] : memref<2x128x128xf32, #tpu.memory_space<vmem>> -> memref<1x128x128xf32, #tpu.memory_space<vmem>>
          %dma_wait3A_708 = tpu.memref_squeeze %dma_wait3A_707 : memref<1x128x128xf32, #tpu.memory_space<vmem>> -> memref<128x128xf32, #tpu.memory_space<vmem>>
          %dma_wait3A_709 = arith.constant 0 : i32
          %dma_wait3A_710 = arith.constant 0 : i32
          %dma_wait3A_711 = tpu.memref_slice %arg4[%dma_wait3A_709, %dma_wait3A_710] : memref<10000x128xf32, #tpu.memory_space<hbm>> -> memref<128x128xf32, #tpu.memory_space<hbm>>
          %dma_wait3A_712 = tpu.memref_slice %arg12[%dma_wait3A_704] : memref<2x!tpu.dma_semaphore, #tpu.memory_space<semaphore_mem>> -> memref<1x!tpu.dma_semaphore, #tpu.memory_space<semaphore_mem>>
          %dma_wait3A_713 = tpu.memref_squeeze %dma_wait3A_712 : memref<1x!tpu.dma_semaphore, #tpu.memory_space<semaphore_mem>> -> memref<!tpu.dma_semaphore, #tpu.memory_space<semaphore_mem>>
          %dma_wait3A_714 = arith.constant 0 : i32
          %dma_wait3A_715 = arith.constant 0 : i32
          %dma_wait3A_716 = tpu.memref_slice %arg9[%dma_wait3A_703, %dma_wait3A_714, %dma_wait3A_715] : memref<2x128x128xf32, #tpu.memory_space<vmem>> -> memref<1x128x128xf32, #tpu.memory_space<vmem>>
          %dma_wait3A_717 = tpu.memref_squeeze %dma_wait3A_716 : memref<1x128x128xf32, #tpu.memory_space<vmem>> -> memref<128x128xf32, #tpu.memory_space<vmem>>
          %dma_wait3A_718 = arith.constant 0 : i32
          %dma_wait3A_719 = arith.constant 0 : i32
          %dma_wait3A_720 = tpu.memref_slice %arg4[%dma_wait3A_718, %dma_wait3A_719] : memref<10000x128xf32, #tpu.memory_space<hbm>> -> memref<128x128xf32, #tpu.memory_space<hbm>>
          tpu.wait_dma2 semaphore(%dma_wait3A_713 : memref<!tpu.dma_semaphore, #tpu.memory_space<semaphore_mem>>) src(%dma_wait3A_720 : memref<128x128xf32, #tpu.memory_space<hbm>>) dst(%dma_wait3A_717 : memref<128x128xf32, #tpu.memory_space<vmem>>)
          %dma_start3A_721 = arith.constant 3 : i32
          %dma_start3A_722 = arith.constant 1 : i32
          %dma_start3A_723 = arith.constant 1 : i32
          %dma_start3A_724 = arith.constant 0 : i32
          %dma_start3A_725 = arith.constant 0 : i32
          %dma_start3A_726 = tpu.memref_slice %arg9[%dma_start3A_722, %dma_start3A_724, %dma_start3A_725] : memref<2x128x128xf32, #tpu.memory_space<vmem>> -> memref<1x128x128xf32, #tpu.memory_space<vmem>>
          %dma_start3A_727 = tpu.memref_squeeze %dma_start3A_726 : memref<1x128x128xf32, #tpu.memory_space<vmem>> -> memref<128x128xf32, #tpu.memory_space<vmem>>
          %dma_start3A_728 = arith.constant 0 : i32
          %dma_start3A_729 = tpu.memref_slice %arg7[%rem3A_593, %dma_start3A_721, %dma_start3A_728] : memref<2x8x128xi32, #tpu.memory_space<vmem>> -> memref<1x1x128xi32, #tpu.memory_space<vmem>>
          %dma_start3A_730 = tpu.memref_squeeze %dma_start3A_729 : memref<1x1x128xi32, #tpu.memory_space<vmem>> -> memref<128xi32, #tpu.memory_space<vmem>>
          %dma_start3A_731 = arith.constant 0 : i32
          %dma_start3A_732 = arith.constant 0 : i32
          %dma_start3A_733 = tpu.memref_slice %arg4[%dma_start3A_731, %dma_start3A_732] : memref<10000x128xf32, #tpu.memory_space<hbm>> -> memref<10000x128xf32, #tpu.memory_space<hbm>>
          %dma_start3A_734 = tpu.memref_slice %arg11[%dma_start3A_723] : memref<2x!tpu.dma_semaphore, #tpu.memory_space<semaphore_mem>> -> memref<1x!tpu.dma_semaphore, #tpu.memory_space<semaphore_mem>>
          %dma_start3A_735 = tpu.memref_squeeze %dma_start3A_734 : memref<1x!tpu.dma_semaphore, #tpu.memory_space<semaphore_mem>> -> memref<!tpu.dma_semaphore, #tpu.memory_space<semaphore_mem>>
          tpu.enqueue_indirect_dma source(%dma_start3A_733 : memref<10000x128xf32, #tpu.memory_space<hbm>>) target(%dma_start3A_727 : memref<128x128xf32, #tpu.memory_space<vmem>>) offsets(%dma_start3A_730 : memref<128xi32, #tpu.memory_space<vmem>>) semaphore(%dma_start3A_735 : memref<!tpu.dma_semaphore, #tpu.memory_space<semaphore_mem>>)
          %dma_wait3A_736 = arith.constant 0 : i32
          %dma_wait3A_737 = arith.constant 0 : i32
          %dma_wait3A_738 = arith.constant 0 : i32
          %dma_wait3A_739 = arith.constant 0 : i32
          %dma_wait3A_740 = tpu.memref_slice %arg9[%dma_wait3A_736, %dma_wait3A_738, %dma_wait3A_739] : memref<2x128x128xf32, #tpu.memory_space<vmem>> -> memref<1x128x128xf32, #tpu.memory_space<vmem>>
          %dma_wait3A_741 = tpu.memref_squeeze %dma_wait3A_740 : memref<1x128x128xf32, #tpu.memory_space<vmem>> -> memref<128x128xf32, #tpu.memory_space<vmem>>
          %dma_wait3A_742 = arith.constant 0 : i32
          %dma_wait3A_743 = arith.constant 0 : i32
          %dma_wait3A_744 = tpu.memref_slice %arg4[%dma_wait3A_742, %dma_wait3A_743] : memref<10000x128xf32, #tpu.memory_space<hbm>> -> memref<128x128xf32, #tpu.memory_space<hbm>>
          %dma_wait3A_745 = tpu.memref_slice %arg11[%dma_wait3A_737] : memref<2x!tpu.dma_semaphore, #tpu.memory_space<semaphore_mem>> -> memref<1x!tpu.dma_semaphore, #tpu.memory_space<semaphore_mem>>
          %dma_wait3A_746 = tpu.memref_squeeze %dma_wait3A_745 : memref<1x!tpu.dma_semaphore, #tpu.memory_space<semaphore_mem>> -> memref<!tpu.dma_semaphore, #tpu.memory_space<semaphore_mem>>
          %dma_wait3A_747 = arith.constant 0 : i32
          %dma_wait3A_748 = arith.constant 0 : i32
          %dma_wait3A_749 = tpu.memref_slice %arg9[%dma_wait3A_736, %dma_wait3A_747, %dma_wait3A_748] : memref<2x128x128xf32, #tpu.memory_space<vmem>> -> memref<1x128x128xf32, #tpu.memory_space<vmem>>
          %dma_wait3A_750 = tpu.memref_squeeze %dma_wait3A_749 : memref<1x128x128xf32, #tpu.memory_space<vmem>> -> memref<128x128xf32, #tpu.memory_space<vmem>>
          %dma_wait3A_751 = arith.constant 0 : i32
          %dma_wait3A_752 = arith.constant 0 : i32
          %dma_wait3A_753 = tpu.memref_slice %arg4[%dma_wait3A_751, %dma_wait3A_752] : memref<10000x128xf32, #tpu.memory_space<hbm>> -> memref<128x128xf32, #tpu.memory_space<hbm>>
          tpu.wait_dma2 semaphore(%dma_wait3A_746 : memref<!tpu.dma_semaphore, #tpu.memory_space<semaphore_mem>>) src(%dma_wait3A_753 : memref<128x128xf32, #tpu.memory_space<hbm>>) dst(%dma_wait3A_750 : memref<128x128xf32, #tpu.memory_space<vmem>>)
          %dma_start3A_754 = arith.constant 0 : i32
          %dma_start3A_755 = arith.constant 2 : i32
          %dma_start3A_756 = arith.constant 0 : i32
          %dma_start3A_757 = arith.constant 0 : i32
          %dma_start3A_758 = arith.constant 0 : i32
          %dma_start3A_759 = tpu.memref_slice %arg9[%dma_start3A_754, %dma_start3A_757, %dma_start3A_758] : memref<2x128x128xf32, #tpu.memory_space<vmem>> -> memref<1x128x128xf32, #tpu.memory_space<vmem>>
          %dma_start3A_760 = tpu.memref_squeeze %dma_start3A_759 : memref<1x128x128xf32, #tpu.memory_space<vmem>> -> memref<128x128xf32, #tpu.memory_space<vmem>>
          %dma_start3A_761 = arith.constant 0 : i32
          %dma_start3A_762 = tpu.memref_slice %arg8[%rem3A_593, %dma_start3A_755, %dma_start3A_761] : memref<2x8x128xi32, #tpu.memory_space<vmem>> -> memref<1x1x128xi32, #tpu.memory_space<vmem>>
          %dma_start3A_763 = tpu.memref_squeeze %dma_start3A_762 : memref<1x1x128xi32, #tpu.memory_space<vmem>> -> memref<128xi32, #tpu.memory_space<vmem>>
          %dma_start3A_764 = arith.constant 0 : i32
          %dma_start3A_765 = arith.constant 0 : i32
          %dma_start3A_766 = tpu.memref_slice %arg10[%dma_start3A_764, %dma_start3A_765] : memref<10112x128xf32, #tpu.memory_space<vmem_shared>> -> memref<10112x128xf32, #tpu.memory_space<vmem_shared>>
          %dma_start3A_767 = tpu.memref_slice %arg12[%dma_start3A_756] : memref<2x!tpu.dma_semaphore, #tpu.memory_space<semaphore_mem>> -> memref<1x!tpu.dma_semaphore, #tpu.memory_space<semaphore_mem>>
          %dma_start3A_768 = tpu.memref_squeeze %dma_start3A_767 : memref<1x!tpu.dma_semaphore, #tpu.memory_space<semaphore_mem>> -> memref<!tpu.dma_semaphore, #tpu.memory_space<semaphore_mem>>
          tpu.enqueue_indirect_dma source(%dma_start3A_760 : memref<128x128xf32, #tpu.memory_space<vmem>>) target(%dma_start3A_766 : memref<10112x128xf32, #tpu.memory_space<vmem_shared>>) offsets(%dma_start3A_763 : memref<128xi32, #tpu.memory_space<vmem>>) semaphore(%dma_start3A_768 : memref<!tpu.dma_semaphore, #tpu.memory_space<semaphore_mem>>) {add = true}
          %dma_wait3A_769 = arith.constant 1 : i32
          %dma_wait3A_770 = arith.constant 1 : i32
          %dma_wait3A_771 = arith.constant 0 : i32
          %dma_wait3A_772 = arith.constant 0 : i32
          %dma_wait3A_773 = tpu.memref_slice %arg9[%dma_wait3A_769, %dma_wait3A_771, %dma_wait3A_772] : memref<2x128x128xf32, #tpu.memory_space<vmem>> -> memref<1x128x128xf32, #tpu.memory_space<vmem>>
          %dma_wait3A_774 = tpu.memref_squeeze %dma_wait3A_773 : memref<1x128x128xf32, #tpu.memory_space<vmem>> -> memref<128x128xf32, #tpu.memory_space<vmem>>
          %dma_wait3A_775 = arith.constant 0 : i32
          %dma_wait3A_776 = arith.constant 0 : i32
          %dma_wait3A_777 = tpu.memref_slice %arg4[%dma_wait3A_775, %dma_wait3A_776] : memref<10000x128xf32, #tpu.memory_space<hbm>> -> memref<128x128xf32, #tpu.memory_space<hbm>>
          %dma_wait3A_778 = tpu.memref_slice %arg11[%dma_wait3A_770] : memref<2x!tpu.dma_semaphore, #tpu.memory_space<semaphore_mem>> -> memref<1x!tpu.dma_semaphore, #tpu.memory_space<semaphore_mem>>
          %dma_wait3A_779 = tpu.memref_squeeze %dma_wait3A_778 : memref<1x!tpu.dma_semaphore, #tpu.memory_space<semaphore_mem>> -> memref<!tpu.dma_semaphore, #tpu.memory_space<semaphore_mem>>
          %dma_wait3A_780 = arith.constant 0 : i32
          %dma_wait3A_781 = arith.constant 0 : i32
          %dma_wait3A_782 = tpu.memref_slice %arg9[%dma_wait3A_769, %dma_wait3A_780, %dma_wait3A_781] : memref<2x128x128xf32, #tpu.memory_space<vmem>> -> memref<1x128x128xf32, #tpu.memory_space<vmem>>
          %dma_wait3A_783 = tpu.memref_squeeze %dma_wait3A_782 : memref<1x128x128xf32, #tpu.memory_space<vmem>> -> memref<128x128xf32, #tpu.memory_space<vmem>>
          %dma_wait3A_784 = arith.constant 0 : i32
          %dma_wait3A_785 = arith.constant 0 : i32
          %dma_wait3A_786 = tpu.memref_slice %arg4[%dma_wait3A_784, %dma_wait3A_785] : memref<10000x128xf32, #tpu.memory_space<hbm>> -> memref<128x128xf32, #tpu.memory_space<hbm>>
          tpu.wait_dma2 semaphore(%dma_wait3A_779 : memref<!tpu.dma_semaphore, #tpu.memory_space<semaphore_mem>>) src(%dma_wait3A_786 : memref<128x128xf32, #tpu.memory_space<hbm>>) dst(%dma_wait3A_783 : memref<128x128xf32, #tpu.memory_space<vmem>>)
          %dma_start3A_787 = arith.constant 1 : i32
          %dma_start3A_788 = arith.constant 3 : i32
          %dma_start3A_789 = arith.constant 1 : i32
          %dma_start3A_790 = arith.constant 0 : i32
          %dma_start3A_791 = arith.constant 0 : i32
          %dma_start3A_792 = tpu.memref_slice %arg9[%dma_start3A_787, %dma_start3A_790, %dma_start3A_791] : memref<2x128x128xf32, #tpu.memory_space<vmem>> -> memref<1x128x128xf32, #tpu.memory_space<vmem>>
          %dma_start3A_793 = tpu.memref_squeeze %dma_start3A_792 : memref<1x128x128xf32, #tpu.memory_space<vmem>> -> memref<128x128xf32, #tpu.memory_space<vmem>>
          %dma_start3A_794 = arith.constant 0 : i32
          %dma_start3A_795 = tpu.memref_slice %arg8[%rem3A_593, %dma_start3A_788, %dma_start3A_794] : memref<2x8x128xi32, #tpu.memory_space<vmem>> -> memref<1x1x128xi32, #tpu.memory_space<vmem>>
          %dma_start3A_796 = tpu.memref_squeeze %dma_start3A_795 : memref<1x1x128xi32, #tpu.memory_space<vmem>> -> memref<128xi32, #tpu.memory_space<vmem>>
          %dma_start3A_797 = arith.constant 0 : i32
          %dma_start3A_798 = arith.constant 0 : i32
          %dma_start3A_799 = tpu.memref_slice %arg10[%dma_start3A_797, %dma_start3A_798] : memref<10112x128xf32, #tpu.memory_space<vmem_shared>> -> memref<10112x128xf32, #tpu.memory_space<vmem_shared>>
          %dma_start3A_800 = tpu.memref_slice %arg12[%dma_start3A_789] : memref<2x!tpu.dma_semaphore, #tpu.memory_space<semaphore_mem>> -> memref<1x!tpu.dma_semaphore, #tpu.memory_space<semaphore_mem>>
          %dma_start3A_801 = tpu.memref_squeeze %dma_start3A_800 : memref<1x!tpu.dma_semaphore, #tpu.memory_space<semaphore_mem>> -> memref<!tpu.dma_semaphore, #tpu.memory_space<semaphore_mem>>
          tpu.enqueue_indirect_dma source(%dma_start3A_793 : memref<128x128xf32, #tpu.memory_space<vmem>>) target(%dma_start3A_799 : memref<10112x128xf32, #tpu.memory_space<vmem_shared>>) offsets(%dma_start3A_796 : memref<128xi32, #tpu.memory_space<vmem>>) semaphore(%dma_start3A_801 : memref<!tpu.dma_semaphore, #tpu.memory_space<semaphore_mem>>) {add = true}
          %dma_wait3A_802 = arith.constant 0 : i32
          %dma_wait3A_803 = arith.constant 0 : i32
          %dma_wait3A_804 = arith.constant 0 : i32
          %dma_wait3A_805 = arith.constant 0 : i32
          %dma_wait3A_806 = tpu.memref_slice %arg9[%dma_wait3A_802, %dma_wait3A_804, %dma_wait3A_805] : memref<2x128x128xf32, #tpu.memory_space<vmem>> -> memref<1x128x128xf32, #tpu.memory_space<vmem>>
          %dma_wait3A_807 = tpu.memref_squeeze %dma_wait3A_806 : memref<1x128x128xf32, #tpu.memory_space<vmem>> -> memref<128x128xf32, #tpu.memory_space<vmem>>
          %dma_wait3A_808 = arith.constant 0 : i32
          %dma_wait3A_809 = arith.constant 0 : i32
          %dma_wait3A_810 = tpu.memref_slice %arg4[%dma_wait3A_808, %dma_wait3A_809] : memref<10000x128xf32, #tpu.memory_space<hbm>> -> memref<128x128xf32, #tpu.memory_space<hbm>>
          %dma_wait3A_811 = tpu.memref_slice %arg12[%dma_wait3A_803] : memref<2x!tpu.dma_semaphore, #tpu.memory_space<semaphore_mem>> -> memref<1x!tpu.dma_semaphore, #tpu.memory_space<semaphore_mem>>
          %dma_wait3A_812 = tpu.memref_squeeze %dma_wait3A_811 : memref<1x!tpu.dma_semaphore, #tpu.memory_space<semaphore_mem>> -> memref<!tpu.dma_semaphore, #tpu.memory_space<semaphore_mem>>
          %dma_wait3A_813 = arith.constant 0 : i32
          %dma_wait3A_814 = arith.constant 0 : i32
          %dma_wait3A_815 = tpu.memref_slice %arg9[%dma_wait3A_802, %dma_wait3A_813, %dma_wait3A_814] : memref<2x128x128xf32, #tpu.memory_space<vmem>> -> memref<1x128x128xf32, #tpu.memory_space<vmem>>
          %dma_wait3A_816 = tpu.memref_squeeze %dma_wait3A_815 : memref<1x128x128xf32, #tpu.memory_space<vmem>> -> memref<128x128xf32, #tpu.memory_space<vmem>>
          %dma_wait3A_817 = arith.constant 0 : i32
          %dma_wait3A_818 = arith.constant 0 : i32
          %dma_wait3A_819 = tpu.memref_slice %arg4[%dma_wait3A_817, %dma_wait3A_818] : memref<10000x128xf32, #tpu.memory_space<hbm>> -> memref<128x128xf32, #tpu.memory_space<hbm>>
          tpu.wait_dma2 semaphore(%dma_wait3A_812 : memref<!tpu.dma_semaphore, #tpu.memory_space<semaphore_mem>>) src(%dma_wait3A_819 : memref<128x128xf32, #tpu.memory_space<hbm>>) dst(%dma_wait3A_816 : memref<128x128xf32, #tpu.memory_space<vmem>>)
          %dma_start3A_820 = arith.constant 4 : i32
          %dma_start3A_821 = arith.constant 0 : i32
          %dma_start3A_822 = arith.constant 0 : i32
          %dma_start3A_823 = arith.constant 0 : i32
          %dma_start3A_824 = arith.constant 0 : i32
          %dma_start3A_825 = tpu.memref_slice %arg9[%dma_start3A_821, %dma_start3A_823, %dma_start3A_824] : memref<2x128x128xf32, #tpu.memory_space<vmem>> -> memref<1x128x128xf32, #tpu.memory_space<vmem>>
          %dma_start3A_826 = tpu.memref_squeeze %dma_start3A_825 : memref<1x128x128xf32, #tpu.memory_space<vmem>> -> memref<128x128xf32, #tpu.memory_space<vmem>>
          %dma_start3A_827 = arith.constant 0 : i32
          %dma_start3A_828 = tpu.memref_slice %arg7[%rem3A_593, %dma_start3A_820, %dma_start3A_827] : memref<2x8x128xi32, #tpu.memory_space<vmem>> -> memref<1x1x128xi32, #tpu.memory_space<vmem>>
          %dma_start3A_829 = tpu.memref_squeeze %dma_start3A_828 : memref<1x1x128xi32, #tpu.memory_space<vmem>> -> memref<128xi32, #tpu.memory_space<vmem>>
          %dma_start3A_830 = arith.constant 0 : i32
          %dma_start3A_831 = arith.constant 0 : i32
          %dma_start3A_832 = tpu.memref_slice %arg4[%dma_start3A_830, %dma_start3A_831] : memref<10000x128xf32, #tpu.memory_space<hbm>> -> memref<10000x128xf32, #tpu.memory_space<hbm>>
          %dma_start3A_833 = tpu.memref_slice %arg11[%dma_start3A_822] : memref<2x!tpu.dma_semaphore, #tpu.memory_space<semaphore_mem>> -> memref<1x!tpu.dma_semaphore, #tpu.memory_space<semaphore_mem>>
          %dma_start3A_834 = tpu.memref_squeeze %dma_start3A_833 : memref<1x!tpu.dma_semaphore, #tpu.memory_space<semaphore_mem>> -> memref<!tpu.dma_semaphore, #tpu.memory_space<semaphore_mem>>
          tpu.enqueue_indirect_dma source(%dma_start3A_832 : memref<10000x128xf32, #tpu.memory_space<hbm>>) target(%dma_start3A_826 : memref<128x128xf32, #tpu.memory_space<vmem>>) offsets(%dma_start3A_829 : memref<128xi32, #tpu.memory_space<vmem>>) semaphore(%dma_start3A_834 : memref<!tpu.dma_semaphore, #tpu.memory_space<semaphore_mem>>)
          %dma_wait3A_835 = arith.constant 1 : i32
          %dma_wait3A_836 = arith.constant 1 : i32
          %dma_wait3A_837 = arith.constant 0 : i32
          %dma_wait3A_838 = arith.constant 0 : i32
          %dma_wait3A_839 = tpu.memref_slice %arg9[%dma_wait3A_835, %dma_wait3A_837, %dma_wait3A_838] : memref<2x128x128xf32, #tpu.memory_space<vmem>> -> memref<1x128x128xf32, #tpu.memory_space<vmem>>
          %dma_wait3A_840 = tpu.memref_squeeze %dma_wait3A_839 : memref<1x128x128xf32, #tpu.memory_space<vmem>> -> memref<128x128xf32, #tpu.memory_space<vmem>>
          %dma_wait3A_841 = arith.constant 0 : i32
          %dma_wait3A_842 = arith.constant 0 : i32
          %dma_wait3A_843 = tpu.memref_slice %arg4[%dma_wait3A_841, %dma_wait3A_842] : memref<10000x128xf32, #tpu.memory_space<hbm>> -> memref<128x128xf32, #tpu.memory_space<hbm>>
          %dma_wait3A_844 = tpu.memref_slice %arg12[%dma_wait3A_836] : memref<2x!tpu.dma_semaphore, #tpu.memory_space<semaphore_mem>> -> memref<1x!tpu.dma_semaphore, #tpu.memory_space<semaphore_mem>>
          %dma_wait3A_845 = tpu.memref_squeeze %dma_wait3A_844 : memref<1x!tpu.dma_semaphore, #tpu.memory_space<semaphore_mem>> -> memref<!tpu.dma_semaphore, #tpu.memory_space<semaphore_mem>>
          %dma_wait3A_846 = arith.constant 0 : i32
          %dma_wait3A_847 = arith.constant 0 : i32
          %dma_wait3A_848 = tpu.memref_slice %arg9[%dma_wait3A_835, %dma_wait3A_846, %dma_wait3A_847] : memref<2x128x128xf32, #tpu.memory_space<vmem>> -> memref<1x128x128xf32, #tpu.memory_space<vmem>>
          %dma_wait3A_849 = tpu.memref_squeeze %dma_wait3A_848 : memref<1x128x128xf32, #tpu.memory_space<vmem>> -> memref<128x128xf32, #tpu.memory_space<vmem>>
          %dma_wait3A_850 = arith.constant 0 : i32
          %dma_wait3A_851 = arith.constant 0 : i32
          %dma_wait3A_852 = tpu.memref_slice %arg4[%dma_wait3A_850, %dma_wait3A_851] : memref<10000x128xf32, #tpu.memory_space<hbm>> -> memref<128x128xf32, #tpu.memory_space<hbm>>
          tpu.wait_dma2 semaphore(%dma_wait3A_845 : memref<!tpu.dma_semaphore, #tpu.memory_space<semaphore_mem>>) src(%dma_wait3A_852 : memref<128x128xf32, #tpu.memory_space<hbm>>) dst(%dma_wait3A_849 : memref<128x128xf32, #tpu.memory_space<vmem>>)
          %dma_start3A_853 = arith.constant 5 : i32
          %dma_start3A_854 = arith.constant 1 : i32
          %dma_start3A_855 = arith.constant 1 : i32
          %dma_start3A_856 = arith.constant 0 : i32
          %dma_start3A_857 = arith.constant 0 : i32
          %dma_start3A_858 = tpu.memref_slice %arg9[%dma_start3A_854, %dma_start3A_856, %dma_start3A_857] : memref<2x128x128xf32, #tpu.memory_space<vmem>> -> memref<1x128x128xf32, #tpu.memory_space<vmem>>
          %dma_start3A_859 = tpu.memref_squeeze %dma_start3A_858 : memref<1x128x128xf32, #tpu.memory_space<vmem>> -> memref<128x128xf32, #tpu.memory_space<vmem>>
          %dma_start3A_860 = arith.constant 0 : i32
          %dma_start3A_861 = tpu.memref_slice %arg7[%rem3A_593, %dma_start3A_853, %dma_start3A_860] : memref<2x8x128xi32, #tpu.memory_space<vmem>> -> memref<1x1x128xi32, #tpu.memory_space<vmem>>
          %dma_start3A_862 = tpu.memref_squeeze %dma_start3A_861 : memref<1x1x128xi32, #tpu.memory_space<vmem>> -> memref<128xi32, #tpu.memory_space<vmem>>
          %dma_start3A_863 = arith.constant 0 : i32
          %dma_start3A_864 = arith.constant 0 : i32
          %dma_start3A_865 = tpu.memref_slice %arg4[%dma_start3A_863, %dma_start3A_864] : memref<10000x128xf32, #tpu.memory_space<hbm>> -> memref<10000x128xf32, #tpu.memory_space<hbm>>
          %dma_start3A_866 = tpu.memref_slice %arg11[%dma_start3A_855] : memref<2x!tpu.dma_semaphore, #tpu.memory_space<semaphore_mem>> -> memref<1x!tpu.dma_semaphore, #tpu.memory_space<semaphore_mem>>
          %dma_start3A_867 = tpu.memref_squeeze %dma_start3A_866 : memref<1x!tpu.dma_semaphore, #tpu.memory_space<semaphore_mem>> -> memref<!tpu.dma_semaphore, #tpu.memory_space<semaphore_mem>>
          tpu.enqueue_indirect_dma source(%dma_start3A_865 : memref<10000x128xf32, #tpu.memory_space<hbm>>) target(%dma_start3A_859 : memref<128x128xf32, #tpu.memory_space<vmem>>) offsets(%dma_start3A_862 : memref<128xi32, #tpu.memory_space<vmem>>) semaphore(%dma_start3A_867 : memref<!tpu.dma_semaphore, #tpu.memory_space<semaphore_mem>>)
          %dma_wait3A_868 = arith.constant 0 : i32
          %dma_wait3A_869 = arith.constant 0 : i32
          %dma_wait3A_870 = arith.constant 0 : i32
          %dma_wait3A_871 = arith.constant 0 : i32
          %dma_wait3A_872 = tpu.memref_slice %arg9[%dma_wait3A_868, %dma_wait3A_870, %dma_wait3A_871] : memref<2x128x128xf32, #tpu.memory_space<vmem>> -> memref<1x128x128xf32, #tpu.memory_space<vmem>>
          %dma_wait3A_873 = tpu.memref_squeeze %dma_wait3A_872 : memref<1x128x128xf32, #tpu.memory_space<vmem>> -> memref<128x128xf32, #tpu.memory_space<vmem>>
          %dma_wait3A_874 = arith.constant 0 : i32
          %dma_wait3A_875 = arith.constant 0 : i32
          %dma_wait3A_876 = tpu.memref_slice %arg4[%dma_wait3A_874, %dma_wait3A_875] : memref<10000x128xf32, #tpu.memory_space<hbm>> -> memref<128x128xf32, #tpu.memory_space<hbm>>
          %dma_wait3A_877 = tpu.memref_slice %arg11[%dma_wait3A_869] : memref<2x!tpu.dma_semaphore, #tpu.memory_space<semaphore_mem>> -> memref<1x!tpu.dma_semaphore, #tpu.memory_space<semaphore_mem>>
          %dma_wait3A_878 = tpu.memref_squeeze %dma_wait3A_877 : memref<1x!tpu.dma_semaphore, #tpu.memory_space<semaphore_mem>> -> memref<!tpu.dma_semaphore, #tpu.memory_space<semaphore_mem>>
          %dma_wait3A_879 = arith.constant 0 : i32
          %dma_wait3A_880 = arith.constant 0 : i32
          %dma_wait3A_881 = tpu.memref_slice %arg9[%dma_wait3A_868, %dma_wait3A_879, %dma_wait3A_880] : memref<2x128x128xf32, #tpu.memory_space<vmem>> -> memref<1x128x128xf32, #tpu.memory_space<vmem>>
          %dma_wait3A_882 = tpu.memref_squeeze %dma_wait3A_881 : memref<1x128x128xf32, #tpu.memory_space<vmem>> -> memref<128x128xf32, #tpu.memory_space<vmem>>
          %dma_wait3A_883 = arith.constant 0 : i32
          %dma_wait3A_884 = arith.constant 0 : i32
          %dma_wait3A_885 = tpu.memref_slice %arg4[%dma_wait3A_883, %dma_wait3A_884] : memref<10000x128xf32, #tpu.memory_space<hbm>> -> memref<128x128xf32, #tpu.memory_space<hbm>>
          tpu.wait_dma2 semaphore(%dma_wait3A_878 : memref<!tpu.dma_semaphore, #tpu.memory_space<semaphore_mem>>) src(%dma_wait3A_885 : memref<128x128xf32, #tpu.memory_space<hbm>>) dst(%dma_wait3A_882 : memref<128x128xf32, #tpu.memory_space<vmem>>)
          %dma_start3A_886 = arith.constant 0 : i32
          %dma_start3A_887 = arith.constant 4 : i32
          %dma_start3A_888 = arith.constant 0 : i32
          %dma_start3A_889 = arith.constant 0 : i32
          %dma_start3A_890 = arith.constant 0 : i32
          %dma_start3A_891 = tpu.memref_slice %arg9[%dma_start3A_886, %dma_start3A_889, %dma_start3A_890] : memref<2x128x128xf32, #tpu.memory_space<vmem>> -> memref<1x128x128xf32, #tpu.memory_space<vmem>>
          %dma_start3A_892 = tpu.memref_squeeze %dma_start3A_891 : memref<1x128x128xf32, #tpu.memory_space<vmem>> -> memref<128x128xf32, #tpu.memory_space<vmem>>
          %dma_start3A_893 = arith.constant 0 : i32
          %dma_start3A_894 = tpu.memref_slice %arg8[%rem3A_593, %dma_start3A_887, %dma_start3A_893] : memref<2x8x128xi32, #tpu.memory_space<vmem>> -> memref<1x1x128xi32, #tpu.memory_space<vmem>>
          %dma_start3A_895 = tpu.memref_squeeze %dma_start3A_894 : memref<1x1x128xi32, #tpu.memory_space<vmem>> -> memref<128xi32, #tpu.memory_space<vmem>>
          %dma_start3A_896 = arith.constant 0 : i32
          %dma_start3A_897 = arith.constant 0 : i32
          %dma_start3A_898 = tpu.memref_slice %arg10[%dma_start3A_896, %dma_start3A_897] : memref<10112x128xf32, #tpu.memory_space<vmem_shared>> -> memref<10112x128xf32, #tpu.memory_space<vmem_shared>>
          %dma_start3A_899 = tpu.memref_slice %arg12[%dma_start3A_888] : memref<2x!tpu.dma_semaphore, #tpu.memory_space<semaphore_mem>> -> memref<1x!tpu.dma_semaphore, #tpu.memory_space<semaphore_mem>>
          %dma_start3A_900 = tpu.memref_squeeze %dma_start3A_899 : memref<1x!tpu.dma_semaphore, #tpu.memory_space<semaphore_mem>> -> memref<!tpu.dma_semaphore, #tpu.memory_space<semaphore_mem>>
          tpu.enqueue_indirect_dma source(%dma_start3A_892 : memref<128x128xf32, #tpu.memory_space<vmem>>) target(%dma_start3A_898 : memref<10112x128xf32, #tpu.memory_space<vmem_shared>>) offsets(%dma_start3A_895 : memref<128xi32, #tpu.memory_space<vmem>>) semaphore(%dma_start3A_900 : memref<!tpu.dma_semaphore, #tpu.memory_space<semaphore_mem>>) {add = true}
          %dma_wait3A_901 = arith.constant 1 : i32
          %dma_wait3A_902 = arith.constant 1 : i32
          %dma_wait3A_903 = arith.constant 0 : i32
          %dma_wait3A_904 = arith.constant 0 : i32
          %dma_wait3A_905 = tpu.memref_slice %arg9[%dma_wait3A_901, %dma_wait3A_903, %dma_wait3A_904] : memref<2x128x128xf32, #tpu.memory_space<vmem>> -> memref<1x128x128xf32, #tpu.memory_space<vmem>>
          %dma_wait3A_906 = tpu.memref_squeeze %dma_wait3A_905 : memref<1x128x128xf32, #tpu.memory_space<vmem>> -> memref<128x128xf32, #tpu.memory_space<vmem>>
          %dma_wait3A_907 = arith.constant 0 : i32
          %dma_wait3A_908 = arith.constant 0 : i32
          %dma_wait3A_909 = tpu.memref_slice %arg4[%dma_wait3A_907, %dma_wait3A_908] : memref<10000x128xf32, #tpu.memory_space<hbm>> -> memref<128x128xf32, #tpu.memory_space<hbm>>
          %dma_wait3A_910 = tpu.memref_slice %arg11[%dma_wait3A_902] : memref<2x!tpu.dma_semaphore, #tpu.memory_space<semaphore_mem>> -> memref<1x!tpu.dma_semaphore, #tpu.memory_space<semaphore_mem>>
          %dma_wait3A_911 = tpu.memref_squeeze %dma_wait3A_910 : memref<1x!tpu.dma_semaphore, #tpu.memory_space<semaphore_mem>> -> memref<!tpu.dma_semaphore, #tpu.memory_space<semaphore_mem>>
          %dma_wait3A_912 = arith.constant 0 : i32
          %dma_wait3A_913 = arith.constant 0 : i32
          %dma_wait3A_914 = tpu.memref_slice %arg9[%dma_wait3A_901, %dma_wait3A_912, %dma_wait3A_913] : memref<2x128x128xf32, #tpu.memory_space<vmem>> -> memref<1x128x128xf32, #tpu.memory_space<vmem>>
          %dma_wait3A_915 = tpu.memref_squeeze %dma_wait3A_914 : memref<1x128x128xf32, #tpu.memory_space<vmem>> -> memref<128x128xf32, #tpu.memory_space<vmem>>
          %dma_wait3A_916 = arith.constant 0 : i32
          %dma_wait3A_917 = arith.constant 0 : i32
          %dma_wait3A_918 = tpu.memref_slice %arg4[%dma_wait3A_916, %dma_wait3A_917] : memref<10000x128xf32, #tpu.memory_space<hbm>> -> memref<128x128xf32, #tpu.memory_space<hbm>>
          tpu.wait_dma2 semaphore(%dma_wait3A_911 : memref<!tpu.dma_semaphore, #tpu.memory_space<semaphore_mem>>) src(%dma_wait3A_918 : memref<128x128xf32, #tpu.memory_space<hbm>>) dst(%dma_wait3A_915 : memref<128x128xf32, #tpu.memory_space<vmem>>)
          %dma_start3A_919 = arith.constant 1 : i32
          %dma_start3A_920 = arith.constant 5 : i32
          %dma_start3A_921 = arith.constant 1 : i32
          %dma_start3A_922 = arith.constant 0 : i32
          %dma_start3A_923 = arith.constant 0 : i32
          %dma_start3A_924 = tpu.memref_slice %arg9[%dma_start3A_919, %dma_start3A_922, %dma_start3A_923] : memref<2x128x128xf32, #tpu.memory_space<vmem>> -> memref<1x128x128xf32, #tpu.memory_space<vmem>>
          %dma_start3A_925 = tpu.memref_squeeze %dma_start3A_924 : memref<1x128x128xf32, #tpu.memory_space<vmem>> -> memref<128x128xf32, #tpu.memory_space<vmem>>
          %dma_start3A_926 = arith.constant 0 : i32
          %dma_start3A_927 = tpu.memref_slice %arg8[%rem3A_593, %dma_start3A_920, %dma_start3A_926] : memref<2x8x128xi32, #tpu.memory_space<vmem>> -> memref<1x1x128xi32, #tpu.memory_space<vmem>>
          %dma_start3A_928 = tpu.memref_squeeze %dma_start3A_927 : memref<1x1x128xi32, #tpu.memory_space<vmem>> -> memref<128xi32, #tpu.memory_space<vmem>>
          %dma_start3A_929 = arith.constant 0 : i32
          %dma_start3A_930 = arith.constant 0 : i32
          %dma_start3A_931 = tpu.memref_slice %arg10[%dma_start3A_929, %dma_start3A_930] : memref<10112x128xf32, #tpu.memory_space<vmem_shared>> -> memref<10112x128xf32, #tpu.memory_space<vmem_shared>>
          %dma_start3A_932 = tpu.memref_slice %arg12[%dma_start3A_921] : memref<2x!tpu.dma_semaphore, #tpu.memory_space<semaphore_mem>> -> memref<1x!tpu.dma_semaphore, #tpu.memory_space<semaphore_mem>>
          %dma_start3A_933 = tpu.memref_squeeze %dma_start3A_932 : memref<1x!tpu.dma_semaphore, #tpu.memory_space<semaphore_mem>> -> memref<!tpu.dma_semaphore, #tpu.memory_space<semaphore_mem>>
          tpu.enqueue_indirect_dma source(%dma_start3A_925 : memref<128x128xf32, #tpu.memory_space<vmem>>) target(%dma_start3A_931 : memref<10112x128xf32, #tpu.memory_space<vmem_shared>>) offsets(%dma_start3A_928 : memref<128xi32, #tpu.memory_space<vmem>>) semaphore(%dma_start3A_933 : memref<!tpu.dma_semaphore, #tpu.memory_space<semaphore_mem>>) {add = true}
          %dma_wait3A_934 = arith.constant 0 : i32
          %dma_wait3A_935 = arith.constant 0 : i32
          %dma_wait3A_936 = arith.constant 0 : i32
          %dma_wait3A_937 = arith.constant 0 : i32
          %dma_wait3A_938 = tpu.memref_slice %arg9[%dma_wait3A_934, %dma_wait3A_936, %dma_wait3A_937] : memref<2x128x128xf32, #tpu.memory_space<vmem>> -> memref<1x128x128xf32, #tpu.memory_space<vmem>>
          %dma_wait3A_939 = tpu.memref_squeeze %dma_wait3A_938 : memref<1x128x128xf32, #tpu.memory_space<vmem>> -> memref<128x128xf32, #tpu.memory_space<vmem>>
          %dma_wait3A_940 = arith.constant 0 : i32
          %dma_wait3A_941 = arith.constant 0 : i32
          %dma_wait3A_942 = tpu.memref_slice %arg4[%dma_wait3A_940, %dma_wait3A_941] : memref<10000x128xf32, #tpu.memory_space<hbm>> -> memref<128x128xf32, #tpu.memory_space<hbm>>
          %dma_wait3A_943 = tpu.memref_slice %arg12[%dma_wait3A_935] : memref<2x!tpu.dma_semaphore, #tpu.memory_space<semaphore_mem>> -> memref<1x!tpu.dma_semaphore, #tpu.memory_space<semaphore_mem>>
          %dma_wait3A_944 = tpu.memref_squeeze %dma_wait3A_943 : memref<1x!tpu.dma_semaphore, #tpu.memory_space<semaphore_mem>> -> memref<!tpu.dma_semaphore, #tpu.memory_space<semaphore_mem>>
          %dma_wait3A_945 = arith.constant 0 : i32
          %dma_wait3A_946 = arith.constant 0 : i32
          %dma_wait3A_947 = tpu.memref_slice %arg9[%dma_wait3A_934, %dma_wait3A_945, %dma_wait3A_946] : memref<2x128x128xf32, #tpu.memory_space<vmem>> -> memref<1x128x128xf32, #tpu.memory_space<vmem>>
          %dma_wait3A_948 = tpu.memref_squeeze %dma_wait3A_947 : memref<1x128x128xf32, #tpu.memory_space<vmem>> -> memref<128x128xf32, #tpu.memory_space<vmem>>
          %dma_wait3A_949 = arith.constant 0 : i32
          %dma_wait3A_950 = arith.constant 0 : i32
          %dma_wait3A_951 = tpu.memref_slice %arg4[%dma_wait3A_949, %dma_wait3A_950] : memref<10000x128xf32, #tpu.memory_space<hbm>> -> memref<128x128xf32, #tpu.memory_space<hbm>>
          tpu.wait_dma2 semaphore(%dma_wait3A_944 : memref<!tpu.dma_semaphore, #tpu.memory_space<semaphore_mem>>) src(%dma_wait3A_951 : memref<128x128xf32, #tpu.memory_space<hbm>>) dst(%dma_wait3A_948 : memref<128x128xf32, #tpu.memory_space<vmem>>)
          %dma_start3A_952 = arith.constant 6 : i32
          %dma_start3A_953 = arith.constant 0 : i32
          %dma_start3A_954 = arith.constant 0 : i32
          %dma_start3A_955 = arith.constant 0 : i32
          %dma_start3A_956 = arith.constant 0 : i32
          %dma_start3A_957 = tpu.memref_slice %arg9[%dma_start3A_953, %dma_start3A_955, %dma_start3A_956] : memref<2x128x128xf32, #tpu.memory_space<vmem>> -> memref<1x128x128xf32, #tpu.memory_space<vmem>>
          %dma_start3A_958 = tpu.memref_squeeze %dma_start3A_957 : memref<1x128x128xf32, #tpu.memory_space<vmem>> -> memref<128x128xf32, #tpu.memory_space<vmem>>
          %dma_start3A_959 = arith.constant 0 : i32
          %dma_start3A_960 = tpu.memref_slice %arg7[%rem3A_593, %dma_start3A_952, %dma_start3A_959] : memref<2x8x128xi32, #tpu.memory_space<vmem>> -> memref<1x1x128xi32, #tpu.memory_space<vmem>>
          %dma_start3A_961 = tpu.memref_squeeze %dma_start3A_960 : memref<1x1x128xi32, #tpu.memory_space<vmem>> -> memref<128xi32, #tpu.memory_space<vmem>>
          %dma_start3A_962 = arith.constant 0 : i32
          %dma_start3A_963 = arith.constant 0 : i32
          %dma_start3A_964 = tpu.memref_slice %arg4[%dma_start3A_962, %dma_start3A_963] : memref<10000x128xf32, #tpu.memory_space<hbm>> -> memref<10000x128xf32, #tpu.memory_space<hbm>>
          %dma_start3A_965 = tpu.memref_slice %arg11[%dma_start3A_954] : memref<2x!tpu.dma_semaphore, #tpu.memory_space<semaphore_mem>> -> memref<1x!tpu.dma_semaphore, #tpu.memory_space<semaphore_mem>>
          %dma_start3A_966 = tpu.memref_squeeze %dma_start3A_965 : memref<1x!tpu.dma_semaphore, #tpu.memory_space<semaphore_mem>> -> memref<!tpu.dma_semaphore, #tpu.memory_space<semaphore_mem>>
          tpu.enqueue_indirect_dma source(%dma_start3A_964 : memref<10000x128xf32, #tpu.memory_space<hbm>>) target(%dma_start3A_958 : memref<128x128xf32, #tpu.memory_space<vmem>>) offsets(%dma_start3A_961 : memref<128xi32, #tpu.memory_space<vmem>>) semaphore(%dma_start3A_966 : memref<!tpu.dma_semaphore, #tpu.memory_space<semaphore_mem>>)
          %dma_wait3A_967 = arith.constant 1 : i32
          %dma_wait3A_968 = arith.constant 1 : i32
          %dma_wait3A_969 = arith.constant 0 : i32
          %dma_wait3A_970 = arith.constant 0 : i32
          %dma_wait3A_971 = tpu.memref_slice %arg9[%dma_wait3A_967, %dma_wait3A_969, %dma_wait3A_970] : memref<2x128x128xf32, #tpu.memory_space<vmem>> -> memref<1x128x128xf32, #tpu.memory_space<vmem>>
          %dma_wait3A_972 = tpu.memref_squeeze %dma_wait3A_971 : memref<1x128x128xf32, #tpu.memory_space<vmem>> -> memref<128x128xf32, #tpu.memory_space<vmem>>
          %dma_wait3A_973 = arith.constant 0 : i32
          %dma_wait3A_974 = arith.constant 0 : i32
          %dma_wait3A_975 = tpu.memref_slice %arg4[%dma_wait3A_973, %dma_wait3A_974] : memref<10000x128xf32, #tpu.memory_space<hbm>> -> memref<128x128xf32, #tpu.memory_space<hbm>>
          %dma_wait3A_976 = tpu.memref_slice %arg12[%dma_wait3A_968] : memref<2x!tpu.dma_semaphore, #tpu.memory_space<semaphore_mem>> -> memref<1x!tpu.dma_semaphore, #tpu.memory_space<semaphore_mem>>
          %dma_wait3A_977 = tpu.memref_squeeze %dma_wait3A_976 : memref<1x!tpu.dma_semaphore, #tpu.memory_space<semaphore_mem>> -> memref<!tpu.dma_semaphore, #tpu.memory_space<semaphore_mem>>
          %dma_wait3A_978 = arith.constant 0 : i32
          %dma_wait3A_979 = arith.constant 0 : i32
          %dma_wait3A_980 = tpu.memref_slice %arg9[%dma_wait3A_967, %dma_wait3A_978, %dma_wait3A_979] : memref<2x128x128xf32, #tpu.memory_space<vmem>> -> memref<1x128x128xf32, #tpu.memory_space<vmem>>
          %dma_wait3A_981 = tpu.memref_squeeze %dma_wait3A_980 : memref<1x128x128xf32, #tpu.memory_space<vmem>> -> memref<128x128xf32, #tpu.memory_space<vmem>>
          %dma_wait3A_982 = arith.constant 0 : i32
          %dma_wait3A_983 = arith.constant 0 : i32
          %dma_wait3A_984 = tpu.memref_slice %arg4[%dma_wait3A_982, %dma_wait3A_983] : memref<10000x128xf32, #tpu.memory_space<hbm>> -> memref<128x128xf32, #tpu.memory_space<hbm>>
          tpu.wait_dma2 semaphore(%dma_wait3A_977 : memref<!tpu.dma_semaphore, #tpu.memory_space<semaphore_mem>>) src(%dma_wait3A_984 : memref<128x128xf32, #tpu.memory_space<hbm>>) dst(%dma_wait3A_981 : memref<128x128xf32, #tpu.memory_space<vmem>>)
          %dma_start3A_985 = arith.constant 7 : i32
          %dma_start3A_986 = arith.constant 1 : i32
          %dma_start3A_987 = arith.constant 1 : i32
          %dma_start3A_988 = arith.constant 0 : i32
          %dma_start3A_989 = arith.constant 0 : i32
          %dma_start3A_990 = tpu.memref_slice %arg9[%dma_start3A_986, %dma_start3A_988, %dma_start3A_989] : memref<2x128x128xf32, #tpu.memory_space<vmem>> -> memref<1x128x128xf32, #tpu.memory_space<vmem>>
          %dma_start3A_991 = tpu.memref_squeeze %dma_start3A_990 : memref<1x128x128xf32, #tpu.memory_space<vmem>> -> memref<128x128xf32, #tpu.memory_space<vmem>>
          %dma_start3A_992 = arith.constant 0 : i32
          %dma_start3A_993 = tpu.memref_slice %arg7[%rem3A_593, %dma_start3A_985, %dma_start3A_992] : memref<2x8x128xi32, #tpu.memory_space<vmem>> -> memref<1x1x128xi32, #tpu.memory_space<vmem>>
          %dma_start3A_994 = tpu.memref_squeeze %dma_start3A_993 : memref<1x1x128xi32, #tpu.memory_space<vmem>> -> memref<128xi32, #tpu.memory_space<vmem>>
          %dma_start3A_995 = arith.constant 0 : i32
          %dma_start3A_996 = arith.constant 0 : i32
          %dma_start3A_997 = tpu.memref_slice %arg4[%dma_start3A_995, %dma_start3A_996] : memref<10000x128xf32, #tpu.memory_space<hbm>> -> memref<10000x128xf32, #tpu.memory_space<hbm>>
          %dma_start3A_998 = tpu.memref_slice %arg11[%dma_start3A_987] : memref<2x!tpu.dma_semaphore, #tpu.memory_space<semaphore_mem>> -> memref<1x!tpu.dma_semaphore, #tpu.memory_space<semaphore_mem>>
          %dma_start3A_999 = tpu.memref_squeeze %dma_start3A_998 : memref<1x!tpu.dma_semaphore, #tpu.memory_space<semaphore_mem>> -> memref<!tpu.dma_semaphore, #tpu.memory_space<semaphore_mem>>
          tpu.enqueue_indirect_dma source(%dma_start3A_997 : memref<10000x128xf32, #tpu.memory_space<hbm>>) target(%dma_start3A_991 : memref<128x128xf32, #tpu.memory_space<vmem>>) offsets(%dma_start3A_994 : memref<128xi32, #tpu.memory_space<vmem>>) semaphore(%dma_start3A_999 : memref<!tpu.dma_semaphore, #tpu.memory_space<semaphore_mem>>)
          %dma_wait3A_1000 = arith.constant 0 : i32
          %dma_wait3A_1001 = arith.constant 0 : i32
          %dma_wait3A_1002 = arith.constant 0 : i32
          %dma_wait3A_1003 = arith.constant 0 : i32
          %dma_wait3A_1004 = tpu.memref_slice %arg9[%dma_wait3A_1000, %dma_wait3A_1002, %dma_wait3A_1003] : memref<2x128x128xf32, #tpu.memory_space<vmem>> -> memref<1x128x128xf32, #tpu.memory_space<vmem>>
          %dma_wait3A_1005 = tpu.memref_squeeze %dma_wait3A_1004 : memref<1x128x128xf32, #tpu.memory_space<vmem>> -> memref<128x128xf32, #tpu.memory_space<vmem>>
          %dma_wait3A_1006 = arith.constant 0 : i32
          %dma_wait3A_1007 = arith.constant 0 : i32
          %dma_wait3A_1008 = tpu.memref_slice %arg4[%dma_wait3A_1006, %dma_wait3A_1007] : memref<10000x128xf32, #tpu.memory_space<hbm>> -> memref<128x128xf32, #tpu.memory_space<hbm>>
          %dma_wait3A_1009 = tpu.memref_slice %arg11[%dma_wait3A_1001] : memref<2x!tpu.dma_semaphore, #tpu.memory_space<semaphore_mem>> -> memref<1x!tpu.dma_semaphore, #tpu.memory_space<semaphore_mem>>
          %dma_wait3A_1010 = tpu.memref_squeeze %dma_wait3A_1009 : memref<1x!tpu.dma_semaphore, #tpu.memory_space<semaphore_mem>> -> memref<!tpu.dma_semaphore, #tpu.memory_space<semaphore_mem>>
          %dma_wait3A_1011 = arith.constant 0 : i32
          %dma_wait3A_1012 = arith.constant 0 : i32
          %dma_wait3A_1013 = tpu.memref_slice %arg9[%dma_wait3A_1000, %dma_wait3A_1011, %dma_wait3A_1012] : memref<2x128x128xf32, #tpu.memory_space<vmem>> -> memref<1x128x128xf32, #tpu.memory_space<vmem>>
          %dma_wait3A_1014 = tpu.memref_squeeze %dma_wait3A_1013 : memref<1x128x128xf32, #tpu.memory_space<vmem>> -> memref<128x128xf32, #tpu.memory_space<vmem>>
          %dma_wait3A_1015 = arith.constant 0 : i32
          %dma_wait3A_1016 = arith.constant 0 : i32
          %dma_wait3A_1017 = tpu.memref_slice %arg4[%dma_wait3A_1015, %dma_wait3A_1016] : memref<10000x128xf32, #tpu.memory_space<hbm>> -> memref<128x128xf32, #tpu.memory_space<hbm>>
          tpu.wait_dma2 semaphore(%dma_wait3A_1010 : memref<!tpu.dma_semaphore, #tpu.memory_space<semaphore_mem>>) src(%dma_wait3A_1017 : memref<128x128xf32, #tpu.memory_space<hbm>>) dst(%dma_wait3A_1014 : memref<128x128xf32, #tpu.memory_space<vmem>>)
          %dma_start3A_1018 = arith.constant 0 : i32
          %dma_start3A_1019 = arith.constant 6 : i32
          %dma_start3A_1020 = arith.constant 0 : i32
          %dma_start3A_1021 = arith.constant 0 : i32
          %dma_start3A_1022 = arith.constant 0 : i32
          %dma_start3A_1023 = tpu.memref_slice %arg9[%dma_start3A_1018, %dma_start3A_1021, %dma_start3A_1022] : memref<2x128x128xf32, #tpu.memory_space<vmem>> -> memref<1x128x128xf32, #tpu.memory_space<vmem>>
          %dma_start3A_1024 = tpu.memref_squeeze %dma_start3A_1023 : memref<1x128x128xf32, #tpu.memory_space<vmem>> -> memref<128x128xf32, #tpu.memory_space<vmem>>
          %dma_start3A_1025 = arith.constant 0 : i32
          %dma_start3A_1026 = tpu.memref_slice %arg8[%rem3A_593, %dma_start3A_1019, %dma_start3A_1025] : memref<2x8x128xi32, #tpu.memory_space<vmem>> -> memref<1x1x128xi32, #tpu.memory_space<vmem>>
          %dma_start3A_1027 = tpu.memref_squeeze %dma_start3A_1026 : memref<1x1x128xi32, #tpu.memory_space<vmem>> -> memref<128xi32, #tpu.memory_space<vmem>>
          %dma_start3A_1028 = arith.constant 0 : i32
          %dma_start3A_1029 = arith.constant 0 : i32
          %dma_start3A_1030 = tpu.memref_slice %arg10[%dma_start3A_1028, %dma_start3A_1029] : memref<10112x128xf32, #tpu.memory_space<vmem_shared>> -> memref<10112x128xf32, #tpu.memory_space<vmem_shared>>
          %dma_start3A_1031 = tpu.memref_slice %arg12[%dma_start3A_1020] : memref<2x!tpu.dma_semaphore, #tpu.memory_space<semaphore_mem>> -> memref<1x!tpu.dma_semaphore, #tpu.memory_space<semaphore_mem>>
          %dma_start3A_1032 = tpu.memref_squeeze %dma_start3A_1031 : memref<1x!tpu.dma_semaphore, #tpu.memory_space<semaphore_mem>> -> memref<!tpu.dma_semaphore, #tpu.memory_space<semaphore_mem>>
          tpu.enqueue_indirect_dma source(%dma_start3A_1024 : memref<128x128xf32, #tpu.memory_space<vmem>>) target(%dma_start3A_1030 : memref<10112x128xf32, #tpu.memory_space<vmem_shared>>) offsets(%dma_start3A_1027 : memref<128xi32, #tpu.memory_space<vmem>>) semaphore(%dma_start3A_1032 : memref<!tpu.dma_semaphore, #tpu.memory_space<semaphore_mem>>) {add = true}
          %dma_wait3A_1033 = arith.constant 1 : i32
          %dma_wait3A_1034 = arith.constant 1 : i32
          %dma_wait3A_1035 = arith.constant 0 : i32
          %dma_wait3A_1036 = arith.constant 0 : i32
          %dma_wait3A_1037 = tpu.memref_slice %arg9[%dma_wait3A_1033, %dma_wait3A_1035, %dma_wait3A_1036] : memref<2x128x128xf32, #tpu.memory_space<vmem>> -> memref<1x128x128xf32, #tpu.memory_space<vmem>>
          %dma_wait3A_1038 = tpu.memref_squeeze %dma_wait3A_1037 : memref<1x128x128xf32, #tpu.memory_space<vmem>> -> memref<128x128xf32, #tpu.memory_space<vmem>>
          %dma_wait3A_1039 = arith.constant 0 : i32
          %dma_wait3A_1040 = arith.constant 0 : i32
          %dma_wait3A_1041 = tpu.memref_slice %arg4[%dma_wait3A_1039, %dma_wait3A_1040] : memref<10000x128xf32, #tpu.memory_space<hbm>> -> memref<128x128xf32, #tpu.memory_space<hbm>>
          %dma_wait3A_1042 = tpu.memref_slice %arg11[%dma_wait3A_1034] : memref<2x!tpu.dma_semaphore, #tpu.memory_space<semaphore_mem>> -> memref<1x!tpu.dma_semaphore, #tpu.memory_space<semaphore_mem>>
          %dma_wait3A_1043 = tpu.memref_squeeze %dma_wait3A_1042 : memref<1x!tpu.dma_semaphore, #tpu.memory_space<semaphore_mem>> -> memref<!tpu.dma_semaphore, #tpu.memory_space<semaphore_mem>>
          %dma_wait3A_1044 = arith.constant 0 : i32
          %dma_wait3A_1045 = arith.constant 0 : i32
          %dma_wait3A_1046 = tpu.memref_slice %arg9[%dma_wait3A_1033, %dma_wait3A_1044, %dma_wait3A_1045] : memref<2x128x128xf32, #tpu.memory_space<vmem>> -> memref<1x128x128xf32, #tpu.memory_space<vmem>>
          %dma_wait3A_1047 = tpu.memref_squeeze %dma_wait3A_1046 : memref<1x128x128xf32, #tpu.memory_space<vmem>> -> memref<128x128xf32, #tpu.memory_space<vmem>>
          %dma_wait3A_1048 = arith.constant 0 : i32
          %dma_wait3A_1049 = arith.constant 0 : i32
          %dma_wait3A_1050 = tpu.memref_slice %arg4[%dma_wait3A_1048, %dma_wait3A_1049] : memref<10000x128xf32, #tpu.memory_space<hbm>> -> memref<128x128xf32, #tpu.memory_space<hbm>>
          tpu.wait_dma2 semaphore(%dma_wait3A_1043 : memref<!tpu.dma_semaphore, #tpu.memory_space<semaphore_mem>>) src(%dma_wait3A_1050 : memref<128x128xf32, #tpu.memory_space<hbm>>) dst(%dma_wait3A_1047 : memref<128x128xf32, #tpu.memory_space<vmem>>)
          %dma_start3A_1051 = arith.constant 1 : i32
          %dma_start3A_1052 = arith.constant 7 : i32
          %dma_start3A_1053 = arith.constant 1 : i32
          %dma_start3A_1054 = arith.constant 0 : i32
          %dma_start3A_1055 = arith.constant 0 : i32
          %dma_start3A_1056 = tpu.memref_slice %arg9[%dma_start3A_1051, %dma_start3A_1054, %dma_start3A_1055] : memref<2x128x128xf32, #tpu.memory_space<vmem>> -> memref<1x128x128xf32, #tpu.memory_space<vmem>>
          %dma_start3A_1057 = tpu.memref_squeeze %dma_start3A_1056 : memref<1x128x128xf32, #tpu.memory_space<vmem>> -> memref<128x128xf32, #tpu.memory_space<vmem>>
          %dma_start3A_1058 = arith.constant 0 : i32
          %dma_start3A_1059 = tpu.memref_slice %arg8[%rem3A_593, %dma_start3A_1052, %dma_start3A_1058] : memref<2x8x128xi32, #tpu.memory_space<vmem>> -> memref<1x1x128xi32, #tpu.memory_space<vmem>>
          %dma_start3A_1060 = tpu.memref_squeeze %dma_start3A_1059 : memref<1x1x128xi32, #tpu.memory_space<vmem>> -> memref<128xi32, #tpu.memory_space<vmem>>
          %dma_start3A_1061 = arith.constant 0 : i32
          %dma_start3A_1062 = arith.constant 0 : i32
          %dma_start3A_1063 = tpu.memref_slice %arg10[%dma_start3A_1061, %dma_start3A_1062] : memref<10112x128xf32, #tpu.memory_space<vmem_shared>> -> memref<10112x128xf32, #tpu.memory_space<vmem_shared>>
          %dma_start3A_1064 = tpu.memref_slice %arg12[%dma_start3A_1053] : memref<2x!tpu.dma_semaphore, #tpu.memory_space<semaphore_mem>> -> memref<1x!tpu.dma_semaphore, #tpu.memory_space<semaphore_mem>>
          %dma_start3A_1065 = tpu.memref_squeeze %dma_start3A_1064 : memref<1x!tpu.dma_semaphore, #tpu.memory_space<semaphore_mem>> -> memref<!tpu.dma_semaphore, #tpu.memory_space<semaphore_mem>>
          tpu.enqueue_indirect_dma source(%dma_start3A_1057 : memref<128x128xf32, #tpu.memory_space<vmem>>) target(%dma_start3A_1063 : memref<10112x128xf32, #tpu.memory_space<vmem_shared>>) offsets(%dma_start3A_1060 : memref<128xi32, #tpu.memory_space<vmem>>) semaphore(%dma_start3A_1065 : memref<!tpu.dma_semaphore, #tpu.memory_space<semaphore_mem>>) {add = true}
          %dma_wait3A_1066 = arith.constant 0 : i32
          %dma_wait3A_1067 = arith.constant 0 : i32
          %dma_wait3A_1068 = arith.constant 0 : i32
          %dma_wait3A_1069 = tpu.memref_slice %arg7[%dma_wait3A_1066, %dma_wait3A_1067, %dma_wait3A_1068] : memref<2x8x128xi32, #tpu.memory_space<vmem>> -> memref<1x8x128xi32, #tpu.memory_space<vmem>>
          %dma_wait3A_1070 = tpu.memref_squeeze %dma_wait3A_1069 : memref<1x8x128xi32, #tpu.memory_space<vmem>> -> memref<8x128xi32, #tpu.memory_space<vmem>>
          %dma_wait3A_1071 = arith.constant 0 : i32
          %dma_wait3A_1072 = arith.constant 0 : i32
          %dma_wait3A_1073 = tpu.memref_slice %arg2[%dma_wait3A_1071, %dma_wait3A_1072] : memref<2560x128xi32, #tpu.memory_space<hbm>> -> memref<8x128xi32, #tpu.memory_space<hbm>>
          %dma_wait3A_1074 = arith.constant 0 : i32
          %dma_wait3A_1075 = arith.constant 0 : i32
          %dma_wait3A_1076 = tpu.memref_slice %arg7[%dma_wait3A_1066, %dma_wait3A_1074, %dma_wait3A_1075] : memref<2x8x128xi32, #tpu.memory_space<vmem>> -> memref<1x8x128xi32, #tpu.memory_space<vmem>>
          %dma_wait3A_1077 = tpu.memref_squeeze %dma_wait3A_1076 : memref<1x8x128xi32, #tpu.memory_space<vmem>> -> memref<8x128xi32, #tpu.memory_space<vmem>>
          %dma_wait3A_1078 = arith.constant 0 : i32
          %dma_wait3A_1079 = arith.constant 0 : i32
          %dma_wait3A_1080 = tpu.memref_slice %arg2[%dma_wait3A_1078, %dma_wait3A_1079] : memref<2560x128xi32, #tpu.memory_space<hbm>> -> memref<8x128xi32, #tpu.memory_space<hbm>>
          tpu.wait_dma2 semaphore(%arg13 : memref<!tpu.dma_semaphore, #tpu.memory_space<semaphore_mem>>) src(%dma_wait3A_1080 : memref<8x128xi32, #tpu.memory_space<hbm>>) dst(%dma_wait3A_1077 : memref<8x128xi32, #tpu.memory_space<vmem>>)
          %dma_wait3A_1081 = arith.constant 0 : i32
          %dma_wait3A_1082 = arith.constant 0 : i32
          %dma_wait3A_1083 = arith.constant 0 : i32
          %dma_wait3A_1084 = tpu.memref_slice %arg8[%dma_wait3A_1081, %dma_wait3A_1082, %dma_wait3A_1083] : memref<2x8x128xi32, #tpu.memory_space<vmem>> -> memref<1x8x128xi32, #tpu.memory_space<vmem>>
          %dma_wait3A_1085 = tpu.memref_squeeze %dma_wait3A_1084 : memref<1x8x128xi32, #tpu.memory_space<vmem>> -> memref<8x128xi32, #tpu.memory_space<vmem>>
          %dma_wait3A_1086 = arith.constant 0 : i32
          %dma_wait3A_1087 = arith.constant 0 : i32
          %dma_wait3A_1088 = tpu.memref_slice %arg2[%dma_wait3A_1086, %dma_wait3A_1087] : memref<2560x128xi32, #tpu.memory_space<hbm>> -> memref<8x128xi32, #tpu.memory_space<hbm>>
          %dma_wait3A_1089 = arith.constant 0 : i32
          %dma_wait3A_1090 = arith.constant 0 : i32
          %dma_wait3A_1091 = tpu.memref_slice %arg8[%dma_wait3A_1081, %dma_wait3A_1089, %dma_wait3A_1090] : memref<2x8x128xi32, #tpu.memory_space<vmem>> -> memref<1x8x128xi32, #tpu.memory_space<vmem>>
          %dma_wait3A_1092 = tpu.memref_squeeze %dma_wait3A_1091 : memref<1x8x128xi32, #tpu.memory_space<vmem>> -> memref<8x128xi32, #tpu.memory_space<vmem>>
          %dma_wait3A_1093 = arith.constant 0 : i32
          %dma_wait3A_1094 = arith.constant 0 : i32
          %dma_wait3A_1095 = tpu.memref_slice %arg2[%dma_wait3A_1093, %dma_wait3A_1094] : memref<2560x128xi32, #tpu.memory_space<hbm>> -> memref<8x128xi32, #tpu.memory_space<hbm>>
          tpu.wait_dma2 semaphore(%arg13 : memref<!tpu.dma_semaphore, #tpu.memory_space<semaphore_mem>>) src(%dma_wait3A_1095 : memref<8x128xi32, #tpu.memory_space<hbm>>) dst(%dma_wait3A_1092 : memref<8x128xi32, #tpu.memory_space<vmem>>)
          %dma_wait3A_1096 = arith.constant 0 : i32
          %dma_wait3A_1097 = arith.constant 0 : i32
          %dma_wait3A_1098 = arith.constant 0 : i32
          %dma_wait3A_1099 = arith.constant 0 : i32
          %dma_wait3A_1100 = tpu.memref_slice %arg9[%dma_wait3A_1096, %dma_wait3A_1098, %dma_wait3A_1099] : memref<2x128x128xf32, #tpu.memory_space<vmem>> -> memref<1x128x128xf32, #tpu.memory_space<vmem>>
          %dma_wait3A_1101 = tpu.memref_squeeze %dma_wait3A_1100 : memref<1x128x128xf32, #tpu.memory_space<vmem>> -> memref<128x128xf32, #tpu.memory_space<vmem>>
          %dma_wait3A_1102 = arith.constant 0 : i32
          %dma_wait3A_1103 = arith.constant 0 : i32
          %dma_wait3A_1104 = tpu.memref_slice %arg4[%dma_wait3A_1102, %dma_wait3A_1103] : memref<10000x128xf32, #tpu.memory_space<hbm>> -> memref<128x128xf32, #tpu.memory_space<hbm>>
          %dma_wait3A_1105 = tpu.memref_slice %arg12[%dma_wait3A_1097] : memref<2x!tpu.dma_semaphore, #tpu.memory_space<semaphore_mem>> -> memref<1x!tpu.dma_semaphore, #tpu.memory_space<semaphore_mem>>
          %dma_wait3A_1106 = tpu.memref_squeeze %dma_wait3A_1105 : memref<1x!tpu.dma_semaphore, #tpu.memory_space<semaphore_mem>> -> memref<!tpu.dma_semaphore, #tpu.memory_space<semaphore_mem>>
          %dma_wait3A_1107 = arith.constant 0 : i32
          %dma_wait3A_1108 = arith.constant 0 : i32
          %dma_wait3A_1109 = tpu.memref_slice %arg9[%dma_wait3A_1096, %dma_wait3A_1107, %dma_wait3A_1108] : memref<2x128x128xf32, #tpu.memory_space<vmem>> -> memref<1x128x128xf32, #tpu.memory_space<vmem>>
          %dma_wait3A_1110 = tpu.memref_squeeze %dma_wait3A_1109 : memref<1x128x128xf32, #tpu.memory_space<vmem>> -> memref<128x128xf32, #tpu.memory_space<vmem>>
          %dma_wait3A_1111 = arith.constant 0 : i32
          %dma_wait3A_1112 = arith.constant 0 : i32
          %dma_wait3A_1113 = tpu.memref_slice %arg4[%dma_wait3A_1111, %dma_wait3A_1112] : memref<10000x128xf32, #tpu.memory_space<hbm>> -> memref<128x128xf32, #tpu.memory_space<hbm>>
          tpu.wait_dma2 semaphore(%dma_wait3A_1106 : memref<!tpu.dma_semaphore, #tpu.memory_space<semaphore_mem>>) src(%dma_wait3A_1113 : memref<128x128xf32, #tpu.memory_space<hbm>>) dst(%dma_wait3A_1110 : memref<128x128xf32, #tpu.memory_space<vmem>>)
          %dma_start3A_1114 = arith.constant 0 : i32
          %dma_start3A_1115 = arith.constant 0 : i32
          %dma_start3A_1116 = arith.constant 0 : i32
          %dma_start3A_1117 = arith.constant 0 : i32
          %dma_start3A_1118 = arith.constant 0 : i32
          %dma_start3A_1119 = tpu.memref_slice %arg9[%dma_start3A_1115, %dma_start3A_1117, %dma_start3A_1118] : memref<2x128x128xf32, #tpu.memory_space<vmem>> -> memref<1x128x128xf32, #tpu.memory_space<vmem>>
          %dma_start3A_1120 = tpu.memref_squeeze %dma_start3A_1119 : memref<1x128x128xf32, #tpu.memory_space<vmem>> -> memref<128x128xf32, #tpu.memory_space<vmem>>
          %dma_start3A_1121 = arith.constant 0 : i32
          %dma_start3A_1122 = tpu.memref_slice %arg7[%sub3A_603, %dma_start3A_1114, %dma_start3A_1121] : memref<2x8x128xi32, #tpu.memory_space<vmem>> -> memref<1x1x128xi32, #tpu.memory_space<vmem>>
          %dma_start3A_1123 = tpu.memref_squeeze %dma_start3A_1122 : memref<1x1x128xi32, #tpu.memory_space<vmem>> -> memref<128xi32, #tpu.memory_space<vmem>>
          %dma_start3A_1124 = arith.constant 0 : i32
          %dma_start3A_1125 = arith.constant 0 : i32
          %dma_start3A_1126 = tpu.memref_slice %arg4[%dma_start3A_1124, %dma_start3A_1125] : memref<10000x128xf32, #tpu.memory_space<hbm>> -> memref<10000x128xf32, #tpu.memory_space<hbm>>
          %dma_start3A_1127 = tpu.memref_slice %arg11[%dma_start3A_1116] : memref<2x!tpu.dma_semaphore, #tpu.memory_space<semaphore_mem>> -> memref<1x!tpu.dma_semaphore, #tpu.memory_space<semaphore_mem>>
          %dma_start3A_1128 = tpu.memref_squeeze %dma_start3A_1127 : memref<1x!tpu.dma_semaphore, #tpu.memory_space<semaphore_mem>> -> memref<!tpu.dma_semaphore, #tpu.memory_space<semaphore_mem>>
          tpu.enqueue_indirect_dma source(%dma_start3A_1126 : memref<10000x128xf32, #tpu.memory_space<hbm>>) target(%dma_start3A_1120 : memref<128x128xf32, #tpu.memory_space<vmem>>) offsets(%dma_start3A_1123 : memref<128xi32, #tpu.memory_space<vmem>>) semaphore(%dma_start3A_1128 : memref<!tpu.dma_semaphore, #tpu.memory_space<semaphore_mem>>)
          %dma_wait3A_1129 = arith.constant 1 : i32
          %dma_wait3A_1130 = arith.constant 1 : i32
          %dma_wait3A_1131 = arith.constant 0 : i32
          %dma_wait3A_1132 = arith.constant 0 : i32
          %dma_wait3A_1133 = tpu.memref_slice %arg9[%dma_wait3A_1129, %dma_wait3A_1131, %dma_wait3A_1132] : memref<2x128x128xf32, #tpu.memory_space<vmem>> -> memref<1x128x128xf32, #tpu.memory_space<vmem>>
          %dma_wait3A_1134 = tpu.memref_squeeze %dma_wait3A_1133 : memref<1x128x128xf32, #tpu.memory_space<vmem>> -> memref<128x128xf32, #tpu.memory_space<vmem>>
          %dma_wait3A_1135 = arith.constant 0 : i32
          %dma_wait3A_1136 = arith.constant 0 : i32
          %dma_wait3A_1137 = tpu.memref_slice %arg4[%dma_wait3A_1135, %dma_wait3A_1136] : memref<10000x128xf32, #tpu.memory_space<hbm>> -> memref<128x128xf32, #tpu.memory_space<hbm>>
          %dma_wait3A_1138 = tpu.memref_slice %arg12[%dma_wait3A_1130] : memref<2x!tpu.dma_semaphore, #tpu.memory_space<semaphore_mem>> -> memref<1x!tpu.dma_semaphore, #tpu.memory_space<semaphore_mem>>
          %dma_wait3A_1139 = tpu.memref_squeeze %dma_wait3A_1138 : memref<1x!tpu.dma_semaphore, #tpu.memory_space<semaphore_mem>> -> memref<!tpu.dma_semaphore, #tpu.memory_space<semaphore_mem>>
          %dma_wait3A_1140 = arith.constant 0 : i32
          %dma_wait3A_1141 = arith.constant 0 : i32
          %dma_wait3A_1142 = tpu.memref_slice %arg9[%dma_wait3A_1129, %dma_wait3A_1140, %dma_wait3A_1141] : memref<2x128x128xf32, #tpu.memory_space<vmem>> -> memref<1x128x128xf32, #tpu.memory_space<vmem>>
          %dma_wait3A_1143 = tpu.memref_squeeze %dma_wait3A_1142 : memref<1x128x128xf32, #tpu.memory_space<vmem>> -> memref<128x128xf32, #tpu.memory_space<vmem>>
          %dma_wait3A_1144 = arith.constant 0 : i32
          %dma_wait3A_1145 = arith.constant 0 : i32
          %dma_wait3A_1146 = tpu.memref_slice %arg4[%dma_wait3A_1144, %dma_wait3A_1145] : memref<10000x128xf32, #tpu.memory_space<hbm>> -> memref<128x128xf32, #tpu.memory_space<hbm>>
          tpu.wait_dma2 semaphore(%dma_wait3A_1139 : memref<!tpu.dma_semaphore, #tpu.memory_space<semaphore_mem>>) src(%dma_wait3A_1146 : memref<128x128xf32, #tpu.memory_space<hbm>>) dst(%dma_wait3A_1143 : memref<128x128xf32, #tpu.memory_space<vmem>>)
          %dma_start3A_1147 = arith.constant 1 : i32
          %dma_start3A_1148 = arith.constant 1 : i32
          %dma_start3A_1149 = arith.constant 1 : i32
          %dma_start3A_1150 = arith.constant 0 : i32
          %dma_start3A_1151 = arith.constant 0 : i32
          %dma_start3A_1152 = tpu.memref_slice %arg9[%dma_start3A_1148, %dma_start3A_1150, %dma_start3A_1151] : memref<2x128x128xf32, #tpu.memory_space<vmem>> -> memref<1x128x128xf32, #tpu.memory_space<vmem>>
          %dma_start3A_1153 = tpu.memref_squeeze %dma_start3A_1152 : memref<1x128x128xf32, #tpu.memory_space<vmem>> -> memref<128x128xf32, #tpu.memory_space<vmem>>
          %dma_start3A_1154 = arith.constant 0 : i32
          %dma_start3A_1155 = tpu.memref_slice %arg7[%sub3A_603, %dma_start3A_1147, %dma_start3A_1154] : memref<2x8x128xi32, #tpu.memory_space<vmem>> -> memref<1x1x128xi32, #tpu.memory_space<vmem>>
          %dma_start3A_1156 = tpu.memref_squeeze %dma_start3A_1155 : memref<1x1x128xi32, #tpu.memory_space<vmem>> -> memref<128xi32, #tpu.memory_space<vmem>>
          %dma_start3A_1157 = arith.constant 0 : i32
          %dma_start3A_1158 = arith.constant 0 : i32
          %dma_start3A_1159 = tpu.memref_slice %arg4[%dma_start3A_1157, %dma_start3A_1158] : memref<10000x128xf32, #tpu.memory_space<hbm>> -> memref<10000x128xf32, #tpu.memory_space<hbm>>
          %dma_start3A_1160 = tpu.memref_slice %arg11[%dma_start3A_1149] : memref<2x!tpu.dma_semaphore, #tpu.memory_space<semaphore_mem>> -> memref<1x!tpu.dma_semaphore, #tpu.memory_space<semaphore_mem>>
          %dma_start3A_1161 = tpu.memref_squeeze %dma_start3A_1160 : memref<1x!tpu.dma_semaphore, #tpu.memory_space<semaphore_mem>> -> memref<!tpu.dma_semaphore, #tpu.memory_space<semaphore_mem>>
          tpu.enqueue_indirect_dma source(%dma_start3A_1159 : memref<10000x128xf32, #tpu.memory_space<hbm>>) target(%dma_start3A_1153 : memref<128x128xf32, #tpu.memory_space<vmem>>) offsets(%dma_start3A_1156 : memref<128xi32, #tpu.memory_space<vmem>>) semaphore(%dma_start3A_1161 : memref<!tpu.dma_semaphore, #tpu.memory_space<semaphore_mem>>)
        } else {
        }
      }
      %scan3A_80 = arith.constant 17 : i32
      %dma_wait3A = arith.constant 0 : i32
      %dma_wait3A_81 = arith.constant 0 : i32
      %dma_wait3A_82 = arith.constant 0 : i32
      %dma_wait3A_83 = arith.constant 0 : i32
      %dma_wait3A_84 = tpu.memref_slice %arg9[%dma_wait3A, %dma_wait3A_82, %dma_wait3A_83] : memref<2x128x128xf32, #tpu.memory_space<vmem>> -> memref<1x128x128xf32, #tpu.memory_space<vmem>>
      %dma_wait3A_85 = tpu.memref_squeeze %dma_wait3A_84 : memref<1x128x128xf32, #tpu.memory_space<vmem>> -> memref<128x128xf32, #tpu.memory_space<vmem>>
      %dma_wait3A_86 = arith.constant 0 : i32
      %dma_wait3A_87 = arith.constant 0 : i32
      %dma_wait3A_88 = tpu.memref_slice %arg4[%dma_wait3A_86, %dma_wait3A_87] : memref<10000x128xf32, #tpu.memory_space<hbm>> -> memref<128x128xf32, #tpu.memory_space<hbm>>
      %dma_wait3A_89 = tpu.memref_slice %arg11[%dma_wait3A_81] : memref<2x!tpu.dma_semaphore, #tpu.memory_space<semaphore_mem>> -> memref<1x!tpu.dma_semaphore, #tpu.memory_space<semaphore_mem>>
      %dma_wait3A_90 = tpu.memref_squeeze %dma_wait3A_89 : memref<1x!tpu.dma_semaphore, #tpu.memory_space<semaphore_mem>> -> memref<!tpu.dma_semaphore, #tpu.memory_space<semaphore_mem>>
      %dma_wait3A_91 = arith.constant 0 : i32
      %dma_wait3A_92 = arith.constant 0 : i32
      %dma_wait3A_93 = tpu.memref_slice %arg9[%dma_wait3A, %dma_wait3A_91, %dma_wait3A_92] : memref<2x128x128xf32, #tpu.memory_space<vmem>> -> memref<1x128x128xf32, #tpu.memory_space<vmem>>
      %dma_wait3A_94 = tpu.memref_squeeze %dma_wait3A_93 : memref<1x128x128xf32, #tpu.memory_space<vmem>> -> memref<128x128xf32, #tpu.memory_space<vmem>>
      %dma_wait3A_95 = arith.constant 0 : i32
      %dma_wait3A_96 = arith.constant 0 : i32
      %dma_wait3A_97 = tpu.memref_slice %arg4[%dma_wait3A_95, %dma_wait3A_96] : memref<10000x128xf32, #tpu.memory_space<hbm>> -> memref<128x128xf32, #tpu.memory_space<hbm>>
      tpu.wait_dma2 semaphore(%dma_wait3A_90 : memref<!tpu.dma_semaphore, #tpu.memory_space<semaphore_mem>>) src(%dma_wait3A_97 : memref<128x128xf32, #tpu.memory_space<hbm>>) dst(%dma_wait3A_94 : memref<128x128xf32, #tpu.memory_space<vmem>>)
      %dma_start3A_98 = arith.constant 0 : i32
      %dma_start3A_99 = arith.constant 1 : i32
      %dma_start3A_100 = arith.constant 0 : i32
      %dma_start3A_101 = arith.constant 0 : i32
      %dma_start3A_102 = arith.constant 0 : i32
      %dma_start3A_103 = arith.constant 0 : i32
      %dma_start3A_104 = tpu.memref_slice %arg9[%dma_start3A_98, %dma_start3A_102, %dma_start3A_103] : memref<2x128x128xf32, #tpu.memory_space<vmem>> -> memref<1x128x128xf32, #tpu.memory_space<vmem>>
      %dma_start3A_105 = tpu.memref_squeeze %dma_start3A_104 : memref<1x128x128xf32, #tpu.memory_space<vmem>> -> memref<128x128xf32, #tpu.memory_space<vmem>>
      %dma_start3A_106 = arith.constant 0 : i32
      %dma_start3A_107 = tpu.memref_slice %arg8[%dma_start3A_99, %dma_start3A_100, %dma_start3A_106] : memref<2x8x128xi32, #tpu.memory_space<vmem>> -> memref<1x1x128xi32, #tpu.memory_space<vmem>>
      %dma_start3A_108 = tpu.memref_squeeze %dma_start3A_107 : memref<1x1x128xi32, #tpu.memory_space<vmem>> -> memref<128xi32, #tpu.memory_space<vmem>>
      %dma_start3A_109 = arith.constant 0 : i32
      %dma_start3A_110 = arith.constant 0 : i32
      %dma_start3A_111 = tpu.memref_slice %arg10[%dma_start3A_109, %dma_start3A_110] : memref<10112x128xf32, #tpu.memory_space<vmem_shared>> -> memref<10112x128xf32, #tpu.memory_space<vmem_shared>>
      %dma_start3A_112 = tpu.memref_slice %arg12[%dma_start3A_101] : memref<2x!tpu.dma_semaphore, #tpu.memory_space<semaphore_mem>> -> memref<1x!tpu.dma_semaphore, #tpu.memory_space<semaphore_mem>>
      %dma_start3A_113 = tpu.memref_squeeze %dma_start3A_112 : memref<1x!tpu.dma_semaphore, #tpu.memory_space<semaphore_mem>> -> memref<!tpu.dma_semaphore, #tpu.memory_space<semaphore_mem>>
      tpu.enqueue_indirect_dma source(%dma_start3A_105 : memref<128x128xf32, #tpu.memory_space<vmem>>) target(%dma_start3A_111 : memref<10112x128xf32, #tpu.memory_space<vmem_shared>>) offsets(%dma_start3A_108 : memref<128xi32, #tpu.memory_space<vmem>>) semaphore(%dma_start3A_113 : memref<!tpu.dma_semaphore, #tpu.memory_space<semaphore_mem>>) {add = true}
      %dma_wait3A_114 = arith.constant 1 : i32
      %dma_wait3A_115 = arith.constant 1 : i32
      %dma_wait3A_116 = arith.constant 0 : i32
      %dma_wait3A_117 = arith.constant 0 : i32
      %dma_wait3A_118 = tpu.memref_slice %arg9[%dma_wait3A_114, %dma_wait3A_116, %dma_wait3A_117] : memref<2x128x128xf32, #tpu.memory_space<vmem>> -> memref<1x128x128xf32, #tpu.memory_space<vmem>>
      %dma_wait3A_119 = tpu.memref_squeeze %dma_wait3A_118 : memref<1x128x128xf32, #tpu.memory_space<vmem>> -> memref<128x128xf32, #tpu.memory_space<vmem>>
      %dma_wait3A_120 = arith.constant 0 : i32
      %dma_wait3A_121 = arith.constant 0 : i32
      %dma_wait3A_122 = tpu.memref_slice %arg4[%dma_wait3A_120, %dma_wait3A_121] : memref<10000x128xf32, #tpu.memory_space<hbm>> -> memref<128x128xf32, #tpu.memory_space<hbm>>
      %dma_wait3A_123 = tpu.memref_slice %arg11[%dma_wait3A_115] : memref<2x!tpu.dma_semaphore, #tpu.memory_space<semaphore_mem>> -> memref<1x!tpu.dma_semaphore, #tpu.memory_space<semaphore_mem>>
      %dma_wait3A_124 = tpu.memref_squeeze %dma_wait3A_123 : memref<1x!tpu.dma_semaphore, #tpu.memory_space<semaphore_mem>> -> memref<!tpu.dma_semaphore, #tpu.memory_space<semaphore_mem>>
      %dma_wait3A_125 = arith.constant 0 : i32
      %dma_wait3A_126 = arith.constant 0 : i32
      %dma_wait3A_127 = tpu.memref_slice %arg9[%dma_wait3A_114, %dma_wait3A_125, %dma_wait3A_126] : memref<2x128x128xf32, #tpu.memory_space<vmem>> -> memref<1x128x128xf32, #tpu.memory_space<vmem>>
      %dma_wait3A_128 = tpu.memref_squeeze %dma_wait3A_127 : memref<1x128x128xf32, #tpu.memory_space<vmem>> -> memref<128x128xf32, #tpu.memory_space<vmem>>
      %dma_wait3A_129 = arith.constant 0 : i32
      %dma_wait3A_130 = arith.constant 0 : i32
      %dma_wait3A_131 = tpu.memref_slice %arg4[%dma_wait3A_129, %dma_wait3A_130] : memref<10000x128xf32, #tpu.memory_space<hbm>> -> memref<128x128xf32, #tpu.memory_space<hbm>>
      tpu.wait_dma2 semaphore(%dma_wait3A_124 : memref<!tpu.dma_semaphore, #tpu.memory_space<semaphore_mem>>) src(%dma_wait3A_131 : memref<128x128xf32, #tpu.memory_space<hbm>>) dst(%dma_wait3A_128 : memref<128x128xf32, #tpu.memory_space<vmem>>)
      %dma_start3A_132 = arith.constant 1 : i32
      %dma_start3A_133 = arith.constant 1 : i32
      %dma_start3A_134 = arith.constant 1 : i32
      %dma_start3A_135 = arith.constant 1 : i32
      %dma_start3A_136 = arith.constant 0 : i32
      %dma_start3A_137 = arith.constant 0 : i32
      %dma_start3A_138 = tpu.memref_slice %arg9[%dma_start3A_132, %dma_start3A_136, %dma_start3A_137] : memref<2x128x128xf32, #tpu.memory_space<vmem>> -> memref<1x128x128xf32, #tpu.memory_space<vmem>>
      %dma_start3A_139 = tpu.memref_squeeze %dma_start3A_138 : memref<1x128x128xf32, #tpu.memory_space<vmem>> -> memref<128x128xf32, #tpu.memory_space<vmem>>
      %dma_start3A_140 = arith.constant 0 : i32
      %dma_start3A_141 = tpu.memref_slice %arg8[%dma_start3A_133, %dma_start3A_134, %dma_start3A_140] : memref<2x8x128xi32, #tpu.memory_space<vmem>> -> memref<1x1x128xi32, #tpu.memory_space<vmem>>
      %dma_start3A_142 = tpu.memref_squeeze %dma_start3A_141 : memref<1x1x128xi32, #tpu.memory_space<vmem>> -> memref<128xi32, #tpu.memory_space<vmem>>
      %dma_start3A_143 = arith.constant 0 : i32
      %dma_start3A_144 = arith.constant 0 : i32
      %dma_start3A_145 = tpu.memref_slice %arg10[%dma_start3A_143, %dma_start3A_144] : memref<10112x128xf32, #tpu.memory_space<vmem_shared>> -> memref<10112x128xf32, #tpu.memory_space<vmem_shared>>
      %dma_start3A_146 = tpu.memref_slice %arg12[%dma_start3A_135] : memref<2x!tpu.dma_semaphore, #tpu.memory_space<semaphore_mem>> -> memref<1x!tpu.dma_semaphore, #tpu.memory_space<semaphore_mem>>
      %dma_start3A_147 = tpu.memref_squeeze %dma_start3A_146 : memref<1x!tpu.dma_semaphore, #tpu.memory_space<semaphore_mem>> -> memref<!tpu.dma_semaphore, #tpu.memory_space<semaphore_mem>>
      tpu.enqueue_indirect_dma source(%dma_start3A_139 : memref<128x128xf32, #tpu.memory_space<vmem>>) target(%dma_start3A_145 : memref<10112x128xf32, #tpu.memory_space<vmem_shared>>) offsets(%dma_start3A_142 : memref<128xi32, #tpu.memory_space<vmem>>) semaphore(%dma_start3A_147 : memref<!tpu.dma_semaphore, #tpu.memory_space<semaphore_mem>>) {add = true}
      %dma_wait3A_148 = arith.constant 0 : i32
      %dma_wait3A_149 = arith.constant 0 : i32
      %dma_wait3A_150 = arith.constant 0 : i32
      %dma_wait3A_151 = arith.constant 0 : i32
      %dma_wait3A_152 = tpu.memref_slice %arg9[%dma_wait3A_148, %dma_wait3A_150, %dma_wait3A_151] : memref<2x128x128xf32, #tpu.memory_space<vmem>> -> memref<1x128x128xf32, #tpu.memory_space<vmem>>
      %dma_wait3A_153 = tpu.memref_squeeze %dma_wait3A_152 : memref<1x128x128xf32, #tpu.memory_space<vmem>> -> memref<128x128xf32, #tpu.memory_space<vmem>>
      %dma_wait3A_154 = arith.constant 0 : i32
      %dma_wait3A_155 = arith.constant 0 : i32
      %dma_wait3A_156 = tpu.memref_slice %arg4[%dma_wait3A_154, %dma_wait3A_155] : memref<10000x128xf32, #tpu.memory_space<hbm>> -> memref<128x128xf32, #tpu.memory_space<hbm>>
      %dma_wait3A_157 = tpu.memref_slice %arg12[%dma_wait3A_149] : memref<2x!tpu.dma_semaphore, #tpu.memory_space<semaphore_mem>> -> memref<1x!tpu.dma_semaphore, #tpu.memory_space<semaphore_mem>>
      %dma_wait3A_158 = tpu.memref_squeeze %dma_wait3A_157 : memref<1x!tpu.dma_semaphore, #tpu.memory_space<semaphore_mem>> -> memref<!tpu.dma_semaphore, #tpu.memory_space<semaphore_mem>>
      %dma_wait3A_159 = arith.constant 0 : i32
      %dma_wait3A_160 = arith.constant 0 : i32
      %dma_wait3A_161 = tpu.memref_slice %arg9[%dma_wait3A_148, %dma_wait3A_159, %dma_wait3A_160] : memref<2x128x128xf32, #tpu.memory_space<vmem>> -> memref<1x128x128xf32, #tpu.memory_space<vmem>>
      %dma_wait3A_162 = tpu.memref_squeeze %dma_wait3A_161 : memref<1x128x128xf32, #tpu.memory_space<vmem>> -> memref<128x128xf32, #tpu.memory_space<vmem>>
      %dma_wait3A_163 = arith.constant 0 : i32
      %dma_wait3A_164 = arith.constant 0 : i32
      %dma_wait3A_165 = tpu.memref_slice %arg4[%dma_wait3A_163, %dma_wait3A_164] : memref<10000x128xf32, #tpu.memory_space<hbm>> -> memref<128x128xf32, #tpu.memory_space<hbm>>
      tpu.wait_dma2 semaphore(%dma_wait3A_158 : memref<!tpu.dma_semaphore, #tpu.memory_space<semaphore_mem>>) src(%dma_wait3A_165 : memref<128x128xf32, #tpu.memory_space<hbm>>) dst(%dma_wait3A_162 : memref<128x128xf32, #tpu.memory_space<vmem>>)
      %dma_start3A_166 = arith.constant 1 : i32
      %dma_start3A_167 = arith.constant 2 : i32
      %dma_start3A_168 = arith.constant 0 : i32
      %dma_start3A_169 = arith.constant 0 : i32
      %dma_start3A_170 = arith.constant 0 : i32
      %dma_start3A_171 = arith.constant 0 : i32
      %dma_start3A_172 = tpu.memref_slice %arg9[%dma_start3A_168, %dma_start3A_170, %dma_start3A_171] : memref<2x128x128xf32, #tpu.memory_space<vmem>> -> memref<1x128x128xf32, #tpu.memory_space<vmem>>
      %dma_start3A_173 = tpu.memref_squeeze %dma_start3A_172 : memref<1x128x128xf32, #tpu.memory_space<vmem>> -> memref<128x128xf32, #tpu.memory_space<vmem>>
      %dma_start3A_174 = arith.constant 0 : i32
      %dma_start3A_175 = tpu.memref_slice %arg7[%dma_start3A_166, %dma_start3A_167, %dma_start3A_174] : memref<2x8x128xi32, #tpu.memory_space<vmem>> -> memref<1x1x128xi32, #tpu.memory_space<vmem>>
      %dma_start3A_176 = tpu.memref_squeeze %dma_start3A_175 : memref<1x1x128xi32, #tpu.memory_space<vmem>> -> memref<128xi32, #tpu.memory_space<vmem>>
      %dma_start3A_177 = arith.constant 0 : i32
      %dma_start3A_178 = arith.constant 0 : i32
      %dma_start3A_179 = tpu.memref_slice %arg4[%dma_start3A_177, %dma_start3A_178] : memref<10000x128xf32, #tpu.memory_space<hbm>> -> memref<10000x128xf32, #tpu.memory_space<hbm>>
      %dma_start3A_180 = tpu.memref_slice %arg11[%dma_start3A_169] : memref<2x!tpu.dma_semaphore, #tpu.memory_space<semaphore_mem>> -> memref<1x!tpu.dma_semaphore, #tpu.memory_space<semaphore_mem>>
      %dma_start3A_181 = tpu.memref_squeeze %dma_start3A_180 : memref<1x!tpu.dma_semaphore, #tpu.memory_space<semaphore_mem>> -> memref<!tpu.dma_semaphore, #tpu.memory_space<semaphore_mem>>
      tpu.enqueue_indirect_dma source(%dma_start3A_179 : memref<10000x128xf32, #tpu.memory_space<hbm>>) target(%dma_start3A_173 : memref<128x128xf32, #tpu.memory_space<vmem>>) offsets(%dma_start3A_176 : memref<128xi32, #tpu.memory_space<vmem>>) semaphore(%dma_start3A_181 : memref<!tpu.dma_semaphore, #tpu.memory_space<semaphore_mem>>)
      %dma_wait3A_182 = arith.constant 1 : i32
      %dma_wait3A_183 = arith.constant 1 : i32
      %dma_wait3A_184 = arith.constant 0 : i32
      %dma_wait3A_185 = arith.constant 0 : i32
      %dma_wait3A_186 = tpu.memref_slice %arg9[%dma_wait3A_182, %dma_wait3A_184, %dma_wait3A_185] : memref<2x128x128xf32, #tpu.memory_space<vmem>> -> memref<1x128x128xf32, #tpu.memory_space<vmem>>
      %dma_wait3A_187 = tpu.memref_squeeze %dma_wait3A_186 : memref<1x128x128xf32, #tpu.memory_space<vmem>> -> memref<128x128xf32, #tpu.memory_space<vmem>>
      %dma_wait3A_188 = arith.constant 0 : i32
      %dma_wait3A_189 = arith.constant 0 : i32
      %dma_wait3A_190 = tpu.memref_slice %arg4[%dma_wait3A_188, %dma_wait3A_189] : memref<10000x128xf32, #tpu.memory_space<hbm>> -> memref<128x128xf32, #tpu.memory_space<hbm>>
      %dma_wait3A_191 = tpu.memref_slice %arg12[%dma_wait3A_183] : memref<2x!tpu.dma_semaphore, #tpu.memory_space<semaphore_mem>> -> memref<1x!tpu.dma_semaphore, #tpu.memory_space<semaphore_mem>>
      %dma_wait3A_192 = tpu.memref_squeeze %dma_wait3A_191 : memref<1x!tpu.dma_semaphore, #tpu.memory_space<semaphore_mem>> -> memref<!tpu.dma_semaphore, #tpu.memory_space<semaphore_mem>>
      %dma_wait3A_193 = arith.constant 0 : i32
      %dma_wait3A_194 = arith.constant 0 : i32
      %dma_wait3A_195 = tpu.memref_slice %arg9[%dma_wait3A_182, %dma_wait3A_193, %dma_wait3A_194] : memref<2x128x128xf32, #tpu.memory_space<vmem>> -> memref<1x128x128xf32, #tpu.memory_space<vmem>>
      %dma_wait3A_196 = tpu.memref_squeeze %dma_wait3A_195 : memref<1x128x128xf32, #tpu.memory_space<vmem>> -> memref<128x128xf32, #tpu.memory_space<vmem>>
      %dma_wait3A_197 = arith.constant 0 : i32
      %dma_wait3A_198 = arith.constant 0 : i32
      %dma_wait3A_199 = tpu.memref_slice %arg4[%dma_wait3A_197, %dma_wait3A_198] : memref<10000x128xf32, #tpu.memory_space<hbm>> -> memref<128x128xf32, #tpu.memory_space<hbm>>
      tpu.wait_dma2 semaphore(%dma_wait3A_192 : memref<!tpu.dma_semaphore, #tpu.memory_space<semaphore_mem>>) src(%dma_wait3A_199 : memref<128x128xf32, #tpu.memory_space<hbm>>) dst(%dma_wait3A_196 : memref<128x128xf32, #tpu.memory_space<vmem>>)
      %dma_start3A_200 = arith.constant 1 : i32
      %dma_start3A_201 = arith.constant 3 : i32
      %dma_start3A_202 = arith.constant 1 : i32
      %dma_start3A_203 = arith.constant 1 : i32
      %dma_start3A_204 = arith.constant 0 : i32
      %dma_start3A_205 = arith.constant 0 : i32
      %dma_start3A_206 = tpu.memref_slice %arg9[%dma_start3A_202, %dma_start3A_204, %dma_start3A_205] : memref<2x128x128xf32, #tpu.memory_space<vmem>> -> memref<1x128x128xf32, #tpu.memory_space<vmem>>
      %dma_start3A_207 = tpu.memref_squeeze %dma_start3A_206 : memref<1x128x128xf32, #tpu.memory_space<vmem>> -> memref<128x128xf32, #tpu.memory_space<vmem>>
      %dma_start3A_208 = arith.constant 0 : i32
      %dma_start3A_209 = tpu.memref_slice %arg7[%dma_start3A_200, %dma_start3A_201, %dma_start3A_208] : memref<2x8x128xi32, #tpu.memory_space<vmem>> -> memref<1x1x128xi32, #tpu.memory_space<vmem>>
      %dma_start3A_210 = tpu.memref_squeeze %dma_start3A_209 : memref<1x1x128xi32, #tpu.memory_space<vmem>> -> memref<128xi32, #tpu.memory_space<vmem>>
      %dma_start3A_211 = arith.constant 0 : i32
      %dma_start3A_212 = arith.constant 0 : i32
      %dma_start3A_213 = tpu.memref_slice %arg4[%dma_start3A_211, %dma_start3A_212] : memref<10000x128xf32, #tpu.memory_space<hbm>> -> memref<10000x128xf32, #tpu.memory_space<hbm>>
      %dma_start3A_214 = tpu.memref_slice %arg11[%dma_start3A_203] : memref<2x!tpu.dma_semaphore, #tpu.memory_space<semaphore_mem>> -> memref<1x!tpu.dma_semaphore, #tpu.memory_space<semaphore_mem>>
      %dma_start3A_215 = tpu.memref_squeeze %dma_start3A_214 : memref<1x!tpu.dma_semaphore, #tpu.memory_space<semaphore_mem>> -> memref<!tpu.dma_semaphore, #tpu.memory_space<semaphore_mem>>
      tpu.enqueue_indirect_dma source(%dma_start3A_213 : memref<10000x128xf32, #tpu.memory_space<hbm>>) target(%dma_start3A_207 : memref<128x128xf32, #tpu.memory_space<vmem>>) offsets(%dma_start3A_210 : memref<128xi32, #tpu.memory_space<vmem>>) semaphore(%dma_start3A_215 : memref<!tpu.dma_semaphore, #tpu.memory_space<semaphore_mem>>)
      %dma_wait3A_216 = arith.constant 0 : i32
      %dma_wait3A_217 = arith.constant 0 : i32
      %dma_wait3A_218 = arith.constant 0 : i32
      %dma_wait3A_219 = arith.constant 0 : i32
      %dma_wait3A_220 = tpu.memref_slice %arg9[%dma_wait3A_216, %dma_wait3A_218, %dma_wait3A_219] : memref<2x128x128xf32, #tpu.memory_space<vmem>> -> memref<1x128x128xf32, #tpu.memory_space<vmem>>
      %dma_wait3A_221 = tpu.memref_squeeze %dma_wait3A_220 : memref<1x128x128xf32, #tpu.memory_space<vmem>> -> memref<128x128xf32, #tpu.memory_space<vmem>>
      %dma_wait3A_222 = arith.constant 0 : i32
      %dma_wait3A_223 = arith.constant 0 : i32
      %dma_wait3A_224 = tpu.memref_slice %arg4[%dma_wait3A_222, %dma_wait3A_223] : memref<10000x128xf32, #tpu.memory_space<hbm>> -> memref<128x128xf32, #tpu.memory_space<hbm>>
      %dma_wait3A_225 = tpu.memref_slice %arg11[%dma_wait3A_217] : memref<2x!tpu.dma_semaphore, #tpu.memory_space<semaphore_mem>> -> memref<1x!tpu.dma_semaphore, #tpu.memory_space<semaphore_mem>>
      %dma_wait3A_226 = tpu.memref_squeeze %dma_wait3A_225 : memref<1x!tpu.dma_semaphore, #tpu.memory_space<semaphore_mem>> -> memref<!tpu.dma_semaphore, #tpu.memory_space<semaphore_mem>>
      %dma_wait3A_227 = arith.constant 0 : i32
      %dma_wait3A_228 = arith.constant 0 : i32
      %dma_wait3A_229 = tpu.memref_slice %arg9[%dma_wait3A_216, %dma_wait3A_227, %dma_wait3A_228] : memref<2x128x128xf32, #tpu.memory_space<vmem>> -> memref<1x128x128xf32, #tpu.memory_space<vmem>>
      %dma_wait3A_230 = tpu.memref_squeeze %dma_wait3A_229 : memref<1x128x128xf32, #tpu.memory_space<vmem>> -> memref<128x128xf32, #tpu.memory_space<vmem>>
      %dma_wait3A_231 = arith.constant 0 : i32
      %dma_wait3A_232 = arith.constant 0 : i32
      %dma_wait3A_233 = tpu.memref_slice %arg4[%dma_wait3A_231, %dma_wait3A_232] : memref<10000x128xf32, #tpu.memory_space<hbm>> -> memref<128x128xf32, #tpu.memory_space<hbm>>
      tpu.wait_dma2 semaphore(%dma_wait3A_226 : memref<!tpu.dma_semaphore, #tpu.memory_space<semaphore_mem>>) src(%dma_wait3A_233 : memref<128x128xf32, #tpu.memory_space<hbm>>) dst(%dma_wait3A_230 : memref<128x128xf32, #tpu.memory_space<vmem>>)
      %dma_start3A_234 = arith.constant 0 : i32
      %dma_start3A_235 = arith.constant 1 : i32
      %dma_start3A_236 = arith.constant 2 : i32
      %dma_start3A_237 = arith.constant 0 : i32
      %dma_start3A_238 = arith.constant 0 : i32
      %dma_start3A_239 = arith.constant 0 : i32
      %dma_start3A_240 = tpu.memref_slice %arg9[%dma_start3A_234, %dma_start3A_238, %dma_start3A_239] : memref<2x128x128xf32, #tpu.memory_space<vmem>> -> memref<1x128x128xf32, #tpu.memory_space<vmem>>
      %dma_start3A_241 = tpu.memref_squeeze %dma_start3A_240 : memref<1x128x128xf32, #tpu.memory_space<vmem>> -> memref<128x128xf32, #tpu.memory_space<vmem>>
      %dma_start3A_242 = arith.constant 0 : i32
      %dma_start3A_243 = tpu.memref_slice %arg8[%dma_start3A_235, %dma_start3A_236, %dma_start3A_242] : memref<2x8x128xi32, #tpu.memory_space<vmem>> -> memref<1x1x128xi32, #tpu.memory_space<vmem>>
      %dma_start3A_244 = tpu.memref_squeeze %dma_start3A_243 : memref<1x1x128xi32, #tpu.memory_space<vmem>> -> memref<128xi32, #tpu.memory_space<vmem>>
      %dma_start3A_245 = arith.constant 0 : i32
      %dma_start3A_246 = arith.constant 0 : i32
      %dma_start3A_247 = tpu.memref_slice %arg10[%dma_start3A_245, %dma_start3A_246] : memref<10112x128xf32, #tpu.memory_space<vmem_shared>> -> memref<10112x128xf32, #tpu.memory_space<vmem_shared>>
      %dma_start3A_248 = tpu.memref_slice %arg12[%dma_start3A_237] : memref<2x!tpu.dma_semaphore, #tpu.memory_space<semaphore_mem>> -> memref<1x!tpu.dma_semaphore, #tpu.memory_space<semaphore_mem>>
      %dma_start3A_249 = tpu.memref_squeeze %dma_start3A_248 : memref<1x!tpu.dma_semaphore, #tpu.memory_space<semaphore_mem>> -> memref<!tpu.dma_semaphore, #tpu.memory_space<semaphore_mem>>
      tpu.enqueue_indirect_dma source(%dma_start3A_241 : memref<128x128xf32, #tpu.memory_space<vmem>>) target(%dma_start3A_247 : memref<10112x128xf32, #tpu.memory_space<vmem_shared>>) offsets(%dma_start3A_244 : memref<128xi32, #tpu.memory_space<vmem>>) semaphore(%dma_start3A_249 : memref<!tpu.dma_semaphore, #tpu.memory_space<semaphore_mem>>) {add = true}
      %dma_wait3A_250 = arith.constant 1 : i32
      %dma_wait3A_251 = arith.constant 1 : i32
      %dma_wait3A_252 = arith.constant 0 : i32
      %dma_wait3A_253 = arith.constant 0 : i32
      %dma_wait3A_254 = tpu.memref_slice %arg9[%dma_wait3A_250, %dma_wait3A_252, %dma_wait3A_253] : memref<2x128x128xf32, #tpu.memory_space<vmem>> -> memref<1x128x128xf32, #tpu.memory_space<vmem>>
      %dma_wait3A_255 = tpu.memref_squeeze %dma_wait3A_254 : memref<1x128x128xf32, #tpu.memory_space<vmem>> -> memref<128x128xf32, #tpu.memory_space<vmem>>
      %dma_wait3A_256 = arith.constant 0 : i32
      %dma_wait3A_257 = arith.constant 0 : i32
      %dma_wait3A_258 = tpu.memref_slice %arg4[%dma_wait3A_256, %dma_wait3A_257] : memref<10000x128xf32, #tpu.memory_space<hbm>> -> memref<128x128xf32, #tpu.memory_space<hbm>>
      %dma_wait3A_259 = tpu.memref_slice %arg11[%dma_wait3A_251] : memref<2x!tpu.dma_semaphore, #tpu.memory_space<semaphore_mem>> -> memref<1x!tpu.dma_semaphore, #tpu.memory_space<semaphore_mem>>
      %dma_wait3A_260 = tpu.memref_squeeze %dma_wait3A_259 : memref<1x!tpu.dma_semaphore, #tpu.memory_space<semaphore_mem>> -> memref<!tpu.dma_semaphore, #tpu.memory_space<semaphore_mem>>
      %dma_wait3A_261 = arith.constant 0 : i32
      %dma_wait3A_262 = arith.constant 0 : i32
      %dma_wait3A_263 = tpu.memref_slice %arg9[%dma_wait3A_250, %dma_wait3A_261, %dma_wait3A_262] : memref<2x128x128xf32, #tpu.memory_space<vmem>> -> memref<1x128x128xf32, #tpu.memory_space<vmem>>
      %dma_wait3A_264 = tpu.memref_squeeze %dma_wait3A_263 : memref<1x128x128xf32, #tpu.memory_space<vmem>> -> memref<128x128xf32, #tpu.memory_space<vmem>>
      %dma_wait3A_265 = arith.constant 0 : i32
      %dma_wait3A_266 = arith.constant 0 : i32
      %dma_wait3A_267 = tpu.memref_slice %arg4[%dma_wait3A_265, %dma_wait3A_266] : memref<10000x128xf32, #tpu.memory_space<hbm>> -> memref<128x128xf32, #tpu.memory_space<hbm>>
      tpu.wait_dma2 semaphore(%dma_wait3A_260 : memref<!tpu.dma_semaphore, #tpu.memory_space<semaphore_mem>>) src(%dma_wait3A_267 : memref<128x128xf32, #tpu.memory_space<hbm>>) dst(%dma_wait3A_264 : memref<128x128xf32, #tpu.memory_space<vmem>>)
      %dma_start3A_268 = arith.constant 1 : i32
      %dma_start3A_269 = arith.constant 1 : i32
      %dma_start3A_270 = arith.constant 3 : i32
      %dma_start3A_271 = arith.constant 1 : i32
      %dma_start3A_272 = arith.constant 0 : i32
      %dma_start3A_273 = arith.constant 0 : i32
      %dma_start3A_274 = tpu.memref_slice %arg9[%dma_start3A_268, %dma_start3A_272, %dma_start3A_273] : memref<2x128x128xf32, #tpu.memory_space<vmem>> -> memref<1x128x128xf32, #tpu.memory_space<vmem>>
      %dma_start3A_275 = tpu.memref_squeeze %dma_start3A_274 : memref<1x128x128xf32, #tpu.memory_space<vmem>> -> memref<128x128xf32, #tpu.memory_space<vmem>>
      %dma_start3A_276 = arith.constant 0 : i32
      %dma_start3A_277 = tpu.memref_slice %arg8[%dma_start3A_269, %dma_start3A_270, %dma_start3A_276] : memref<2x8x128xi32, #tpu.memory_space<vmem>> -> memref<1x1x128xi32, #tpu.memory_space<vmem>>
      %dma_start3A_278 = tpu.memref_squeeze %dma_start3A_277 : memref<1x1x128xi32, #tpu.memory_space<vmem>> -> memref<128xi32, #tpu.memory_space<vmem>>
      %dma_start3A_279 = arith.constant 0 : i32
      %dma_start3A_280 = arith.constant 0 : i32
      %dma_start3A_281 = tpu.memref_slice %arg10[%dma_start3A_279, %dma_start3A_280] : memref<10112x128xf32, #tpu.memory_space<vmem_shared>> -> memref<10112x128xf32, #tpu.memory_space<vmem_shared>>
      %dma_start3A_282 = tpu.memref_slice %arg12[%dma_start3A_271] : memref<2x!tpu.dma_semaphore, #tpu.memory_space<semaphore_mem>> -> memref<1x!tpu.dma_semaphore, #tpu.memory_space<semaphore_mem>>
      %dma_start3A_283 = tpu.memref_squeeze %dma_start3A_282 : memref<1x!tpu.dma_semaphore, #tpu.memory_space<semaphore_mem>> -> memref<!tpu.dma_semaphore, #tpu.memory_space<semaphore_mem>>
      tpu.enqueue_indirect_dma source(%dma_start3A_275 : memref<128x128xf32, #tpu.memory_space<vmem>>) target(%dma_start3A_281 : memref<10112x128xf32, #tpu.memory_space<vmem_shared>>) offsets(%dma_start3A_278 : memref<128xi32, #tpu.memory_space<vmem>>) semaphore(%dma_start3A_283 : memref<!tpu.dma_semaphore, #tpu.memory_space<semaphore_mem>>) {add = true}
      %dma_wait3A_284 = arith.constant 0 : i32
      %dma_wait3A_285 = arith.constant 0 : i32
      %dma_wait3A_286 = arith.constant 0 : i32
      %dma_wait3A_287 = arith.constant 0 : i32
      %dma_wait3A_288 = tpu.memref_slice %arg9[%dma_wait3A_284, %dma_wait3A_286, %dma_wait3A_287] : memref<2x128x128xf32, #tpu.memory_space<vmem>> -> memref<1x128x128xf32, #tpu.memory_space<vmem>>
      %dma_wait3A_289 = tpu.memref_squeeze %dma_wait3A_288 : memref<1x128x128xf32, #tpu.memory_space<vmem>> -> memref<128x128xf32, #tpu.memory_space<vmem>>
      %dma_wait3A_290 = arith.constant 0 : i32
      %dma_wait3A_291 = arith.constant 0 : i32
      %dma_wait3A_292 = tpu.memref_slice %arg4[%dma_wait3A_290, %dma_wait3A_291] : memref<10000x128xf32, #tpu.memory_space<hbm>> -> memref<128x128xf32, #tpu.memory_space<hbm>>
      %dma_wait3A_293 = tpu.memref_slice %arg12[%dma_wait3A_285] : memref<2x!tpu.dma_semaphore, #tpu.memory_space<semaphore_mem>> -> memref<1x!tpu.dma_semaphore, #tpu.memory_space<semaphore_mem>>
      %dma_wait3A_294 = tpu.memref_squeeze %dma_wait3A_293 : memref<1x!tpu.dma_semaphore, #tpu.memory_space<semaphore_mem>> -> memref<!tpu.dma_semaphore, #tpu.memory_space<semaphore_mem>>
      %dma_wait3A_295 = arith.constant 0 : i32
      %dma_wait3A_296 = arith.constant 0 : i32
      %dma_wait3A_297 = tpu.memref_slice %arg9[%dma_wait3A_284, %dma_wait3A_295, %dma_wait3A_296] : memref<2x128x128xf32, #tpu.memory_space<vmem>> -> memref<1x128x128xf32, #tpu.memory_space<vmem>>
      %dma_wait3A_298 = tpu.memref_squeeze %dma_wait3A_297 : memref<1x128x128xf32, #tpu.memory_space<vmem>> -> memref<128x128xf32, #tpu.memory_space<vmem>>
      %dma_wait3A_299 = arith.constant 0 : i32
      %dma_wait3A_300 = arith.constant 0 : i32
      %dma_wait3A_301 = tpu.memref_slice %arg4[%dma_wait3A_299, %dma_wait3A_300] : memref<10000x128xf32, #tpu.memory_space<hbm>> -> memref<128x128xf32, #tpu.memory_space<hbm>>
      tpu.wait_dma2 semaphore(%dma_wait3A_294 : memref<!tpu.dma_semaphore, #tpu.memory_space<semaphore_mem>>) src(%dma_wait3A_301 : memref<128x128xf32, #tpu.memory_space<hbm>>) dst(%dma_wait3A_298 : memref<128x128xf32, #tpu.memory_space<vmem>>)
      %dma_start3A_302 = arith.constant 1 : i32
      %dma_start3A_303 = arith.constant 4 : i32
      %dma_start3A_304 = arith.constant 0 : i32
      %dma_start3A_305 = arith.constant 0 : i32
      %dma_start3A_306 = arith.constant 0 : i32
      %dma_start3A_307 = arith.constant 0 : i32
      %dma_start3A_308 = tpu.memref_slice %arg9[%dma_start3A_304, %dma_start3A_306, %dma_start3A_307] : memref<2x128x128xf32, #tpu.memory_space<vmem>> -> memref<1x128x128xf32, #tpu.memory_space<vmem>>
      %dma_start3A_309 = tpu.memref_squeeze %dma_start3A_308 : memref<1x128x128xf32, #tpu.memory_space<vmem>> -> memref<128x128xf32, #tpu.memory_space<vmem>>
      %dma_start3A_310 = arith.constant 0 : i32
      %dma_start3A_311 = tpu.memref_slice %arg7[%dma_start3A_302, %dma_start3A_303, %dma_start3A_310] : memref<2x8x128xi32, #tpu.memory_space<vmem>> -> memref<1x1x128xi32, #tpu.memory_space<vmem>>
      %dma_start3A_312 = tpu.memref_squeeze %dma_start3A_311 : memref<1x1x128xi32, #tpu.memory_space<vmem>> -> memref<128xi32, #tpu.memory_space<vmem>>
      %dma_start3A_313 = arith.constant 0 : i32
      %dma_start3A_314 = arith.constant 0 : i32
      %dma_start3A_315 = tpu.memref_slice %arg4[%dma_start3A_313, %dma_start3A_314] : memref<10000x128xf32, #tpu.memory_space<hbm>> -> memref<10000x128xf32, #tpu.memory_space<hbm>>
      %dma_start3A_316 = tpu.memref_slice %arg11[%dma_start3A_305] : memref<2x!tpu.dma_semaphore, #tpu.memory_space<semaphore_mem>> -> memref<1x!tpu.dma_semaphore, #tpu.memory_space<semaphore_mem>>
      %dma_start3A_317 = tpu.memref_squeeze %dma_start3A_316 : memref<1x!tpu.dma_semaphore, #tpu.memory_space<semaphore_mem>> -> memref<!tpu.dma_semaphore, #tpu.memory_space<semaphore_mem>>
      tpu.enqueue_indirect_dma source(%dma_start3A_315 : memref<10000x128xf32, #tpu.memory_space<hbm>>) target(%dma_start3A_309 : memref<128x128xf32, #tpu.memory_space<vmem>>) offsets(%dma_start3A_312 : memref<128xi32, #tpu.memory_space<vmem>>) semaphore(%dma_start3A_317 : memref<!tpu.dma_semaphore, #tpu.memory_space<semaphore_mem>>)
      %dma_wait3A_318 = arith.constant 1 : i32
      %dma_wait3A_319 = arith.constant 1 : i32
      %dma_wait3A_320 = arith.constant 0 : i32
      %dma_wait3A_321 = arith.constant 0 : i32
      %dma_wait3A_322 = tpu.memref_slice %arg9[%dma_wait3A_318, %dma_wait3A_320, %dma_wait3A_321] : memref<2x128x128xf32, #tpu.memory_space<vmem>> -> memref<1x128x128xf32, #tpu.memory_space<vmem>>
      %dma_wait3A_323 = tpu.memref_squeeze %dma_wait3A_322 : memref<1x128x128xf32, #tpu.memory_space<vmem>> -> memref<128x128xf32, #tpu.memory_space<vmem>>
      %dma_wait3A_324 = arith.constant 0 : i32
      %dma_wait3A_325 = arith.constant 0 : i32
      %dma_wait3A_326 = tpu.memref_slice %arg4[%dma_wait3A_324, %dma_wait3A_325] : memref<10000x128xf32, #tpu.memory_space<hbm>> -> memref<128x128xf32, #tpu.memory_space<hbm>>
      %dma_wait3A_327 = tpu.memref_slice %arg12[%dma_wait3A_319] : memref<2x!tpu.dma_semaphore, #tpu.memory_space<semaphore_mem>> -> memref<1x!tpu.dma_semaphore, #tpu.memory_space<semaphore_mem>>
      %dma_wait3A_328 = tpu.memref_squeeze %dma_wait3A_327 : memref<1x!tpu.dma_semaphore, #tpu.memory_space<semaphore_mem>> -> memref<!tpu.dma_semaphore, #tpu.memory_space<semaphore_mem>>
      %dma_wait3A_329 = arith.constant 0 : i32
      %dma_wait3A_330 = arith.constant 0 : i32
      %dma_wait3A_331 = tpu.memref_slice %arg9[%dma_wait3A_318, %dma_wait3A_329, %dma_wait3A_330] : memref<2x128x128xf32, #tpu.memory_space<vmem>> -> memref<1x128x128xf32, #tpu.memory_space<vmem>>
      %dma_wait3A_332 = tpu.memref_squeeze %dma_wait3A_331 : memref<1x128x128xf32, #tpu.memory_space<vmem>> -> memref<128x128xf32, #tpu.memory_space<vmem>>
      %dma_wait3A_333 = arith.constant 0 : i32
      %dma_wait3A_334 = arith.constant 0 : i32
      %dma_wait3A_335 = tpu.memref_slice %arg4[%dma_wait3A_333, %dma_wait3A_334] : memref<10000x128xf32, #tpu.memory_space<hbm>> -> memref<128x128xf32, #tpu.memory_space<hbm>>
      tpu.wait_dma2 semaphore(%dma_wait3A_328 : memref<!tpu.dma_semaphore, #tpu.memory_space<semaphore_mem>>) src(%dma_wait3A_335 : memref<128x128xf32, #tpu.memory_space<hbm>>) dst(%dma_wait3A_332 : memref<128x128xf32, #tpu.memory_space<vmem>>)
      %dma_start3A_336 = arith.constant 1 : i32
      %dma_start3A_337 = arith.constant 5 : i32
      %dma_start3A_338 = arith.constant 1 : i32
      %dma_start3A_339 = arith.constant 1 : i32
      %dma_start3A_340 = arith.constant 0 : i32
      %dma_start3A_341 = arith.constant 0 : i32
      %dma_start3A_342 = tpu.memref_slice %arg9[%dma_start3A_338, %dma_start3A_340, %dma_start3A_341] : memref<2x128x128xf32, #tpu.memory_space<vmem>> -> memref<1x128x128xf32, #tpu.memory_space<vmem>>
      %dma_start3A_343 = tpu.memref_squeeze %dma_start3A_342 : memref<1x128x128xf32, #tpu.memory_space<vmem>> -> memref<128x128xf32, #tpu.memory_space<vmem>>
      %dma_start3A_344 = arith.constant 0 : i32
      %dma_start3A_345 = tpu.memref_slice %arg7[%dma_start3A_336, %dma_start3A_337, %dma_start3A_344] : memref<2x8x128xi32, #tpu.memory_space<vmem>> -> memref<1x1x128xi32, #tpu.memory_space<vmem>>
      %dma_start3A_346 = tpu.memref_squeeze %dma_start3A_345 : memref<1x1x128xi32, #tpu.memory_space<vmem>> -> memref<128xi32, #tpu.memory_space<vmem>>
      %dma_start3A_347 = arith.constant 0 : i32
      %dma_start3A_348 = arith.constant 0 : i32
      %dma_start3A_349 = tpu.memref_slice %arg4[%dma_start3A_347, %dma_start3A_348] : memref<10000x128xf32, #tpu.memory_space<hbm>> -> memref<10000x128xf32, #tpu.memory_space<hbm>>
      %dma_start3A_350 = tpu.memref_slice %arg11[%dma_start3A_339] : memref<2x!tpu.dma_semaphore, #tpu.memory_space<semaphore_mem>> -> memref<1x!tpu.dma_semaphore, #tpu.memory_space<semaphore_mem>>
      %dma_start3A_351 = tpu.memref_squeeze %dma_start3A_350 : memref<1x!tpu.dma_semaphore, #tpu.memory_space<semaphore_mem>> -> memref<!tpu.dma_semaphore, #tpu.memory_space<semaphore_mem>>
      tpu.enqueue_indirect_dma source(%dma_start3A_349 : memref<10000x128xf32, #tpu.memory_space<hbm>>) target(%dma_start3A_343 : memref<128x128xf32, #tpu.memory_space<vmem>>) offsets(%dma_start3A_346 : memref<128xi32, #tpu.memory_space<vmem>>) semaphore(%dma_start3A_351 : memref<!tpu.dma_semaphore, #tpu.memory_space<semaphore_mem>>)
      %dma_wait3A_352 = arith.constant 0 : i32
      %dma_wait3A_353 = arith.constant 0 : i32
      %dma_wait3A_354 = arith.constant 0 : i32
      %dma_wait3A_355 = arith.constant 0 : i32
      %dma_wait3A_356 = tpu.memref_slice %arg9[%dma_wait3A_352, %dma_wait3A_354, %dma_wait3A_355] : memref<2x128x128xf32, #tpu.memory_space<vmem>> -> memref<1x128x128xf32, #tpu.memory_space<vmem>>
      %dma_wait3A_357 = tpu.memref_squeeze %dma_wait3A_356 : memref<1x128x128xf32, #tpu.memory_space<vmem>> -> memref<128x128xf32, #tpu.memory_space<vmem>>
      %dma_wait3A_358 = arith.constant 0 : i32
      %dma_wait3A_359 = arith.constant 0 : i32
      %dma_wait3A_360 = tpu.memref_slice %arg4[%dma_wait3A_358, %dma_wait3A_359] : memref<10000x128xf32, #tpu.memory_space<hbm>> -> memref<128x128xf32, #tpu.memory_space<hbm>>
      %dma_wait3A_361 = tpu.memref_slice %arg11[%dma_wait3A_353] : memref<2x!tpu.dma_semaphore, #tpu.memory_space<semaphore_mem>> -> memref<1x!tpu.dma_semaphore, #tpu.memory_space<semaphore_mem>>
      %dma_wait3A_362 = tpu.memref_squeeze %dma_wait3A_361 : memref<1x!tpu.dma_semaphore, #tpu.memory_space<semaphore_mem>> -> memref<!tpu.dma_semaphore, #tpu.memory_space<semaphore_mem>>
      %dma_wait3A_363 = arith.constant 0 : i32
      %dma_wait3A_364 = arith.constant 0 : i32
      %dma_wait3A_365 = tpu.memref_slice %arg9[%dma_wait3A_352, %dma_wait3A_363, %dma_wait3A_364] : memref<2x128x128xf32, #tpu.memory_space<vmem>> -> memref<1x128x128xf32, #tpu.memory_space<vmem>>
      %dma_wait3A_366 = tpu.memref_squeeze %dma_wait3A_365 : memref<1x128x128xf32, #tpu.memory_space<vmem>> -> memref<128x128xf32, #tpu.memory_space<vmem>>
      %dma_wait3A_367 = arith.constant 0 : i32
      %dma_wait3A_368 = arith.constant 0 : i32
      %dma_wait3A_369 = tpu.memref_slice %arg4[%dma_wait3A_367, %dma_wait3A_368] : memref<10000x128xf32, #tpu.memory_space<hbm>> -> memref<128x128xf32, #tpu.memory_space<hbm>>
      tpu.wait_dma2 semaphore(%dma_wait3A_362 : memref<!tpu.dma_semaphore, #tpu.memory_space<semaphore_mem>>) src(%dma_wait3A_369 : memref<128x128xf32, #tpu.memory_space<hbm>>) dst(%dma_wait3A_366 : memref<128x128xf32, #tpu.memory_space<vmem>>)
      %dma_start3A_370 = arith.constant 0 : i32
      %dma_start3A_371 = arith.constant 1 : i32
      %dma_start3A_372 = arith.constant 4 : i32
      %dma_start3A_373 = arith.constant 0 : i32
      %dma_start3A_374 = arith.constant 0 : i32
      %dma_start3A_375 = arith.constant 0 : i32
      %dma_start3A_376 = tpu.memref_slice %arg9[%dma_start3A_370, %dma_start3A_374, %dma_start3A_375] : memref<2x128x128xf32, #tpu.memory_space<vmem>> -> memref<1x128x128xf32, #tpu.memory_space<vmem>>
      %dma_start3A_377 = tpu.memref_squeeze %dma_start3A_376 : memref<1x128x128xf32, #tpu.memory_space<vmem>> -> memref<128x128xf32, #tpu.memory_space<vmem>>
      %dma_start3A_378 = arith.constant 0 : i32
      %dma_start3A_379 = tpu.memref_slice %arg8[%dma_start3A_371, %dma_start3A_372, %dma_start3A_378] : memref<2x8x128xi32, #tpu.memory_space<vmem>> -> memref<1x1x128xi32, #tpu.memory_space<vmem>>
      %dma_start3A_380 = tpu.memref_squeeze %dma_start3A_379 : memref<1x1x128xi32, #tpu.memory_space<vmem>> -> memref<128xi32, #tpu.memory_space<vmem>>
      %dma_start3A_381 = arith.constant 0 : i32
      %dma_start3A_382 = arith.constant 0 : i32
      %dma_start3A_383 = tpu.memref_slice %arg10[%dma_start3A_381, %dma_start3A_382] : memref<10112x128xf32, #tpu.memory_space<vmem_shared>> -> memref<10112x128xf32, #tpu.memory_space<vmem_shared>>
      %dma_start3A_384 = tpu.memref_slice %arg12[%dma_start3A_373] : memref<2x!tpu.dma_semaphore, #tpu.memory_space<semaphore_mem>> -> memref<1x!tpu.dma_semaphore, #tpu.memory_space<semaphore_mem>>
      %dma_start3A_385 = tpu.memref_squeeze %dma_start3A_384 : memref<1x!tpu.dma_semaphore, #tpu.memory_space<semaphore_mem>> -> memref<!tpu.dma_semaphore, #tpu.memory_space<semaphore_mem>>
      tpu.enqueue_indirect_dma source(%dma_start3A_377 : memref<128x128xf32, #tpu.memory_space<vmem>>) target(%dma_start3A_383 : memref<10112x128xf32, #tpu.memory_space<vmem_shared>>) offsets(%dma_start3A_380 : memref<128xi32, #tpu.memory_space<vmem>>) semaphore(%dma_start3A_385 : memref<!tpu.dma_semaphore, #tpu.memory_space<semaphore_mem>>) {add = true}
      %dma_wait3A_386 = arith.constant 1 : i32
      %dma_wait3A_387 = arith.constant 1 : i32
      %dma_wait3A_388 = arith.constant 0 : i32
      %dma_wait3A_389 = arith.constant 0 : i32
      %dma_wait3A_390 = tpu.memref_slice %arg9[%dma_wait3A_386, %dma_wait3A_388, %dma_wait3A_389] : memref<2x128x128xf32, #tpu.memory_space<vmem>> -> memref<1x128x128xf32, #tpu.memory_space<vmem>>
      %dma_wait3A_391 = tpu.memref_squeeze %dma_wait3A_390 : memref<1x128x128xf32, #tpu.memory_space<vmem>> -> memref<128x128xf32, #tpu.memory_space<vmem>>
      %dma_wait3A_392 = arith.constant 0 : i32
      %dma_wait3A_393 = arith.constant 0 : i32
      %dma_wait3A_394 = tpu.memref_slice %arg4[%dma_wait3A_392, %dma_wait3A_393] : memref<10000x128xf32, #tpu.memory_space<hbm>> -> memref<128x128xf32, #tpu.memory_space<hbm>>
      %dma_wait3A_395 = tpu.memref_slice %arg11[%dma_wait3A_387] : memref<2x!tpu.dma_semaphore, #tpu.memory_space<semaphore_mem>> -> memref<1x!tpu.dma_semaphore, #tpu.memory_space<semaphore_mem>>
      %dma_wait3A_396 = tpu.memref_squeeze %dma_wait3A_395 : memref<1x!tpu.dma_semaphore, #tpu.memory_space<semaphore_mem>> -> memref<!tpu.dma_semaphore, #tpu.memory_space<semaphore_mem>>
      %dma_wait3A_397 = arith.constant 0 : i32
      %dma_wait3A_398 = arith.constant 0 : i32
      %dma_wait3A_399 = tpu.memref_slice %arg9[%dma_wait3A_386, %dma_wait3A_397, %dma_wait3A_398] : memref<2x128x128xf32, #tpu.memory_space<vmem>> -> memref<1x128x128xf32, #tpu.memory_space<vmem>>
      %dma_wait3A_400 = tpu.memref_squeeze %dma_wait3A_399 : memref<1x128x128xf32, #tpu.memory_space<vmem>> -> memref<128x128xf32, #tpu.memory_space<vmem>>
      %dma_wait3A_401 = arith.constant 0 : i32
      %dma_wait3A_402 = arith.constant 0 : i32
      %dma_wait3A_403 = tpu.memref_slice %arg4[%dma_wait3A_401, %dma_wait3A_402] : memref<10000x128xf32, #tpu.memory_space<hbm>> -> memref<128x128xf32, #tpu.memory_space<hbm>>
      tpu.wait_dma2 semaphore(%dma_wait3A_396 : memref<!tpu.dma_semaphore, #tpu.memory_space<semaphore_mem>>) src(%dma_wait3A_403 : memref<128x128xf32, #tpu.memory_space<hbm>>) dst(%dma_wait3A_400 : memref<128x128xf32, #tpu.memory_space<vmem>>)
      %dma_start3A_404 = arith.constant 1 : i32
      %dma_start3A_405 = arith.constant 1 : i32
      %dma_start3A_406 = arith.constant 5 : i32
      %dma_start3A_407 = arith.constant 1 : i32
      %dma_start3A_408 = arith.constant 0 : i32
      %dma_start3A_409 = arith.constant 0 : i32
      %dma_start3A_410 = tpu.memref_slice %arg9[%dma_start3A_404, %dma_start3A_408, %dma_start3A_409] : memref<2x128x128xf32, #tpu.memory_space<vmem>> -> memref<1x128x128xf32, #tpu.memory_space<vmem>>
      %dma_start3A_411 = tpu.memref_squeeze %dma_start3A_410 : memref<1x128x128xf32, #tpu.memory_space<vmem>> -> memref<128x128xf32, #tpu.memory_space<vmem>>
      %dma_start3A_412 = arith.constant 0 : i32
      %dma_start3A_413 = tpu.memref_slice %arg8[%dma_start3A_405, %dma_start3A_406, %dma_start3A_412] : memref<2x8x128xi32, #tpu.memory_space<vmem>> -> memref<1x1x128xi32, #tpu.memory_space<vmem>>
      %dma_start3A_414 = tpu.memref_squeeze %dma_start3A_413 : memref<1x1x128xi32, #tpu.memory_space<vmem>> -> memref<128xi32, #tpu.memory_space<vmem>>
      %dma_start3A_415 = arith.constant 0 : i32
      %dma_start3A_416 = arith.constant 0 : i32
      %dma_start3A_417 = tpu.memref_slice %arg10[%dma_start3A_415, %dma_start3A_416] : memref<10112x128xf32, #tpu.memory_space<vmem_shared>> -> memref<10112x128xf32, #tpu.memory_space<vmem_shared>>
      %dma_start3A_418 = tpu.memref_slice %arg12[%dma_start3A_407] : memref<2x!tpu.dma_semaphore, #tpu.memory_space<semaphore_mem>> -> memref<1x!tpu.dma_semaphore, #tpu.memory_space<semaphore_mem>>
      %dma_start3A_419 = tpu.memref_squeeze %dma_start3A_418 : memref<1x!tpu.dma_semaphore, #tpu.memory_space<semaphore_mem>> -> memref<!tpu.dma_semaphore, #tpu.memory_space<semaphore_mem>>
      tpu.enqueue_indirect_dma source(%dma_start3A_411 : memref<128x128xf32, #tpu.memory_space<vmem>>) target(%dma_start3A_417 : memref<10112x128xf32, #tpu.memory_space<vmem_shared>>) offsets(%dma_start3A_414 : memref<128xi32, #tpu.memory_space<vmem>>) semaphore(%dma_start3A_419 : memref<!tpu.dma_semaphore, #tpu.memory_space<semaphore_mem>>) {add = true}
      %dma_wait3A_420 = arith.constant 0 : i32
      %dma_wait3A_421 = arith.constant 0 : i32
      %dma_wait3A_422 = arith.constant 0 : i32
      %dma_wait3A_423 = arith.constant 0 : i32
      %dma_wait3A_424 = tpu.memref_slice %arg9[%dma_wait3A_420, %dma_wait3A_422, %dma_wait3A_423] : memref<2x128x128xf32, #tpu.memory_space<vmem>> -> memref<1x128x128xf32, #tpu.memory_space<vmem>>
      %dma_wait3A_425 = tpu.memref_squeeze %dma_wait3A_424 : memref<1x128x128xf32, #tpu.memory_space<vmem>> -> memref<128x128xf32, #tpu.memory_space<vmem>>
      %dma_wait3A_426 = arith.constant 0 : i32
      %dma_wait3A_427 = arith.constant 0 : i32
      %dma_wait3A_428 = tpu.memref_slice %arg4[%dma_wait3A_426, %dma_wait3A_427] : memref<10000x128xf32, #tpu.memory_space<hbm>> -> memref<128x128xf32, #tpu.memory_space<hbm>>
      %dma_wait3A_429 = tpu.memref_slice %arg12[%dma_wait3A_421] : memref<2x!tpu.dma_semaphore, #tpu.memory_space<semaphore_mem>> -> memref<1x!tpu.dma_semaphore, #tpu.memory_space<semaphore_mem>>
      %dma_wait3A_430 = tpu.memref_squeeze %dma_wait3A_429 : memref<1x!tpu.dma_semaphore, #tpu.memory_space<semaphore_mem>> -> memref<!tpu.dma_semaphore, #tpu.memory_space<semaphore_mem>>
      %dma_wait3A_431 = arith.constant 0 : i32
      %dma_wait3A_432 = arith.constant 0 : i32
      %dma_wait3A_433 = tpu.memref_slice %arg9[%dma_wait3A_420, %dma_wait3A_431, %dma_wait3A_432] : memref<2x128x128xf32, #tpu.memory_space<vmem>> -> memref<1x128x128xf32, #tpu.memory_space<vmem>>
      %dma_wait3A_434 = tpu.memref_squeeze %dma_wait3A_433 : memref<1x128x128xf32, #tpu.memory_space<vmem>> -> memref<128x128xf32, #tpu.memory_space<vmem>>
      %dma_wait3A_435 = arith.constant 0 : i32
      %dma_wait3A_436 = arith.constant 0 : i32
      %dma_wait3A_437 = tpu.memref_slice %arg4[%dma_wait3A_435, %dma_wait3A_436] : memref<10000x128xf32, #tpu.memory_space<hbm>> -> memref<128x128xf32, #tpu.memory_space<hbm>>
      tpu.wait_dma2 semaphore(%dma_wait3A_430 : memref<!tpu.dma_semaphore, #tpu.memory_space<semaphore_mem>>) src(%dma_wait3A_437 : memref<128x128xf32, #tpu.memory_space<hbm>>) dst(%dma_wait3A_434 : memref<128x128xf32, #tpu.memory_space<vmem>>)
      %dma_start3A_438 = arith.constant 1 : i32
      %dma_start3A_439 = arith.constant 6 : i32
      %dma_start3A_440 = arith.constant 0 : i32
      %dma_start3A_441 = arith.constant 0 : i32
      %dma_start3A_442 = arith.constant 0 : i32
      %dma_start3A_443 = arith.constant 0 : i32
      %dma_start3A_444 = tpu.memref_slice %arg9[%dma_start3A_440, %dma_start3A_442, %dma_start3A_443] : memref<2x128x128xf32, #tpu.memory_space<vmem>> -> memref<1x128x128xf32, #tpu.memory_space<vmem>>
      %dma_start3A_445 = tpu.memref_squeeze %dma_start3A_444 : memref<1x128x128xf32, #tpu.memory_space<vmem>> -> memref<128x128xf32, #tpu.memory_space<vmem>>
      %dma_start3A_446 = arith.constant 0 : i32
      %dma_start3A_447 = tpu.memref_slice %arg7[%dma_start3A_438, %dma_start3A_439, %dma_start3A_446] : memref<2x8x128xi32, #tpu.memory_space<vmem>> -> memref<1x1x128xi32, #tpu.memory_space<vmem>>
      %dma_start3A_448 = tpu.memref_squeeze %dma_start3A_447 : memref<1x1x128xi32, #tpu.memory_space<vmem>> -> memref<128xi32, #tpu.memory_space<vmem>>
      %dma_start3A_449 = arith.constant 0 : i32
      %dma_start3A_450 = arith.constant 0 : i32
      %dma_start3A_451 = tpu.memref_slice %arg4[%dma_start3A_449, %dma_start3A_450] : memref<10000x128xf32, #tpu.memory_space<hbm>> -> memref<10000x128xf32, #tpu.memory_space<hbm>>
      %dma_start3A_452 = tpu.memref_slice %arg11[%dma_start3A_441] : memref<2x!tpu.dma_semaphore, #tpu.memory_space<semaphore_mem>> -> memref<1x!tpu.dma_semaphore, #tpu.memory_space<semaphore_mem>>
      %dma_start3A_453 = tpu.memref_squeeze %dma_start3A_452 : memref<1x!tpu.dma_semaphore, #tpu.memory_space<semaphore_mem>> -> memref<!tpu.dma_semaphore, #tpu.memory_space<semaphore_mem>>
      tpu.enqueue_indirect_dma source(%dma_start3A_451 : memref<10000x128xf32, #tpu.memory_space<hbm>>) target(%dma_start3A_445 : memref<128x128xf32, #tpu.memory_space<vmem>>) offsets(%dma_start3A_448 : memref<128xi32, #tpu.memory_space<vmem>>) semaphore(%dma_start3A_453 : memref<!tpu.dma_semaphore, #tpu.memory_space<semaphore_mem>>)
      %dma_wait3A_454 = arith.constant 1 : i32
      %dma_wait3A_455 = arith.constant 1 : i32
      %dma_wait3A_456 = arith.constant 0 : i32
      %dma_wait3A_457 = arith.constant 0 : i32
      %dma_wait3A_458 = tpu.memref_slice %arg9[%dma_wait3A_454, %dma_wait3A_456, %dma_wait3A_457] : memref<2x128x128xf32, #tpu.memory_space<vmem>> -> memref<1x128x128xf32, #tpu.memory_space<vmem>>
      %dma_wait3A_459 = tpu.memref_squeeze %dma_wait3A_458 : memref<1x128x128xf32, #tpu.memory_space<vmem>> -> memref<128x128xf32, #tpu.memory_space<vmem>>
      %dma_wait3A_460 = arith.constant 0 : i32
      %dma_wait3A_461 = arith.constant 0 : i32
      %dma_wait3A_462 = tpu.memref_slice %arg4[%dma_wait3A_460, %dma_wait3A_461] : memref<10000x128xf32, #tpu.memory_space<hbm>> -> memref<128x128xf32, #tpu.memory_space<hbm>>
      %dma_wait3A_463 = tpu.memref_slice %arg12[%dma_wait3A_455] : memref<2x!tpu.dma_semaphore, #tpu.memory_space<semaphore_mem>> -> memref<1x!tpu.dma_semaphore, #tpu.memory_space<semaphore_mem>>
      %dma_wait3A_464 = tpu.memref_squeeze %dma_wait3A_463 : memref<1x!tpu.dma_semaphore, #tpu.memory_space<semaphore_mem>> -> memref<!tpu.dma_semaphore, #tpu.memory_space<semaphore_mem>>
      %dma_wait3A_465 = arith.constant 0 : i32
      %dma_wait3A_466 = arith.constant 0 : i32
      %dma_wait3A_467 = tpu.memref_slice %arg9[%dma_wait3A_454, %dma_wait3A_465, %dma_wait3A_466] : memref<2x128x128xf32, #tpu.memory_space<vmem>> -> memref<1x128x128xf32, #tpu.memory_space<vmem>>
      %dma_wait3A_468 = tpu.memref_squeeze %dma_wait3A_467 : memref<1x128x128xf32, #tpu.memory_space<vmem>> -> memref<128x128xf32, #tpu.memory_space<vmem>>
      %dma_wait3A_469 = arith.constant 0 : i32
      %dma_wait3A_470 = arith.constant 0 : i32
      %dma_wait3A_471 = tpu.memref_slice %arg4[%dma_wait3A_469, %dma_wait3A_470] : memref<10000x128xf32, #tpu.memory_space<hbm>> -> memref<128x128xf32, #tpu.memory_space<hbm>>
      tpu.wait_dma2 semaphore(%dma_wait3A_464 : memref<!tpu.dma_semaphore, #tpu.memory_space<semaphore_mem>>) src(%dma_wait3A_471 : memref<128x128xf32, #tpu.memory_space<hbm>>) dst(%dma_wait3A_468 : memref<128x128xf32, #tpu.memory_space<vmem>>)
      %dma_start3A_472 = arith.constant 1 : i32
      %dma_start3A_473 = arith.constant 7 : i32
      %dma_start3A_474 = arith.constant 1 : i32
      %dma_start3A_475 = arith.constant 1 : i32
      %dma_start3A_476 = arith.constant 0 : i32
      %dma_start3A_477 = arith.constant 0 : i32
      %dma_start3A_478 = tpu.memref_slice %arg9[%dma_start3A_474, %dma_start3A_476, %dma_start3A_477] : memref<2x128x128xf32, #tpu.memory_space<vmem>> -> memref<1x128x128xf32, #tpu.memory_space<vmem>>
      %dma_start3A_479 = tpu.memref_squeeze %dma_start3A_478 : memref<1x128x128xf32, #tpu.memory_space<vmem>> -> memref<128x128xf32, #tpu.memory_space<vmem>>
      %dma_start3A_480 = arith.constant 0 : i32
      %dma_start3A_481 = tpu.memref_slice %arg7[%dma_start3A_472, %dma_start3A_473, %dma_start3A_480] : memref<2x8x128xi32, #tpu.memory_space<vmem>> -> memref<1x1x128xi32, #tpu.memory_space<vmem>>
      %dma_start3A_482 = tpu.memref_squeeze %dma_start3A_481 : memref<1x1x128xi32, #tpu.memory_space<vmem>> -> memref<128xi32, #tpu.memory_space<vmem>>
      %dma_start3A_483 = arith.constant 0 : i32
      %dma_start3A_484 = arith.constant 0 : i32
      %dma_start3A_485 = tpu.memref_slice %arg4[%dma_start3A_483, %dma_start3A_484] : memref<10000x128xf32, #tpu.memory_space<hbm>> -> memref<10000x128xf32, #tpu.memory_space<hbm>>
      %dma_start3A_486 = tpu.memref_slice %arg11[%dma_start3A_475] : memref<2x!tpu.dma_semaphore, #tpu.memory_space<semaphore_mem>> -> memref<1x!tpu.dma_semaphore, #tpu.memory_space<semaphore_mem>>
      %dma_start3A_487 = tpu.memref_squeeze %dma_start3A_486 : memref<1x!tpu.dma_semaphore, #tpu.memory_space<semaphore_mem>> -> memref<!tpu.dma_semaphore, #tpu.memory_space<semaphore_mem>>
      tpu.enqueue_indirect_dma source(%dma_start3A_485 : memref<10000x128xf32, #tpu.memory_space<hbm>>) target(%dma_start3A_479 : memref<128x128xf32, #tpu.memory_space<vmem>>) offsets(%dma_start3A_482 : memref<128xi32, #tpu.memory_space<vmem>>) semaphore(%dma_start3A_487 : memref<!tpu.dma_semaphore, #tpu.memory_space<semaphore_mem>>)
      %dma_wait3A_488 = arith.constant 0 : i32
      %dma_wait3A_489 = arith.constant 0 : i32
      %dma_wait3A_490 = arith.constant 0 : i32
      %dma_wait3A_491 = arith.constant 0 : i32
      %dma_wait3A_492 = tpu.memref_slice %arg9[%dma_wait3A_488, %dma_wait3A_490, %dma_wait3A_491] : memref<2x128x128xf32, #tpu.memory_space<vmem>> -> memref<1x128x128xf32, #tpu.memory_space<vmem>>
      %dma_wait3A_493 = tpu.memref_squeeze %dma_wait3A_492 : memref<1x128x128xf32, #tpu.memory_space<vmem>> -> memref<128x128xf32, #tpu.memory_space<vmem>>
      %dma_wait3A_494 = arith.constant 0 : i32
      %dma_wait3A_495 = arith.constant 0 : i32
      %dma_wait3A_496 = tpu.memref_slice %arg4[%dma_wait3A_494, %dma_wait3A_495] : memref<10000x128xf32, #tpu.memory_space<hbm>> -> memref<128x128xf32, #tpu.memory_space<hbm>>
      %dma_wait3A_497 = tpu.memref_slice %arg11[%dma_wait3A_489] : memref<2x!tpu.dma_semaphore, #tpu.memory_space<semaphore_mem>> -> memref<1x!tpu.dma_semaphore, #tpu.memory_space<semaphore_mem>>
      %dma_wait3A_498 = tpu.memref_squeeze %dma_wait3A_497 : memref<1x!tpu.dma_semaphore, #tpu.memory_space<semaphore_mem>> -> memref<!tpu.dma_semaphore, #tpu.memory_space<semaphore_mem>>
      %dma_wait3A_499 = arith.constant 0 : i32
      %dma_wait3A_500 = arith.constant 0 : i32
      %dma_wait3A_501 = tpu.memref_slice %arg9[%dma_wait3A_488, %dma_wait3A_499, %dma_wait3A_500] : memref<2x128x128xf32, #tpu.memory_space<vmem>> -> memref<1x128x128xf32, #tpu.memory_space<vmem>>
      %dma_wait3A_502 = tpu.memref_squeeze %dma_wait3A_501 : memref<1x128x128xf32, #tpu.memory_space<vmem>> -> memref<128x128xf32, #tpu.memory_space<vmem>>
      %dma_wait3A_503 = arith.constant 0 : i32
      %dma_wait3A_504 = arith.constant 0 : i32
      %dma_wait3A_505 = tpu.memref_slice %arg4[%dma_wait3A_503, %dma_wait3A_504] : memref<10000x128xf32, #tpu.memory_space<hbm>> -> memref<128x128xf32, #tpu.memory_space<hbm>>
      tpu.wait_dma2 semaphore(%dma_wait3A_498 : memref<!tpu.dma_semaphore, #tpu.memory_space<semaphore_mem>>) src(%dma_wait3A_505 : memref<128x128xf32, #tpu.memory_space<hbm>>) dst(%dma_wait3A_502 : memref<128x128xf32, #tpu.memory_space<vmem>>)
      %dma_start3A_506 = arith.constant 0 : i32
      %dma_start3A_507 = arith.constant 1 : i32
      %dma_start3A_508 = arith.constant 6 : i32
      %dma_start3A_509 = arith.constant 0 : i32
      %dma_start3A_510 = arith.constant 0 : i32
      %dma_start3A_511 = arith.constant 0 : i32
      %dma_start3A_512 = tpu.memref_slice %arg9[%dma_start3A_506, %dma_start3A_510, %dma_start3A_511] : memref<2x128x128xf32, #tpu.memory_space<vmem>> -> memref<1x128x128xf32, #tpu.memory_space<vmem>>
      %dma_start3A_513 = tpu.memref_squeeze %dma_start3A_512 : memref<1x128x128xf32, #tpu.memory_space<vmem>> -> memref<128x128xf32, #tpu.memory_space<vmem>>
      %dma_start3A_514 = arith.constant 0 : i32
      %dma_start3A_515 = tpu.memref_slice %arg8[%dma_start3A_507, %dma_start3A_508, %dma_start3A_514] : memref<2x8x128xi32, #tpu.memory_space<vmem>> -> memref<1x1x128xi32, #tpu.memory_space<vmem>>
      %dma_start3A_516 = tpu.memref_squeeze %dma_start3A_515 : memref<1x1x128xi32, #tpu.memory_space<vmem>> -> memref<128xi32, #tpu.memory_space<vmem>>
      %dma_start3A_517 = arith.constant 0 : i32
      %dma_start3A_518 = arith.constant 0 : i32
      %dma_start3A_519 = tpu.memref_slice %arg10[%dma_start3A_517, %dma_start3A_518] : memref<10112x128xf32, #tpu.memory_space<vmem_shared>> -> memref<10112x128xf32, #tpu.memory_space<vmem_shared>>
      %dma_start3A_520 = tpu.memref_slice %arg12[%dma_start3A_509] : memref<2x!tpu.dma_semaphore, #tpu.memory_space<semaphore_mem>> -> memref<1x!tpu.dma_semaphore, #tpu.memory_space<semaphore_mem>>
      %dma_start3A_521 = tpu.memref_squeeze %dma_start3A_520 : memref<1x!tpu.dma_semaphore, #tpu.memory_space<semaphore_mem>> -> memref<!tpu.dma_semaphore, #tpu.memory_space<semaphore_mem>>
      tpu.enqueue_indirect_dma source(%dma_start3A_513 : memref<128x128xf32, #tpu.memory_space<vmem>>) target(%dma_start3A_519 : memref<10112x128xf32, #tpu.memory_space<vmem_shared>>) offsets(%dma_start3A_516 : memref<128xi32, #tpu.memory_space<vmem>>) semaphore(%dma_start3A_521 : memref<!tpu.dma_semaphore, #tpu.memory_space<semaphore_mem>>) {add = true}
      %dma_wait3A_522 = arith.constant 1 : i32
      %dma_wait3A_523 = arith.constant 1 : i32
      %dma_wait3A_524 = arith.constant 0 : i32
      %dma_wait3A_525 = arith.constant 0 : i32
      %dma_wait3A_526 = tpu.memref_slice %arg9[%dma_wait3A_522, %dma_wait3A_524, %dma_wait3A_525] : memref<2x128x128xf32, #tpu.memory_space<vmem>> -> memref<1x128x128xf32, #tpu.memory_space<vmem>>
      %dma_wait3A_527 = tpu.memref_squeeze %dma_wait3A_526 : memref<1x128x128xf32, #tpu.memory_space<vmem>> -> memref<128x128xf32, #tpu.memory_space<vmem>>
      %dma_wait3A_528 = arith.constant 0 : i32
      %dma_wait3A_529 = arith.constant 0 : i32
      %dma_wait3A_530 = tpu.memref_slice %arg4[%dma_wait3A_528, %dma_wait3A_529] : memref<10000x128xf32, #tpu.memory_space<hbm>> -> memref<128x128xf32, #tpu.memory_space<hbm>>
      %dma_wait3A_531 = tpu.memref_slice %arg11[%dma_wait3A_523] : memref<2x!tpu.dma_semaphore, #tpu.memory_space<semaphore_mem>> -> memref<1x!tpu.dma_semaphore, #tpu.memory_space<semaphore_mem>>
      %dma_wait3A_532 = tpu.memref_squeeze %dma_wait3A_531 : memref<1x!tpu.dma_semaphore, #tpu.memory_space<semaphore_mem>> -> memref<!tpu.dma_semaphore, #tpu.memory_space<semaphore_mem>>
      %dma_wait3A_533 = arith.constant 0 : i32
      %dma_wait3A_534 = arith.constant 0 : i32
      %dma_wait3A_535 = tpu.memref_slice %arg9[%dma_wait3A_522, %dma_wait3A_533, %dma_wait3A_534] : memref<2x128x128xf32, #tpu.memory_space<vmem>> -> memref<1x128x128xf32, #tpu.memory_space<vmem>>
      %dma_wait3A_536 = tpu.memref_squeeze %dma_wait3A_535 : memref<1x128x128xf32, #tpu.memory_space<vmem>> -> memref<128x128xf32, #tpu.memory_space<vmem>>
      %dma_wait3A_537 = arith.constant 0 : i32
      %dma_wait3A_538 = arith.constant 0 : i32
      %dma_wait3A_539 = tpu.memref_slice %arg4[%dma_wait3A_537, %dma_wait3A_538] : memref<10000x128xf32, #tpu.memory_space<hbm>> -> memref<128x128xf32, #tpu.memory_space<hbm>>
      tpu.wait_dma2 semaphore(%dma_wait3A_532 : memref<!tpu.dma_semaphore, #tpu.memory_space<semaphore_mem>>) src(%dma_wait3A_539 : memref<128x128xf32, #tpu.memory_space<hbm>>) dst(%dma_wait3A_536 : memref<128x128xf32, #tpu.memory_space<vmem>>)
      %dma_start3A_540 = arith.constant 1 : i32
      %dma_start3A_541 = arith.constant 1 : i32
      %dma_start3A_542 = arith.constant 7 : i32
      %dma_start3A_543 = arith.constant 1 : i32
      %dma_start3A_544 = arith.constant 0 : i32
      %dma_start3A_545 = arith.constant 0 : i32
      %dma_start3A_546 = tpu.memref_slice %arg9[%dma_start3A_540, %dma_start3A_544, %dma_start3A_545] : memref<2x128x128xf32, #tpu.memory_space<vmem>> -> memref<1x128x128xf32, #tpu.memory_space<vmem>>
      %dma_start3A_547 = tpu.memref_squeeze %dma_start3A_546 : memref<1x128x128xf32, #tpu.memory_space<vmem>> -> memref<128x128xf32, #tpu.memory_space<vmem>>
      %dma_start3A_548 = arith.constant 0 : i32
      %dma_start3A_549 = tpu.memref_slice %arg8[%dma_start3A_541, %dma_start3A_542, %dma_start3A_548] : memref<2x8x128xi32, #tpu.memory_space<vmem>> -> memref<1x1x128xi32, #tpu.memory_space<vmem>>
      %dma_start3A_550 = tpu.memref_squeeze %dma_start3A_549 : memref<1x1x128xi32, #tpu.memory_space<vmem>> -> memref<128xi32, #tpu.memory_space<vmem>>
      %dma_start3A_551 = arith.constant 0 : i32
      %dma_start3A_552 = arith.constant 0 : i32
      %dma_start3A_553 = tpu.memref_slice %arg10[%dma_start3A_551, %dma_start3A_552] : memref<10112x128xf32, #tpu.memory_space<vmem_shared>> -> memref<10112x128xf32, #tpu.memory_space<vmem_shared>>
      %dma_start3A_554 = tpu.memref_slice %arg12[%dma_start3A_543] : memref<2x!tpu.dma_semaphore, #tpu.memory_space<semaphore_mem>> -> memref<1x!tpu.dma_semaphore, #tpu.memory_space<semaphore_mem>>
      %dma_start3A_555 = tpu.memref_squeeze %dma_start3A_554 : memref<1x!tpu.dma_semaphore, #tpu.memory_space<semaphore_mem>> -> memref<!tpu.dma_semaphore, #tpu.memory_space<semaphore_mem>>
      tpu.enqueue_indirect_dma source(%dma_start3A_547 : memref<128x128xf32, #tpu.memory_space<vmem>>) target(%dma_start3A_553 : memref<10112x128xf32, #tpu.memory_space<vmem_shared>>) offsets(%dma_start3A_550 : memref<128xi32, #tpu.memory_space<vmem>>) semaphore(%dma_start3A_555 : memref<!tpu.dma_semaphore, #tpu.memory_space<semaphore_mem>>) {add = true}
      %dma_wait3A_556 = arith.constant 0 : i32
      %dma_wait3A_557 = arith.constant 0 : i32
      %dma_wait3A_558 = arith.constant 0 : i32
      %dma_wait3A_559 = arith.constant 0 : i32
      %dma_wait3A_560 = tpu.memref_slice %arg9[%dma_wait3A_556, %dma_wait3A_558, %dma_wait3A_559] : memref<2x128x128xf32, #tpu.memory_space<vmem>> -> memref<1x128x128xf32, #tpu.memory_space<vmem>>
      %dma_wait3A_561 = tpu.memref_squeeze %dma_wait3A_560 : memref<1x128x128xf32, #tpu.memory_space<vmem>> -> memref<128x128xf32, #tpu.memory_space<vmem>>
      %dma_wait3A_562 = arith.constant 0 : i32
      %dma_wait3A_563 = arith.constant 0 : i32
      %dma_wait3A_564 = tpu.memref_slice %arg4[%dma_wait3A_562, %dma_wait3A_563] : memref<10000x128xf32, #tpu.memory_space<hbm>> -> memref<128x128xf32, #tpu.memory_space<hbm>>
      %dma_wait3A_565 = tpu.memref_slice %arg12[%dma_wait3A_557] : memref<2x!tpu.dma_semaphore, #tpu.memory_space<semaphore_mem>> -> memref<1x!tpu.dma_semaphore, #tpu.memory_space<semaphore_mem>>
      %dma_wait3A_566 = tpu.memref_squeeze %dma_wait3A_565 : memref<1x!tpu.dma_semaphore, #tpu.memory_space<semaphore_mem>> -> memref<!tpu.dma_semaphore, #tpu.memory_space<semaphore_mem>>
      %dma_wait3A_567 = arith.constant 0 : i32
      %dma_wait3A_568 = arith.constant 0 : i32
      %dma_wait3A_569 = tpu.memref_slice %arg9[%dma_wait3A_556, %dma_wait3A_567, %dma_wait3A_568] : memref<2x128x128xf32, #tpu.memory_space<vmem>> -> memref<1x128x128xf32, #tpu.memory_space<vmem>>
      %dma_wait3A_570 = tpu.memref_squeeze %dma_wait3A_569 : memref<1x128x128xf32, #tpu.memory_space<vmem>> -> memref<128x128xf32, #tpu.memory_space<vmem>>
      %dma_wait3A_571 = arith.constant 0 : i32
      %dma_wait3A_572 = arith.constant 0 : i32
      %dma_wait3A_573 = tpu.memref_slice %arg4[%dma_wait3A_571, %dma_wait3A_572] : memref<10000x128xf32, #tpu.memory_space<hbm>> -> memref<128x128xf32, #tpu.memory_space<hbm>>
      tpu.wait_dma2 semaphore(%dma_wait3A_566 : memref<!tpu.dma_semaphore, #tpu.memory_space<semaphore_mem>>) src(%dma_wait3A_573 : memref<128x128xf32, #tpu.memory_space<hbm>>) dst(%dma_wait3A_570 : memref<128x128xf32, #tpu.memory_space<vmem>>)
      %dma_wait3A_574 = arith.constant 1 : i32
      %dma_wait3A_575 = arith.constant 1 : i32
      %dma_wait3A_576 = arith.constant 0 : i32
      %dma_wait3A_577 = arith.constant 0 : i32
      %dma_wait3A_578 = tpu.memref_slice %arg9[%dma_wait3A_574, %dma_wait3A_576, %dma_wait3A_577] : memref<2x128x128xf32, #tpu.memory_space<vmem>> -> memref<1x128x128xf32, #tpu.memory_space<vmem>>
      %dma_wait3A_579 = tpu.memref_squeeze %dma_wait3A_578 : memref<1x128x128xf32, #tpu.memory_space<vmem>> -> memref<128x128xf32, #tpu.memory_space<vmem>>
      %dma_wait3A_580 = arith.constant 0 : i32
      %dma_wait3A_581 = arith.constant 0 : i32
      %dma_wait3A_582 = tpu.memref_slice %arg4[%dma_wait3A_580, %dma_wait3A_581] : memref<10000x128xf32, #tpu.memory_space<hbm>> -> memref<128x128xf32, #tpu.memory_space<hbm>>
      %dma_wait3A_583 = tpu.memref_slice %arg12[%dma_wait3A_575] : memref<2x!tpu.dma_semaphore, #tpu.memory_space<semaphore_mem>> -> memref<1x!tpu.dma_semaphore, #tpu.memory_space<semaphore_mem>>
      %dma_wait3A_584 = tpu.memref_squeeze %dma_wait3A_583 : memref<1x!tpu.dma_semaphore, #tpu.memory_space<semaphore_mem>> -> memref<!tpu.dma_semaphore, #tpu.memory_space<semaphore_mem>>
      %dma_wait3A_585 = arith.constant 0 : i32
      %dma_wait3A_586 = arith.constant 0 : i32
      %dma_wait3A_587 = tpu.memref_slice %arg9[%dma_wait3A_574, %dma_wait3A_585, %dma_wait3A_586] : memref<2x128x128xf32, #tpu.memory_space<vmem>> -> memref<1x128x128xf32, #tpu.memory_space<vmem>>
      %dma_wait3A_588 = tpu.memref_squeeze %dma_wait3A_587 : memref<1x128x128xf32, #tpu.memory_space<vmem>> -> memref<128x128xf32, #tpu.memory_space<vmem>>
      %dma_wait3A_589 = arith.constant 0 : i32
      %dma_wait3A_590 = arith.constant 0 : i32
      %dma_wait3A_591 = tpu.memref_slice %arg4[%dma_wait3A_589, %dma_wait3A_590] : memref<10000x128xf32, #tpu.memory_space<hbm>> -> memref<128x128xf32, #tpu.memory_space<hbm>>
      tpu.wait_dma2 semaphore(%dma_wait3A_584 : memref<!tpu.dma_semaphore, #tpu.memory_space<semaphore_mem>>) src(%dma_wait3A_591 : memref<128x128xf32, #tpu.memory_space<hbm>>) dst(%dma_wait3A_588 : memref<128x128xf32, #tpu.memory_space<vmem>>)
    } else {
    }
    %eq3A_5 = arith.constant 1 : i32
    %eq3A_6 = arith.cmpi eq, %arg0, %eq3A_5 : i32
    %convert_element_type3A_7 = arith.extui %eq3A_6 : i1 to i32
    %cond3A_8 = arith.constant 0 : i32
    %cond3A_9 = arith.cmpi ne, %convert_element_type3A_7, %cond3A_8 : i32
    scf.if %cond3A_9 {
      %mul3A_15 = arith.constant 16 : i32
      %mul3A_16 = arith.muli %arg1, %mul3A_15 : i32
      %add3A = arith.constant 2304 : i32
      %add3A_17 = arith.addi %add3A, %mul3A_16 : i32
      %run_scoped3A = arith.constant 0 : i32
      "tpu.region"() ({
        %run_scoped3A_601 = tpu.sem_alloc : memref<!tpu.dma_semaphore, #tpu.memory_space<semaphore_mem>>
        %dma_start3A_602 = arith.constant 0 : i32
        %dma_start3A_603 = arith.constant 0 : i32
        %dma_start3A_604 = tpu.memref_slice %arg7[%run_scoped3A, %dma_start3A_602, %dma_start3A_603] : memref<2x8x128xi32, #tpu.memory_space<vmem>> -> memref<1x8x128xi32, #tpu.memory_space<vmem>>
        %dma_start3A_605 = tpu.memref_squeeze %dma_start3A_604 : memref<1x8x128xi32, #tpu.memory_space<vmem>> -> memref<8x128xi32, #tpu.memory_space<vmem>>
        %dma_start3A_606 = arith.constant 0 : i32
        %dma_start3A_607 = tpu.memref_slice %arg2[%add3A_17, %dma_start3A_606] : memref<2560x128xi32, #tpu.memory_space<hbm>> -> memref<8x128xi32, #tpu.memory_space<hbm>>
        %dma_start3A_608 = arith.constant 0 : i32
        %dma_start3A_609 = arith.constant 0 : i32
        %dma_start3A_610 = tpu.memref_slice %arg7[%run_scoped3A, %dma_start3A_608, %dma_start3A_609] : memref<2x8x128xi32, #tpu.memory_space<vmem>> -> memref<1x8x128xi32, #tpu.memory_space<vmem>>
        %dma_start3A_611 = tpu.memref_squeeze %dma_start3A_610 : memref<1x8x128xi32, #tpu.memory_space<vmem>> -> memref<8x128xi32, #tpu.memory_space<vmem>>
        %dma_start3A_612 = arith.constant 0 : i32
        %dma_start3A_613 = tpu.memref_slice %arg2[%add3A_17, %dma_start3A_612] : memref<2560x128xi32, #tpu.memory_space<hbm>> -> memref<8x128xi32, #tpu.memory_space<hbm>>
        tpu.enqueue_dma source(%dma_start3A_613 : memref<8x128xi32, #tpu.memory_space<hbm>>) target(%dma_start3A_611 : memref<8x128xi32, #tpu.memory_space<vmem>>) target_semaphore(%run_scoped3A_601 : memref<!tpu.dma_semaphore, #tpu.memory_space<semaphore_mem>>)
        %dma_wait3A_614 = arith.constant 0 : i32
        %dma_wait3A_615 = arith.constant 0 : i32
        %dma_wait3A_616 = tpu.memref_slice %arg7[%run_scoped3A, %dma_wait3A_614, %dma_wait3A_615] : memref<2x8x128xi32, #tpu.memory_space<vmem>> -> memref<1x8x128xi32, #tpu.memory_space<vmem>>
        %dma_wait3A_617 = tpu.memref_squeeze %dma_wait3A_616 : memref<1x8x128xi32, #tpu.memory_space<vmem>> -> memref<8x128xi32, #tpu.memory_space<vmem>>
        %dma_wait3A_618 = arith.constant 0 : i32
        %dma_wait3A_619 = tpu.memref_slice %arg2[%add3A_17, %dma_wait3A_618] : memref<2560x128xi32, #tpu.memory_space<hbm>> -> memref<8x128xi32, #tpu.memory_space<hbm>>
        %dma_wait3A_620 = arith.constant 0 : i32
        %dma_wait3A_621 = arith.constant 0 : i32
        %dma_wait3A_622 = tpu.memref_slice %arg7[%run_scoped3A, %dma_wait3A_620, %dma_wait3A_621] : memref<2x8x128xi32, #tpu.memory_space<vmem>> -> memref<1x8x128xi32, #tpu.memory_space<vmem>>
        %dma_wait3A_623 = tpu.memref_squeeze %dma_wait3A_622 : memref<1x8x128xi32, #tpu.memory_space<vmem>> -> memref<8x128xi32, #tpu.memory_space<vmem>>
        %dma_wait3A_624 = arith.constant 0 : i32
        %dma_wait3A_625 = tpu.memref_slice %arg2[%add3A_17, %dma_wait3A_624] : memref<2560x128xi32, #tpu.memory_space<hbm>> -> memref<8x128xi32, #tpu.memory_space<hbm>>
        tpu.wait_dma2 semaphore(%run_scoped3A_601 : memref<!tpu.dma_semaphore, #tpu.memory_space<semaphore_mem>>) src(%dma_wait3A_625 : memref<8x128xi32, #tpu.memory_space<hbm>>) dst(%dma_wait3A_623 : memref<8x128xi32, #tpu.memory_space<vmem>>)
        tpu.yield
      }) : () -> ()
      %run_scoped3A_18 = arith.constant 0 : i32
      "tpu.region"() ({
        %run_scoped3A_601 = tpu.sem_alloc : memref<!tpu.dma_semaphore, #tpu.memory_space<semaphore_mem>>
        %dma_start3A_602 = arith.constant 0 : i32
        %dma_start3A_603 = arith.constant 0 : i32
        %dma_start3A_604 = tpu.memref_slice %arg8[%run_scoped3A_18, %dma_start3A_602, %dma_start3A_603] : memref<2x8x128xi32, #tpu.memory_space<vmem>> -> memref<1x8x128xi32, #tpu.memory_space<vmem>>
        %dma_start3A_605 = tpu.memref_squeeze %dma_start3A_604 : memref<1x8x128xi32, #tpu.memory_space<vmem>> -> memref<8x128xi32, #tpu.memory_space<vmem>>
        %dma_start3A_606 = arith.constant 0 : i32
        %dma_start3A_607 = tpu.memref_slice %arg3[%add3A_17, %dma_start3A_606] : memref<2560x128xi32, #tpu.memory_space<hbm>> -> memref<8x128xi32, #tpu.memory_space<hbm>>
        %dma_start3A_608 = arith.constant 0 : i32
        %dma_start3A_609 = arith.constant 0 : i32
        %dma_start3A_610 = tpu.memref_slice %arg8[%run_scoped3A_18, %dma_start3A_608, %dma_start3A_609] : memref<2x8x128xi32, #tpu.memory_space<vmem>> -> memref<1x8x128xi32, #tpu.memory_space<vmem>>
        %dma_start3A_611 = tpu.memref_squeeze %dma_start3A_610 : memref<1x8x128xi32, #tpu.memory_space<vmem>> -> memref<8x128xi32, #tpu.memory_space<vmem>>
        %dma_start3A_612 = arith.constant 0 : i32
        %dma_start3A_613 = tpu.memref_slice %arg3[%add3A_17, %dma_start3A_612] : memref<2560x128xi32, #tpu.memory_space<hbm>> -> memref<8x128xi32, #tpu.memory_space<hbm>>
        tpu.enqueue_dma source(%dma_start3A_613 : memref<8x128xi32, #tpu.memory_space<hbm>>) target(%dma_start3A_611 : memref<8x128xi32, #tpu.memory_space<vmem>>) target_semaphore(%run_scoped3A_601 : memref<!tpu.dma_semaphore, #tpu.memory_space<semaphore_mem>>)
        %dma_wait3A_614 = arith.constant 0 : i32
        %dma_wait3A_615 = arith.constant 0 : i32
        %dma_wait3A_616 = tpu.memref_slice %arg8[%run_scoped3A_18, %dma_wait3A_614, %dma_wait3A_615] : memref<2x8x128xi32, #tpu.memory_space<vmem>> -> memref<1x8x128xi32, #tpu.memory_space<vmem>>
        %dma_wait3A_617 = tpu.memref_squeeze %dma_wait3A_616 : memref<1x8x128xi32, #tpu.memory_space<vmem>> -> memref<8x128xi32, #tpu.memory_space<vmem>>
        %dma_wait3A_618 = arith.constant 0 : i32
        %dma_wait3A_619 = tpu.memref_slice %arg3[%add3A_17, %dma_wait3A_618] : memref<2560x128xi32, #tpu.memory_space<hbm>> -> memref<8x128xi32, #tpu.memory_space<hbm>>
        %dma_wait3A_620 = arith.constant 0 : i32
        %dma_wait3A_621 = arith.constant 0 : i32
        %dma_wait3A_622 = tpu.memref_slice %arg8[%run_scoped3A_18, %dma_wait3A_620, %dma_wait3A_621] : memref<2x8x128xi32, #tpu.memory_space<vmem>> -> memref<1x8x128xi32, #tpu.memory_space<vmem>>
        %dma_wait3A_623 = tpu.memref_squeeze %dma_wait3A_622 : memref<1x8x128xi32, #tpu.memory_space<vmem>> -> memref<8x128xi32, #tpu.memory_space<vmem>>
        %dma_wait3A_624 = arith.constant 0 : i32
        %dma_wait3A_625 = tpu.memref_slice %arg3[%add3A_17, %dma_wait3A_624] : memref<2560x128xi32, #tpu.memory_space<hbm>> -> memref<8x128xi32, #tpu.memory_space<hbm>>
        tpu.wait_dma2 semaphore(%run_scoped3A_601 : memref<!tpu.dma_semaphore, #tpu.memory_space<semaphore_mem>>) src(%dma_wait3A_625 : memref<8x128xi32, #tpu.memory_space<hbm>>) dst(%dma_wait3A_623 : memref<8x128xi32, #tpu.memory_space<vmem>>)
        tpu.yield
      }) : () -> ()
      %add3A_19 = arith.constant 8 : i32
      %add3A_20 = arith.addi %add3A_17, %add3A_19 : i32
      %dma_start3A = arith.constant 1 : i32
      %dma_start3A_21 = arith.constant 0 : i32
      %dma_start3A_22 = arith.constant 0 : i32
      %dma_start3A_23 = tpu.memref_slice %arg7[%dma_start3A, %dma_start3A_21, %dma_start3A_22] : memref<2x8x128xi32, #tpu.memory_space<vmem>> -> memref<1x8x128xi32, #tpu.memory_space<vmem>>
      %dma_start3A_24 = tpu.memref_squeeze %dma_start3A_23 : memref<1x8x128xi32, #tpu.memory_space<vmem>> -> memref<8x128xi32, #tpu.memory_space<vmem>>
      %dma_start3A_25 = arith.constant 0 : i32
      %dma_start3A_26 = tpu.memref_slice %arg2[%add3A_20, %dma_start3A_25] : memref<2560x128xi32, #tpu.memory_space<hbm>> -> memref<8x128xi32, #tpu.memory_space<hbm>>
      %dma_start3A_27 = arith.constant 0 : i32
      %dma_start3A_28 = arith.constant 0 : i32
      %dma_start3A_29 = tpu.memref_slice %arg7[%dma_start3A, %dma_start3A_27, %dma_start3A_28] : memref<2x8x128xi32, #tpu.memory_space<vmem>> -> memref<1x8x128xi32, #tpu.memory_space<vmem>>
      %dma_start3A_30 = tpu.memref_squeeze %dma_start3A_29 : memref<1x8x128xi32, #tpu.memory_space<vmem>> -> memref<8x128xi32, #tpu.memory_space<vmem>>
      %dma_start3A_31 = arith.constant 0 : i32
      %dma_start3A_32 = tpu.memref_slice %arg2[%add3A_20, %dma_start3A_31] : memref<2560x128xi32, #tpu.memory_space<hbm>> -> memref<8x128xi32, #tpu.memory_space<hbm>>
      tpu.enqueue_dma source(%dma_start3A_32 : memref<8x128xi32, #tpu.memory_space<hbm>>) target(%dma_start3A_30 : memref<8x128xi32, #tpu.memory_space<vmem>>) target_semaphore(%arg13 : memref<!tpu.dma_semaphore, #tpu.memory_space<semaphore_mem>>)
      %dma_start3A_33 = arith.constant 1 : i32
      %dma_start3A_34 = arith.constant 0 : i32
      %dma_start3A_35 = arith.constant 0 : i32
      %dma_start3A_36 = tpu.memref_slice %arg8[%dma_start3A_33, %dma_start3A_34, %dma_start3A_35] : memref<2x8x128xi32, #tpu.memory_space<vmem>> -> memref<1x8x128xi32, #tpu.memory_space<vmem>>
      %dma_start3A_37 = tpu.memref_squeeze %dma_start3A_36 : memref<1x8x128xi32, #tpu.memory_space<vmem>> -> memref<8x128xi32, #tpu.memory_space<vmem>>
      %dma_start3A_38 = arith.constant 0 : i32
      %dma_start3A_39 = tpu.memref_slice %arg3[%add3A_20, %dma_start3A_38] : memref<2560x128xi32, #tpu.memory_space<hbm>> -> memref<8x128xi32, #tpu.memory_space<hbm>>
      %dma_start3A_40 = arith.constant 0 : i32
      %dma_start3A_41 = arith.constant 0 : i32
      %dma_start3A_42 = tpu.memref_slice %arg8[%dma_start3A_33, %dma_start3A_40, %dma_start3A_41] : memref<2x8x128xi32, #tpu.memory_space<vmem>> -> memref<1x8x128xi32, #tpu.memory_space<vmem>>
      %dma_start3A_43 = tpu.memref_squeeze %dma_start3A_42 : memref<1x8x128xi32, #tpu.memory_space<vmem>> -> memref<8x128xi32, #tpu.memory_space<vmem>>
      %dma_start3A_44 = arith.constant 0 : i32
      %dma_start3A_45 = tpu.memref_slice %arg3[%add3A_20, %dma_start3A_44] : memref<2560x128xi32, #tpu.memory_space<hbm>> -> memref<8x128xi32, #tpu.memory_space<hbm>>
      tpu.enqueue_dma source(%dma_start3A_45 : memref<8x128xi32, #tpu.memory_space<hbm>>) target(%dma_start3A_43 : memref<8x128xi32, #tpu.memory_space<vmem>>) target_semaphore(%arg13 : memref<!tpu.dma_semaphore, #tpu.memory_space<semaphore_mem>>)
      %dma_start3A_46 = arith.constant 0 : i32
      %dma_start3A_47 = arith.constant 0 : i32
      %dma_start3A_48 = arith.constant 0 : i32
      %dma_start3A_49 = arith.constant 0 : i32
      %dma_start3A_50 = arith.constant 0 : i32
      %dma_start3A_51 = arith.constant 0 : i32
      %dma_start3A_52 = tpu.memref_slice %arg9[%dma_start3A_48, %dma_start3A_50, %dma_start3A_51] : memref<2x128x128xf32, #tpu.memory_space<vmem>> -> memref<1x128x128xf32, #tpu.memory_space<vmem>>
      %dma_start3A_53 = tpu.memref_squeeze %dma_start3A_52 : memref<1x128x128xf32, #tpu.memory_space<vmem>> -> memref<128x128xf32, #tpu.memory_space<vmem>>
      %dma_start3A_54 = arith.constant 0 : i32
      %dma_start3A_55 = tpu.memref_slice %arg7[%dma_start3A_46, %dma_start3A_47, %dma_start3A_54] : memref<2x8x128xi32, #tpu.memory_space<vmem>> -> memref<1x1x128xi32, #tpu.memory_space<vmem>>
      %dma_start3A_56 = tpu.memref_squeeze %dma_start3A_55 : memref<1x1x128xi32, #tpu.memory_space<vmem>> -> memref<128xi32, #tpu.memory_space<vmem>>
      %dma_start3A_57 = arith.constant 0 : i32
      %dma_start3A_58 = arith.constant 0 : i32
      %dma_start3A_59 = tpu.memref_slice %arg4[%dma_start3A_57, %dma_start3A_58] : memref<10000x128xf32, #tpu.memory_space<hbm>> -> memref<10000x128xf32, #tpu.memory_space<hbm>>
      %dma_start3A_60 = tpu.memref_slice %arg11[%dma_start3A_49] : memref<2x!tpu.dma_semaphore, #tpu.memory_space<semaphore_mem>> -> memref<1x!tpu.dma_semaphore, #tpu.memory_space<semaphore_mem>>
      %dma_start3A_61 = tpu.memref_squeeze %dma_start3A_60 : memref<1x!tpu.dma_semaphore, #tpu.memory_space<semaphore_mem>> -> memref<!tpu.dma_semaphore, #tpu.memory_space<semaphore_mem>>
      tpu.enqueue_indirect_dma source(%dma_start3A_59 : memref<10000x128xf32, #tpu.memory_space<hbm>>) target(%dma_start3A_53 : memref<128x128xf32, #tpu.memory_space<vmem>>) offsets(%dma_start3A_56 : memref<128xi32, #tpu.memory_space<vmem>>) semaphore(%dma_start3A_61 : memref<!tpu.dma_semaphore, #tpu.memory_space<semaphore_mem>>)
      %dma_start3A_62 = arith.constant 0 : i32
      %dma_start3A_63 = arith.constant 1 : i32
      %dma_start3A_64 = arith.constant 1 : i32
      %dma_start3A_65 = arith.constant 1 : i32
      %dma_start3A_66 = arith.constant 0 : i32
      %dma_start3A_67 = arith.constant 0 : i32
      %dma_start3A_68 = tpu.memref_slice %arg9[%dma_start3A_64, %dma_start3A_66, %dma_start3A_67] : memref<2x128x128xf32, #tpu.memory_space<vmem>> -> memref<1x128x128xf32, #tpu.memory_space<vmem>>
      %dma_start3A_69 = tpu.memref_squeeze %dma_start3A_68 : memref<1x128x128xf32, #tpu.memory_space<vmem>> -> memref<128x128xf32, #tpu.memory_space<vmem>>
      %dma_start3A_70 = arith.constant 0 : i32
      %dma_start3A_71 = tpu.memref_slice %arg7[%dma_start3A_62, %dma_start3A_63, %dma_start3A_70] : memref<2x8x128xi32, #tpu.memory_space<vmem>> -> memref<1x1x128xi32, #tpu.memory_space<vmem>>
      %dma_start3A_72 = tpu.memref_squeeze %dma_start3A_71 : memref<1x1x128xi32, #tpu.memory_space<vmem>> -> memref<128xi32, #tpu.memory_space<vmem>>
      %dma_start3A_73 = arith.constant 0 : i32
      %dma_start3A_74 = arith.constant 0 : i32
      %dma_start3A_75 = tpu.memref_slice %arg4[%dma_start3A_73, %dma_start3A_74] : memref<10000x128xf32, #tpu.memory_space<hbm>> -> memref<10000x128xf32, #tpu.memory_space<hbm>>
      %dma_start3A_76 = tpu.memref_slice %arg11[%dma_start3A_65] : memref<2x!tpu.dma_semaphore, #tpu.memory_space<semaphore_mem>> -> memref<1x!tpu.dma_semaphore, #tpu.memory_space<semaphore_mem>>
      %dma_start3A_77 = tpu.memref_squeeze %dma_start3A_76 : memref<1x!tpu.dma_semaphore, #tpu.memory_space<semaphore_mem>> -> memref<!tpu.dma_semaphore, #tpu.memory_space<semaphore_mem>>
      tpu.enqueue_indirect_dma source(%dma_start3A_75 : memref<10000x128xf32, #tpu.memory_space<hbm>>) target(%dma_start3A_69 : memref<128x128xf32, #tpu.memory_space<vmem>>) offsets(%dma_start3A_72 : memref<128xi32, #tpu.memory_space<vmem>>) semaphore(%dma_start3A_77 : memref<!tpu.dma_semaphore, #tpu.memory_space<semaphore_mem>>)
      %scan3A = arith.constant 0 : i32
      %scan3A_78 = arith.constant 0 : i32
      %rem3A = arith.constant 2 : i32
      %rem3A_79 = arith.remsi %scan3A_78, %rem3A : i32
      %lt3A = arith.constant 0 : i32
      %lt3A_80 = arith.cmpi slt, %scan3A_78, %lt3A : i32
      %convert_element_type3A_81 = arith.extui %lt3A_80 : i1 to i32
      %cond3A_82 = arith.constant 0 : i32
      %cond3A_83 = arith.cmpi ne, %convert_element_type3A_81, %cond3A_82 : i32
      scf.if %cond3A_83 {
        %sub3A = arith.constant 1 : i32
        %sub3A_601 = arith.subi %sub3A, %rem3A_79 : i32
        %dma_wait3A_602 = arith.constant 0 : i32
        %dma_wait3A_603 = arith.constant 0 : i32
        %dma_wait3A_604 = arith.constant 0 : i32
        %dma_wait3A_605 = arith.constant 0 : i32
        %dma_wait3A_606 = tpu.memref_slice %arg9[%dma_wait3A_602, %dma_wait3A_604, %dma_wait3A_605] : memref<2x128x128xf32, #tpu.memory_space<vmem>> -> memref<1x128x128xf32, #tpu.memory_space<vmem>>
        %dma_wait3A_607 = tpu.memref_squeeze %dma_wait3A_606 : memref<1x128x128xf32, #tpu.memory_space<vmem>> -> memref<128x128xf32, #tpu.memory_space<vmem>>
        %dma_wait3A_608 = arith.constant 0 : i32
        %dma_wait3A_609 = arith.constant 0 : i32
        %dma_wait3A_610 = tpu.memref_slice %arg4[%dma_wait3A_608, %dma_wait3A_609] : memref<10000x128xf32, #tpu.memory_space<hbm>> -> memref<128x128xf32, #tpu.memory_space<hbm>>
        %dma_wait3A_611 = tpu.memref_slice %arg11[%dma_wait3A_603] : memref<2x!tpu.dma_semaphore, #tpu.memory_space<semaphore_mem>> -> memref<1x!tpu.dma_semaphore, #tpu.memory_space<semaphore_mem>>
        %dma_wait3A_612 = tpu.memref_squeeze %dma_wait3A_611 : memref<1x!tpu.dma_semaphore, #tpu.memory_space<semaphore_mem>> -> memref<!tpu.dma_semaphore, #tpu.memory_space<semaphore_mem>>
        %dma_wait3A_613 = arith.constant 0 : i32
        %dma_wait3A_614 = arith.constant 0 : i32
        %dma_wait3A_615 = tpu.memref_slice %arg9[%dma_wait3A_602, %dma_wait3A_613, %dma_wait3A_614] : memref<2x128x128xf32, #tpu.memory_space<vmem>> -> memref<1x128x128xf32, #tpu.memory_space<vmem>>
        %dma_wait3A_616 = tpu.memref_squeeze %dma_wait3A_615 : memref<1x128x128xf32, #tpu.memory_space<vmem>> -> memref<128x128xf32, #tpu.memory_space<vmem>>
        %dma_wait3A_617 = arith.constant 0 : i32
        %dma_wait3A_618 = arith.constant 0 : i32
        %dma_wait3A_619 = tpu.memref_slice %arg4[%dma_wait3A_617, %dma_wait3A_618] : memref<10000x128xf32, #tpu.memory_space<hbm>> -> memref<128x128xf32, #tpu.memory_space<hbm>>
        tpu.wait_dma2 semaphore(%dma_wait3A_612 : memref<!tpu.dma_semaphore, #tpu.memory_space<semaphore_mem>>) src(%dma_wait3A_619 : memref<128x128xf32, #tpu.memory_space<hbm>>) dst(%dma_wait3A_616 : memref<128x128xf32, #tpu.memory_space<vmem>>)
        %dma_start3A_620 = arith.constant 0 : i32
        %dma_start3A_621 = arith.constant 0 : i32
        %dma_start3A_622 = arith.constant 0 : i32
        %dma_start3A_623 = arith.constant 0 : i32
        %dma_start3A_624 = arith.constant 0 : i32
        %dma_start3A_625 = tpu.memref_slice %arg9[%dma_start3A_620, %dma_start3A_623, %dma_start3A_624] : memref<2x128x128xf32, #tpu.memory_space<vmem>> -> memref<1x128x128xf32, #tpu.memory_space<vmem>>
        %dma_start3A_626 = tpu.memref_squeeze %dma_start3A_625 : memref<1x128x128xf32, #tpu.memory_space<vmem>> -> memref<128x128xf32, #tpu.memory_space<vmem>>
        %dma_start3A_627 = arith.constant 0 : i32
        %dma_start3A_628 = tpu.memref_slice %arg8[%rem3A_79, %dma_start3A_621, %dma_start3A_627] : memref<2x8x128xi32, #tpu.memory_space<vmem>> -> memref<1x1x128xi32, #tpu.memory_space<vmem>>
        %dma_start3A_629 = tpu.memref_squeeze %dma_start3A_628 : memref<1x1x128xi32, #tpu.memory_space<vmem>> -> memref<128xi32, #tpu.memory_space<vmem>>
        %dma_start3A_630 = arith.constant 0 : i32
        %dma_start3A_631 = arith.constant 0 : i32
        %dma_start3A_632 = tpu.memref_slice %arg10[%dma_start3A_630, %dma_start3A_631] : memref<10112x128xf32, #tpu.memory_space<vmem_shared>> -> memref<10112x128xf32, #tpu.memory_space<vmem_shared>>
        %dma_start3A_633 = tpu.memref_slice %arg12[%dma_start3A_622] : memref<2x!tpu.dma_semaphore, #tpu.memory_space<semaphore_mem>> -> memref<1x!tpu.dma_semaphore, #tpu.memory_space<semaphore_mem>>
        %dma_start3A_634 = tpu.memref_squeeze %dma_start3A_633 : memref<1x!tpu.dma_semaphore, #tpu.memory_space<semaphore_mem>> -> memref<!tpu.dma_semaphore, #tpu.memory_space<semaphore_mem>>
        tpu.enqueue_indirect_dma source(%dma_start3A_626 : memref<128x128xf32, #tpu.memory_space<vmem>>) target(%dma_start3A_632 : memref<10112x128xf32, #tpu.memory_space<vmem_shared>>) offsets(%dma_start3A_629 : memref<128xi32, #tpu.memory_space<vmem>>) semaphore(%dma_start3A_634 : memref<!tpu.dma_semaphore, #tpu.memory_space<semaphore_mem>>) {add = true}
        %dma_wait3A_635 = arith.constant 1 : i32
        %dma_wait3A_636 = arith.constant 1 : i32
        %dma_wait3A_637 = arith.constant 0 : i32
        %dma_wait3A_638 = arith.constant 0 : i32
        %dma_wait3A_639 = tpu.memref_slice %arg9[%dma_wait3A_635, %dma_wait3A_637, %dma_wait3A_638] : memref<2x128x128xf32, #tpu.memory_space<vmem>> -> memref<1x128x128xf32, #tpu.memory_space<vmem>>
        %dma_wait3A_640 = tpu.memref_squeeze %dma_wait3A_639 : memref<1x128x128xf32, #tpu.memory_space<vmem>> -> memref<128x128xf32, #tpu.memory_space<vmem>>
        %dma_wait3A_641 = arith.constant 0 : i32
        %dma_wait3A_642 = arith.constant 0 : i32
        %dma_wait3A_643 = tpu.memref_slice %arg4[%dma_wait3A_641, %dma_wait3A_642] : memref<10000x128xf32, #tpu.memory_space<hbm>> -> memref<128x128xf32, #tpu.memory_space<hbm>>
        %dma_wait3A_644 = tpu.memref_slice %arg11[%dma_wait3A_636] : memref<2x!tpu.dma_semaphore, #tpu.memory_space<semaphore_mem>> -> memref<1x!tpu.dma_semaphore, #tpu.memory_space<semaphore_mem>>
        %dma_wait3A_645 = tpu.memref_squeeze %dma_wait3A_644 : memref<1x!tpu.dma_semaphore, #tpu.memory_space<semaphore_mem>> -> memref<!tpu.dma_semaphore, #tpu.memory_space<semaphore_mem>>
        %dma_wait3A_646 = arith.constant 0 : i32
        %dma_wait3A_647 = arith.constant 0 : i32
        %dma_wait3A_648 = tpu.memref_slice %arg9[%dma_wait3A_635, %dma_wait3A_646, %dma_wait3A_647] : memref<2x128x128xf32, #tpu.memory_space<vmem>> -> memref<1x128x128xf32, #tpu.memory_space<vmem>>
        %dma_wait3A_649 = tpu.memref_squeeze %dma_wait3A_648 : memref<1x128x128xf32, #tpu.memory_space<vmem>> -> memref<128x128xf32, #tpu.memory_space<vmem>>
        %dma_wait3A_650 = arith.constant 0 : i32
        %dma_wait3A_651 = arith.constant 0 : i32
        %dma_wait3A_652 = tpu.memref_slice %arg4[%dma_wait3A_650, %dma_wait3A_651] : memref<10000x128xf32, #tpu.memory_space<hbm>> -> memref<128x128xf32, #tpu.memory_space<hbm>>
        tpu.wait_dma2 semaphore(%dma_wait3A_645 : memref<!tpu.dma_semaphore, #tpu.memory_space<semaphore_mem>>) src(%dma_wait3A_652 : memref<128x128xf32, #tpu.memory_space<hbm>>) dst(%dma_wait3A_649 : memref<128x128xf32, #tpu.memory_space<vmem>>)
        %dma_start3A_653 = arith.constant 1 : i32
        %dma_start3A_654 = arith.constant 1 : i32
        %dma_start3A_655 = arith.constant 1 : i32
        %dma_start3A_656 = arith.constant 0 : i32
        %dma_start3A_657 = arith.constant 0 : i32
        %dma_start3A_658 = tpu.memref_slice %arg9[%dma_start3A_653, %dma_start3A_656, %dma_start3A_657] : memref<2x128x128xf32, #tpu.memory_space<vmem>> -> memref<1x128x128xf32, #tpu.memory_space<vmem>>
        %dma_start3A_659 = tpu.memref_squeeze %dma_start3A_658 : memref<1x128x128xf32, #tpu.memory_space<vmem>> -> memref<128x128xf32, #tpu.memory_space<vmem>>
        %dma_start3A_660 = arith.constant 0 : i32
        %dma_start3A_661 = tpu.memref_slice %arg8[%rem3A_79, %dma_start3A_654, %dma_start3A_660] : memref<2x8x128xi32, #tpu.memory_space<vmem>> -> memref<1x1x128xi32, #tpu.memory_space<vmem>>
        %dma_start3A_662 = tpu.memref_squeeze %dma_start3A_661 : memref<1x1x128xi32, #tpu.memory_space<vmem>> -> memref<128xi32, #tpu.memory_space<vmem>>
        %dma_start3A_663 = arith.constant 0 : i32
        %dma_start3A_664 = arith.constant 0 : i32
        %dma_start3A_665 = tpu.memref_slice %arg10[%dma_start3A_663, %dma_start3A_664] : memref<10112x128xf32, #tpu.memory_space<vmem_shared>> -> memref<10112x128xf32, #tpu.memory_space<vmem_shared>>
        %dma_start3A_666 = tpu.memref_slice %arg12[%dma_start3A_655] : memref<2x!tpu.dma_semaphore, #tpu.memory_space<semaphore_mem>> -> memref<1x!tpu.dma_semaphore, #tpu.memory_space<semaphore_mem>>
        %dma_start3A_667 = tpu.memref_squeeze %dma_start3A_666 : memref<1x!tpu.dma_semaphore, #tpu.memory_space<semaphore_mem>> -> memref<!tpu.dma_semaphore, #tpu.memory_space<semaphore_mem>>
        tpu.enqueue_indirect_dma source(%dma_start3A_659 : memref<128x128xf32, #tpu.memory_space<vmem>>) target(%dma_start3A_665 : memref<10112x128xf32, #tpu.memory_space<vmem_shared>>) offsets(%dma_start3A_662 : memref<128xi32, #tpu.memory_space<vmem>>) semaphore(%dma_start3A_667 : memref<!tpu.dma_semaphore, #tpu.memory_space<semaphore_mem>>) {add = true}
        %dma_wait3A_668 = arith.constant 0 : i32
        %dma_wait3A_669 = arith.constant 0 : i32
        %dma_wait3A_670 = arith.constant 0 : i32
        %dma_wait3A_671 = arith.constant 0 : i32
        %dma_wait3A_672 = tpu.memref_slice %arg9[%dma_wait3A_668, %dma_wait3A_670, %dma_wait3A_671] : memref<2x128x128xf32, #tpu.memory_space<vmem>> -> memref<1x128x128xf32, #tpu.memory_space<vmem>>
        %dma_wait3A_673 = tpu.memref_squeeze %dma_wait3A_672 : memref<1x128x128xf32, #tpu.memory_space<vmem>> -> memref<128x128xf32, #tpu.memory_space<vmem>>
        %dma_wait3A_674 = arith.constant 0 : i32
        %dma_wait3A_675 = arith.constant 0 : i32
        %dma_wait3A_676 = tpu.memref_slice %arg4[%dma_wait3A_674, %dma_wait3A_675] : memref<10000x128xf32, #tpu.memory_space<hbm>> -> memref<128x128xf32, #tpu.memory_space<hbm>>
        %dma_wait3A_677 = tpu.memref_slice %arg12[%dma_wait3A_669] : memref<2x!tpu.dma_semaphore, #tpu.memory_space<semaphore_mem>> -> memref<1x!tpu.dma_semaphore, #tpu.memory_space<semaphore_mem>>
        %dma_wait3A_678 = tpu.memref_squeeze %dma_wait3A_677 : memref<1x!tpu.dma_semaphore, #tpu.memory_space<semaphore_mem>> -> memref<!tpu.dma_semaphore, #tpu.memory_space<semaphore_mem>>
        %dma_wait3A_679 = arith.constant 0 : i32
        %dma_wait3A_680 = arith.constant 0 : i32
        %dma_wait3A_681 = tpu.memref_slice %arg9[%dma_wait3A_668, %dma_wait3A_679, %dma_wait3A_680] : memref<2x128x128xf32, #tpu.memory_space<vmem>> -> memref<1x128x128xf32, #tpu.memory_space<vmem>>
        %dma_wait3A_682 = tpu.memref_squeeze %dma_wait3A_681 : memref<1x128x128xf32, #tpu.memory_space<vmem>> -> memref<128x128xf32, #tpu.memory_space<vmem>>
        %dma_wait3A_683 = arith.constant 0 : i32
        %dma_wait3A_684 = arith.constant 0 : i32
        %dma_wait3A_685 = tpu.memref_slice %arg4[%dma_wait3A_683, %dma_wait3A_684] : memref<10000x128xf32, #tpu.memory_space<hbm>> -> memref<128x128xf32, #tpu.memory_space<hbm>>
        tpu.wait_dma2 semaphore(%dma_wait3A_678 : memref<!tpu.dma_semaphore, #tpu.memory_space<semaphore_mem>>) src(%dma_wait3A_685 : memref<128x128xf32, #tpu.memory_space<hbm>>) dst(%dma_wait3A_682 : memref<128x128xf32, #tpu.memory_space<vmem>>)
        %dma_start3A_686 = arith.constant 2 : i32
        %dma_start3A_687 = arith.constant 0 : i32
        %dma_start3A_688 = arith.constant 0 : i32
        %dma_start3A_689 = arith.constant 0 : i32
        %dma_start3A_690 = arith.constant 0 : i32
        %dma_start3A_691 = tpu.memref_slice %arg9[%dma_start3A_687, %dma_start3A_689, %dma_start3A_690] : memref<2x128x128xf32, #tpu.memory_space<vmem>> -> memref<1x128x128xf32, #tpu.memory_space<vmem>>
        %dma_start3A_692 = tpu.memref_squeeze %dma_start3A_691 : memref<1x128x128xf32, #tpu.memory_space<vmem>> -> memref<128x128xf32, #tpu.memory_space<vmem>>
        %dma_start3A_693 = arith.constant 0 : i32
        %dma_start3A_694 = tpu.memref_slice %arg7[%rem3A_79, %dma_start3A_686, %dma_start3A_693] : memref<2x8x128xi32, #tpu.memory_space<vmem>> -> memref<1x1x128xi32, #tpu.memory_space<vmem>>
        %dma_start3A_695 = tpu.memref_squeeze %dma_start3A_694 : memref<1x1x128xi32, #tpu.memory_space<vmem>> -> memref<128xi32, #tpu.memory_space<vmem>>
        %dma_start3A_696 = arith.constant 0 : i32
        %dma_start3A_697 = arith.constant 0 : i32
        %dma_start3A_698 = tpu.memref_slice %arg4[%dma_start3A_696, %dma_start3A_697] : memref<10000x128xf32, #tpu.memory_space<hbm>> -> memref<10000x128xf32, #tpu.memory_space<hbm>>
        %dma_start3A_699 = tpu.memref_slice %arg11[%dma_start3A_688] : memref<2x!tpu.dma_semaphore, #tpu.memory_space<semaphore_mem>> -> memref<1x!tpu.dma_semaphore, #tpu.memory_space<semaphore_mem>>
        %dma_start3A_700 = tpu.memref_squeeze %dma_start3A_699 : memref<1x!tpu.dma_semaphore, #tpu.memory_space<semaphore_mem>> -> memref<!tpu.dma_semaphore, #tpu.memory_space<semaphore_mem>>
        tpu.enqueue_indirect_dma source(%dma_start3A_698 : memref<10000x128xf32, #tpu.memory_space<hbm>>) target(%dma_start3A_692 : memref<128x128xf32, #tpu.memory_space<vmem>>) offsets(%dma_start3A_695 : memref<128xi32, #tpu.memory_space<vmem>>) semaphore(%dma_start3A_700 : memref<!tpu.dma_semaphore, #tpu.memory_space<semaphore_mem>>)
        %dma_wait3A_701 = arith.constant 1 : i32
        %dma_wait3A_702 = arith.constant 1 : i32
        %dma_wait3A_703 = arith.constant 0 : i32
        %dma_wait3A_704 = arith.constant 0 : i32
        %dma_wait3A_705 = tpu.memref_slice %arg9[%dma_wait3A_701, %dma_wait3A_703, %dma_wait3A_704] : memref<2x128x128xf32, #tpu.memory_space<vmem>> -> memref<1x128x128xf32, #tpu.memory_space<vmem>>
        %dma_wait3A_706 = tpu.memref_squeeze %dma_wait3A_705 : memref<1x128x128xf32, #tpu.memory_space<vmem>> -> memref<128x128xf32, #tpu.memory_space<vmem>>
        %dma_wait3A_707 = arith.constant 0 : i32
        %dma_wait3A_708 = arith.constant 0 : i32
        %dma_wait3A_709 = tpu.memref_slice %arg4[%dma_wait3A_707, %dma_wait3A_708] : memref<10000x128xf32, #tpu.memory_space<hbm>> -> memref<128x128xf32, #tpu.memory_space<hbm>>
        %dma_wait3A_710 = tpu.memref_slice %arg12[%dma_wait3A_702] : memref<2x!tpu.dma_semaphore, #tpu.memory_space<semaphore_mem>> -> memref<1x!tpu.dma_semaphore, #tpu.memory_space<semaphore_mem>>
        %dma_wait3A_711 = tpu.memref_squeeze %dma_wait3A_710 : memref<1x!tpu.dma_semaphore, #tpu.memory_space<semaphore_mem>> -> memref<!tpu.dma_semaphore, #tpu.memory_space<semaphore_mem>>
        %dma_wait3A_712 = arith.constant 0 : i32
        %dma_wait3A_713 = arith.constant 0 : i32
        %dma_wait3A_714 = tpu.memref_slice %arg9[%dma_wait3A_701, %dma_wait3A_712, %dma_wait3A_713] : memref<2x128x128xf32, #tpu.memory_space<vmem>> -> memref<1x128x128xf32, #tpu.memory_space<vmem>>
        %dma_wait3A_715 = tpu.memref_squeeze %dma_wait3A_714 : memref<1x128x128xf32, #tpu.memory_space<vmem>> -> memref<128x128xf32, #tpu.memory_space<vmem>>
        %dma_wait3A_716 = arith.constant 0 : i32
        %dma_wait3A_717 = arith.constant 0 : i32
        %dma_wait3A_718 = tpu.memref_slice %arg4[%dma_wait3A_716, %dma_wait3A_717] : memref<10000x128xf32, #tpu.memory_space<hbm>> -> memref<128x128xf32, #tpu.memory_space<hbm>>
        tpu.wait_dma2 semaphore(%dma_wait3A_711 : memref<!tpu.dma_semaphore, #tpu.memory_space<semaphore_mem>>) src(%dma_wait3A_718 : memref<128x128xf32, #tpu.memory_space<hbm>>) dst(%dma_wait3A_715 : memref<128x128xf32, #tpu.memory_space<vmem>>)
        %dma_start3A_719 = arith.constant 3 : i32
        %dma_start3A_720 = arith.constant 1 : i32
        %dma_start3A_721 = arith.constant 1 : i32
        %dma_start3A_722 = arith.constant 0 : i32
        %dma_start3A_723 = arith.constant 0 : i32
        %dma_start3A_724 = tpu.memref_slice %arg9[%dma_start3A_720, %dma_start3A_722, %dma_start3A_723] : memref<2x128x128xf32, #tpu.memory_space<vmem>> -> memref<1x128x128xf32, #tpu.memory_space<vmem>>
        %dma_start3A_725 = tpu.memref_squeeze %dma_start3A_724 : memref<1x128x128xf32, #tpu.memory_space<vmem>> -> memref<128x128xf32, #tpu.memory_space<vmem>>
        %dma_start3A_726 = arith.constant 0 : i32
        %dma_start3A_727 = tpu.memref_slice %arg7[%rem3A_79, %dma_start3A_719, %dma_start3A_726] : memref<2x8x128xi32, #tpu.memory_space<vmem>> -> memref<1x1x128xi32, #tpu.memory_space<vmem>>
        %dma_start3A_728 = tpu.memref_squeeze %dma_start3A_727 : memref<1x1x128xi32, #tpu.memory_space<vmem>> -> memref<128xi32, #tpu.memory_space<vmem>>
        %dma_start3A_729 = arith.constant 0 : i32
        %dma_start3A_730 = arith.constant 0 : i32
        %dma_start3A_731 = tpu.memref_slice %arg4[%dma_start3A_729, %dma_start3A_730] : memref<10000x128xf32, #tpu.memory_space<hbm>> -> memref<10000x128xf32, #tpu.memory_space<hbm>>
        %dma_start3A_732 = tpu.memref_slice %arg11[%dma_start3A_721] : memref<2x!tpu.dma_semaphore, #tpu.memory_space<semaphore_mem>> -> memref<1x!tpu.dma_semaphore, #tpu.memory_space<semaphore_mem>>
        %dma_start3A_733 = tpu.memref_squeeze %dma_start3A_732 : memref<1x!tpu.dma_semaphore, #tpu.memory_space<semaphore_mem>> -> memref<!tpu.dma_semaphore, #tpu.memory_space<semaphore_mem>>
        tpu.enqueue_indirect_dma source(%dma_start3A_731 : memref<10000x128xf32, #tpu.memory_space<hbm>>) target(%dma_start3A_725 : memref<128x128xf32, #tpu.memory_space<vmem>>) offsets(%dma_start3A_728 : memref<128xi32, #tpu.memory_space<vmem>>) semaphore(%dma_start3A_733 : memref<!tpu.dma_semaphore, #tpu.memory_space<semaphore_mem>>)
        %dma_wait3A_734 = arith.constant 0 : i32
        %dma_wait3A_735 = arith.constant 0 : i32
        %dma_wait3A_736 = arith.constant 0 : i32
        %dma_wait3A_737 = arith.constant 0 : i32
        %dma_wait3A_738 = tpu.memref_slice %arg9[%dma_wait3A_734, %dma_wait3A_736, %dma_wait3A_737] : memref<2x128x128xf32, #tpu.memory_space<vmem>> -> memref<1x128x128xf32, #tpu.memory_space<vmem>>
        %dma_wait3A_739 = tpu.memref_squeeze %dma_wait3A_738 : memref<1x128x128xf32, #tpu.memory_space<vmem>> -> memref<128x128xf32, #tpu.memory_space<vmem>>
        %dma_wait3A_740 = arith.constant 0 : i32
        %dma_wait3A_741 = arith.constant 0 : i32
        %dma_wait3A_742 = tpu.memref_slice %arg4[%dma_wait3A_740, %dma_wait3A_741] : memref<10000x128xf32, #tpu.memory_space<hbm>> -> memref<128x128xf32, #tpu.memory_space<hbm>>
        %dma_wait3A_743 = tpu.memref_slice %arg11[%dma_wait3A_735] : memref<2x!tpu.dma_semaphore, #tpu.memory_space<semaphore_mem>> -> memref<1x!tpu.dma_semaphore, #tpu.memory_space<semaphore_mem>>
        %dma_wait3A_744 = tpu.memref_squeeze %dma_wait3A_743 : memref<1x!tpu.dma_semaphore, #tpu.memory_space<semaphore_mem>> -> memref<!tpu.dma_semaphore, #tpu.memory_space<semaphore_mem>>
        %dma_wait3A_745 = arith.constant 0 : i32
        %dma_wait3A_746 = arith.constant 0 : i32
        %dma_wait3A_747 = tpu.memref_slice %arg9[%dma_wait3A_734, %dma_wait3A_745, %dma_wait3A_746] : memref<2x128x128xf32, #tpu.memory_space<vmem>> -> memref<1x128x128xf32, #tpu.memory_space<vmem>>
        %dma_wait3A_748 = tpu.memref_squeeze %dma_wait3A_747 : memref<1x128x128xf32, #tpu.memory_space<vmem>> -> memref<128x128xf32, #tpu.memory_space<vmem>>
        %dma_wait3A_749 = arith.constant 0 : i32
        %dma_wait3A_750 = arith.constant 0 : i32
        %dma_wait3A_751 = tpu.memref_slice %arg4[%dma_wait3A_749, %dma_wait3A_750] : memref<10000x128xf32, #tpu.memory_space<hbm>> -> memref<128x128xf32, #tpu.memory_space<hbm>>
        tpu.wait_dma2 semaphore(%dma_wait3A_744 : memref<!tpu.dma_semaphore, #tpu.memory_space<semaphore_mem>>) src(%dma_wait3A_751 : memref<128x128xf32, #tpu.memory_space<hbm>>) dst(%dma_wait3A_748 : memref<128x128xf32, #tpu.memory_space<vmem>>)
        %dma_start3A_752 = arith.constant 0 : i32
        %dma_start3A_753 = arith.constant 2 : i32
        %dma_start3A_754 = arith.constant 0 : i32
        %dma_start3A_755 = arith.constant 0 : i32
        %dma_start3A_756 = arith.constant 0 : i32
        %dma_start3A_757 = tpu.memref_slice %arg9[%dma_start3A_752, %dma_start3A_755, %dma_start3A_756] : memref<2x128x128xf32, #tpu.memory_space<vmem>> -> memref<1x128x128xf32, #tpu.memory_space<vmem>>
        %dma_start3A_758 = tpu.memref_squeeze %dma_start3A_757 : memref<1x128x128xf32, #tpu.memory_space<vmem>> -> memref<128x128xf32, #tpu.memory_space<vmem>>
        %dma_start3A_759 = arith.constant 0 : i32
        %dma_start3A_760 = tpu.memref_slice %arg8[%rem3A_79, %dma_start3A_753, %dma_start3A_759] : memref<2x8x128xi32, #tpu.memory_space<vmem>> -> memref<1x1x128xi32, #tpu.memory_space<vmem>>
        %dma_start3A_761 = tpu.memref_squeeze %dma_start3A_760 : memref<1x1x128xi32, #tpu.memory_space<vmem>> -> memref<128xi32, #tpu.memory_space<vmem>>
        %dma_start3A_762 = arith.constant 0 : i32
        %dma_start3A_763 = arith.constant 0 : i32
        %dma_start3A_764 = tpu.memref_slice %arg10[%dma_start3A_762, %dma_start3A_763] : memref<10112x128xf32, #tpu.memory_space<vmem_shared>> -> memref<10112x128xf32, #tpu.memory_space<vmem_shared>>
        %dma_start3A_765 = tpu.memref_slice %arg12[%dma_start3A_754] : memref<2x!tpu.dma_semaphore, #tpu.memory_space<semaphore_mem>> -> memref<1x!tpu.dma_semaphore, #tpu.memory_space<semaphore_mem>>
        %dma_start3A_766 = tpu.memref_squeeze %dma_start3A_765 : memref<1x!tpu.dma_semaphore, #tpu.memory_space<semaphore_mem>> -> memref<!tpu.dma_semaphore, #tpu.memory_space<semaphore_mem>>
        tpu.enqueue_indirect_dma source(%dma_start3A_758 : memref<128x128xf32, #tpu.memory_space<vmem>>) target(%dma_start3A_764 : memref<10112x128xf32, #tpu.memory_space<vmem_shared>>) offsets(%dma_start3A_761 : memref<128xi32, #tpu.memory_space<vmem>>) semaphore(%dma_start3A_766 : memref<!tpu.dma_semaphore, #tpu.memory_space<semaphore_mem>>) {add = true}
        %dma_wait3A_767 = arith.constant 1 : i32
        %dma_wait3A_768 = arith.constant 1 : i32
        %dma_wait3A_769 = arith.constant 0 : i32
        %dma_wait3A_770 = arith.constant 0 : i32
        %dma_wait3A_771 = tpu.memref_slice %arg9[%dma_wait3A_767, %dma_wait3A_769, %dma_wait3A_770] : memref<2x128x128xf32, #tpu.memory_space<vmem>> -> memref<1x128x128xf32, #tpu.memory_space<vmem>>
        %dma_wait3A_772 = tpu.memref_squeeze %dma_wait3A_771 : memref<1x128x128xf32, #tpu.memory_space<vmem>> -> memref<128x128xf32, #tpu.memory_space<vmem>>
        %dma_wait3A_773 = arith.constant 0 : i32
        %dma_wait3A_774 = arith.constant 0 : i32
        %dma_wait3A_775 = tpu.memref_slice %arg4[%dma_wait3A_773, %dma_wait3A_774] : memref<10000x128xf32, #tpu.memory_space<hbm>> -> memref<128x128xf32, #tpu.memory_space<hbm>>
        %dma_wait3A_776 = tpu.memref_slice %arg11[%dma_wait3A_768] : memref<2x!tpu.dma_semaphore, #tpu.memory_space<semaphore_mem>> -> memref<1x!tpu.dma_semaphore, #tpu.memory_space<semaphore_mem>>
        %dma_wait3A_777 = tpu.memref_squeeze %dma_wait3A_776 : memref<1x!tpu.dma_semaphore, #tpu.memory_space<semaphore_mem>> -> memref<!tpu.dma_semaphore, #tpu.memory_space<semaphore_mem>>
        %dma_wait3A_778 = arith.constant 0 : i32
        %dma_wait3A_779 = arith.constant 0 : i32
        %dma_wait3A_780 = tpu.memref_slice %arg9[%dma_wait3A_767, %dma_wait3A_778, %dma_wait3A_779] : memref<2x128x128xf32, #tpu.memory_space<vmem>> -> memref<1x128x128xf32, #tpu.memory_space<vmem>>
        %dma_wait3A_781 = tpu.memref_squeeze %dma_wait3A_780 : memref<1x128x128xf32, #tpu.memory_space<vmem>> -> memref<128x128xf32, #tpu.memory_space<vmem>>
        %dma_wait3A_782 = arith.constant 0 : i32
        %dma_wait3A_783 = arith.constant 0 : i32
        %dma_wait3A_784 = tpu.memref_slice %arg4[%dma_wait3A_782, %dma_wait3A_783] : memref<10000x128xf32, #tpu.memory_space<hbm>> -> memref<128x128xf32, #tpu.memory_space<hbm>>
        tpu.wait_dma2 semaphore(%dma_wait3A_777 : memref<!tpu.dma_semaphore, #tpu.memory_space<semaphore_mem>>) src(%dma_wait3A_784 : memref<128x128xf32, #tpu.memory_space<hbm>>) dst(%dma_wait3A_781 : memref<128x128xf32, #tpu.memory_space<vmem>>)
        %dma_start3A_785 = arith.constant 1 : i32
        %dma_start3A_786 = arith.constant 3 : i32
        %dma_start3A_787 = arith.constant 1 : i32
        %dma_start3A_788 = arith.constant 0 : i32
        %dma_start3A_789 = arith.constant 0 : i32
        %dma_start3A_790 = tpu.memref_slice %arg9[%dma_start3A_785, %dma_start3A_788, %dma_start3A_789] : memref<2x128x128xf32, #tpu.memory_space<vmem>> -> memref<1x128x128xf32, #tpu.memory_space<vmem>>
        %dma_start3A_791 = tpu.memref_squeeze %dma_start3A_790 : memref<1x128x128xf32, #tpu.memory_space<vmem>> -> memref<128x128xf32, #tpu.memory_space<vmem>>
        %dma_start3A_792 = arith.constant 0 : i32
        %dma_start3A_793 = tpu.memref_slice %arg8[%rem3A_79, %dma_start3A_786, %dma_start3A_792] : memref<2x8x128xi32, #tpu.memory_space<vmem>> -> memref<1x1x128xi32, #tpu.memory_space<vmem>>
        %dma_start3A_794 = tpu.memref_squeeze %dma_start3A_793 : memref<1x1x128xi32, #tpu.memory_space<vmem>> -> memref<128xi32, #tpu.memory_space<vmem>>
        %dma_start3A_795 = arith.constant 0 : i32
        %dma_start3A_796 = arith.constant 0 : i32
        %dma_start3A_797 = tpu.memref_slice %arg10[%dma_start3A_795, %dma_start3A_796] : memref<10112x128xf32, #tpu.memory_space<vmem_shared>> -> memref<10112x128xf32, #tpu.memory_space<vmem_shared>>
        %dma_start3A_798 = tpu.memref_slice %arg12[%dma_start3A_787] : memref<2x!tpu.dma_semaphore, #tpu.memory_space<semaphore_mem>> -> memref<1x!tpu.dma_semaphore, #tpu.memory_space<semaphore_mem>>
        %dma_start3A_799 = tpu.memref_squeeze %dma_start3A_798 : memref<1x!tpu.dma_semaphore, #tpu.memory_space<semaphore_mem>> -> memref<!tpu.dma_semaphore, #tpu.memory_space<semaphore_mem>>
        tpu.enqueue_indirect_dma source(%dma_start3A_791 : memref<128x128xf32, #tpu.memory_space<vmem>>) target(%dma_start3A_797 : memref<10112x128xf32, #tpu.memory_space<vmem_shared>>) offsets(%dma_start3A_794 : memref<128xi32, #tpu.memory_space<vmem>>) semaphore(%dma_start3A_799 : memref<!tpu.dma_semaphore, #tpu.memory_space<semaphore_mem>>) {add = true}
        %dma_wait3A_800 = arith.constant 0 : i32
        %dma_wait3A_801 = arith.constant 0 : i32
        %dma_wait3A_802 = arith.constant 0 : i32
        %dma_wait3A_803 = arith.constant 0 : i32
        %dma_wait3A_804 = tpu.memref_slice %arg9[%dma_wait3A_800, %dma_wait3A_802, %dma_wait3A_803] : memref<2x128x128xf32, #tpu.memory_space<vmem>> -> memref<1x128x128xf32, #tpu.memory_space<vmem>>
        %dma_wait3A_805 = tpu.memref_squeeze %dma_wait3A_804 : memref<1x128x128xf32, #tpu.memory_space<vmem>> -> memref<128x128xf32, #tpu.memory_space<vmem>>
        %dma_wait3A_806 = arith.constant 0 : i32
        %dma_wait3A_807 = arith.constant 0 : i32
        %dma_wait3A_808 = tpu.memref_slice %arg4[%dma_wait3A_806, %dma_wait3A_807] : memref<10000x128xf32, #tpu.memory_space<hbm>> -> memref<128x128xf32, #tpu.memory_space<hbm>>
        %dma_wait3A_809 = tpu.memref_slice %arg12[%dma_wait3A_801] : memref<2x!tpu.dma_semaphore, #tpu.memory_space<semaphore_mem>> -> memref<1x!tpu.dma_semaphore, #tpu.memory_space<semaphore_mem>>
        %dma_wait3A_810 = tpu.memref_squeeze %dma_wait3A_809 : memref<1x!tpu.dma_semaphore, #tpu.memory_space<semaphore_mem>> -> memref<!tpu.dma_semaphore, #tpu.memory_space<semaphore_mem>>
        %dma_wait3A_811 = arith.constant 0 : i32
        %dma_wait3A_812 = arith.constant 0 : i32
        %dma_wait3A_813 = tpu.memref_slice %arg9[%dma_wait3A_800, %dma_wait3A_811, %dma_wait3A_812] : memref<2x128x128xf32, #tpu.memory_space<vmem>> -> memref<1x128x128xf32, #tpu.memory_space<vmem>>
        %dma_wait3A_814 = tpu.memref_squeeze %dma_wait3A_813 : memref<1x128x128xf32, #tpu.memory_space<vmem>> -> memref<128x128xf32, #tpu.memory_space<vmem>>
        %dma_wait3A_815 = arith.constant 0 : i32
        %dma_wait3A_816 = arith.constant 0 : i32
        %dma_wait3A_817 = tpu.memref_slice %arg4[%dma_wait3A_815, %dma_wait3A_816] : memref<10000x128xf32, #tpu.memory_space<hbm>> -> memref<128x128xf32, #tpu.memory_space<hbm>>
        tpu.wait_dma2 semaphore(%dma_wait3A_810 : memref<!tpu.dma_semaphore, #tpu.memory_space<semaphore_mem>>) src(%dma_wait3A_817 : memref<128x128xf32, #tpu.memory_space<hbm>>) dst(%dma_wait3A_814 : memref<128x128xf32, #tpu.memory_space<vmem>>)
        %dma_start3A_818 = arith.constant 4 : i32
        %dma_start3A_819 = arith.constant 0 : i32
        %dma_start3A_820 = arith.constant 0 : i32
        %dma_start3A_821 = arith.constant 0 : i32
        %dma_start3A_822 = arith.constant 0 : i32
        %dma_start3A_823 = tpu.memref_slice %arg9[%dma_start3A_819, %dma_start3A_821, %dma_start3A_822] : memref<2x128x128xf32, #tpu.memory_space<vmem>> -> memref<1x128x128xf32, #tpu.memory_space<vmem>>
        %dma_start3A_824 = tpu.memref_squeeze %dma_start3A_823 : memref<1x128x128xf32, #tpu.memory_space<vmem>> -> memref<128x128xf32, #tpu.memory_space<vmem>>
        %dma_start3A_825 = arith.constant 0 : i32
        %dma_start3A_826 = tpu.memref_slice %arg7[%rem3A_79, %dma_start3A_818, %dma_start3A_825] : memref<2x8x128xi32, #tpu.memory_space<vmem>> -> memref<1x1x128xi32, #tpu.memory_space<vmem>>
        %dma_start3A_827 = tpu.memref_squeeze %dma_start3A_826 : memref<1x1x128xi32, #tpu.memory_space<vmem>> -> memref<128xi32, #tpu.memory_space<vmem>>
        %dma_start3A_828 = arith.constant 0 : i32
        %dma_start3A_829 = arith.constant 0 : i32
        %dma_start3A_830 = tpu.memref_slice %arg4[%dma_start3A_828, %dma_start3A_829] : memref<10000x128xf32, #tpu.memory_space<hbm>> -> memref<10000x128xf32, #tpu.memory_space<hbm>>
        %dma_start3A_831 = tpu.memref_slice %arg11[%dma_start3A_820] : memref<2x!tpu.dma_semaphore, #tpu.memory_space<semaphore_mem>> -> memref<1x!tpu.dma_semaphore, #tpu.memory_space<semaphore_mem>>
        %dma_start3A_832 = tpu.memref_squeeze %dma_start3A_831 : memref<1x!tpu.dma_semaphore, #tpu.memory_space<semaphore_mem>> -> memref<!tpu.dma_semaphore, #tpu.memory_space<semaphore_mem>>
        tpu.enqueue_indirect_dma source(%dma_start3A_830 : memref<10000x128xf32, #tpu.memory_space<hbm>>) target(%dma_start3A_824 : memref<128x128xf32, #tpu.memory_space<vmem>>) offsets(%dma_start3A_827 : memref<128xi32, #tpu.memory_space<vmem>>) semaphore(%dma_start3A_832 : memref<!tpu.dma_semaphore, #tpu.memory_space<semaphore_mem>>)
        %dma_wait3A_833 = arith.constant 1 : i32
        %dma_wait3A_834 = arith.constant 1 : i32
        %dma_wait3A_835 = arith.constant 0 : i32
        %dma_wait3A_836 = arith.constant 0 : i32
        %dma_wait3A_837 = tpu.memref_slice %arg9[%dma_wait3A_833, %dma_wait3A_835, %dma_wait3A_836] : memref<2x128x128xf32, #tpu.memory_space<vmem>> -> memref<1x128x128xf32, #tpu.memory_space<vmem>>
        %dma_wait3A_838 = tpu.memref_squeeze %dma_wait3A_837 : memref<1x128x128xf32, #tpu.memory_space<vmem>> -> memref<128x128xf32, #tpu.memory_space<vmem>>
        %dma_wait3A_839 = arith.constant 0 : i32
        %dma_wait3A_840 = arith.constant 0 : i32
        %dma_wait3A_841 = tpu.memref_slice %arg4[%dma_wait3A_839, %dma_wait3A_840] : memref<10000x128xf32, #tpu.memory_space<hbm>> -> memref<128x128xf32, #tpu.memory_space<hbm>>
        %dma_wait3A_842 = tpu.memref_slice %arg12[%dma_wait3A_834] : memref<2x!tpu.dma_semaphore, #tpu.memory_space<semaphore_mem>> -> memref<1x!tpu.dma_semaphore, #tpu.memory_space<semaphore_mem>>
        %dma_wait3A_843 = tpu.memref_squeeze %dma_wait3A_842 : memref<1x!tpu.dma_semaphore, #tpu.memory_space<semaphore_mem>> -> memref<!tpu.dma_semaphore, #tpu.memory_space<semaphore_mem>>
        %dma_wait3A_844 = arith.constant 0 : i32
        %dma_wait3A_845 = arith.constant 0 : i32
        %dma_wait3A_846 = tpu.memref_slice %arg9[%dma_wait3A_833, %dma_wait3A_844, %dma_wait3A_845] : memref<2x128x128xf32, #tpu.memory_space<vmem>> -> memref<1x128x128xf32, #tpu.memory_space<vmem>>
        %dma_wait3A_847 = tpu.memref_squeeze %dma_wait3A_846 : memref<1x128x128xf32, #tpu.memory_space<vmem>> -> memref<128x128xf32, #tpu.memory_space<vmem>>
        %dma_wait3A_848 = arith.constant 0 : i32
        %dma_wait3A_849 = arith.constant 0 : i32
        %dma_wait3A_850 = tpu.memref_slice %arg4[%dma_wait3A_848, %dma_wait3A_849] : memref<10000x128xf32, #tpu.memory_space<hbm>> -> memref<128x128xf32, #tpu.memory_space<hbm>>
        tpu.wait_dma2 semaphore(%dma_wait3A_843 : memref<!tpu.dma_semaphore, #tpu.memory_space<semaphore_mem>>) src(%dma_wait3A_850 : memref<128x128xf32, #tpu.memory_space<hbm>>) dst(%dma_wait3A_847 : memref<128x128xf32, #tpu.memory_space<vmem>>)
        %dma_start3A_851 = arith.constant 5 : i32
        %dma_start3A_852 = arith.constant 1 : i32
        %dma_start3A_853 = arith.constant 1 : i32
        %dma_start3A_854 = arith.constant 0 : i32
        %dma_start3A_855 = arith.constant 0 : i32
        %dma_start3A_856 = tpu.memref_slice %arg9[%dma_start3A_852, %dma_start3A_854, %dma_start3A_855] : memref<2x128x128xf32, #tpu.memory_space<vmem>> -> memref<1x128x128xf32, #tpu.memory_space<vmem>>
        %dma_start3A_857 = tpu.memref_squeeze %dma_start3A_856 : memref<1x128x128xf32, #tpu.memory_space<vmem>> -> memref<128x128xf32, #tpu.memory_space<vmem>>
        %dma_start3A_858 = arith.constant 0 : i32
        %dma_start3A_859 = tpu.memref_slice %arg7[%rem3A_79, %dma_start3A_851, %dma_start3A_858] : memref<2x8x128xi32, #tpu.memory_space<vmem>> -> memref<1x1x128xi32, #tpu.memory_space<vmem>>
        %dma_start3A_860 = tpu.memref_squeeze %dma_start3A_859 : memref<1x1x128xi32, #tpu.memory_space<vmem>> -> memref<128xi32, #tpu.memory_space<vmem>>
        %dma_start3A_861 = arith.constant 0 : i32
        %dma_start3A_862 = arith.constant 0 : i32
        %dma_start3A_863 = tpu.memref_slice %arg4[%dma_start3A_861, %dma_start3A_862] : memref<10000x128xf32, #tpu.memory_space<hbm>> -> memref<10000x128xf32, #tpu.memory_space<hbm>>
        %dma_start3A_864 = tpu.memref_slice %arg11[%dma_start3A_853] : memref<2x!tpu.dma_semaphore, #tpu.memory_space<semaphore_mem>> -> memref<1x!tpu.dma_semaphore, #tpu.memory_space<semaphore_mem>>
        %dma_start3A_865 = tpu.memref_squeeze %dma_start3A_864 : memref<1x!tpu.dma_semaphore, #tpu.memory_space<semaphore_mem>> -> memref<!tpu.dma_semaphore, #tpu.memory_space<semaphore_mem>>
        tpu.enqueue_indirect_dma source(%dma_start3A_863 : memref<10000x128xf32, #tpu.memory_space<hbm>>) target(%dma_start3A_857 : memref<128x128xf32, #tpu.memory_space<vmem>>) offsets(%dma_start3A_860 : memref<128xi32, #tpu.memory_space<vmem>>) semaphore(%dma_start3A_865 : memref<!tpu.dma_semaphore, #tpu.memory_space<semaphore_mem>>)
        %dma_wait3A_866 = arith.constant 0 : i32
        %dma_wait3A_867 = arith.constant 0 : i32
        %dma_wait3A_868 = arith.constant 0 : i32
        %dma_wait3A_869 = arith.constant 0 : i32
        %dma_wait3A_870 = tpu.memref_slice %arg9[%dma_wait3A_866, %dma_wait3A_868, %dma_wait3A_869] : memref<2x128x128xf32, #tpu.memory_space<vmem>> -> memref<1x128x128xf32, #tpu.memory_space<vmem>>
        %dma_wait3A_871 = tpu.memref_squeeze %dma_wait3A_870 : memref<1x128x128xf32, #tpu.memory_space<vmem>> -> memref<128x128xf32, #tpu.memory_space<vmem>>
        %dma_wait3A_872 = arith.constant 0 : i32
        %dma_wait3A_873 = arith.constant 0 : i32
        %dma_wait3A_874 = tpu.memref_slice %arg4[%dma_wait3A_872, %dma_wait3A_873] : memref<10000x128xf32, #tpu.memory_space<hbm>> -> memref<128x128xf32, #tpu.memory_space<hbm>>
        %dma_wait3A_875 = tpu.memref_slice %arg11[%dma_wait3A_867] : memref<2x!tpu.dma_semaphore, #tpu.memory_space<semaphore_mem>> -> memref<1x!tpu.dma_semaphore, #tpu.memory_space<semaphore_mem>>
        %dma_wait3A_876 = tpu.memref_squeeze %dma_wait3A_875 : memref<1x!tpu.dma_semaphore, #tpu.memory_space<semaphore_mem>> -> memref<!tpu.dma_semaphore, #tpu.memory_space<semaphore_mem>>
        %dma_wait3A_877 = arith.constant 0 : i32
        %dma_wait3A_878 = arith.constant 0 : i32
        %dma_wait3A_879 = tpu.memref_slice %arg9[%dma_wait3A_866, %dma_wait3A_877, %dma_wait3A_878] : memref<2x128x128xf32, #tpu.memory_space<vmem>> -> memref<1x128x128xf32, #tpu.memory_space<vmem>>
        %dma_wait3A_880 = tpu.memref_squeeze %dma_wait3A_879 : memref<1x128x128xf32, #tpu.memory_space<vmem>> -> memref<128x128xf32, #tpu.memory_space<vmem>>
        %dma_wait3A_881 = arith.constant 0 : i32
        %dma_wait3A_882 = arith.constant 0 : i32
        %dma_wait3A_883 = tpu.memref_slice %arg4[%dma_wait3A_881, %dma_wait3A_882] : memref<10000x128xf32, #tpu.memory_space<hbm>> -> memref<128x128xf32, #tpu.memory_space<hbm>>
        tpu.wait_dma2 semaphore(%dma_wait3A_876 : memref<!tpu.dma_semaphore, #tpu.memory_space<semaphore_mem>>) src(%dma_wait3A_883 : memref<128x128xf32, #tpu.memory_space<hbm>>) dst(%dma_wait3A_880 : memref<128x128xf32, #tpu.memory_space<vmem>>)
        %dma_start3A_884 = arith.constant 0 : i32
        %dma_start3A_885 = arith.constant 4 : i32
        %dma_start3A_886 = arith.constant 0 : i32
        %dma_start3A_887 = arith.constant 0 : i32
        %dma_start3A_888 = arith.constant 0 : i32
        %dma_start3A_889 = tpu.memref_slice %arg9[%dma_start3A_884, %dma_start3A_887, %dma_start3A_888] : memref<2x128x128xf32, #tpu.memory_space<vmem>> -> memref<1x128x128xf32, #tpu.memory_space<vmem>>
        %dma_start3A_890 = tpu.memref_squeeze %dma_start3A_889 : memref<1x128x128xf32, #tpu.memory_space<vmem>> -> memref<128x128xf32, #tpu.memory_space<vmem>>
        %dma_start3A_891 = arith.constant 0 : i32
        %dma_start3A_892 = tpu.memref_slice %arg8[%rem3A_79, %dma_start3A_885, %dma_start3A_891] : memref<2x8x128xi32, #tpu.memory_space<vmem>> -> memref<1x1x128xi32, #tpu.memory_space<vmem>>
        %dma_start3A_893 = tpu.memref_squeeze %dma_start3A_892 : memref<1x1x128xi32, #tpu.memory_space<vmem>> -> memref<128xi32, #tpu.memory_space<vmem>>
        %dma_start3A_894 = arith.constant 0 : i32
        %dma_start3A_895 = arith.constant 0 : i32
        %dma_start3A_896 = tpu.memref_slice %arg10[%dma_start3A_894, %dma_start3A_895] : memref<10112x128xf32, #tpu.memory_space<vmem_shared>> -> memref<10112x128xf32, #tpu.memory_space<vmem_shared>>
        %dma_start3A_897 = tpu.memref_slice %arg12[%dma_start3A_886] : memref<2x!tpu.dma_semaphore, #tpu.memory_space<semaphore_mem>> -> memref<1x!tpu.dma_semaphore, #tpu.memory_space<semaphore_mem>>
        %dma_start3A_898 = tpu.memref_squeeze %dma_start3A_897 : memref<1x!tpu.dma_semaphore, #tpu.memory_space<semaphore_mem>> -> memref<!tpu.dma_semaphore, #tpu.memory_space<semaphore_mem>>
        tpu.enqueue_indirect_dma source(%dma_start3A_890 : memref<128x128xf32, #tpu.memory_space<vmem>>) target(%dma_start3A_896 : memref<10112x128xf32, #tpu.memory_space<vmem_shared>>) offsets(%dma_start3A_893 : memref<128xi32, #tpu.memory_space<vmem>>) semaphore(%dma_start3A_898 : memref<!tpu.dma_semaphore, #tpu.memory_space<semaphore_mem>>) {add = true}
        %dma_wait3A_899 = arith.constant 1 : i32
        %dma_wait3A_900 = arith.constant 1 : i32
        %dma_wait3A_901 = arith.constant 0 : i32
        %dma_wait3A_902 = arith.constant 0 : i32
        %dma_wait3A_903 = tpu.memref_slice %arg9[%dma_wait3A_899, %dma_wait3A_901, %dma_wait3A_902] : memref<2x128x128xf32, #tpu.memory_space<vmem>> -> memref<1x128x128xf32, #tpu.memory_space<vmem>>
        %dma_wait3A_904 = tpu.memref_squeeze %dma_wait3A_903 : memref<1x128x128xf32, #tpu.memory_space<vmem>> -> memref<128x128xf32, #tpu.memory_space<vmem>>
        %dma_wait3A_905 = arith.constant 0 : i32
        %dma_wait3A_906 = arith.constant 0 : i32
        %dma_wait3A_907 = tpu.memref_slice %arg4[%dma_wait3A_905, %dma_wait3A_906] : memref<10000x128xf32, #tpu.memory_space<hbm>> -> memref<128x128xf32, #tpu.memory_space<hbm>>
        %dma_wait3A_908 = tpu.memref_slice %arg11[%dma_wait3A_900] : memref<2x!tpu.dma_semaphore, #tpu.memory_space<semaphore_mem>> -> memref<1x!tpu.dma_semaphore, #tpu.memory_space<semaphore_mem>>
        %dma_wait3A_909 = tpu.memref_squeeze %dma_wait3A_908 : memref<1x!tpu.dma_semaphore, #tpu.memory_space<semaphore_mem>> -> memref<!tpu.dma_semaphore, #tpu.memory_space<semaphore_mem>>
        %dma_wait3A_910 = arith.constant 0 : i32
        %dma_wait3A_911 = arith.constant 0 : i32
        %dma_wait3A_912 = tpu.memref_slice %arg9[%dma_wait3A_899, %dma_wait3A_910, %dma_wait3A_911] : memref<2x128x128xf32, #tpu.memory_space<vmem>> -> memref<1x128x128xf32, #tpu.memory_space<vmem>>
        %dma_wait3A_913 = tpu.memref_squeeze %dma_wait3A_912 : memref<1x128x128xf32, #tpu.memory_space<vmem>> -> memref<128x128xf32, #tpu.memory_space<vmem>>
        %dma_wait3A_914 = arith.constant 0 : i32
        %dma_wait3A_915 = arith.constant 0 : i32
        %dma_wait3A_916 = tpu.memref_slice %arg4[%dma_wait3A_914, %dma_wait3A_915] : memref<10000x128xf32, #tpu.memory_space<hbm>> -> memref<128x128xf32, #tpu.memory_space<hbm>>
        tpu.wait_dma2 semaphore(%dma_wait3A_909 : memref<!tpu.dma_semaphore, #tpu.memory_space<semaphore_mem>>) src(%dma_wait3A_916 : memref<128x128xf32, #tpu.memory_space<hbm>>) dst(%dma_wait3A_913 : memref<128x128xf32, #tpu.memory_space<vmem>>)
        %dma_start3A_917 = arith.constant 1 : i32
        %dma_start3A_918 = arith.constant 5 : i32
        %dma_start3A_919 = arith.constant 1 : i32
        %dma_start3A_920 = arith.constant 0 : i32
        %dma_start3A_921 = arith.constant 0 : i32
        %dma_start3A_922 = tpu.memref_slice %arg9[%dma_start3A_917, %dma_start3A_920, %dma_start3A_921] : memref<2x128x128xf32, #tpu.memory_space<vmem>> -> memref<1x128x128xf32, #tpu.memory_space<vmem>>
        %dma_start3A_923 = tpu.memref_squeeze %dma_start3A_922 : memref<1x128x128xf32, #tpu.memory_space<vmem>> -> memref<128x128xf32, #tpu.memory_space<vmem>>
        %dma_start3A_924 = arith.constant 0 : i32
        %dma_start3A_925 = tpu.memref_slice %arg8[%rem3A_79, %dma_start3A_918, %dma_start3A_924] : memref<2x8x128xi32, #tpu.memory_space<vmem>> -> memref<1x1x128xi32, #tpu.memory_space<vmem>>
        %dma_start3A_926 = tpu.memref_squeeze %dma_start3A_925 : memref<1x1x128xi32, #tpu.memory_space<vmem>> -> memref<128xi32, #tpu.memory_space<vmem>>
        %dma_start3A_927 = arith.constant 0 : i32
        %dma_start3A_928 = arith.constant 0 : i32
        %dma_start3A_929 = tpu.memref_slice %arg10[%dma_start3A_927, %dma_start3A_928] : memref<10112x128xf32, #tpu.memory_space<vmem_shared>> -> memref<10112x128xf32, #tpu.memory_space<vmem_shared>>
        %dma_start3A_930 = tpu.memref_slice %arg12[%dma_start3A_919] : memref<2x!tpu.dma_semaphore, #tpu.memory_space<semaphore_mem>> -> memref<1x!tpu.dma_semaphore, #tpu.memory_space<semaphore_mem>>
        %dma_start3A_931 = tpu.memref_squeeze %dma_start3A_930 : memref<1x!tpu.dma_semaphore, #tpu.memory_space<semaphore_mem>> -> memref<!tpu.dma_semaphore, #tpu.memory_space<semaphore_mem>>
        tpu.enqueue_indirect_dma source(%dma_start3A_923 : memref<128x128xf32, #tpu.memory_space<vmem>>) target(%dma_start3A_929 : memref<10112x128xf32, #tpu.memory_space<vmem_shared>>) offsets(%dma_start3A_926 : memref<128xi32, #tpu.memory_space<vmem>>) semaphore(%dma_start3A_931 : memref<!tpu.dma_semaphore, #tpu.memory_space<semaphore_mem>>) {add = true}
        %dma_wait3A_932 = arith.constant 0 : i32
        %dma_wait3A_933 = arith.constant 0 : i32
        %dma_wait3A_934 = arith.constant 0 : i32
        %dma_wait3A_935 = arith.constant 0 : i32
        %dma_wait3A_936 = tpu.memref_slice %arg9[%dma_wait3A_932, %dma_wait3A_934, %dma_wait3A_935] : memref<2x128x128xf32, #tpu.memory_space<vmem>> -> memref<1x128x128xf32, #tpu.memory_space<vmem>>
        %dma_wait3A_937 = tpu.memref_squeeze %dma_wait3A_936 : memref<1x128x128xf32, #tpu.memory_space<vmem>> -> memref<128x128xf32, #tpu.memory_space<vmem>>
        %dma_wait3A_938 = arith.constant 0 : i32
        %dma_wait3A_939 = arith.constant 0 : i32
        %dma_wait3A_940 = tpu.memref_slice %arg4[%dma_wait3A_938, %dma_wait3A_939] : memref<10000x128xf32, #tpu.memory_space<hbm>> -> memref<128x128xf32, #tpu.memory_space<hbm>>
        %dma_wait3A_941 = tpu.memref_slice %arg12[%dma_wait3A_933] : memref<2x!tpu.dma_semaphore, #tpu.memory_space<semaphore_mem>> -> memref<1x!tpu.dma_semaphore, #tpu.memory_space<semaphore_mem>>
        %dma_wait3A_942 = tpu.memref_squeeze %dma_wait3A_941 : memref<1x!tpu.dma_semaphore, #tpu.memory_space<semaphore_mem>> -> memref<!tpu.dma_semaphore, #tpu.memory_space<semaphore_mem>>
        %dma_wait3A_943 = arith.constant 0 : i32
        %dma_wait3A_944 = arith.constant 0 : i32
        %dma_wait3A_945 = tpu.memref_slice %arg9[%dma_wait3A_932, %dma_wait3A_943, %dma_wait3A_944] : memref<2x128x128xf32, #tpu.memory_space<vmem>> -> memref<1x128x128xf32, #tpu.memory_space<vmem>>
        %dma_wait3A_946 = tpu.memref_squeeze %dma_wait3A_945 : memref<1x128x128xf32, #tpu.memory_space<vmem>> -> memref<128x128xf32, #tpu.memory_space<vmem>>
        %dma_wait3A_947 = arith.constant 0 : i32
        %dma_wait3A_948 = arith.constant 0 : i32
        %dma_wait3A_949 = tpu.memref_slice %arg4[%dma_wait3A_947, %dma_wait3A_948] : memref<10000x128xf32, #tpu.memory_space<hbm>> -> memref<128x128xf32, #tpu.memory_space<hbm>>
        tpu.wait_dma2 semaphore(%dma_wait3A_942 : memref<!tpu.dma_semaphore, #tpu.memory_space<semaphore_mem>>) src(%dma_wait3A_949 : memref<128x128xf32, #tpu.memory_space<hbm>>) dst(%dma_wait3A_946 : memref<128x128xf32, #tpu.memory_space<vmem>>)
        %dma_start3A_950 = arith.constant 6 : i32
        %dma_start3A_951 = arith.constant 0 : i32
        %dma_start3A_952 = arith.constant 0 : i32
        %dma_start3A_953 = arith.constant 0 : i32
        %dma_start3A_954 = arith.constant 0 : i32
        %dma_start3A_955 = tpu.memref_slice %arg9[%dma_start3A_951, %dma_start3A_953, %dma_start3A_954] : memref<2x128x128xf32, #tpu.memory_space<vmem>> -> memref<1x128x128xf32, #tpu.memory_space<vmem>>
        %dma_start3A_956 = tpu.memref_squeeze %dma_start3A_955 : memref<1x128x128xf32, #tpu.memory_space<vmem>> -> memref<128x128xf32, #tpu.memory_space<vmem>>
        %dma_start3A_957 = arith.constant 0 : i32
        %dma_start3A_958 = tpu.memref_slice %arg7[%rem3A_79, %dma_start3A_950, %dma_start3A_957] : memref<2x8x128xi32, #tpu.memory_space<vmem>> -> memref<1x1x128xi32, #tpu.memory_space<vmem>>
        %dma_start3A_959 = tpu.memref_squeeze %dma_start3A_958 : memref<1x1x128xi32, #tpu.memory_space<vmem>> -> memref<128xi32, #tpu.memory_space<vmem>>
        %dma_start3A_960 = arith.constant 0 : i32
        %dma_start3A_961 = arith.constant 0 : i32
        %dma_start3A_962 = tpu.memref_slice %arg4[%dma_start3A_960, %dma_start3A_961] : memref<10000x128xf32, #tpu.memory_space<hbm>> -> memref<10000x128xf32, #tpu.memory_space<hbm>>
        %dma_start3A_963 = tpu.memref_slice %arg11[%dma_start3A_952] : memref<2x!tpu.dma_semaphore, #tpu.memory_space<semaphore_mem>> -> memref<1x!tpu.dma_semaphore, #tpu.memory_space<semaphore_mem>>
        %dma_start3A_964 = tpu.memref_squeeze %dma_start3A_963 : memref<1x!tpu.dma_semaphore, #tpu.memory_space<semaphore_mem>> -> memref<!tpu.dma_semaphore, #tpu.memory_space<semaphore_mem>>
        tpu.enqueue_indirect_dma source(%dma_start3A_962 : memref<10000x128xf32, #tpu.memory_space<hbm>>) target(%dma_start3A_956 : memref<128x128xf32, #tpu.memory_space<vmem>>) offsets(%dma_start3A_959 : memref<128xi32, #tpu.memory_space<vmem>>) semaphore(%dma_start3A_964 : memref<!tpu.dma_semaphore, #tpu.memory_space<semaphore_mem>>)
        %dma_wait3A_965 = arith.constant 1 : i32
        %dma_wait3A_966 = arith.constant 1 : i32
        %dma_wait3A_967 = arith.constant 0 : i32
        %dma_wait3A_968 = arith.constant 0 : i32
        %dma_wait3A_969 = tpu.memref_slice %arg9[%dma_wait3A_965, %dma_wait3A_967, %dma_wait3A_968] : memref<2x128x128xf32, #tpu.memory_space<vmem>> -> memref<1x128x128xf32, #tpu.memory_space<vmem>>
        %dma_wait3A_970 = tpu.memref_squeeze %dma_wait3A_969 : memref<1x128x128xf32, #tpu.memory_space<vmem>> -> memref<128x128xf32, #tpu.memory_space<vmem>>
        %dma_wait3A_971 = arith.constant 0 : i32
        %dma_wait3A_972 = arith.constant 0 : i32
        %dma_wait3A_973 = tpu.memref_slice %arg4[%dma_wait3A_971, %dma_wait3A_972] : memref<10000x128xf32, #tpu.memory_space<hbm>> -> memref<128x128xf32, #tpu.memory_space<hbm>>
        %dma_wait3A_974 = tpu.memref_slice %arg12[%dma_wait3A_966] : memref<2x!tpu.dma_semaphore, #tpu.memory_space<semaphore_mem>> -> memref<1x!tpu.dma_semaphore, #tpu.memory_space<semaphore_mem>>
        %dma_wait3A_975 = tpu.memref_squeeze %dma_wait3A_974 : memref<1x!tpu.dma_semaphore, #tpu.memory_space<semaphore_mem>> -> memref<!tpu.dma_semaphore, #tpu.memory_space<semaphore_mem>>
        %dma_wait3A_976 = arith.constant 0 : i32
        %dma_wait3A_977 = arith.constant 0 : i32
        %dma_wait3A_978 = tpu.memref_slice %arg9[%dma_wait3A_965, %dma_wait3A_976, %dma_wait3A_977] : memref<2x128x128xf32, #tpu.memory_space<vmem>> -> memref<1x128x128xf32, #tpu.memory_space<vmem>>
        %dma_wait3A_979 = tpu.memref_squeeze %dma_wait3A_978 : memref<1x128x128xf32, #tpu.memory_space<vmem>> -> memref<128x128xf32, #tpu.memory_space<vmem>>
        %dma_wait3A_980 = arith.constant 0 : i32
        %dma_wait3A_981 = arith.constant 0 : i32
        %dma_wait3A_982 = tpu.memref_slice %arg4[%dma_wait3A_980, %dma_wait3A_981] : memref<10000x128xf32, #tpu.memory_space<hbm>> -> memref<128x128xf32, #tpu.memory_space<hbm>>
        tpu.wait_dma2 semaphore(%dma_wait3A_975 : memref<!tpu.dma_semaphore, #tpu.memory_space<semaphore_mem>>) src(%dma_wait3A_982 : memref<128x128xf32, #tpu.memory_space<hbm>>) dst(%dma_wait3A_979 : memref<128x128xf32, #tpu.memory_space<vmem>>)
        %dma_start3A_983 = arith.constant 7 : i32
        %dma_start3A_984 = arith.constant 1 : i32
        %dma_start3A_985 = arith.constant 1 : i32
        %dma_start3A_986 = arith.constant 0 : i32
        %dma_start3A_987 = arith.constant 0 : i32
        %dma_start3A_988 = tpu.memref_slice %arg9[%dma_start3A_984, %dma_start3A_986, %dma_start3A_987] : memref<2x128x128xf32, #tpu.memory_space<vmem>> -> memref<1x128x128xf32, #tpu.memory_space<vmem>>
        %dma_start3A_989 = tpu.memref_squeeze %dma_start3A_988 : memref<1x128x128xf32, #tpu.memory_space<vmem>> -> memref<128x128xf32, #tpu.memory_space<vmem>>
        %dma_start3A_990 = arith.constant 0 : i32
        %dma_start3A_991 = tpu.memref_slice %arg7[%rem3A_79, %dma_start3A_983, %dma_start3A_990] : memref<2x8x128xi32, #tpu.memory_space<vmem>> -> memref<1x1x128xi32, #tpu.memory_space<vmem>>
        %dma_start3A_992 = tpu.memref_squeeze %dma_start3A_991 : memref<1x1x128xi32, #tpu.memory_space<vmem>> -> memref<128xi32, #tpu.memory_space<vmem>>
        %dma_start3A_993 = arith.constant 0 : i32
        %dma_start3A_994 = arith.constant 0 : i32
        %dma_start3A_995 = tpu.memref_slice %arg4[%dma_start3A_993, %dma_start3A_994] : memref<10000x128xf32, #tpu.memory_space<hbm>> -> memref<10000x128xf32, #tpu.memory_space<hbm>>
        %dma_start3A_996 = tpu.memref_slice %arg11[%dma_start3A_985] : memref<2x!tpu.dma_semaphore, #tpu.memory_space<semaphore_mem>> -> memref<1x!tpu.dma_semaphore, #tpu.memory_space<semaphore_mem>>
        %dma_start3A_997 = tpu.memref_squeeze %dma_start3A_996 : memref<1x!tpu.dma_semaphore, #tpu.memory_space<semaphore_mem>> -> memref<!tpu.dma_semaphore, #tpu.memory_space<semaphore_mem>>
        tpu.enqueue_indirect_dma source(%dma_start3A_995 : memref<10000x128xf32, #tpu.memory_space<hbm>>) target(%dma_start3A_989 : memref<128x128xf32, #tpu.memory_space<vmem>>) offsets(%dma_start3A_992 : memref<128xi32, #tpu.memory_space<vmem>>) semaphore(%dma_start3A_997 : memref<!tpu.dma_semaphore, #tpu.memory_space<semaphore_mem>>)
        %dma_wait3A_998 = arith.constant 0 : i32
        %dma_wait3A_999 = arith.constant 0 : i32
        %dma_wait3A_1000 = arith.constant 0 : i32
        %dma_wait3A_1001 = arith.constant 0 : i32
        %dma_wait3A_1002 = tpu.memref_slice %arg9[%dma_wait3A_998, %dma_wait3A_1000, %dma_wait3A_1001] : memref<2x128x128xf32, #tpu.memory_space<vmem>> -> memref<1x128x128xf32, #tpu.memory_space<vmem>>
        %dma_wait3A_1003 = tpu.memref_squeeze %dma_wait3A_1002 : memref<1x128x128xf32, #tpu.memory_space<vmem>> -> memref<128x128xf32, #tpu.memory_space<vmem>>
        %dma_wait3A_1004 = arith.constant 0 : i32
        %dma_wait3A_1005 = arith.constant 0 : i32
        %dma_wait3A_1006 = tpu.memref_slice %arg4[%dma_wait3A_1004, %dma_wait3A_1005] : memref<10000x128xf32, #tpu.memory_space<hbm>> -> memref<128x128xf32, #tpu.memory_space<hbm>>
        %dma_wait3A_1007 = tpu.memref_slice %arg11[%dma_wait3A_999] : memref<2x!tpu.dma_semaphore, #tpu.memory_space<semaphore_mem>> -> memref<1x!tpu.dma_semaphore, #tpu.memory_space<semaphore_mem>>
        %dma_wait3A_1008 = tpu.memref_squeeze %dma_wait3A_1007 : memref<1x!tpu.dma_semaphore, #tpu.memory_space<semaphore_mem>> -> memref<!tpu.dma_semaphore, #tpu.memory_space<semaphore_mem>>
        %dma_wait3A_1009 = arith.constant 0 : i32
        %dma_wait3A_1010 = arith.constant 0 : i32
        %dma_wait3A_1011 = tpu.memref_slice %arg9[%dma_wait3A_998, %dma_wait3A_1009, %dma_wait3A_1010] : memref<2x128x128xf32, #tpu.memory_space<vmem>> -> memref<1x128x128xf32, #tpu.memory_space<vmem>>
        %dma_wait3A_1012 = tpu.memref_squeeze %dma_wait3A_1011 : memref<1x128x128xf32, #tpu.memory_space<vmem>> -> memref<128x128xf32, #tpu.memory_space<vmem>>
        %dma_wait3A_1013 = arith.constant 0 : i32
        %dma_wait3A_1014 = arith.constant 0 : i32
        %dma_wait3A_1015 = tpu.memref_slice %arg4[%dma_wait3A_1013, %dma_wait3A_1014] : memref<10000x128xf32, #tpu.memory_space<hbm>> -> memref<128x128xf32, #tpu.memory_space<hbm>>
        tpu.wait_dma2 semaphore(%dma_wait3A_1008 : memref<!tpu.dma_semaphore, #tpu.memory_space<semaphore_mem>>) src(%dma_wait3A_1015 : memref<128x128xf32, #tpu.memory_space<hbm>>) dst(%dma_wait3A_1012 : memref<128x128xf32, #tpu.memory_space<vmem>>)
        %dma_start3A_1016 = arith.constant 0 : i32
        %dma_start3A_1017 = arith.constant 6 : i32
        %dma_start3A_1018 = arith.constant 0 : i32
        %dma_start3A_1019 = arith.constant 0 : i32
        %dma_start3A_1020 = arith.constant 0 : i32
        %dma_start3A_1021 = tpu.memref_slice %arg9[%dma_start3A_1016, %dma_start3A_1019, %dma_start3A_1020] : memref<2x128x128xf32, #tpu.memory_space<vmem>> -> memref<1x128x128xf32, #tpu.memory_space<vmem>>
        %dma_start3A_1022 = tpu.memref_squeeze %dma_start3A_1021 : memref<1x128x128xf32, #tpu.memory_space<vmem>> -> memref<128x128xf32, #tpu.memory_space<vmem>>
        %dma_start3A_1023 = arith.constant 0 : i32
        %dma_start3A_1024 = tpu.memref_slice %arg8[%rem3A_79, %dma_start3A_1017, %dma_start3A_1023] : memref<2x8x128xi32, #tpu.memory_space<vmem>> -> memref<1x1x128xi32, #tpu.memory_space<vmem>>
        %dma_start3A_1025 = tpu.memref_squeeze %dma_start3A_1024 : memref<1x1x128xi32, #tpu.memory_space<vmem>> -> memref<128xi32, #tpu.memory_space<vmem>>
        %dma_start3A_1026 = arith.constant 0 : i32
        %dma_start3A_1027 = arith.constant 0 : i32
        %dma_start3A_1028 = tpu.memref_slice %arg10[%dma_start3A_1026, %dma_start3A_1027] : memref<10112x128xf32, #tpu.memory_space<vmem_shared>> -> memref<10112x128xf32, #tpu.memory_space<vmem_shared>>
        %dma_start3A_1029 = tpu.memref_slice %arg12[%dma_start3A_1018] : memref<2x!tpu.dma_semaphore, #tpu.memory_space<semaphore_mem>> -> memref<1x!tpu.dma_semaphore, #tpu.memory_space<semaphore_mem>>
        %dma_start3A_1030 = tpu.memref_squeeze %dma_start3A_1029 : memref<1x!tpu.dma_semaphore, #tpu.memory_space<semaphore_mem>> -> memref<!tpu.dma_semaphore, #tpu.memory_space<semaphore_mem>>
        tpu.enqueue_indirect_dma source(%dma_start3A_1022 : memref<128x128xf32, #tpu.memory_space<vmem>>) target(%dma_start3A_1028 : memref<10112x128xf32, #tpu.memory_space<vmem_shared>>) offsets(%dma_start3A_1025 : memref<128xi32, #tpu.memory_space<vmem>>) semaphore(%dma_start3A_1030 : memref<!tpu.dma_semaphore, #tpu.memory_space<semaphore_mem>>) {add = true}
        %dma_wait3A_1031 = arith.constant 1 : i32
        %dma_wait3A_1032 = arith.constant 1 : i32
        %dma_wait3A_1033 = arith.constant 0 : i32
        %dma_wait3A_1034 = arith.constant 0 : i32
        %dma_wait3A_1035 = tpu.memref_slice %arg9[%dma_wait3A_1031, %dma_wait3A_1033, %dma_wait3A_1034] : memref<2x128x128xf32, #tpu.memory_space<vmem>> -> memref<1x128x128xf32, #tpu.memory_space<vmem>>
        %dma_wait3A_1036 = tpu.memref_squeeze %dma_wait3A_1035 : memref<1x128x128xf32, #tpu.memory_space<vmem>> -> memref<128x128xf32, #tpu.memory_space<vmem>>
        %dma_wait3A_1037 = arith.constant 0 : i32
        %dma_wait3A_1038 = arith.constant 0 : i32
        %dma_wait3A_1039 = tpu.memref_slice %arg4[%dma_wait3A_1037, %dma_wait3A_1038] : memref<10000x128xf32, #tpu.memory_space<hbm>> -> memref<128x128xf32, #tpu.memory_space<hbm>>
        %dma_wait3A_1040 = tpu.memref_slice %arg11[%dma_wait3A_1032] : memref<2x!tpu.dma_semaphore, #tpu.memory_space<semaphore_mem>> -> memref<1x!tpu.dma_semaphore, #tpu.memory_space<semaphore_mem>>
        %dma_wait3A_1041 = tpu.memref_squeeze %dma_wait3A_1040 : memref<1x!tpu.dma_semaphore, #tpu.memory_space<semaphore_mem>> -> memref<!tpu.dma_semaphore, #tpu.memory_space<semaphore_mem>>
        %dma_wait3A_1042 = arith.constant 0 : i32
        %dma_wait3A_1043 = arith.constant 0 : i32
        %dma_wait3A_1044 = tpu.memref_slice %arg9[%dma_wait3A_1031, %dma_wait3A_1042, %dma_wait3A_1043] : memref<2x128x128xf32, #tpu.memory_space<vmem>> -> memref<1x128x128xf32, #tpu.memory_space<vmem>>
        %dma_wait3A_1045 = tpu.memref_squeeze %dma_wait3A_1044 : memref<1x128x128xf32, #tpu.memory_space<vmem>> -> memref<128x128xf32, #tpu.memory_space<vmem>>
        %dma_wait3A_1046 = arith.constant 0 : i32
        %dma_wait3A_1047 = arith.constant 0 : i32
        %dma_wait3A_1048 = tpu.memref_slice %arg4[%dma_wait3A_1046, %dma_wait3A_1047] : memref<10000x128xf32, #tpu.memory_space<hbm>> -> memref<128x128xf32, #tpu.memory_space<hbm>>
        tpu.wait_dma2 semaphore(%dma_wait3A_1041 : memref<!tpu.dma_semaphore, #tpu.memory_space<semaphore_mem>>) src(%dma_wait3A_1048 : memref<128x128xf32, #tpu.memory_space<hbm>>) dst(%dma_wait3A_1045 : memref<128x128xf32, #tpu.memory_space<vmem>>)
        %dma_start3A_1049 = arith.constant 1 : i32
        %dma_start3A_1050 = arith.constant 7 : i32
        %dma_start3A_1051 = arith.constant 1 : i32
        %dma_start3A_1052 = arith.constant 0 : i32
        %dma_start3A_1053 = arith.constant 0 : i32
        %dma_start3A_1054 = tpu.memref_slice %arg9[%dma_start3A_1049, %dma_start3A_1052, %dma_start3A_1053] : memref<2x128x128xf32, #tpu.memory_space<vmem>> -> memref<1x128x128xf32, #tpu.memory_space<vmem>>
        %dma_start3A_1055 = tpu.memref_squeeze %dma_start3A_1054 : memref<1x128x128xf32, #tpu.memory_space<vmem>> -> memref<128x128xf32, #tpu.memory_space<vmem>>
        %dma_start3A_1056 = arith.constant 0 : i32
        %dma_start3A_1057 = tpu.memref_slice %arg8[%rem3A_79, %dma_start3A_1050, %dma_start3A_1056] : memref<2x8x128xi32, #tpu.memory_space<vmem>> -> memref<1x1x128xi32, #tpu.memory_space<vmem>>
        %dma_start3A_1058 = tpu.memref_squeeze %dma_start3A_1057 : memref<1x1x128xi32, #tpu.memory_space<vmem>> -> memref<128xi32, #tpu.memory_space<vmem>>
        %dma_start3A_1059 = arith.constant 0 : i32
        %dma_start3A_1060 = arith.constant 0 : i32
        %dma_start3A_1061 = tpu.memref_slice %arg10[%dma_start3A_1059, %dma_start3A_1060] : memref<10112x128xf32, #tpu.memory_space<vmem_shared>> -> memref<10112x128xf32, #tpu.memory_space<vmem_shared>>
        %dma_start3A_1062 = tpu.memref_slice %arg12[%dma_start3A_1051] : memref<2x!tpu.dma_semaphore, #tpu.memory_space<semaphore_mem>> -> memref<1x!tpu.dma_semaphore, #tpu.memory_space<semaphore_mem>>
        %dma_start3A_1063 = tpu.memref_squeeze %dma_start3A_1062 : memref<1x!tpu.dma_semaphore, #tpu.memory_space<semaphore_mem>> -> memref<!tpu.dma_semaphore, #tpu.memory_space<semaphore_mem>>
        tpu.enqueue_indirect_dma source(%dma_start3A_1055 : memref<128x128xf32, #tpu.memory_space<vmem>>) target(%dma_start3A_1061 : memref<10112x128xf32, #tpu.memory_space<vmem_shared>>) offsets(%dma_start3A_1058 : memref<128xi32, #tpu.memory_space<vmem>>) semaphore(%dma_start3A_1063 : memref<!tpu.dma_semaphore, #tpu.memory_space<semaphore_mem>>) {add = true}
        %dma_wait3A_1064 = arith.constant 0 : i32
        %dma_wait3A_1065 = arith.constant 0 : i32
        %dma_wait3A_1066 = arith.constant 0 : i32
        %dma_wait3A_1067 = tpu.memref_slice %arg7[%dma_wait3A_1064, %dma_wait3A_1065, %dma_wait3A_1066] : memref<2x8x128xi32, #tpu.memory_space<vmem>> -> memref<1x8x128xi32, #tpu.memory_space<vmem>>
        %dma_wait3A_1068 = tpu.memref_squeeze %dma_wait3A_1067 : memref<1x8x128xi32, #tpu.memory_space<vmem>> -> memref<8x128xi32, #tpu.memory_space<vmem>>
        %dma_wait3A_1069 = arith.constant 0 : i32
        %dma_wait3A_1070 = arith.constant 0 : i32
        %dma_wait3A_1071 = tpu.memref_slice %arg2[%dma_wait3A_1069, %dma_wait3A_1070] : memref<2560x128xi32, #tpu.memory_space<hbm>> -> memref<8x128xi32, #tpu.memory_space<hbm>>
        %dma_wait3A_1072 = arith.constant 0 : i32
        %dma_wait3A_1073 = arith.constant 0 : i32
        %dma_wait3A_1074 = tpu.memref_slice %arg7[%dma_wait3A_1064, %dma_wait3A_1072, %dma_wait3A_1073] : memref<2x8x128xi32, #tpu.memory_space<vmem>> -> memref<1x8x128xi32, #tpu.memory_space<vmem>>
        %dma_wait3A_1075 = tpu.memref_squeeze %dma_wait3A_1074 : memref<1x8x128xi32, #tpu.memory_space<vmem>> -> memref<8x128xi32, #tpu.memory_space<vmem>>
        %dma_wait3A_1076 = arith.constant 0 : i32
        %dma_wait3A_1077 = arith.constant 0 : i32
        %dma_wait3A_1078 = tpu.memref_slice %arg2[%dma_wait3A_1076, %dma_wait3A_1077] : memref<2560x128xi32, #tpu.memory_space<hbm>> -> memref<8x128xi32, #tpu.memory_space<hbm>>
        tpu.wait_dma2 semaphore(%arg13 : memref<!tpu.dma_semaphore, #tpu.memory_space<semaphore_mem>>) src(%dma_wait3A_1078 : memref<8x128xi32, #tpu.memory_space<hbm>>) dst(%dma_wait3A_1075 : memref<8x128xi32, #tpu.memory_space<vmem>>)
        %dma_wait3A_1079 = arith.constant 0 : i32
        %dma_wait3A_1080 = arith.constant 0 : i32
        %dma_wait3A_1081 = arith.constant 0 : i32
        %dma_wait3A_1082 = tpu.memref_slice %arg8[%dma_wait3A_1079, %dma_wait3A_1080, %dma_wait3A_1081] : memref<2x8x128xi32, #tpu.memory_space<vmem>> -> memref<1x8x128xi32, #tpu.memory_space<vmem>>
        %dma_wait3A_1083 = tpu.memref_squeeze %dma_wait3A_1082 : memref<1x8x128xi32, #tpu.memory_space<vmem>> -> memref<8x128xi32, #tpu.memory_space<vmem>>
        %dma_wait3A_1084 = arith.constant 0 : i32
        %dma_wait3A_1085 = arith.constant 0 : i32
        %dma_wait3A_1086 = tpu.memref_slice %arg2[%dma_wait3A_1084, %dma_wait3A_1085] : memref<2560x128xi32, #tpu.memory_space<hbm>> -> memref<8x128xi32, #tpu.memory_space<hbm>>
        %dma_wait3A_1087 = arith.constant 0 : i32
        %dma_wait3A_1088 = arith.constant 0 : i32
        %dma_wait3A_1089 = tpu.memref_slice %arg8[%dma_wait3A_1079, %dma_wait3A_1087, %dma_wait3A_1088] : memref<2x8x128xi32, #tpu.memory_space<vmem>> -> memref<1x8x128xi32, #tpu.memory_space<vmem>>
        %dma_wait3A_1090 = tpu.memref_squeeze %dma_wait3A_1089 : memref<1x8x128xi32, #tpu.memory_space<vmem>> -> memref<8x128xi32, #tpu.memory_space<vmem>>
        %dma_wait3A_1091 = arith.constant 0 : i32
        %dma_wait3A_1092 = arith.constant 0 : i32
        %dma_wait3A_1093 = tpu.memref_slice %arg2[%dma_wait3A_1091, %dma_wait3A_1092] : memref<2560x128xi32, #tpu.memory_space<hbm>> -> memref<8x128xi32, #tpu.memory_space<hbm>>
        tpu.wait_dma2 semaphore(%arg13 : memref<!tpu.dma_semaphore, #tpu.memory_space<semaphore_mem>>) src(%dma_wait3A_1093 : memref<8x128xi32, #tpu.memory_space<hbm>>) dst(%dma_wait3A_1090 : memref<8x128xi32, #tpu.memory_space<vmem>>)
        %dma_wait3A_1094 = arith.constant 0 : i32
        %dma_wait3A_1095 = arith.constant 0 : i32
        %dma_wait3A_1096 = arith.constant 0 : i32
        %dma_wait3A_1097 = arith.constant 0 : i32
        %dma_wait3A_1098 = tpu.memref_slice %arg9[%dma_wait3A_1094, %dma_wait3A_1096, %dma_wait3A_1097] : memref<2x128x128xf32, #tpu.memory_space<vmem>> -> memref<1x128x128xf32, #tpu.memory_space<vmem>>
        %dma_wait3A_1099 = tpu.memref_squeeze %dma_wait3A_1098 : memref<1x128x128xf32, #tpu.memory_space<vmem>> -> memref<128x128xf32, #tpu.memory_space<vmem>>
        %dma_wait3A_1100 = arith.constant 0 : i32
        %dma_wait3A_1101 = arith.constant 0 : i32
        %dma_wait3A_1102 = tpu.memref_slice %arg4[%dma_wait3A_1100, %dma_wait3A_1101] : memref<10000x128xf32, #tpu.memory_space<hbm>> -> memref<128x128xf32, #tpu.memory_space<hbm>>
        %dma_wait3A_1103 = tpu.memref_slice %arg12[%dma_wait3A_1095] : memref<2x!tpu.dma_semaphore, #tpu.memory_space<semaphore_mem>> -> memref<1x!tpu.dma_semaphore, #tpu.memory_space<semaphore_mem>>
        %dma_wait3A_1104 = tpu.memref_squeeze %dma_wait3A_1103 : memref<1x!tpu.dma_semaphore, #tpu.memory_space<semaphore_mem>> -> memref<!tpu.dma_semaphore, #tpu.memory_space<semaphore_mem>>
        %dma_wait3A_1105 = arith.constant 0 : i32
        %dma_wait3A_1106 = arith.constant 0 : i32
        %dma_wait3A_1107 = tpu.memref_slice %arg9[%dma_wait3A_1094, %dma_wait3A_1105, %dma_wait3A_1106] : memref<2x128x128xf32, #tpu.memory_space<vmem>> -> memref<1x128x128xf32, #tpu.memory_space<vmem>>
        %dma_wait3A_1108 = tpu.memref_squeeze %dma_wait3A_1107 : memref<1x128x128xf32, #tpu.memory_space<vmem>> -> memref<128x128xf32, #tpu.memory_space<vmem>>
        %dma_wait3A_1109 = arith.constant 0 : i32
        %dma_wait3A_1110 = arith.constant 0 : i32
        %dma_wait3A_1111 = tpu.memref_slice %arg4[%dma_wait3A_1109, %dma_wait3A_1110] : memref<10000x128xf32, #tpu.memory_space<hbm>> -> memref<128x128xf32, #tpu.memory_space<hbm>>
        tpu.wait_dma2 semaphore(%dma_wait3A_1104 : memref<!tpu.dma_semaphore, #tpu.memory_space<semaphore_mem>>) src(%dma_wait3A_1111 : memref<128x128xf32, #tpu.memory_space<hbm>>) dst(%dma_wait3A_1108 : memref<128x128xf32, #tpu.memory_space<vmem>>)
        %dma_start3A_1112 = arith.constant 0 : i32
        %dma_start3A_1113 = arith.constant 0 : i32
        %dma_start3A_1114 = arith.constant 0 : i32
        %dma_start3A_1115 = arith.constant 0 : i32
        %dma_start3A_1116 = arith.constant 0 : i32
        %dma_start3A_1117 = tpu.memref_slice %arg9[%dma_start3A_1113, %dma_start3A_1115, %dma_start3A_1116] : memref<2x128x128xf32, #tpu.memory_space<vmem>> -> memref<1x128x128xf32, #tpu.memory_space<vmem>>
        %dma_start3A_1118 = tpu.memref_squeeze %dma_start3A_1117 : memref<1x128x128xf32, #tpu.memory_space<vmem>> -> memref<128x128xf32, #tpu.memory_space<vmem>>
        %dma_start3A_1119 = arith.constant 0 : i32
        %dma_start3A_1120 = tpu.memref_slice %arg7[%sub3A_601, %dma_start3A_1112, %dma_start3A_1119] : memref<2x8x128xi32, #tpu.memory_space<vmem>> -> memref<1x1x128xi32, #tpu.memory_space<vmem>>
        %dma_start3A_1121 = tpu.memref_squeeze %dma_start3A_1120 : memref<1x1x128xi32, #tpu.memory_space<vmem>> -> memref<128xi32, #tpu.memory_space<vmem>>
        %dma_start3A_1122 = arith.constant 0 : i32
        %dma_start3A_1123 = arith.constant 0 : i32
        %dma_start3A_1124 = tpu.memref_slice %arg4[%dma_start3A_1122, %dma_start3A_1123] : memref<10000x128xf32, #tpu.memory_space<hbm>> -> memref<10000x128xf32, #tpu.memory_space<hbm>>
        %dma_start3A_1125 = tpu.memref_slice %arg11[%dma_start3A_1114] : memref<2x!tpu.dma_semaphore, #tpu.memory_space<semaphore_mem>> -> memref<1x!tpu.dma_semaphore, #tpu.memory_space<semaphore_mem>>
        %dma_start3A_1126 = tpu.memref_squeeze %dma_start3A_1125 : memref<1x!tpu.dma_semaphore, #tpu.memory_space<semaphore_mem>> -> memref<!tpu.dma_semaphore, #tpu.memory_space<semaphore_mem>>
        tpu.enqueue_indirect_dma source(%dma_start3A_1124 : memref<10000x128xf32, #tpu.memory_space<hbm>>) target(%dma_start3A_1118 : memref<128x128xf32, #tpu.memory_space<vmem>>) offsets(%dma_start3A_1121 : memref<128xi32, #tpu.memory_space<vmem>>) semaphore(%dma_start3A_1126 : memref<!tpu.dma_semaphore, #tpu.memory_space<semaphore_mem>>)
        %dma_wait3A_1127 = arith.constant 1 : i32
        %dma_wait3A_1128 = arith.constant 1 : i32
        %dma_wait3A_1129 = arith.constant 0 : i32
        %dma_wait3A_1130 = arith.constant 0 : i32
        %dma_wait3A_1131 = tpu.memref_slice %arg9[%dma_wait3A_1127, %dma_wait3A_1129, %dma_wait3A_1130] : memref<2x128x128xf32, #tpu.memory_space<vmem>> -> memref<1x128x128xf32, #tpu.memory_space<vmem>>
        %dma_wait3A_1132 = tpu.memref_squeeze %dma_wait3A_1131 : memref<1x128x128xf32, #tpu.memory_space<vmem>> -> memref<128x128xf32, #tpu.memory_space<vmem>>
        %dma_wait3A_1133 = arith.constant 0 : i32
        %dma_wait3A_1134 = arith.constant 0 : i32
        %dma_wait3A_1135 = tpu.memref_slice %arg4[%dma_wait3A_1133, %dma_wait3A_1134] : memref<10000x128xf32, #tpu.memory_space<hbm>> -> memref<128x128xf32, #tpu.memory_space<hbm>>
        %dma_wait3A_1136 = tpu.memref_slice %arg12[%dma_wait3A_1128] : memref<2x!tpu.dma_semaphore, #tpu.memory_space<semaphore_mem>> -> memref<1x!tpu.dma_semaphore, #tpu.memory_space<semaphore_mem>>
        %dma_wait3A_1137 = tpu.memref_squeeze %dma_wait3A_1136 : memref<1x!tpu.dma_semaphore, #tpu.memory_space<semaphore_mem>> -> memref<!tpu.dma_semaphore, #tpu.memory_space<semaphore_mem>>
        %dma_wait3A_1138 = arith.constant 0 : i32
        %dma_wait3A_1139 = arith.constant 0 : i32
        %dma_wait3A_1140 = tpu.memref_slice %arg9[%dma_wait3A_1127, %dma_wait3A_1138, %dma_wait3A_1139] : memref<2x128x128xf32, #tpu.memory_space<vmem>> -> memref<1x128x128xf32, #tpu.memory_space<vmem>>
        %dma_wait3A_1141 = tpu.memref_squeeze %dma_wait3A_1140 : memref<1x128x128xf32, #tpu.memory_space<vmem>> -> memref<128x128xf32, #tpu.memory_space<vmem>>
        %dma_wait3A_1142 = arith.constant 0 : i32
        %dma_wait3A_1143 = arith.constant 0 : i32
        %dma_wait3A_1144 = tpu.memref_slice %arg4[%dma_wait3A_1142, %dma_wait3A_1143] : memref<10000x128xf32, #tpu.memory_space<hbm>> -> memref<128x128xf32, #tpu.memory_space<hbm>>
        tpu.wait_dma2 semaphore(%dma_wait3A_1137 : memref<!tpu.dma_semaphore, #tpu.memory_space<semaphore_mem>>) src(%dma_wait3A_1144 : memref<128x128xf32, #tpu.memory_space<hbm>>) dst(%dma_wait3A_1141 : memref<128x128xf32, #tpu.memory_space<vmem>>)
        %dma_start3A_1145 = arith.constant 1 : i32
        %dma_start3A_1146 = arith.constant 1 : i32
        %dma_start3A_1147 = arith.constant 1 : i32
        %dma_start3A_1148 = arith.constant 0 : i32
        %dma_start3A_1149 = arith.constant 0 : i32
        %dma_start3A_1150 = tpu.memref_slice %arg9[%dma_start3A_1146, %dma_start3A_1148, %dma_start3A_1149] : memref<2x128x128xf32, #tpu.memory_space<vmem>> -> memref<1x128x128xf32, #tpu.memory_space<vmem>>
        %dma_start3A_1151 = tpu.memref_squeeze %dma_start3A_1150 : memref<1x128x128xf32, #tpu.memory_space<vmem>> -> memref<128x128xf32, #tpu.memory_space<vmem>>
        %dma_start3A_1152 = arith.constant 0 : i32
        %dma_start3A_1153 = tpu.memref_slice %arg7[%sub3A_601, %dma_start3A_1145, %dma_start3A_1152] : memref<2x8x128xi32, #tpu.memory_space<vmem>> -> memref<1x1x128xi32, #tpu.memory_space<vmem>>
        %dma_start3A_1154 = tpu.memref_squeeze %dma_start3A_1153 : memref<1x1x128xi32, #tpu.memory_space<vmem>> -> memref<128xi32, #tpu.memory_space<vmem>>
        %dma_start3A_1155 = arith.constant 0 : i32
        %dma_start3A_1156 = arith.constant 0 : i32
        %dma_start3A_1157 = tpu.memref_slice %arg4[%dma_start3A_1155, %dma_start3A_1156] : memref<10000x128xf32, #tpu.memory_space<hbm>> -> memref<10000x128xf32, #tpu.memory_space<hbm>>
        %dma_start3A_1158 = tpu.memref_slice %arg11[%dma_start3A_1147] : memref<2x!tpu.dma_semaphore, #tpu.memory_space<semaphore_mem>> -> memref<1x!tpu.dma_semaphore, #tpu.memory_space<semaphore_mem>>
        %dma_start3A_1159 = tpu.memref_squeeze %dma_start3A_1158 : memref<1x!tpu.dma_semaphore, #tpu.memory_space<semaphore_mem>> -> memref<!tpu.dma_semaphore, #tpu.memory_space<semaphore_mem>>
        tpu.enqueue_indirect_dma source(%dma_start3A_1157 : memref<10000x128xf32, #tpu.memory_space<hbm>>) target(%dma_start3A_1151 : memref<128x128xf32, #tpu.memory_space<vmem>>) offsets(%dma_start3A_1154 : memref<128xi32, #tpu.memory_space<vmem>>) semaphore(%dma_start3A_1159 : memref<!tpu.dma_semaphore, #tpu.memory_space<semaphore_mem>>)
        %add3A_1160 = arith.constant 2 : i32
        %add3A_1161 = arith.addi %scan3A_78, %add3A_1160 : i32
        %mul3A_1162 = arith.constant 8 : i32
        %mul3A_1163 = arith.muli %add3A_1161, %mul3A_1162 : i32
        %add3A_1164 = arith.addi %add3A_17, %mul3A_1163 : i32
        %dma_start3A_1165 = arith.constant 0 : i32
        %dma_start3A_1166 = arith.constant 0 : i32
        %dma_start3A_1167 = tpu.memref_slice %arg7[%rem3A_79, %dma_start3A_1165, %dma_start3A_1166] : memref<2x8x128xi32, #tpu.memory_space<vmem>> -> memref<1x8x128xi32, #tpu.memory_space<vmem>>
        %dma_start3A_1168 = tpu.memref_squeeze %dma_start3A_1167 : memref<1x8x128xi32, #tpu.memory_space<vmem>> -> memref<8x128xi32, #tpu.memory_space<vmem>>
        %dma_start3A_1169 = arith.constant 0 : i32
        %dma_start3A_1170 = tpu.memref_slice %arg2[%add3A_1164, %dma_start3A_1169] : memref<2560x128xi32, #tpu.memory_space<hbm>> -> memref<8x128xi32, #tpu.memory_space<hbm>>
        %dma_start3A_1171 = arith.constant 0 : i32
        %dma_start3A_1172 = arith.constant 0 : i32
        %dma_start3A_1173 = tpu.memref_slice %arg7[%rem3A_79, %dma_start3A_1171, %dma_start3A_1172] : memref<2x8x128xi32, #tpu.memory_space<vmem>> -> memref<1x8x128xi32, #tpu.memory_space<vmem>>
        %dma_start3A_1174 = tpu.memref_squeeze %dma_start3A_1173 : memref<1x8x128xi32, #tpu.memory_space<vmem>> -> memref<8x128xi32, #tpu.memory_space<vmem>>
        %dma_start3A_1175 = arith.constant 0 : i32
        %dma_start3A_1176 = tpu.memref_slice %arg2[%add3A_1164, %dma_start3A_1175] : memref<2560x128xi32, #tpu.memory_space<hbm>> -> memref<8x128xi32, #tpu.memory_space<hbm>>
        tpu.enqueue_dma source(%dma_start3A_1176 : memref<8x128xi32, #tpu.memory_space<hbm>>) target(%dma_start3A_1174 : memref<8x128xi32, #tpu.memory_space<vmem>>) target_semaphore(%arg13 : memref<!tpu.dma_semaphore, #tpu.memory_space<semaphore_mem>>)
        %dma_start3A_1177 = arith.constant 0 : i32
        %dma_start3A_1178 = arith.constant 0 : i32
        %dma_start3A_1179 = tpu.memref_slice %arg8[%rem3A_79, %dma_start3A_1177, %dma_start3A_1178] : memref<2x8x128xi32, #tpu.memory_space<vmem>> -> memref<1x8x128xi32, #tpu.memory_space<vmem>>
        %dma_start3A_1180 = tpu.memref_squeeze %dma_start3A_1179 : memref<1x8x128xi32, #tpu.memory_space<vmem>> -> memref<8x128xi32, #tpu.memory_space<vmem>>
        %dma_start3A_1181 = arith.constant 0 : i32
        %dma_start3A_1182 = tpu.memref_slice %arg3[%add3A_1164, %dma_start3A_1181] : memref<2560x128xi32, #tpu.memory_space<hbm>> -> memref<8x128xi32, #tpu.memory_space<hbm>>
        %dma_start3A_1183 = arith.constant 0 : i32
        %dma_start3A_1184 = arith.constant 0 : i32
        %dma_start3A_1185 = tpu.memref_slice %arg8[%rem3A_79, %dma_start3A_1183, %dma_start3A_1184] : memref<2x8x128xi32, #tpu.memory_space<vmem>> -> memref<1x8x128xi32, #tpu.memory_space<vmem>>
        %dma_start3A_1186 = tpu.memref_squeeze %dma_start3A_1185 : memref<1x8x128xi32, #tpu.memory_space<vmem>> -> memref<8x128xi32, #tpu.memory_space<vmem>>
        %dma_start3A_1187 = arith.constant 0 : i32
        %dma_start3A_1188 = tpu.memref_slice %arg3[%add3A_1164, %dma_start3A_1187] : memref<2560x128xi32, #tpu.memory_space<hbm>> -> memref<8x128xi32, #tpu.memory_space<hbm>>
        tpu.enqueue_dma source(%dma_start3A_1188 : memref<8x128xi32, #tpu.memory_space<hbm>>) target(%dma_start3A_1186 : memref<8x128xi32, #tpu.memory_space<vmem>>) target_semaphore(%arg13 : memref<!tpu.dma_semaphore, #tpu.memory_space<semaphore_mem>>)
      } else {
      }
      %eq3A_84 = arith.constant 0 : i32
      %eq3A_85 = arith.cmpi eq, %scan3A_78, %eq3A_84 : i32
      %convert_element_type3A_86 = arith.extui %eq3A_85 : i1 to i32
      %cond3A_87 = arith.constant 0 : i32
      %cond3A_88 = arith.cmpi ne, %convert_element_type3A_86, %cond3A_87 : i32
      scf.if %cond3A_88 {
        %sub3A = arith.constant 1 : i32
        %sub3A_601 = arith.subi %sub3A, %rem3A_79 : i32
        %dma_wait3A_602 = arith.constant 0 : i32
        %dma_wait3A_603 = arith.constant 0 : i32
        %dma_wait3A_604 = arith.constant 0 : i32
        %dma_wait3A_605 = arith.constant 0 : i32
        %dma_wait3A_606 = tpu.memref_slice %arg9[%dma_wait3A_602, %dma_wait3A_604, %dma_wait3A_605] : memref<2x128x128xf32, #tpu.memory_space<vmem>> -> memref<1x128x128xf32, #tpu.memory_space<vmem>>
        %dma_wait3A_607 = tpu.memref_squeeze %dma_wait3A_606 : memref<1x128x128xf32, #tpu.memory_space<vmem>> -> memref<128x128xf32, #tpu.memory_space<vmem>>
        %dma_wait3A_608 = arith.constant 0 : i32
        %dma_wait3A_609 = arith.constant 0 : i32
        %dma_wait3A_610 = tpu.memref_slice %arg4[%dma_wait3A_608, %dma_wait3A_609] : memref<10000x128xf32, #tpu.memory_space<hbm>> -> memref<128x128xf32, #tpu.memory_space<hbm>>
        %dma_wait3A_611 = tpu.memref_slice %arg11[%dma_wait3A_603] : memref<2x!tpu.dma_semaphore, #tpu.memory_space<semaphore_mem>> -> memref<1x!tpu.dma_semaphore, #tpu.memory_space<semaphore_mem>>
        %dma_wait3A_612 = tpu.memref_squeeze %dma_wait3A_611 : memref<1x!tpu.dma_semaphore, #tpu.memory_space<semaphore_mem>> -> memref<!tpu.dma_semaphore, #tpu.memory_space<semaphore_mem>>
        %dma_wait3A_613 = arith.constant 0 : i32
        %dma_wait3A_614 = arith.constant 0 : i32
        %dma_wait3A_615 = tpu.memref_slice %arg9[%dma_wait3A_602, %dma_wait3A_613, %dma_wait3A_614] : memref<2x128x128xf32, #tpu.memory_space<vmem>> -> memref<1x128x128xf32, #tpu.memory_space<vmem>>
        %dma_wait3A_616 = tpu.memref_squeeze %dma_wait3A_615 : memref<1x128x128xf32, #tpu.memory_space<vmem>> -> memref<128x128xf32, #tpu.memory_space<vmem>>
        %dma_wait3A_617 = arith.constant 0 : i32
        %dma_wait3A_618 = arith.constant 0 : i32
        %dma_wait3A_619 = tpu.memref_slice %arg4[%dma_wait3A_617, %dma_wait3A_618] : memref<10000x128xf32, #tpu.memory_space<hbm>> -> memref<128x128xf32, #tpu.memory_space<hbm>>
        tpu.wait_dma2 semaphore(%dma_wait3A_612 : memref<!tpu.dma_semaphore, #tpu.memory_space<semaphore_mem>>) src(%dma_wait3A_619 : memref<128x128xf32, #tpu.memory_space<hbm>>) dst(%dma_wait3A_616 : memref<128x128xf32, #tpu.memory_space<vmem>>)
        %dma_start3A_620 = arith.constant 0 : i32
        %dma_start3A_621 = arith.constant 0 : i32
        %dma_start3A_622 = arith.constant 0 : i32
        %dma_start3A_623 = arith.constant 0 : i32
        %dma_start3A_624 = arith.constant 0 : i32
        %dma_start3A_625 = tpu.memref_slice %arg9[%dma_start3A_620, %dma_start3A_623, %dma_start3A_624] : memref<2x128x128xf32, #tpu.memory_space<vmem>> -> memref<1x128x128xf32, #tpu.memory_space<vmem>>
        %dma_start3A_626 = tpu.memref_squeeze %dma_start3A_625 : memref<1x128x128xf32, #tpu.memory_space<vmem>> -> memref<128x128xf32, #tpu.memory_space<vmem>>
        %dma_start3A_627 = arith.constant 0 : i32
        %dma_start3A_628 = tpu.memref_slice %arg8[%rem3A_79, %dma_start3A_621, %dma_start3A_627] : memref<2x8x128xi32, #tpu.memory_space<vmem>> -> memref<1x1x128xi32, #tpu.memory_space<vmem>>
        %dma_start3A_629 = tpu.memref_squeeze %dma_start3A_628 : memref<1x1x128xi32, #tpu.memory_space<vmem>> -> memref<128xi32, #tpu.memory_space<vmem>>
        %dma_start3A_630 = arith.constant 0 : i32
        %dma_start3A_631 = arith.constant 0 : i32
        %dma_start3A_632 = tpu.memref_slice %arg10[%dma_start3A_630, %dma_start3A_631] : memref<10112x128xf32, #tpu.memory_space<vmem_shared>> -> memref<10112x128xf32, #tpu.memory_space<vmem_shared>>
        %dma_start3A_633 = tpu.memref_slice %arg12[%dma_start3A_622] : memref<2x!tpu.dma_semaphore, #tpu.memory_space<semaphore_mem>> -> memref<1x!tpu.dma_semaphore, #tpu.memory_space<semaphore_mem>>
        %dma_start3A_634 = tpu.memref_squeeze %dma_start3A_633 : memref<1x!tpu.dma_semaphore, #tpu.memory_space<semaphore_mem>> -> memref<!tpu.dma_semaphore, #tpu.memory_space<semaphore_mem>>
        tpu.enqueue_indirect_dma source(%dma_start3A_626 : memref<128x128xf32, #tpu.memory_space<vmem>>) target(%dma_start3A_632 : memref<10112x128xf32, #tpu.memory_space<vmem_shared>>) offsets(%dma_start3A_629 : memref<128xi32, #tpu.memory_space<vmem>>) semaphore(%dma_start3A_634 : memref<!tpu.dma_semaphore, #tpu.memory_space<semaphore_mem>>) {add = true}
        %dma_wait3A_635 = arith.constant 1 : i32
        %dma_wait3A_636 = arith.constant 1 : i32
        %dma_wait3A_637 = arith.constant 0 : i32
        %dma_wait3A_638 = arith.constant 0 : i32
        %dma_wait3A_639 = tpu.memref_slice %arg9[%dma_wait3A_635, %dma_wait3A_637, %dma_wait3A_638] : memref<2x128x128xf32, #tpu.memory_space<vmem>> -> memref<1x128x128xf32, #tpu.memory_space<vmem>>
        %dma_wait3A_640 = tpu.memref_squeeze %dma_wait3A_639 : memref<1x128x128xf32, #tpu.memory_space<vmem>> -> memref<128x128xf32, #tpu.memory_space<vmem>>
        %dma_wait3A_641 = arith.constant 0 : i32
        %dma_wait3A_642 = arith.constant 0 : i32
        %dma_wait3A_643 = tpu.memref_slice %arg4[%dma_wait3A_641, %dma_wait3A_642] : memref<10000x128xf32, #tpu.memory_space<hbm>> -> memref<128x128xf32, #tpu.memory_space<hbm>>
        %dma_wait3A_644 = tpu.memref_slice %arg11[%dma_wait3A_636] : memref<2x!tpu.dma_semaphore, #tpu.memory_space<semaphore_mem>> -> memref<1x!tpu.dma_semaphore, #tpu.memory_space<semaphore_mem>>
        %dma_wait3A_645 = tpu.memref_squeeze %dma_wait3A_644 : memref<1x!tpu.dma_semaphore, #tpu.memory_space<semaphore_mem>> -> memref<!tpu.dma_semaphore, #tpu.memory_space<semaphore_mem>>
        %dma_wait3A_646 = arith.constant 0 : i32
        %dma_wait3A_647 = arith.constant 0 : i32
        %dma_wait3A_648 = tpu.memref_slice %arg9[%dma_wait3A_635, %dma_wait3A_646, %dma_wait3A_647] : memref<2x128x128xf32, #tpu.memory_space<vmem>> -> memref<1x128x128xf32, #tpu.memory_space<vmem>>
        %dma_wait3A_649 = tpu.memref_squeeze %dma_wait3A_648 : memref<1x128x128xf32, #tpu.memory_space<vmem>> -> memref<128x128xf32, #tpu.memory_space<vmem>>
        %dma_wait3A_650 = arith.constant 0 : i32
        %dma_wait3A_651 = arith.constant 0 : i32
        %dma_wait3A_652 = tpu.memref_slice %arg4[%dma_wait3A_650, %dma_wait3A_651] : memref<10000x128xf32, #tpu.memory_space<hbm>> -> memref<128x128xf32, #tpu.memory_space<hbm>>
        tpu.wait_dma2 semaphore(%dma_wait3A_645 : memref<!tpu.dma_semaphore, #tpu.memory_space<semaphore_mem>>) src(%dma_wait3A_652 : memref<128x128xf32, #tpu.memory_space<hbm>>) dst(%dma_wait3A_649 : memref<128x128xf32, #tpu.memory_space<vmem>>)
        %dma_start3A_653 = arith.constant 1 : i32
        %dma_start3A_654 = arith.constant 1 : i32
        %dma_start3A_655 = arith.constant 1 : i32
        %dma_start3A_656 = arith.constant 0 : i32
        %dma_start3A_657 = arith.constant 0 : i32
        %dma_start3A_658 = tpu.memref_slice %arg9[%dma_start3A_653, %dma_start3A_656, %dma_start3A_657] : memref<2x128x128xf32, #tpu.memory_space<vmem>> -> memref<1x128x128xf32, #tpu.memory_space<vmem>>
        %dma_start3A_659 = tpu.memref_squeeze %dma_start3A_658 : memref<1x128x128xf32, #tpu.memory_space<vmem>> -> memref<128x128xf32, #tpu.memory_space<vmem>>
        %dma_start3A_660 = arith.constant 0 : i32
        %dma_start3A_661 = tpu.memref_slice %arg8[%rem3A_79, %dma_start3A_654, %dma_start3A_660] : memref<2x8x128xi32, #tpu.memory_space<vmem>> -> memref<1x1x128xi32, #tpu.memory_space<vmem>>
        %dma_start3A_662 = tpu.memref_squeeze %dma_start3A_661 : memref<1x1x128xi32, #tpu.memory_space<vmem>> -> memref<128xi32, #tpu.memory_space<vmem>>
        %dma_start3A_663 = arith.constant 0 : i32
        %dma_start3A_664 = arith.constant 0 : i32
        %dma_start3A_665 = tpu.memref_slice %arg10[%dma_start3A_663, %dma_start3A_664] : memref<10112x128xf32, #tpu.memory_space<vmem_shared>> -> memref<10112x128xf32, #tpu.memory_space<vmem_shared>>
        %dma_start3A_666 = tpu.memref_slice %arg12[%dma_start3A_655] : memref<2x!tpu.dma_semaphore, #tpu.memory_space<semaphore_mem>> -> memref<1x!tpu.dma_semaphore, #tpu.memory_space<semaphore_mem>>
        %dma_start3A_667 = tpu.memref_squeeze %dma_start3A_666 : memref<1x!tpu.dma_semaphore, #tpu.memory_space<semaphore_mem>> -> memref<!tpu.dma_semaphore, #tpu.memory_space<semaphore_mem>>
        tpu.enqueue_indirect_dma source(%dma_start3A_659 : memref<128x128xf32, #tpu.memory_space<vmem>>) target(%dma_start3A_665 : memref<10112x128xf32, #tpu.memory_space<vmem_shared>>) offsets(%dma_start3A_662 : memref<128xi32, #tpu.memory_space<vmem>>) semaphore(%dma_start3A_667 : memref<!tpu.dma_semaphore, #tpu.memory_space<semaphore_mem>>) {add = true}
        %dma_wait3A_668 = arith.constant 0 : i32
        %dma_wait3A_669 = arith.constant 0 : i32
        %dma_wait3A_670 = arith.constant 0 : i32
        %dma_wait3A_671 = arith.constant 0 : i32
        %dma_wait3A_672 = tpu.memref_slice %arg9[%dma_wait3A_668, %dma_wait3A_670, %dma_wait3A_671] : memref<2x128x128xf32, #tpu.memory_space<vmem>> -> memref<1x128x128xf32, #tpu.memory_space<vmem>>
        %dma_wait3A_673 = tpu.memref_squeeze %dma_wait3A_672 : memref<1x128x128xf32, #tpu.memory_space<vmem>> -> memref<128x128xf32, #tpu.memory_space<vmem>>
        %dma_wait3A_674 = arith.constant 0 : i32
        %dma_wait3A_675 = arith.constant 0 : i32
        %dma_wait3A_676 = tpu.memref_slice %arg4[%dma_wait3A_674, %dma_wait3A_675] : memref<10000x128xf32, #tpu.memory_space<hbm>> -> memref<128x128xf32, #tpu.memory_space<hbm>>
        %dma_wait3A_677 = tpu.memref_slice %arg12[%dma_wait3A_669] : memref<2x!tpu.dma_semaphore, #tpu.memory_space<semaphore_mem>> -> memref<1x!tpu.dma_semaphore, #tpu.memory_space<semaphore_mem>>
        %dma_wait3A_678 = tpu.memref_squeeze %dma_wait3A_677 : memref<1x!tpu.dma_semaphore, #tpu.memory_space<semaphore_mem>> -> memref<!tpu.dma_semaphore, #tpu.memory_space<semaphore_mem>>
        %dma_wait3A_679 = arith.constant 0 : i32
        %dma_wait3A_680 = arith.constant 0 : i32
        %dma_wait3A_681 = tpu.memref_slice %arg9[%dma_wait3A_668, %dma_wait3A_679, %dma_wait3A_680] : memref<2x128x128xf32, #tpu.memory_space<vmem>> -> memref<1x128x128xf32, #tpu.memory_space<vmem>>
        %dma_wait3A_682 = tpu.memref_squeeze %dma_wait3A_681 : memref<1x128x128xf32, #tpu.memory_space<vmem>> -> memref<128x128xf32, #tpu.memory_space<vmem>>
        %dma_wait3A_683 = arith.constant 0 : i32
        %dma_wait3A_684 = arith.constant 0 : i32
        %dma_wait3A_685 = tpu.memref_slice %arg4[%dma_wait3A_683, %dma_wait3A_684] : memref<10000x128xf32, #tpu.memory_space<hbm>> -> memref<128x128xf32, #tpu.memory_space<hbm>>
        tpu.wait_dma2 semaphore(%dma_wait3A_678 : memref<!tpu.dma_semaphore, #tpu.memory_space<semaphore_mem>>) src(%dma_wait3A_685 : memref<128x128xf32, #tpu.memory_space<hbm>>) dst(%dma_wait3A_682 : memref<128x128xf32, #tpu.memory_space<vmem>>)
        %dma_start3A_686 = arith.constant 2 : i32
        %dma_start3A_687 = arith.constant 0 : i32
        %dma_start3A_688 = arith.constant 0 : i32
        %dma_start3A_689 = arith.constant 0 : i32
        %dma_start3A_690 = arith.constant 0 : i32
        %dma_start3A_691 = tpu.memref_slice %arg9[%dma_start3A_687, %dma_start3A_689, %dma_start3A_690] : memref<2x128x128xf32, #tpu.memory_space<vmem>> -> memref<1x128x128xf32, #tpu.memory_space<vmem>>
        %dma_start3A_692 = tpu.memref_squeeze %dma_start3A_691 : memref<1x128x128xf32, #tpu.memory_space<vmem>> -> memref<128x128xf32, #tpu.memory_space<vmem>>
        %dma_start3A_693 = arith.constant 0 : i32
        %dma_start3A_694 = tpu.memref_slice %arg7[%rem3A_79, %dma_start3A_686, %dma_start3A_693] : memref<2x8x128xi32, #tpu.memory_space<vmem>> -> memref<1x1x128xi32, #tpu.memory_space<vmem>>
        %dma_start3A_695 = tpu.memref_squeeze %dma_start3A_694 : memref<1x1x128xi32, #tpu.memory_space<vmem>> -> memref<128xi32, #tpu.memory_space<vmem>>
        %dma_start3A_696 = arith.constant 0 : i32
        %dma_start3A_697 = arith.constant 0 : i32
        %dma_start3A_698 = tpu.memref_slice %arg4[%dma_start3A_696, %dma_start3A_697] : memref<10000x128xf32, #tpu.memory_space<hbm>> -> memref<10000x128xf32, #tpu.memory_space<hbm>>
        %dma_start3A_699 = tpu.memref_slice %arg11[%dma_start3A_688] : memref<2x!tpu.dma_semaphore, #tpu.memory_space<semaphore_mem>> -> memref<1x!tpu.dma_semaphore, #tpu.memory_space<semaphore_mem>>
        %dma_start3A_700 = tpu.memref_squeeze %dma_start3A_699 : memref<1x!tpu.dma_semaphore, #tpu.memory_space<semaphore_mem>> -> memref<!tpu.dma_semaphore, #tpu.memory_space<semaphore_mem>>
        tpu.enqueue_indirect_dma source(%dma_start3A_698 : memref<10000x128xf32, #tpu.memory_space<hbm>>) target(%dma_start3A_692 : memref<128x128xf32, #tpu.memory_space<vmem>>) offsets(%dma_start3A_695 : memref<128xi32, #tpu.memory_space<vmem>>) semaphore(%dma_start3A_700 : memref<!tpu.dma_semaphore, #tpu.memory_space<semaphore_mem>>)
        %dma_wait3A_701 = arith.constant 1 : i32
        %dma_wait3A_702 = arith.constant 1 : i32
        %dma_wait3A_703 = arith.constant 0 : i32
        %dma_wait3A_704 = arith.constant 0 : i32
        %dma_wait3A_705 = tpu.memref_slice %arg9[%dma_wait3A_701, %dma_wait3A_703, %dma_wait3A_704] : memref<2x128x128xf32, #tpu.memory_space<vmem>> -> memref<1x128x128xf32, #tpu.memory_space<vmem>>
        %dma_wait3A_706 = tpu.memref_squeeze %dma_wait3A_705 : memref<1x128x128xf32, #tpu.memory_space<vmem>> -> memref<128x128xf32, #tpu.memory_space<vmem>>
        %dma_wait3A_707 = arith.constant 0 : i32
        %dma_wait3A_708 = arith.constant 0 : i32
        %dma_wait3A_709 = tpu.memref_slice %arg4[%dma_wait3A_707, %dma_wait3A_708] : memref<10000x128xf32, #tpu.memory_space<hbm>> -> memref<128x128xf32, #tpu.memory_space<hbm>>
        %dma_wait3A_710 = tpu.memref_slice %arg12[%dma_wait3A_702] : memref<2x!tpu.dma_semaphore, #tpu.memory_space<semaphore_mem>> -> memref<1x!tpu.dma_semaphore, #tpu.memory_space<semaphore_mem>>
        %dma_wait3A_711 = tpu.memref_squeeze %dma_wait3A_710 : memref<1x!tpu.dma_semaphore, #tpu.memory_space<semaphore_mem>> -> memref<!tpu.dma_semaphore, #tpu.memory_space<semaphore_mem>>
        %dma_wait3A_712 = arith.constant 0 : i32
        %dma_wait3A_713 = arith.constant 0 : i32
        %dma_wait3A_714 = tpu.memref_slice %arg9[%dma_wait3A_701, %dma_wait3A_712, %dma_wait3A_713] : memref<2x128x128xf32, #tpu.memory_space<vmem>> -> memref<1x128x128xf32, #tpu.memory_space<vmem>>
        %dma_wait3A_715 = tpu.memref_squeeze %dma_wait3A_714 : memref<1x128x128xf32, #tpu.memory_space<vmem>> -> memref<128x128xf32, #tpu.memory_space<vmem>>
        %dma_wait3A_716 = arith.constant 0 : i32
        %dma_wait3A_717 = arith.constant 0 : i32
        %dma_wait3A_718 = tpu.memref_slice %arg4[%dma_wait3A_716, %dma_wait3A_717] : memref<10000x128xf32, #tpu.memory_space<hbm>> -> memref<128x128xf32, #tpu.memory_space<hbm>>
        tpu.wait_dma2 semaphore(%dma_wait3A_711 : memref<!tpu.dma_semaphore, #tpu.memory_space<semaphore_mem>>) src(%dma_wait3A_718 : memref<128x128xf32, #tpu.memory_space<hbm>>) dst(%dma_wait3A_715 : memref<128x128xf32, #tpu.memory_space<vmem>>)
        %dma_start3A_719 = arith.constant 3 : i32
        %dma_start3A_720 = arith.constant 1 : i32
        %dma_start3A_721 = arith.constant 1 : i32
        %dma_start3A_722 = arith.constant 0 : i32
        %dma_start3A_723 = arith.constant 0 : i32
        %dma_start3A_724 = tpu.memref_slice %arg9[%dma_start3A_720, %dma_start3A_722, %dma_start3A_723] : memref<2x128x128xf32, #tpu.memory_space<vmem>> -> memref<1x128x128xf32, #tpu.memory_space<vmem>>
        %dma_start3A_725 = tpu.memref_squeeze %dma_start3A_724 : memref<1x128x128xf32, #tpu.memory_space<vmem>> -> memref<128x128xf32, #tpu.memory_space<vmem>>
        %dma_start3A_726 = arith.constant 0 : i32
        %dma_start3A_727 = tpu.memref_slice %arg7[%rem3A_79, %dma_start3A_719, %dma_start3A_726] : memref<2x8x128xi32, #tpu.memory_space<vmem>> -> memref<1x1x128xi32, #tpu.memory_space<vmem>>
        %dma_start3A_728 = tpu.memref_squeeze %dma_start3A_727 : memref<1x1x128xi32, #tpu.memory_space<vmem>> -> memref<128xi32, #tpu.memory_space<vmem>>
        %dma_start3A_729 = arith.constant 0 : i32
        %dma_start3A_730 = arith.constant 0 : i32
        %dma_start3A_731 = tpu.memref_slice %arg4[%dma_start3A_729, %dma_start3A_730] : memref<10000x128xf32, #tpu.memory_space<hbm>> -> memref<10000x128xf32, #tpu.memory_space<hbm>>
        %dma_start3A_732 = tpu.memref_slice %arg11[%dma_start3A_721] : memref<2x!tpu.dma_semaphore, #tpu.memory_space<semaphore_mem>> -> memref<1x!tpu.dma_semaphore, #tpu.memory_space<semaphore_mem>>
        %dma_start3A_733 = tpu.memref_squeeze %dma_start3A_732 : memref<1x!tpu.dma_semaphore, #tpu.memory_space<semaphore_mem>> -> memref<!tpu.dma_semaphore, #tpu.memory_space<semaphore_mem>>
        tpu.enqueue_indirect_dma source(%dma_start3A_731 : memref<10000x128xf32, #tpu.memory_space<hbm>>) target(%dma_start3A_725 : memref<128x128xf32, #tpu.memory_space<vmem>>) offsets(%dma_start3A_728 : memref<128xi32, #tpu.memory_space<vmem>>) semaphore(%dma_start3A_733 : memref<!tpu.dma_semaphore, #tpu.memory_space<semaphore_mem>>)
        %dma_wait3A_734 = arith.constant 0 : i32
        %dma_wait3A_735 = arith.constant 0 : i32
        %dma_wait3A_736 = arith.constant 0 : i32
        %dma_wait3A_737 = arith.constant 0 : i32
        %dma_wait3A_738 = tpu.memref_slice %arg9[%dma_wait3A_734, %dma_wait3A_736, %dma_wait3A_737] : memref<2x128x128xf32, #tpu.memory_space<vmem>> -> memref<1x128x128xf32, #tpu.memory_space<vmem>>
        %dma_wait3A_739 = tpu.memref_squeeze %dma_wait3A_738 : memref<1x128x128xf32, #tpu.memory_space<vmem>> -> memref<128x128xf32, #tpu.memory_space<vmem>>
        %dma_wait3A_740 = arith.constant 0 : i32
        %dma_wait3A_741 = arith.constant 0 : i32
        %dma_wait3A_742 = tpu.memref_slice %arg4[%dma_wait3A_740, %dma_wait3A_741] : memref<10000x128xf32, #tpu.memory_space<hbm>> -> memref<128x128xf32, #tpu.memory_space<hbm>>
        %dma_wait3A_743 = tpu.memref_slice %arg11[%dma_wait3A_735] : memref<2x!tpu.dma_semaphore, #tpu.memory_space<semaphore_mem>> -> memref<1x!tpu.dma_semaphore, #tpu.memory_space<semaphore_mem>>
        %dma_wait3A_744 = tpu.memref_squeeze %dma_wait3A_743 : memref<1x!tpu.dma_semaphore, #tpu.memory_space<semaphore_mem>> -> memref<!tpu.dma_semaphore, #tpu.memory_space<semaphore_mem>>
        %dma_wait3A_745 = arith.constant 0 : i32
        %dma_wait3A_746 = arith.constant 0 : i32
        %dma_wait3A_747 = tpu.memref_slice %arg9[%dma_wait3A_734, %dma_wait3A_745, %dma_wait3A_746] : memref<2x128x128xf32, #tpu.memory_space<vmem>> -> memref<1x128x128xf32, #tpu.memory_space<vmem>>
        %dma_wait3A_748 = tpu.memref_squeeze %dma_wait3A_747 : memref<1x128x128xf32, #tpu.memory_space<vmem>> -> memref<128x128xf32, #tpu.memory_space<vmem>>
        %dma_wait3A_749 = arith.constant 0 : i32
        %dma_wait3A_750 = arith.constant 0 : i32
        %dma_wait3A_751 = tpu.memref_slice %arg4[%dma_wait3A_749, %dma_wait3A_750] : memref<10000x128xf32, #tpu.memory_space<hbm>> -> memref<128x128xf32, #tpu.memory_space<hbm>>
        tpu.wait_dma2 semaphore(%dma_wait3A_744 : memref<!tpu.dma_semaphore, #tpu.memory_space<semaphore_mem>>) src(%dma_wait3A_751 : memref<128x128xf32, #tpu.memory_space<hbm>>) dst(%dma_wait3A_748 : memref<128x128xf32, #tpu.memory_space<vmem>>)
        %dma_start3A_752 = arith.constant 0 : i32
        %dma_start3A_753 = arith.constant 2 : i32
        %dma_start3A_754 = arith.constant 0 : i32
        %dma_start3A_755 = arith.constant 0 : i32
        %dma_start3A_756 = arith.constant 0 : i32
        %dma_start3A_757 = tpu.memref_slice %arg9[%dma_start3A_752, %dma_start3A_755, %dma_start3A_756] : memref<2x128x128xf32, #tpu.memory_space<vmem>> -> memref<1x128x128xf32, #tpu.memory_space<vmem>>
        %dma_start3A_758 = tpu.memref_squeeze %dma_start3A_757 : memref<1x128x128xf32, #tpu.memory_space<vmem>> -> memref<128x128xf32, #tpu.memory_space<vmem>>
        %dma_start3A_759 = arith.constant 0 : i32
        %dma_start3A_760 = tpu.memref_slice %arg8[%rem3A_79, %dma_start3A_753, %dma_start3A_759] : memref<2x8x128xi32, #tpu.memory_space<vmem>> -> memref<1x1x128xi32, #tpu.memory_space<vmem>>
        %dma_start3A_761 = tpu.memref_squeeze %dma_start3A_760 : memref<1x1x128xi32, #tpu.memory_space<vmem>> -> memref<128xi32, #tpu.memory_space<vmem>>
        %dma_start3A_762 = arith.constant 0 : i32
        %dma_start3A_763 = arith.constant 0 : i32
        %dma_start3A_764 = tpu.memref_slice %arg10[%dma_start3A_762, %dma_start3A_763] : memref<10112x128xf32, #tpu.memory_space<vmem_shared>> -> memref<10112x128xf32, #tpu.memory_space<vmem_shared>>
        %dma_start3A_765 = tpu.memref_slice %arg12[%dma_start3A_754] : memref<2x!tpu.dma_semaphore, #tpu.memory_space<semaphore_mem>> -> memref<1x!tpu.dma_semaphore, #tpu.memory_space<semaphore_mem>>
        %dma_start3A_766 = tpu.memref_squeeze %dma_start3A_765 : memref<1x!tpu.dma_semaphore, #tpu.memory_space<semaphore_mem>> -> memref<!tpu.dma_semaphore, #tpu.memory_space<semaphore_mem>>
        tpu.enqueue_indirect_dma source(%dma_start3A_758 : memref<128x128xf32, #tpu.memory_space<vmem>>) target(%dma_start3A_764 : memref<10112x128xf32, #tpu.memory_space<vmem_shared>>) offsets(%dma_start3A_761 : memref<128xi32, #tpu.memory_space<vmem>>) semaphore(%dma_start3A_766 : memref<!tpu.dma_semaphore, #tpu.memory_space<semaphore_mem>>) {add = true}
        %dma_wait3A_767 = arith.constant 1 : i32
        %dma_wait3A_768 = arith.constant 1 : i32
        %dma_wait3A_769 = arith.constant 0 : i32
        %dma_wait3A_770 = arith.constant 0 : i32
        %dma_wait3A_771 = tpu.memref_slice %arg9[%dma_wait3A_767, %dma_wait3A_769, %dma_wait3A_770] : memref<2x128x128xf32, #tpu.memory_space<vmem>> -> memref<1x128x128xf32, #tpu.memory_space<vmem>>
        %dma_wait3A_772 = tpu.memref_squeeze %dma_wait3A_771 : memref<1x128x128xf32, #tpu.memory_space<vmem>> -> memref<128x128xf32, #tpu.memory_space<vmem>>
        %dma_wait3A_773 = arith.constant 0 : i32
        %dma_wait3A_774 = arith.constant 0 : i32
        %dma_wait3A_775 = tpu.memref_slice %arg4[%dma_wait3A_773, %dma_wait3A_774] : memref<10000x128xf32, #tpu.memory_space<hbm>> -> memref<128x128xf32, #tpu.memory_space<hbm>>
        %dma_wait3A_776 = tpu.memref_slice %arg11[%dma_wait3A_768] : memref<2x!tpu.dma_semaphore, #tpu.memory_space<semaphore_mem>> -> memref<1x!tpu.dma_semaphore, #tpu.memory_space<semaphore_mem>>
        %dma_wait3A_777 = tpu.memref_squeeze %dma_wait3A_776 : memref<1x!tpu.dma_semaphore, #tpu.memory_space<semaphore_mem>> -> memref<!tpu.dma_semaphore, #tpu.memory_space<semaphore_mem>>
        %dma_wait3A_778 = arith.constant 0 : i32
        %dma_wait3A_779 = arith.constant 0 : i32
        %dma_wait3A_780 = tpu.memref_slice %arg9[%dma_wait3A_767, %dma_wait3A_778, %dma_wait3A_779] : memref<2x128x128xf32, #tpu.memory_space<vmem>> -> memref<1x128x128xf32, #tpu.memory_space<vmem>>
        %dma_wait3A_781 = tpu.memref_squeeze %dma_wait3A_780 : memref<1x128x128xf32, #tpu.memory_space<vmem>> -> memref<128x128xf32, #tpu.memory_space<vmem>>
        %dma_wait3A_782 = arith.constant 0 : i32
        %dma_wait3A_783 = arith.constant 0 : i32
        %dma_wait3A_784 = tpu.memref_slice %arg4[%dma_wait3A_782, %dma_wait3A_783] : memref<10000x128xf32, #tpu.memory_space<hbm>> -> memref<128x128xf32, #tpu.memory_space<hbm>>
        tpu.wait_dma2 semaphore(%dma_wait3A_777 : memref<!tpu.dma_semaphore, #tpu.memory_space<semaphore_mem>>) src(%dma_wait3A_784 : memref<128x128xf32, #tpu.memory_space<hbm>>) dst(%dma_wait3A_781 : memref<128x128xf32, #tpu.memory_space<vmem>>)
        %dma_start3A_785 = arith.constant 1 : i32
        %dma_start3A_786 = arith.constant 3 : i32
        %dma_start3A_787 = arith.constant 1 : i32
        %dma_start3A_788 = arith.constant 0 : i32
        %dma_start3A_789 = arith.constant 0 : i32
        %dma_start3A_790 = tpu.memref_slice %arg9[%dma_start3A_785, %dma_start3A_788, %dma_start3A_789] : memref<2x128x128xf32, #tpu.memory_space<vmem>> -> memref<1x128x128xf32, #tpu.memory_space<vmem>>
        %dma_start3A_791 = tpu.memref_squeeze %dma_start3A_790 : memref<1x128x128xf32, #tpu.memory_space<vmem>> -> memref<128x128xf32, #tpu.memory_space<vmem>>
        %dma_start3A_792 = arith.constant 0 : i32
        %dma_start3A_793 = tpu.memref_slice %arg8[%rem3A_79, %dma_start3A_786, %dma_start3A_792] : memref<2x8x128xi32, #tpu.memory_space<vmem>> -> memref<1x1x128xi32, #tpu.memory_space<vmem>>
        %dma_start3A_794 = tpu.memref_squeeze %dma_start3A_793 : memref<1x1x128xi32, #tpu.memory_space<vmem>> -> memref<128xi32, #tpu.memory_space<vmem>>
        %dma_start3A_795 = arith.constant 0 : i32
        %dma_start3A_796 = arith.constant 0 : i32
        %dma_start3A_797 = tpu.memref_slice %arg10[%dma_start3A_795, %dma_start3A_796] : memref<10112x128xf32, #tpu.memory_space<vmem_shared>> -> memref<10112x128xf32, #tpu.memory_space<vmem_shared>>
        %dma_start3A_798 = tpu.memref_slice %arg12[%dma_start3A_787] : memref<2x!tpu.dma_semaphore, #tpu.memory_space<semaphore_mem>> -> memref<1x!tpu.dma_semaphore, #tpu.memory_space<semaphore_mem>>
        %dma_start3A_799 = tpu.memref_squeeze %dma_start3A_798 : memref<1x!tpu.dma_semaphore, #tpu.memory_space<semaphore_mem>> -> memref<!tpu.dma_semaphore, #tpu.memory_space<semaphore_mem>>
        tpu.enqueue_indirect_dma source(%dma_start3A_791 : memref<128x128xf32, #tpu.memory_space<vmem>>) target(%dma_start3A_797 : memref<10112x128xf32, #tpu.memory_space<vmem_shared>>) offsets(%dma_start3A_794 : memref<128xi32, #tpu.memory_space<vmem>>) semaphore(%dma_start3A_799 : memref<!tpu.dma_semaphore, #tpu.memory_space<semaphore_mem>>) {add = true}
        %dma_wait3A_800 = arith.constant 0 : i32
        %dma_wait3A_801 = arith.constant 0 : i32
        %dma_wait3A_802 = arith.constant 0 : i32
        %dma_wait3A_803 = arith.constant 0 : i32
        %dma_wait3A_804 = tpu.memref_slice %arg9[%dma_wait3A_800, %dma_wait3A_802, %dma_wait3A_803] : memref<2x128x128xf32, #tpu.memory_space<vmem>> -> memref<1x128x128xf32, #tpu.memory_space<vmem>>
        %dma_wait3A_805 = tpu.memref_squeeze %dma_wait3A_804 : memref<1x128x128xf32, #tpu.memory_space<vmem>> -> memref<128x128xf32, #tpu.memory_space<vmem>>
        %dma_wait3A_806 = arith.constant 0 : i32
        %dma_wait3A_807 = arith.constant 0 : i32
        %dma_wait3A_808 = tpu.memref_slice %arg4[%dma_wait3A_806, %dma_wait3A_807] : memref<10000x128xf32, #tpu.memory_space<hbm>> -> memref<128x128xf32, #tpu.memory_space<hbm>>
        %dma_wait3A_809 = tpu.memref_slice %arg12[%dma_wait3A_801] : memref<2x!tpu.dma_semaphore, #tpu.memory_space<semaphore_mem>> -> memref<1x!tpu.dma_semaphore, #tpu.memory_space<semaphore_mem>>
        %dma_wait3A_810 = tpu.memref_squeeze %dma_wait3A_809 : memref<1x!tpu.dma_semaphore, #tpu.memory_space<semaphore_mem>> -> memref<!tpu.dma_semaphore, #tpu.memory_space<semaphore_mem>>
        %dma_wait3A_811 = arith.constant 0 : i32
        %dma_wait3A_812 = arith.constant 0 : i32
        %dma_wait3A_813 = tpu.memref_slice %arg9[%dma_wait3A_800, %dma_wait3A_811, %dma_wait3A_812] : memref<2x128x128xf32, #tpu.memory_space<vmem>> -> memref<1x128x128xf32, #tpu.memory_space<vmem>>
        %dma_wait3A_814 = tpu.memref_squeeze %dma_wait3A_813 : memref<1x128x128xf32, #tpu.memory_space<vmem>> -> memref<128x128xf32, #tpu.memory_space<vmem>>
        %dma_wait3A_815 = arith.constant 0 : i32
        %dma_wait3A_816 = arith.constant 0 : i32
        %dma_wait3A_817 = tpu.memref_slice %arg4[%dma_wait3A_815, %dma_wait3A_816] : memref<10000x128xf32, #tpu.memory_space<hbm>> -> memref<128x128xf32, #tpu.memory_space<hbm>>
        tpu.wait_dma2 semaphore(%dma_wait3A_810 : memref<!tpu.dma_semaphore, #tpu.memory_space<semaphore_mem>>) src(%dma_wait3A_817 : memref<128x128xf32, #tpu.memory_space<hbm>>) dst(%dma_wait3A_814 : memref<128x128xf32, #tpu.memory_space<vmem>>)
        %dma_start3A_818 = arith.constant 4 : i32
        %dma_start3A_819 = arith.constant 0 : i32
        %dma_start3A_820 = arith.constant 0 : i32
        %dma_start3A_821 = arith.constant 0 : i32
        %dma_start3A_822 = arith.constant 0 : i32
        %dma_start3A_823 = tpu.memref_slice %arg9[%dma_start3A_819, %dma_start3A_821, %dma_start3A_822] : memref<2x128x128xf32, #tpu.memory_space<vmem>> -> memref<1x128x128xf32, #tpu.memory_space<vmem>>
        %dma_start3A_824 = tpu.memref_squeeze %dma_start3A_823 : memref<1x128x128xf32, #tpu.memory_space<vmem>> -> memref<128x128xf32, #tpu.memory_space<vmem>>
        %dma_start3A_825 = arith.constant 0 : i32
        %dma_start3A_826 = tpu.memref_slice %arg7[%rem3A_79, %dma_start3A_818, %dma_start3A_825] : memref<2x8x128xi32, #tpu.memory_space<vmem>> -> memref<1x1x128xi32, #tpu.memory_space<vmem>>
        %dma_start3A_827 = tpu.memref_squeeze %dma_start3A_826 : memref<1x1x128xi32, #tpu.memory_space<vmem>> -> memref<128xi32, #tpu.memory_space<vmem>>
        %dma_start3A_828 = arith.constant 0 : i32
        %dma_start3A_829 = arith.constant 0 : i32
        %dma_start3A_830 = tpu.memref_slice %arg4[%dma_start3A_828, %dma_start3A_829] : memref<10000x128xf32, #tpu.memory_space<hbm>> -> memref<10000x128xf32, #tpu.memory_space<hbm>>
        %dma_start3A_831 = tpu.memref_slice %arg11[%dma_start3A_820] : memref<2x!tpu.dma_semaphore, #tpu.memory_space<semaphore_mem>> -> memref<1x!tpu.dma_semaphore, #tpu.memory_space<semaphore_mem>>
        %dma_start3A_832 = tpu.memref_squeeze %dma_start3A_831 : memref<1x!tpu.dma_semaphore, #tpu.memory_space<semaphore_mem>> -> memref<!tpu.dma_semaphore, #tpu.memory_space<semaphore_mem>>
        tpu.enqueue_indirect_dma source(%dma_start3A_830 : memref<10000x128xf32, #tpu.memory_space<hbm>>) target(%dma_start3A_824 : memref<128x128xf32, #tpu.memory_space<vmem>>) offsets(%dma_start3A_827 : memref<128xi32, #tpu.memory_space<vmem>>) semaphore(%dma_start3A_832 : memref<!tpu.dma_semaphore, #tpu.memory_space<semaphore_mem>>)
        %dma_wait3A_833 = arith.constant 1 : i32
        %dma_wait3A_834 = arith.constant 1 : i32
        %dma_wait3A_835 = arith.constant 0 : i32
        %dma_wait3A_836 = arith.constant 0 : i32
        %dma_wait3A_837 = tpu.memref_slice %arg9[%dma_wait3A_833, %dma_wait3A_835, %dma_wait3A_836] : memref<2x128x128xf32, #tpu.memory_space<vmem>> -> memref<1x128x128xf32, #tpu.memory_space<vmem>>
        %dma_wait3A_838 = tpu.memref_squeeze %dma_wait3A_837 : memref<1x128x128xf32, #tpu.memory_space<vmem>> -> memref<128x128xf32, #tpu.memory_space<vmem>>
        %dma_wait3A_839 = arith.constant 0 : i32
        %dma_wait3A_840 = arith.constant 0 : i32
        %dma_wait3A_841 = tpu.memref_slice %arg4[%dma_wait3A_839, %dma_wait3A_840] : memref<10000x128xf32, #tpu.memory_space<hbm>> -> memref<128x128xf32, #tpu.memory_space<hbm>>
        %dma_wait3A_842 = tpu.memref_slice %arg12[%dma_wait3A_834] : memref<2x!tpu.dma_semaphore, #tpu.memory_space<semaphore_mem>> -> memref<1x!tpu.dma_semaphore, #tpu.memory_space<semaphore_mem>>
        %dma_wait3A_843 = tpu.memref_squeeze %dma_wait3A_842 : memref<1x!tpu.dma_semaphore, #tpu.memory_space<semaphore_mem>> -> memref<!tpu.dma_semaphore, #tpu.memory_space<semaphore_mem>>
        %dma_wait3A_844 = arith.constant 0 : i32
        %dma_wait3A_845 = arith.constant 0 : i32
        %dma_wait3A_846 = tpu.memref_slice %arg9[%dma_wait3A_833, %dma_wait3A_844, %dma_wait3A_845] : memref<2x128x128xf32, #tpu.memory_space<vmem>> -> memref<1x128x128xf32, #tpu.memory_space<vmem>>
        %dma_wait3A_847 = tpu.memref_squeeze %dma_wait3A_846 : memref<1x128x128xf32, #tpu.memory_space<vmem>> -> memref<128x128xf32, #tpu.memory_space<vmem>>
        %dma_wait3A_848 = arith.constant 0 : i32
        %dma_wait3A_849 = arith.constant 0 : i32
        %dma_wait3A_850 = tpu.memref_slice %arg4[%dma_wait3A_848, %dma_wait3A_849] : memref<10000x128xf32, #tpu.memory_space<hbm>> -> memref<128x128xf32, #tpu.memory_space<hbm>>
        tpu.wait_dma2 semaphore(%dma_wait3A_843 : memref<!tpu.dma_semaphore, #tpu.memory_space<semaphore_mem>>) src(%dma_wait3A_850 : memref<128x128xf32, #tpu.memory_space<hbm>>) dst(%dma_wait3A_847 : memref<128x128xf32, #tpu.memory_space<vmem>>)
        %dma_start3A_851 = arith.constant 5 : i32
        %dma_start3A_852 = arith.constant 1 : i32
        %dma_start3A_853 = arith.constant 1 : i32
        %dma_start3A_854 = arith.constant 0 : i32
        %dma_start3A_855 = arith.constant 0 : i32
        %dma_start3A_856 = tpu.memref_slice %arg9[%dma_start3A_852, %dma_start3A_854, %dma_start3A_855] : memref<2x128x128xf32, #tpu.memory_space<vmem>> -> memref<1x128x128xf32, #tpu.memory_space<vmem>>
        %dma_start3A_857 = tpu.memref_squeeze %dma_start3A_856 : memref<1x128x128xf32, #tpu.memory_space<vmem>> -> memref<128x128xf32, #tpu.memory_space<vmem>>
        %dma_start3A_858 = arith.constant 0 : i32
        %dma_start3A_859 = tpu.memref_slice %arg7[%rem3A_79, %dma_start3A_851, %dma_start3A_858] : memref<2x8x128xi32, #tpu.memory_space<vmem>> -> memref<1x1x128xi32, #tpu.memory_space<vmem>>
        %dma_start3A_860 = tpu.memref_squeeze %dma_start3A_859 : memref<1x1x128xi32, #tpu.memory_space<vmem>> -> memref<128xi32, #tpu.memory_space<vmem>>
        %dma_start3A_861 = arith.constant 0 : i32
        %dma_start3A_862 = arith.constant 0 : i32
        %dma_start3A_863 = tpu.memref_slice %arg4[%dma_start3A_861, %dma_start3A_862] : memref<10000x128xf32, #tpu.memory_space<hbm>> -> memref<10000x128xf32, #tpu.memory_space<hbm>>
        %dma_start3A_864 = tpu.memref_slice %arg11[%dma_start3A_853] : memref<2x!tpu.dma_semaphore, #tpu.memory_space<semaphore_mem>> -> memref<1x!tpu.dma_semaphore, #tpu.memory_space<semaphore_mem>>
        %dma_start3A_865 = tpu.memref_squeeze %dma_start3A_864 : memref<1x!tpu.dma_semaphore, #tpu.memory_space<semaphore_mem>> -> memref<!tpu.dma_semaphore, #tpu.memory_space<semaphore_mem>>
        tpu.enqueue_indirect_dma source(%dma_start3A_863 : memref<10000x128xf32, #tpu.memory_space<hbm>>) target(%dma_start3A_857 : memref<128x128xf32, #tpu.memory_space<vmem>>) offsets(%dma_start3A_860 : memref<128xi32, #tpu.memory_space<vmem>>) semaphore(%dma_start3A_865 : memref<!tpu.dma_semaphore, #tpu.memory_space<semaphore_mem>>)
        %dma_wait3A_866 = arith.constant 0 : i32
        %dma_wait3A_867 = arith.constant 0 : i32
        %dma_wait3A_868 = arith.constant 0 : i32
        %dma_wait3A_869 = arith.constant 0 : i32
        %dma_wait3A_870 = tpu.memref_slice %arg9[%dma_wait3A_866, %dma_wait3A_868, %dma_wait3A_869] : memref<2x128x128xf32, #tpu.memory_space<vmem>> -> memref<1x128x128xf32, #tpu.memory_space<vmem>>
        %dma_wait3A_871 = tpu.memref_squeeze %dma_wait3A_870 : memref<1x128x128xf32, #tpu.memory_space<vmem>> -> memref<128x128xf32, #tpu.memory_space<vmem>>
        %dma_wait3A_872 = arith.constant 0 : i32
        %dma_wait3A_873 = arith.constant 0 : i32
        %dma_wait3A_874 = tpu.memref_slice %arg4[%dma_wait3A_872, %dma_wait3A_873] : memref<10000x128xf32, #tpu.memory_space<hbm>> -> memref<128x128xf32, #tpu.memory_space<hbm>>
        %dma_wait3A_875 = tpu.memref_slice %arg11[%dma_wait3A_867] : memref<2x!tpu.dma_semaphore, #tpu.memory_space<semaphore_mem>> -> memref<1x!tpu.dma_semaphore, #tpu.memory_space<semaphore_mem>>
        %dma_wait3A_876 = tpu.memref_squeeze %dma_wait3A_875 : memref<1x!tpu.dma_semaphore, #tpu.memory_space<semaphore_mem>> -> memref<!tpu.dma_semaphore, #tpu.memory_space<semaphore_mem>>
        %dma_wait3A_877 = arith.constant 0 : i32
        %dma_wait3A_878 = arith.constant 0 : i32
        %dma_wait3A_879 = tpu.memref_slice %arg9[%dma_wait3A_866, %dma_wait3A_877, %dma_wait3A_878] : memref<2x128x128xf32, #tpu.memory_space<vmem>> -> memref<1x128x128xf32, #tpu.memory_space<vmem>>
        %dma_wait3A_880 = tpu.memref_squeeze %dma_wait3A_879 : memref<1x128x128xf32, #tpu.memory_space<vmem>> -> memref<128x128xf32, #tpu.memory_space<vmem>>
        %dma_wait3A_881 = arith.constant 0 : i32
        %dma_wait3A_882 = arith.constant 0 : i32
        %dma_wait3A_883 = tpu.memref_slice %arg4[%dma_wait3A_881, %dma_wait3A_882] : memref<10000x128xf32, #tpu.memory_space<hbm>> -> memref<128x128xf32, #tpu.memory_space<hbm>>
        tpu.wait_dma2 semaphore(%dma_wait3A_876 : memref<!tpu.dma_semaphore, #tpu.memory_space<semaphore_mem>>) src(%dma_wait3A_883 : memref<128x128xf32, #tpu.memory_space<hbm>>) dst(%dma_wait3A_880 : memref<128x128xf32, #tpu.memory_space<vmem>>)
        %dma_start3A_884 = arith.constant 0 : i32
        %dma_start3A_885 = arith.constant 4 : i32
        %dma_start3A_886 = arith.constant 0 : i32
        %dma_start3A_887 = arith.constant 0 : i32
        %dma_start3A_888 = arith.constant 0 : i32
        %dma_start3A_889 = tpu.memref_slice %arg9[%dma_start3A_884, %dma_start3A_887, %dma_start3A_888] : memref<2x128x128xf32, #tpu.memory_space<vmem>> -> memref<1x128x128xf32, #tpu.memory_space<vmem>>
        %dma_start3A_890 = tpu.memref_squeeze %dma_start3A_889 : memref<1x128x128xf32, #tpu.memory_space<vmem>> -> memref<128x128xf32, #tpu.memory_space<vmem>>
        %dma_start3A_891 = arith.constant 0 : i32
        %dma_start3A_892 = tpu.memref_slice %arg8[%rem3A_79, %dma_start3A_885, %dma_start3A_891] : memref<2x8x128xi32, #tpu.memory_space<vmem>> -> memref<1x1x128xi32, #tpu.memory_space<vmem>>
        %dma_start3A_893 = tpu.memref_squeeze %dma_start3A_892 : memref<1x1x128xi32, #tpu.memory_space<vmem>> -> memref<128xi32, #tpu.memory_space<vmem>>
        %dma_start3A_894 = arith.constant 0 : i32
        %dma_start3A_895 = arith.constant 0 : i32
        %dma_start3A_896 = tpu.memref_slice %arg10[%dma_start3A_894, %dma_start3A_895] : memref<10112x128xf32, #tpu.memory_space<vmem_shared>> -> memref<10112x128xf32, #tpu.memory_space<vmem_shared>>
        %dma_start3A_897 = tpu.memref_slice %arg12[%dma_start3A_886] : memref<2x!tpu.dma_semaphore, #tpu.memory_space<semaphore_mem>> -> memref<1x!tpu.dma_semaphore, #tpu.memory_space<semaphore_mem>>
        %dma_start3A_898 = tpu.memref_squeeze %dma_start3A_897 : memref<1x!tpu.dma_semaphore, #tpu.memory_space<semaphore_mem>> -> memref<!tpu.dma_semaphore, #tpu.memory_space<semaphore_mem>>
        tpu.enqueue_indirect_dma source(%dma_start3A_890 : memref<128x128xf32, #tpu.memory_space<vmem>>) target(%dma_start3A_896 : memref<10112x128xf32, #tpu.memory_space<vmem_shared>>) offsets(%dma_start3A_893 : memref<128xi32, #tpu.memory_space<vmem>>) semaphore(%dma_start3A_898 : memref<!tpu.dma_semaphore, #tpu.memory_space<semaphore_mem>>) {add = true}
        %dma_wait3A_899 = arith.constant 1 : i32
        %dma_wait3A_900 = arith.constant 1 : i32
        %dma_wait3A_901 = arith.constant 0 : i32
        %dma_wait3A_902 = arith.constant 0 : i32
        %dma_wait3A_903 = tpu.memref_slice %arg9[%dma_wait3A_899, %dma_wait3A_901, %dma_wait3A_902] : memref<2x128x128xf32, #tpu.memory_space<vmem>> -> memref<1x128x128xf32, #tpu.memory_space<vmem>>
        %dma_wait3A_904 = tpu.memref_squeeze %dma_wait3A_903 : memref<1x128x128xf32, #tpu.memory_space<vmem>> -> memref<128x128xf32, #tpu.memory_space<vmem>>
        %dma_wait3A_905 = arith.constant 0 : i32
        %dma_wait3A_906 = arith.constant 0 : i32
        %dma_wait3A_907 = tpu.memref_slice %arg4[%dma_wait3A_905, %dma_wait3A_906] : memref<10000x128xf32, #tpu.memory_space<hbm>> -> memref<128x128xf32, #tpu.memory_space<hbm>>
        %dma_wait3A_908 = tpu.memref_slice %arg11[%dma_wait3A_900] : memref<2x!tpu.dma_semaphore, #tpu.memory_space<semaphore_mem>> -> memref<1x!tpu.dma_semaphore, #tpu.memory_space<semaphore_mem>>
        %dma_wait3A_909 = tpu.memref_squeeze %dma_wait3A_908 : memref<1x!tpu.dma_semaphore, #tpu.memory_space<semaphore_mem>> -> memref<!tpu.dma_semaphore, #tpu.memory_space<semaphore_mem>>
        %dma_wait3A_910 = arith.constant 0 : i32
        %dma_wait3A_911 = arith.constant 0 : i32
        %dma_wait3A_912 = tpu.memref_slice %arg9[%dma_wait3A_899, %dma_wait3A_910, %dma_wait3A_911] : memref<2x128x128xf32, #tpu.memory_space<vmem>> -> memref<1x128x128xf32, #tpu.memory_space<vmem>>
        %dma_wait3A_913 = tpu.memref_squeeze %dma_wait3A_912 : memref<1x128x128xf32, #tpu.memory_space<vmem>> -> memref<128x128xf32, #tpu.memory_space<vmem>>
        %dma_wait3A_914 = arith.constant 0 : i32
        %dma_wait3A_915 = arith.constant 0 : i32
        %dma_wait3A_916 = tpu.memref_slice %arg4[%dma_wait3A_914, %dma_wait3A_915] : memref<10000x128xf32, #tpu.memory_space<hbm>> -> memref<128x128xf32, #tpu.memory_space<hbm>>
        tpu.wait_dma2 semaphore(%dma_wait3A_909 : memref<!tpu.dma_semaphore, #tpu.memory_space<semaphore_mem>>) src(%dma_wait3A_916 : memref<128x128xf32, #tpu.memory_space<hbm>>) dst(%dma_wait3A_913 : memref<128x128xf32, #tpu.memory_space<vmem>>)
        %dma_start3A_917 = arith.constant 1 : i32
        %dma_start3A_918 = arith.constant 5 : i32
        %dma_start3A_919 = arith.constant 1 : i32
        %dma_start3A_920 = arith.constant 0 : i32
        %dma_start3A_921 = arith.constant 0 : i32
        %dma_start3A_922 = tpu.memref_slice %arg9[%dma_start3A_917, %dma_start3A_920, %dma_start3A_921] : memref<2x128x128xf32, #tpu.memory_space<vmem>> -> memref<1x128x128xf32, #tpu.memory_space<vmem>>
        %dma_start3A_923 = tpu.memref_squeeze %dma_start3A_922 : memref<1x128x128xf32, #tpu.memory_space<vmem>> -> memref<128x128xf32, #tpu.memory_space<vmem>>
        %dma_start3A_924 = arith.constant 0 : i32
        %dma_start3A_925 = tpu.memref_slice %arg8[%rem3A_79, %dma_start3A_918, %dma_start3A_924] : memref<2x8x128xi32, #tpu.memory_space<vmem>> -> memref<1x1x128xi32, #tpu.memory_space<vmem>>
        %dma_start3A_926 = tpu.memref_squeeze %dma_start3A_925 : memref<1x1x128xi32, #tpu.memory_space<vmem>> -> memref<128xi32, #tpu.memory_space<vmem>>
        %dma_start3A_927 = arith.constant 0 : i32
        %dma_start3A_928 = arith.constant 0 : i32
        %dma_start3A_929 = tpu.memref_slice %arg10[%dma_start3A_927, %dma_start3A_928] : memref<10112x128xf32, #tpu.memory_space<vmem_shared>> -> memref<10112x128xf32, #tpu.memory_space<vmem_shared>>
        %dma_start3A_930 = tpu.memref_slice %arg12[%dma_start3A_919] : memref<2x!tpu.dma_semaphore, #tpu.memory_space<semaphore_mem>> -> memref<1x!tpu.dma_semaphore, #tpu.memory_space<semaphore_mem>>
        %dma_start3A_931 = tpu.memref_squeeze %dma_start3A_930 : memref<1x!tpu.dma_semaphore, #tpu.memory_space<semaphore_mem>> -> memref<!tpu.dma_semaphore, #tpu.memory_space<semaphore_mem>>
        tpu.enqueue_indirect_dma source(%dma_start3A_923 : memref<128x128xf32, #tpu.memory_space<vmem>>) target(%dma_start3A_929 : memref<10112x128xf32, #tpu.memory_space<vmem_shared>>) offsets(%dma_start3A_926 : memref<128xi32, #tpu.memory_space<vmem>>) semaphore(%dma_start3A_931 : memref<!tpu.dma_semaphore, #tpu.memory_space<semaphore_mem>>) {add = true}
        %dma_wait3A_932 = arith.constant 0 : i32
        %dma_wait3A_933 = arith.constant 0 : i32
        %dma_wait3A_934 = arith.constant 0 : i32
        %dma_wait3A_935 = arith.constant 0 : i32
        %dma_wait3A_936 = tpu.memref_slice %arg9[%dma_wait3A_932, %dma_wait3A_934, %dma_wait3A_935] : memref<2x128x128xf32, #tpu.memory_space<vmem>> -> memref<1x128x128xf32, #tpu.memory_space<vmem>>
        %dma_wait3A_937 = tpu.memref_squeeze %dma_wait3A_936 : memref<1x128x128xf32, #tpu.memory_space<vmem>> -> memref<128x128xf32, #tpu.memory_space<vmem>>
        %dma_wait3A_938 = arith.constant 0 : i32
        %dma_wait3A_939 = arith.constant 0 : i32
        %dma_wait3A_940 = tpu.memref_slice %arg4[%dma_wait3A_938, %dma_wait3A_939] : memref<10000x128xf32, #tpu.memory_space<hbm>> -> memref<128x128xf32, #tpu.memory_space<hbm>>
        %dma_wait3A_941 = tpu.memref_slice %arg12[%dma_wait3A_933] : memref<2x!tpu.dma_semaphore, #tpu.memory_space<semaphore_mem>> -> memref<1x!tpu.dma_semaphore, #tpu.memory_space<semaphore_mem>>
        %dma_wait3A_942 = tpu.memref_squeeze %dma_wait3A_941 : memref<1x!tpu.dma_semaphore, #tpu.memory_space<semaphore_mem>> -> memref<!tpu.dma_semaphore, #tpu.memory_space<semaphore_mem>>
        %dma_wait3A_943 = arith.constant 0 : i32
        %dma_wait3A_944 = arith.constant 0 : i32
        %dma_wait3A_945 = tpu.memref_slice %arg9[%dma_wait3A_932, %dma_wait3A_943, %dma_wait3A_944] : memref<2x128x128xf32, #tpu.memory_space<vmem>> -> memref<1x128x128xf32, #tpu.memory_space<vmem>>
        %dma_wait3A_946 = tpu.memref_squeeze %dma_wait3A_945 : memref<1x128x128xf32, #tpu.memory_space<vmem>> -> memref<128x128xf32, #tpu.memory_space<vmem>>
        %dma_wait3A_947 = arith.constant 0 : i32
        %dma_wait3A_948 = arith.constant 0 : i32
        %dma_wait3A_949 = tpu.memref_slice %arg4[%dma_wait3A_947, %dma_wait3A_948] : memref<10000x128xf32, #tpu.memory_space<hbm>> -> memref<128x128xf32, #tpu.memory_space<hbm>>
        tpu.wait_dma2 semaphore(%dma_wait3A_942 : memref<!tpu.dma_semaphore, #tpu.memory_space<semaphore_mem>>) src(%dma_wait3A_949 : memref<128x128xf32, #tpu.memory_space<hbm>>) dst(%dma_wait3A_946 : memref<128x128xf32, #tpu.memory_space<vmem>>)
        %dma_start3A_950 = arith.constant 6 : i32
        %dma_start3A_951 = arith.constant 0 : i32
        %dma_start3A_952 = arith.constant 0 : i32
        %dma_start3A_953 = arith.constant 0 : i32
        %dma_start3A_954 = arith.constant 0 : i32
        %dma_start3A_955 = tpu.memref_slice %arg9[%dma_start3A_951, %dma_start3A_953, %dma_start3A_954] : memref<2x128x128xf32, #tpu.memory_space<vmem>> -> memref<1x128x128xf32, #tpu.memory_space<vmem>>
        %dma_start3A_956 = tpu.memref_squeeze %dma_start3A_955 : memref<1x128x128xf32, #tpu.memory_space<vmem>> -> memref<128x128xf32, #tpu.memory_space<vmem>>
        %dma_start3A_957 = arith.constant 0 : i32
        %dma_start3A_958 = tpu.memref_slice %arg7[%rem3A_79, %dma_start3A_950, %dma_start3A_957] : memref<2x8x128xi32, #tpu.memory_space<vmem>> -> memref<1x1x128xi32, #tpu.memory_space<vmem>>
        %dma_start3A_959 = tpu.memref_squeeze %dma_start3A_958 : memref<1x1x128xi32, #tpu.memory_space<vmem>> -> memref<128xi32, #tpu.memory_space<vmem>>
        %dma_start3A_960 = arith.constant 0 : i32
        %dma_start3A_961 = arith.constant 0 : i32
        %dma_start3A_962 = tpu.memref_slice %arg4[%dma_start3A_960, %dma_start3A_961] : memref<10000x128xf32, #tpu.memory_space<hbm>> -> memref<10000x128xf32, #tpu.memory_space<hbm>>
        %dma_start3A_963 = tpu.memref_slice %arg11[%dma_start3A_952] : memref<2x!tpu.dma_semaphore, #tpu.memory_space<semaphore_mem>> -> memref<1x!tpu.dma_semaphore, #tpu.memory_space<semaphore_mem>>
        %dma_start3A_964 = tpu.memref_squeeze %dma_start3A_963 : memref<1x!tpu.dma_semaphore, #tpu.memory_space<semaphore_mem>> -> memref<!tpu.dma_semaphore, #tpu.memory_space<semaphore_mem>>
        tpu.enqueue_indirect_dma source(%dma_start3A_962 : memref<10000x128xf32, #tpu.memory_space<hbm>>) target(%dma_start3A_956 : memref<128x128xf32, #tpu.memory_space<vmem>>) offsets(%dma_start3A_959 : memref<128xi32, #tpu.memory_space<vmem>>) semaphore(%dma_start3A_964 : memref<!tpu.dma_semaphore, #tpu.memory_space<semaphore_mem>>)
        %dma_wait3A_965 = arith.constant 1 : i32
        %dma_wait3A_966 = arith.constant 1 : i32
        %dma_wait3A_967 = arith.constant 0 : i32
        %dma_wait3A_968 = arith.constant 0 : i32
        %dma_wait3A_969 = tpu.memref_slice %arg9[%dma_wait3A_965, %dma_wait3A_967, %dma_wait3A_968] : memref<2x128x128xf32, #tpu.memory_space<vmem>> -> memref<1x128x128xf32, #tpu.memory_space<vmem>>
        %dma_wait3A_970 = tpu.memref_squeeze %dma_wait3A_969 : memref<1x128x128xf32, #tpu.memory_space<vmem>> -> memref<128x128xf32, #tpu.memory_space<vmem>>
        %dma_wait3A_971 = arith.constant 0 : i32
        %dma_wait3A_972 = arith.constant 0 : i32
        %dma_wait3A_973 = tpu.memref_slice %arg4[%dma_wait3A_971, %dma_wait3A_972] : memref<10000x128xf32, #tpu.memory_space<hbm>> -> memref<128x128xf32, #tpu.memory_space<hbm>>
        %dma_wait3A_974 = tpu.memref_slice %arg12[%dma_wait3A_966] : memref<2x!tpu.dma_semaphore, #tpu.memory_space<semaphore_mem>> -> memref<1x!tpu.dma_semaphore, #tpu.memory_space<semaphore_mem>>
        %dma_wait3A_975 = tpu.memref_squeeze %dma_wait3A_974 : memref<1x!tpu.dma_semaphore, #tpu.memory_space<semaphore_mem>> -> memref<!tpu.dma_semaphore, #tpu.memory_space<semaphore_mem>>
        %dma_wait3A_976 = arith.constant 0 : i32
        %dma_wait3A_977 = arith.constant 0 : i32
        %dma_wait3A_978 = tpu.memref_slice %arg9[%dma_wait3A_965, %dma_wait3A_976, %dma_wait3A_977] : memref<2x128x128xf32, #tpu.memory_space<vmem>> -> memref<1x128x128xf32, #tpu.memory_space<vmem>>
        %dma_wait3A_979 = tpu.memref_squeeze %dma_wait3A_978 : memref<1x128x128xf32, #tpu.memory_space<vmem>> -> memref<128x128xf32, #tpu.memory_space<vmem>>
        %dma_wait3A_980 = arith.constant 0 : i32
        %dma_wait3A_981 = arith.constant 0 : i32
        %dma_wait3A_982 = tpu.memref_slice %arg4[%dma_wait3A_980, %dma_wait3A_981] : memref<10000x128xf32, #tpu.memory_space<hbm>> -> memref<128x128xf32, #tpu.memory_space<hbm>>
        tpu.wait_dma2 semaphore(%dma_wait3A_975 : memref<!tpu.dma_semaphore, #tpu.memory_space<semaphore_mem>>) src(%dma_wait3A_982 : memref<128x128xf32, #tpu.memory_space<hbm>>) dst(%dma_wait3A_979 : memref<128x128xf32, #tpu.memory_space<vmem>>)
        %dma_start3A_983 = arith.constant 7 : i32
        %dma_start3A_984 = arith.constant 1 : i32
        %dma_start3A_985 = arith.constant 1 : i32
        %dma_start3A_986 = arith.constant 0 : i32
        %dma_start3A_987 = arith.constant 0 : i32
        %dma_start3A_988 = tpu.memref_slice %arg9[%dma_start3A_984, %dma_start3A_986, %dma_start3A_987] : memref<2x128x128xf32, #tpu.memory_space<vmem>> -> memref<1x128x128xf32, #tpu.memory_space<vmem>>
        %dma_start3A_989 = tpu.memref_squeeze %dma_start3A_988 : memref<1x128x128xf32, #tpu.memory_space<vmem>> -> memref<128x128xf32, #tpu.memory_space<vmem>>
        %dma_start3A_990 = arith.constant 0 : i32
        %dma_start3A_991 = tpu.memref_slice %arg7[%rem3A_79, %dma_start3A_983, %dma_start3A_990] : memref<2x8x128xi32, #tpu.memory_space<vmem>> -> memref<1x1x128xi32, #tpu.memory_space<vmem>>
        %dma_start3A_992 = tpu.memref_squeeze %dma_start3A_991 : memref<1x1x128xi32, #tpu.memory_space<vmem>> -> memref<128xi32, #tpu.memory_space<vmem>>
        %dma_start3A_993 = arith.constant 0 : i32
        %dma_start3A_994 = arith.constant 0 : i32
        %dma_start3A_995 = tpu.memref_slice %arg4[%dma_start3A_993, %dma_start3A_994] : memref<10000x128xf32, #tpu.memory_space<hbm>> -> memref<10000x128xf32, #tpu.memory_space<hbm>>
        %dma_start3A_996 = tpu.memref_slice %arg11[%dma_start3A_985] : memref<2x!tpu.dma_semaphore, #tpu.memory_space<semaphore_mem>> -> memref<1x!tpu.dma_semaphore, #tpu.memory_space<semaphore_mem>>
        %dma_start3A_997 = tpu.memref_squeeze %dma_start3A_996 : memref<1x!tpu.dma_semaphore, #tpu.memory_space<semaphore_mem>> -> memref<!tpu.dma_semaphore, #tpu.memory_space<semaphore_mem>>
        tpu.enqueue_indirect_dma source(%dma_start3A_995 : memref<10000x128xf32, #tpu.memory_space<hbm>>) target(%dma_start3A_989 : memref<128x128xf32, #tpu.memory_space<vmem>>) offsets(%dma_start3A_992 : memref<128xi32, #tpu.memory_space<vmem>>) semaphore(%dma_start3A_997 : memref<!tpu.dma_semaphore, #tpu.memory_space<semaphore_mem>>)
        %dma_wait3A_998 = arith.constant 0 : i32
        %dma_wait3A_999 = arith.constant 0 : i32
        %dma_wait3A_1000 = arith.constant 0 : i32
        %dma_wait3A_1001 = arith.constant 0 : i32
        %dma_wait3A_1002 = tpu.memref_slice %arg9[%dma_wait3A_998, %dma_wait3A_1000, %dma_wait3A_1001] : memref<2x128x128xf32, #tpu.memory_space<vmem>> -> memref<1x128x128xf32, #tpu.memory_space<vmem>>
        %dma_wait3A_1003 = tpu.memref_squeeze %dma_wait3A_1002 : memref<1x128x128xf32, #tpu.memory_space<vmem>> -> memref<128x128xf32, #tpu.memory_space<vmem>>
        %dma_wait3A_1004 = arith.constant 0 : i32
        %dma_wait3A_1005 = arith.constant 0 : i32
        %dma_wait3A_1006 = tpu.memref_slice %arg4[%dma_wait3A_1004, %dma_wait3A_1005] : memref<10000x128xf32, #tpu.memory_space<hbm>> -> memref<128x128xf32, #tpu.memory_space<hbm>>
        %dma_wait3A_1007 = tpu.memref_slice %arg11[%dma_wait3A_999] : memref<2x!tpu.dma_semaphore, #tpu.memory_space<semaphore_mem>> -> memref<1x!tpu.dma_semaphore, #tpu.memory_space<semaphore_mem>>
        %dma_wait3A_1008 = tpu.memref_squeeze %dma_wait3A_1007 : memref<1x!tpu.dma_semaphore, #tpu.memory_space<semaphore_mem>> -> memref<!tpu.dma_semaphore, #tpu.memory_space<semaphore_mem>>
        %dma_wait3A_1009 = arith.constant 0 : i32
        %dma_wait3A_1010 = arith.constant 0 : i32
        %dma_wait3A_1011 = tpu.memref_slice %arg9[%dma_wait3A_998, %dma_wait3A_1009, %dma_wait3A_1010] : memref<2x128x128xf32, #tpu.memory_space<vmem>> -> memref<1x128x128xf32, #tpu.memory_space<vmem>>
        %dma_wait3A_1012 = tpu.memref_squeeze %dma_wait3A_1011 : memref<1x128x128xf32, #tpu.memory_space<vmem>> -> memref<128x128xf32, #tpu.memory_space<vmem>>
        %dma_wait3A_1013 = arith.constant 0 : i32
        %dma_wait3A_1014 = arith.constant 0 : i32
        %dma_wait3A_1015 = tpu.memref_slice %arg4[%dma_wait3A_1013, %dma_wait3A_1014] : memref<10000x128xf32, #tpu.memory_space<hbm>> -> memref<128x128xf32, #tpu.memory_space<hbm>>
        tpu.wait_dma2 semaphore(%dma_wait3A_1008 : memref<!tpu.dma_semaphore, #tpu.memory_space<semaphore_mem>>) src(%dma_wait3A_1015 : memref<128x128xf32, #tpu.memory_space<hbm>>) dst(%dma_wait3A_1012 : memref<128x128xf32, #tpu.memory_space<vmem>>)
        %dma_start3A_1016 = arith.constant 0 : i32
        %dma_start3A_1017 = arith.constant 6 : i32
        %dma_start3A_1018 = arith.constant 0 : i32
        %dma_start3A_1019 = arith.constant 0 : i32
        %dma_start3A_1020 = arith.constant 0 : i32
        %dma_start3A_1021 = tpu.memref_slice %arg9[%dma_start3A_1016, %dma_start3A_1019, %dma_start3A_1020] : memref<2x128x128xf32, #tpu.memory_space<vmem>> -> memref<1x128x128xf32, #tpu.memory_space<vmem>>
        %dma_start3A_1022 = tpu.memref_squeeze %dma_start3A_1021 : memref<1x128x128xf32, #tpu.memory_space<vmem>> -> memref<128x128xf32, #tpu.memory_space<vmem>>
        %dma_start3A_1023 = arith.constant 0 : i32
        %dma_start3A_1024 = tpu.memref_slice %arg8[%rem3A_79, %dma_start3A_1017, %dma_start3A_1023] : memref<2x8x128xi32, #tpu.memory_space<vmem>> -> memref<1x1x128xi32, #tpu.memory_space<vmem>>
        %dma_start3A_1025 = tpu.memref_squeeze %dma_start3A_1024 : memref<1x1x128xi32, #tpu.memory_space<vmem>> -> memref<128xi32, #tpu.memory_space<vmem>>
        %dma_start3A_1026 = arith.constant 0 : i32
        %dma_start3A_1027 = arith.constant 0 : i32
        %dma_start3A_1028 = tpu.memref_slice %arg10[%dma_start3A_1026, %dma_start3A_1027] : memref<10112x128xf32, #tpu.memory_space<vmem_shared>> -> memref<10112x128xf32, #tpu.memory_space<vmem_shared>>
        %dma_start3A_1029 = tpu.memref_slice %arg12[%dma_start3A_1018] : memref<2x!tpu.dma_semaphore, #tpu.memory_space<semaphore_mem>> -> memref<1x!tpu.dma_semaphore, #tpu.memory_space<semaphore_mem>>
        %dma_start3A_1030 = tpu.memref_squeeze %dma_start3A_1029 : memref<1x!tpu.dma_semaphore, #tpu.memory_space<semaphore_mem>> -> memref<!tpu.dma_semaphore, #tpu.memory_space<semaphore_mem>>
        tpu.enqueue_indirect_dma source(%dma_start3A_1022 : memref<128x128xf32, #tpu.memory_space<vmem>>) target(%dma_start3A_1028 : memref<10112x128xf32, #tpu.memory_space<vmem_shared>>) offsets(%dma_start3A_1025 : memref<128xi32, #tpu.memory_space<vmem>>) semaphore(%dma_start3A_1030 : memref<!tpu.dma_semaphore, #tpu.memory_space<semaphore_mem>>) {add = true}
        %dma_wait3A_1031 = arith.constant 1 : i32
        %dma_wait3A_1032 = arith.constant 1 : i32
        %dma_wait3A_1033 = arith.constant 0 : i32
        %dma_wait3A_1034 = arith.constant 0 : i32
        %dma_wait3A_1035 = tpu.memref_slice %arg9[%dma_wait3A_1031, %dma_wait3A_1033, %dma_wait3A_1034] : memref<2x128x128xf32, #tpu.memory_space<vmem>> -> memref<1x128x128xf32, #tpu.memory_space<vmem>>
        %dma_wait3A_1036 = tpu.memref_squeeze %dma_wait3A_1035 : memref<1x128x128xf32, #tpu.memory_space<vmem>> -> memref<128x128xf32, #tpu.memory_space<vmem>>
        %dma_wait3A_1037 = arith.constant 0 : i32
        %dma_wait3A_1038 = arith.constant 0 : i32
        %dma_wait3A_1039 = tpu.memref_slice %arg4[%dma_wait3A_1037, %dma_wait3A_1038] : memref<10000x128xf32, #tpu.memory_space<hbm>> -> memref<128x128xf32, #tpu.memory_space<hbm>>
        %dma_wait3A_1040 = tpu.memref_slice %arg11[%dma_wait3A_1032] : memref<2x!tpu.dma_semaphore, #tpu.memory_space<semaphore_mem>> -> memref<1x!tpu.dma_semaphore, #tpu.memory_space<semaphore_mem>>
        %dma_wait3A_1041 = tpu.memref_squeeze %dma_wait3A_1040 : memref<1x!tpu.dma_semaphore, #tpu.memory_space<semaphore_mem>> -> memref<!tpu.dma_semaphore, #tpu.memory_space<semaphore_mem>>
        %dma_wait3A_1042 = arith.constant 0 : i32
        %dma_wait3A_1043 = arith.constant 0 : i32
        %dma_wait3A_1044 = tpu.memref_slice %arg9[%dma_wait3A_1031, %dma_wait3A_1042, %dma_wait3A_1043] : memref<2x128x128xf32, #tpu.memory_space<vmem>> -> memref<1x128x128xf32, #tpu.memory_space<vmem>>
        %dma_wait3A_1045 = tpu.memref_squeeze %dma_wait3A_1044 : memref<1x128x128xf32, #tpu.memory_space<vmem>> -> memref<128x128xf32, #tpu.memory_space<vmem>>
        %dma_wait3A_1046 = arith.constant 0 : i32
        %dma_wait3A_1047 = arith.constant 0 : i32
        %dma_wait3A_1048 = tpu.memref_slice %arg4[%dma_wait3A_1046, %dma_wait3A_1047] : memref<10000x128xf32, #tpu.memory_space<hbm>> -> memref<128x128xf32, #tpu.memory_space<hbm>>
        tpu.wait_dma2 semaphore(%dma_wait3A_1041 : memref<!tpu.dma_semaphore, #tpu.memory_space<semaphore_mem>>) src(%dma_wait3A_1048 : memref<128x128xf32, #tpu.memory_space<hbm>>) dst(%dma_wait3A_1045 : memref<128x128xf32, #tpu.memory_space<vmem>>)
        %dma_start3A_1049 = arith.constant 1 : i32
        %dma_start3A_1050 = arith.constant 7 : i32
        %dma_start3A_1051 = arith.constant 1 : i32
        %dma_start3A_1052 = arith.constant 0 : i32
        %dma_start3A_1053 = arith.constant 0 : i32
        %dma_start3A_1054 = tpu.memref_slice %arg9[%dma_start3A_1049, %dma_start3A_1052, %dma_start3A_1053] : memref<2x128x128xf32, #tpu.memory_space<vmem>> -> memref<1x128x128xf32, #tpu.memory_space<vmem>>
        %dma_start3A_1055 = tpu.memref_squeeze %dma_start3A_1054 : memref<1x128x128xf32, #tpu.memory_space<vmem>> -> memref<128x128xf32, #tpu.memory_space<vmem>>
        %dma_start3A_1056 = arith.constant 0 : i32
        %dma_start3A_1057 = tpu.memref_slice %arg8[%rem3A_79, %dma_start3A_1050, %dma_start3A_1056] : memref<2x8x128xi32, #tpu.memory_space<vmem>> -> memref<1x1x128xi32, #tpu.memory_space<vmem>>
        %dma_start3A_1058 = tpu.memref_squeeze %dma_start3A_1057 : memref<1x1x128xi32, #tpu.memory_space<vmem>> -> memref<128xi32, #tpu.memory_space<vmem>>
        %dma_start3A_1059 = arith.constant 0 : i32
        %dma_start3A_1060 = arith.constant 0 : i32
        %dma_start3A_1061 = tpu.memref_slice %arg10[%dma_start3A_1059, %dma_start3A_1060] : memref<10112x128xf32, #tpu.memory_space<vmem_shared>> -> memref<10112x128xf32, #tpu.memory_space<vmem_shared>>
        %dma_start3A_1062 = tpu.memref_slice %arg12[%dma_start3A_1051] : memref<2x!tpu.dma_semaphore, #tpu.memory_space<semaphore_mem>> -> memref<1x!tpu.dma_semaphore, #tpu.memory_space<semaphore_mem>>
        %dma_start3A_1063 = tpu.memref_squeeze %dma_start3A_1062 : memref<1x!tpu.dma_semaphore, #tpu.memory_space<semaphore_mem>> -> memref<!tpu.dma_semaphore, #tpu.memory_space<semaphore_mem>>
        tpu.enqueue_indirect_dma source(%dma_start3A_1055 : memref<128x128xf32, #tpu.memory_space<vmem>>) target(%dma_start3A_1061 : memref<10112x128xf32, #tpu.memory_space<vmem_shared>>) offsets(%dma_start3A_1058 : memref<128xi32, #tpu.memory_space<vmem>>) semaphore(%dma_start3A_1063 : memref<!tpu.dma_semaphore, #tpu.memory_space<semaphore_mem>>) {add = true}
        %dma_wait3A_1064 = arith.constant 0 : i32
        %dma_wait3A_1065 = arith.constant 0 : i32
        %dma_wait3A_1066 = arith.constant 0 : i32
        %dma_wait3A_1067 = tpu.memref_slice %arg7[%dma_wait3A_1064, %dma_wait3A_1065, %dma_wait3A_1066] : memref<2x8x128xi32, #tpu.memory_space<vmem>> -> memref<1x8x128xi32, #tpu.memory_space<vmem>>
        %dma_wait3A_1068 = tpu.memref_squeeze %dma_wait3A_1067 : memref<1x8x128xi32, #tpu.memory_space<vmem>> -> memref<8x128xi32, #tpu.memory_space<vmem>>
        %dma_wait3A_1069 = arith.constant 0 : i32
        %dma_wait3A_1070 = arith.constant 0 : i32
        %dma_wait3A_1071 = tpu.memref_slice %arg2[%dma_wait3A_1069, %dma_wait3A_1070] : memref<2560x128xi32, #tpu.memory_space<hbm>> -> memref<8x128xi32, #tpu.memory_space<hbm>>
        %dma_wait3A_1072 = arith.constant 0 : i32
        %dma_wait3A_1073 = arith.constant 0 : i32
        %dma_wait3A_1074 = tpu.memref_slice %arg7[%dma_wait3A_1064, %dma_wait3A_1072, %dma_wait3A_1073] : memref<2x8x128xi32, #tpu.memory_space<vmem>> -> memref<1x8x128xi32, #tpu.memory_space<vmem>>
        %dma_wait3A_1075 = tpu.memref_squeeze %dma_wait3A_1074 : memref<1x8x128xi32, #tpu.memory_space<vmem>> -> memref<8x128xi32, #tpu.memory_space<vmem>>
        %dma_wait3A_1076 = arith.constant 0 : i32
        %dma_wait3A_1077 = arith.constant 0 : i32
        %dma_wait3A_1078 = tpu.memref_slice %arg2[%dma_wait3A_1076, %dma_wait3A_1077] : memref<2560x128xi32, #tpu.memory_space<hbm>> -> memref<8x128xi32, #tpu.memory_space<hbm>>
        tpu.wait_dma2 semaphore(%arg13 : memref<!tpu.dma_semaphore, #tpu.memory_space<semaphore_mem>>) src(%dma_wait3A_1078 : memref<8x128xi32, #tpu.memory_space<hbm>>) dst(%dma_wait3A_1075 : memref<8x128xi32, #tpu.memory_space<vmem>>)
        %dma_wait3A_1079 = arith.constant 0 : i32
        %dma_wait3A_1080 = arith.constant 0 : i32
        %dma_wait3A_1081 = arith.constant 0 : i32
        %dma_wait3A_1082 = tpu.memref_slice %arg8[%dma_wait3A_1079, %dma_wait3A_1080, %dma_wait3A_1081] : memref<2x8x128xi32, #tpu.memory_space<vmem>> -> memref<1x8x128xi32, #tpu.memory_space<vmem>>
        %dma_wait3A_1083 = tpu.memref_squeeze %dma_wait3A_1082 : memref<1x8x128xi32, #tpu.memory_space<vmem>> -> memref<8x128xi32, #tpu.memory_space<vmem>>
        %dma_wait3A_1084 = arith.constant 0 : i32
        %dma_wait3A_1085 = arith.constant 0 : i32
        %dma_wait3A_1086 = tpu.memref_slice %arg2[%dma_wait3A_1084, %dma_wait3A_1085] : memref<2560x128xi32, #tpu.memory_space<hbm>> -> memref<8x128xi32, #tpu.memory_space<hbm>>
        %dma_wait3A_1087 = arith.constant 0 : i32
        %dma_wait3A_1088 = arith.constant 0 : i32
        %dma_wait3A_1089 = tpu.memref_slice %arg8[%dma_wait3A_1079, %dma_wait3A_1087, %dma_wait3A_1088] : memref<2x8x128xi32, #tpu.memory_space<vmem>> -> memref<1x8x128xi32, #tpu.memory_space<vmem>>
        %dma_wait3A_1090 = tpu.memref_squeeze %dma_wait3A_1089 : memref<1x8x128xi32, #tpu.memory_space<vmem>> -> memref<8x128xi32, #tpu.memory_space<vmem>>
        %dma_wait3A_1091 = arith.constant 0 : i32
        %dma_wait3A_1092 = arith.constant 0 : i32
        %dma_wait3A_1093 = tpu.memref_slice %arg2[%dma_wait3A_1091, %dma_wait3A_1092] : memref<2560x128xi32, #tpu.memory_space<hbm>> -> memref<8x128xi32, #tpu.memory_space<hbm>>
        tpu.wait_dma2 semaphore(%arg13 : memref<!tpu.dma_semaphore, #tpu.memory_space<semaphore_mem>>) src(%dma_wait3A_1093 : memref<8x128xi32, #tpu.memory_space<hbm>>) dst(%dma_wait3A_1090 : memref<8x128xi32, #tpu.memory_space<vmem>>)
        %dma_wait3A_1094 = arith.constant 0 : i32
        %dma_wait3A_1095 = arith.constant 0 : i32
        %dma_wait3A_1096 = arith.constant 0 : i32
        %dma_wait3A_1097 = arith.constant 0 : i32
        %dma_wait3A_1098 = tpu.memref_slice %arg9[%dma_wait3A_1094, %dma_wait3A_1096, %dma_wait3A_1097] : memref<2x128x128xf32, #tpu.memory_space<vmem>> -> memref<1x128x128xf32, #tpu.memory_space<vmem>>
        %dma_wait3A_1099 = tpu.memref_squeeze %dma_wait3A_1098 : memref<1x128x128xf32, #tpu.memory_space<vmem>> -> memref<128x128xf32, #tpu.memory_space<vmem>>
        %dma_wait3A_1100 = arith.constant 0 : i32
        %dma_wait3A_1101 = arith.constant 0 : i32
        %dma_wait3A_1102 = tpu.memref_slice %arg4[%dma_wait3A_1100, %dma_wait3A_1101] : memref<10000x128xf32, #tpu.memory_space<hbm>> -> memref<128x128xf32, #tpu.memory_space<hbm>>
        %dma_wait3A_1103 = tpu.memref_slice %arg12[%dma_wait3A_1095] : memref<2x!tpu.dma_semaphore, #tpu.memory_space<semaphore_mem>> -> memref<1x!tpu.dma_semaphore, #tpu.memory_space<semaphore_mem>>
        %dma_wait3A_1104 = tpu.memref_squeeze %dma_wait3A_1103 : memref<1x!tpu.dma_semaphore, #tpu.memory_space<semaphore_mem>> -> memref<!tpu.dma_semaphore, #tpu.memory_space<semaphore_mem>>
        %dma_wait3A_1105 = arith.constant 0 : i32
        %dma_wait3A_1106 = arith.constant 0 : i32
        %dma_wait3A_1107 = tpu.memref_slice %arg9[%dma_wait3A_1094, %dma_wait3A_1105, %dma_wait3A_1106] : memref<2x128x128xf32, #tpu.memory_space<vmem>> -> memref<1x128x128xf32, #tpu.memory_space<vmem>>
        %dma_wait3A_1108 = tpu.memref_squeeze %dma_wait3A_1107 : memref<1x128x128xf32, #tpu.memory_space<vmem>> -> memref<128x128xf32, #tpu.memory_space<vmem>>
        %dma_wait3A_1109 = arith.constant 0 : i32
        %dma_wait3A_1110 = arith.constant 0 : i32
        %dma_wait3A_1111 = tpu.memref_slice %arg4[%dma_wait3A_1109, %dma_wait3A_1110] : memref<10000x128xf32, #tpu.memory_space<hbm>> -> memref<128x128xf32, #tpu.memory_space<hbm>>
        tpu.wait_dma2 semaphore(%dma_wait3A_1104 : memref<!tpu.dma_semaphore, #tpu.memory_space<semaphore_mem>>) src(%dma_wait3A_1111 : memref<128x128xf32, #tpu.memory_space<hbm>>) dst(%dma_wait3A_1108 : memref<128x128xf32, #tpu.memory_space<vmem>>)
        %dma_start3A_1112 = arith.constant 0 : i32
        %dma_start3A_1113 = arith.constant 0 : i32
        %dma_start3A_1114 = arith.constant 0 : i32
        %dma_start3A_1115 = arith.constant 0 : i32
        %dma_start3A_1116 = arith.constant 0 : i32
        %dma_start3A_1117 = tpu.memref_slice %arg9[%dma_start3A_1113, %dma_start3A_1115, %dma_start3A_1116] : memref<2x128x128xf32, #tpu.memory_space<vmem>> -> memref<1x128x128xf32, #tpu.memory_space<vmem>>
        %dma_start3A_1118 = tpu.memref_squeeze %dma_start3A_1117 : memref<1x128x128xf32, #tpu.memory_space<vmem>> -> memref<128x128xf32, #tpu.memory_space<vmem>>
        %dma_start3A_1119 = arith.constant 0 : i32
        %dma_start3A_1120 = tpu.memref_slice %arg7[%sub3A_601, %dma_start3A_1112, %dma_start3A_1119] : memref<2x8x128xi32, #tpu.memory_space<vmem>> -> memref<1x1x128xi32, #tpu.memory_space<vmem>>
        %dma_start3A_1121 = tpu.memref_squeeze %dma_start3A_1120 : memref<1x1x128xi32, #tpu.memory_space<vmem>> -> memref<128xi32, #tpu.memory_space<vmem>>
        %dma_start3A_1122 = arith.constant 0 : i32
        %dma_start3A_1123 = arith.constant 0 : i32
        %dma_start3A_1124 = tpu.memref_slice %arg4[%dma_start3A_1122, %dma_start3A_1123] : memref<10000x128xf32, #tpu.memory_space<hbm>> -> memref<10000x128xf32, #tpu.memory_space<hbm>>
        %dma_start3A_1125 = tpu.memref_slice %arg11[%dma_start3A_1114] : memref<2x!tpu.dma_semaphore, #tpu.memory_space<semaphore_mem>> -> memref<1x!tpu.dma_semaphore, #tpu.memory_space<semaphore_mem>>
        %dma_start3A_1126 = tpu.memref_squeeze %dma_start3A_1125 : memref<1x!tpu.dma_semaphore, #tpu.memory_space<semaphore_mem>> -> memref<!tpu.dma_semaphore, #tpu.memory_space<semaphore_mem>>
        tpu.enqueue_indirect_dma source(%dma_start3A_1124 : memref<10000x128xf32, #tpu.memory_space<hbm>>) target(%dma_start3A_1118 : memref<128x128xf32, #tpu.memory_space<vmem>>) offsets(%dma_start3A_1121 : memref<128xi32, #tpu.memory_space<vmem>>) semaphore(%dma_start3A_1126 : memref<!tpu.dma_semaphore, #tpu.memory_space<semaphore_mem>>)
        %dma_wait3A_1127 = arith.constant 1 : i32
        %dma_wait3A_1128 = arith.constant 1 : i32
        %dma_wait3A_1129 = arith.constant 0 : i32
        %dma_wait3A_1130 = arith.constant 0 : i32
        %dma_wait3A_1131 = tpu.memref_slice %arg9[%dma_wait3A_1127, %dma_wait3A_1129, %dma_wait3A_1130] : memref<2x128x128xf32, #tpu.memory_space<vmem>> -> memref<1x128x128xf32, #tpu.memory_space<vmem>>
        %dma_wait3A_1132 = tpu.memref_squeeze %dma_wait3A_1131 : memref<1x128x128xf32, #tpu.memory_space<vmem>> -> memref<128x128xf32, #tpu.memory_space<vmem>>
        %dma_wait3A_1133 = arith.constant 0 : i32
        %dma_wait3A_1134 = arith.constant 0 : i32
        %dma_wait3A_1135 = tpu.memref_slice %arg4[%dma_wait3A_1133, %dma_wait3A_1134] : memref<10000x128xf32, #tpu.memory_space<hbm>> -> memref<128x128xf32, #tpu.memory_space<hbm>>
        %dma_wait3A_1136 = tpu.memref_slice %arg12[%dma_wait3A_1128] : memref<2x!tpu.dma_semaphore, #tpu.memory_space<semaphore_mem>> -> memref<1x!tpu.dma_semaphore, #tpu.memory_space<semaphore_mem>>
        %dma_wait3A_1137 = tpu.memref_squeeze %dma_wait3A_1136 : memref<1x!tpu.dma_semaphore, #tpu.memory_space<semaphore_mem>> -> memref<!tpu.dma_semaphore, #tpu.memory_space<semaphore_mem>>
        %dma_wait3A_1138 = arith.constant 0 : i32
        %dma_wait3A_1139 = arith.constant 0 : i32
        %dma_wait3A_1140 = tpu.memref_slice %arg9[%dma_wait3A_1127, %dma_wait3A_1138, %dma_wait3A_1139] : memref<2x128x128xf32, #tpu.memory_space<vmem>> -> memref<1x128x128xf32, #tpu.memory_space<vmem>>
        %dma_wait3A_1141 = tpu.memref_squeeze %dma_wait3A_1140 : memref<1x128x128xf32, #tpu.memory_space<vmem>> -> memref<128x128xf32, #tpu.memory_space<vmem>>
        %dma_wait3A_1142 = arith.constant 0 : i32
        %dma_wait3A_1143 = arith.constant 0 : i32
        %dma_wait3A_1144 = tpu.memref_slice %arg4[%dma_wait3A_1142, %dma_wait3A_1143] : memref<10000x128xf32, #tpu.memory_space<hbm>> -> memref<128x128xf32, #tpu.memory_space<hbm>>
        tpu.wait_dma2 semaphore(%dma_wait3A_1137 : memref<!tpu.dma_semaphore, #tpu.memory_space<semaphore_mem>>) src(%dma_wait3A_1144 : memref<128x128xf32, #tpu.memory_space<hbm>>) dst(%dma_wait3A_1141 : memref<128x128xf32, #tpu.memory_space<vmem>>)
        %dma_start3A_1145 = arith.constant 1 : i32
        %dma_start3A_1146 = arith.constant 1 : i32
        %dma_start3A_1147 = arith.constant 1 : i32
        %dma_start3A_1148 = arith.constant 0 : i32
        %dma_start3A_1149 = arith.constant 0 : i32
        %dma_start3A_1150 = tpu.memref_slice %arg9[%dma_start3A_1146, %dma_start3A_1148, %dma_start3A_1149] : memref<2x128x128xf32, #tpu.memory_space<vmem>> -> memref<1x128x128xf32, #tpu.memory_space<vmem>>
        %dma_start3A_1151 = tpu.memref_squeeze %dma_start3A_1150 : memref<1x128x128xf32, #tpu.memory_space<vmem>> -> memref<128x128xf32, #tpu.memory_space<vmem>>
        %dma_start3A_1152 = arith.constant 0 : i32
        %dma_start3A_1153 = tpu.memref_slice %arg7[%sub3A_601, %dma_start3A_1145, %dma_start3A_1152] : memref<2x8x128xi32, #tpu.memory_space<vmem>> -> memref<1x1x128xi32, #tpu.memory_space<vmem>>
        %dma_start3A_1154 = tpu.memref_squeeze %dma_start3A_1153 : memref<1x1x128xi32, #tpu.memory_space<vmem>> -> memref<128xi32, #tpu.memory_space<vmem>>
        %dma_start3A_1155 = arith.constant 0 : i32
        %dma_start3A_1156 = arith.constant 0 : i32
        %dma_start3A_1157 = tpu.memref_slice %arg4[%dma_start3A_1155, %dma_start3A_1156] : memref<10000x128xf32, #tpu.memory_space<hbm>> -> memref<10000x128xf32, #tpu.memory_space<hbm>>
        %dma_start3A_1158 = tpu.memref_slice %arg11[%dma_start3A_1147] : memref<2x!tpu.dma_semaphore, #tpu.memory_space<semaphore_mem>> -> memref<1x!tpu.dma_semaphore, #tpu.memory_space<semaphore_mem>>
        %dma_start3A_1159 = tpu.memref_squeeze %dma_start3A_1158 : memref<1x!tpu.dma_semaphore, #tpu.memory_space<semaphore_mem>> -> memref<!tpu.dma_semaphore, #tpu.memory_space<semaphore_mem>>
        tpu.enqueue_indirect_dma source(%dma_start3A_1157 : memref<10000x128xf32, #tpu.memory_space<hbm>>) target(%dma_start3A_1151 : memref<128x128xf32, #tpu.memory_space<vmem>>) offsets(%dma_start3A_1154 : memref<128xi32, #tpu.memory_space<vmem>>) semaphore(%dma_start3A_1159 : memref<!tpu.dma_semaphore, #tpu.memory_space<semaphore_mem>>)
      } else {
      }
      %scan3A_89 = arith.constant 1 : i32
      %dma_wait3A = arith.constant 0 : i32
      %dma_wait3A_90 = arith.constant 0 : i32
      %dma_wait3A_91 = arith.constant 0 : i32
      %dma_wait3A_92 = arith.constant 0 : i32
      %dma_wait3A_93 = tpu.memref_slice %arg9[%dma_wait3A, %dma_wait3A_91, %dma_wait3A_92] : memref<2x128x128xf32, #tpu.memory_space<vmem>> -> memref<1x128x128xf32, #tpu.memory_space<vmem>>
      %dma_wait3A_94 = tpu.memref_squeeze %dma_wait3A_93 : memref<1x128x128xf32, #tpu.memory_space<vmem>> -> memref<128x128xf32, #tpu.memory_space<vmem>>
      %dma_wait3A_95 = arith.constant 0 : i32
      %dma_wait3A_96 = arith.constant 0 : i32
      %dma_wait3A_97 = tpu.memref_slice %arg4[%dma_wait3A_95, %dma_wait3A_96] : memref<10000x128xf32, #tpu.memory_space<hbm>> -> memref<128x128xf32, #tpu.memory_space<hbm>>
      %dma_wait3A_98 = tpu.memref_slice %arg11[%dma_wait3A_90] : memref<2x!tpu.dma_semaphore, #tpu.memory_space<semaphore_mem>> -> memref<1x!tpu.dma_semaphore, #tpu.memory_space<semaphore_mem>>
      %dma_wait3A_99 = tpu.memref_squeeze %dma_wait3A_98 : memref<1x!tpu.dma_semaphore, #tpu.memory_space<semaphore_mem>> -> memref<!tpu.dma_semaphore, #tpu.memory_space<semaphore_mem>>
      %dma_wait3A_100 = arith.constant 0 : i32
      %dma_wait3A_101 = arith.constant 0 : i32
      %dma_wait3A_102 = tpu.memref_slice %arg9[%dma_wait3A, %dma_wait3A_100, %dma_wait3A_101] : memref<2x128x128xf32, #tpu.memory_space<vmem>> -> memref<1x128x128xf32, #tpu.memory_space<vmem>>
      %dma_wait3A_103 = tpu.memref_squeeze %dma_wait3A_102 : memref<1x128x128xf32, #tpu.memory_space<vmem>> -> memref<128x128xf32, #tpu.memory_space<vmem>>
      %dma_wait3A_104 = arith.constant 0 : i32
      %dma_wait3A_105 = arith.constant 0 : i32
      %dma_wait3A_106 = tpu.memref_slice %arg4[%dma_wait3A_104, %dma_wait3A_105] : memref<10000x128xf32, #tpu.memory_space<hbm>> -> memref<128x128xf32, #tpu.memory_space<hbm>>
      tpu.wait_dma2 semaphore(%dma_wait3A_99 : memref<!tpu.dma_semaphore, #tpu.memory_space<semaphore_mem>>) src(%dma_wait3A_106 : memref<128x128xf32, #tpu.memory_space<hbm>>) dst(%dma_wait3A_103 : memref<128x128xf32, #tpu.memory_space<vmem>>)
      %dma_start3A_107 = arith.constant 0 : i32
      %dma_start3A_108 = arith.constant 1 : i32
      %dma_start3A_109 = arith.constant 0 : i32
      %dma_start3A_110 = arith.constant 0 : i32
      %dma_start3A_111 = arith.constant 0 : i32
      %dma_start3A_112 = arith.constant 0 : i32
      %dma_start3A_113 = tpu.memref_slice %arg9[%dma_start3A_107, %dma_start3A_111, %dma_start3A_112] : memref<2x128x128xf32, #tpu.memory_space<vmem>> -> memref<1x128x128xf32, #tpu.memory_space<vmem>>
      %dma_start3A_114 = tpu.memref_squeeze %dma_start3A_113 : memref<1x128x128xf32, #tpu.memory_space<vmem>> -> memref<128x128xf32, #tpu.memory_space<vmem>>
      %dma_start3A_115 = arith.constant 0 : i32
      %dma_start3A_116 = tpu.memref_slice %arg8[%dma_start3A_108, %dma_start3A_109, %dma_start3A_115] : memref<2x8x128xi32, #tpu.memory_space<vmem>> -> memref<1x1x128xi32, #tpu.memory_space<vmem>>
      %dma_start3A_117 = tpu.memref_squeeze %dma_start3A_116 : memref<1x1x128xi32, #tpu.memory_space<vmem>> -> memref<128xi32, #tpu.memory_space<vmem>>
      %dma_start3A_118 = arith.constant 0 : i32
      %dma_start3A_119 = arith.constant 0 : i32
      %dma_start3A_120 = tpu.memref_slice %arg10[%dma_start3A_118, %dma_start3A_119] : memref<10112x128xf32, #tpu.memory_space<vmem_shared>> -> memref<10112x128xf32, #tpu.memory_space<vmem_shared>>
      %dma_start3A_121 = tpu.memref_slice %arg12[%dma_start3A_110] : memref<2x!tpu.dma_semaphore, #tpu.memory_space<semaphore_mem>> -> memref<1x!tpu.dma_semaphore, #tpu.memory_space<semaphore_mem>>
      %dma_start3A_122 = tpu.memref_squeeze %dma_start3A_121 : memref<1x!tpu.dma_semaphore, #tpu.memory_space<semaphore_mem>> -> memref<!tpu.dma_semaphore, #tpu.memory_space<semaphore_mem>>
      tpu.enqueue_indirect_dma source(%dma_start3A_114 : memref<128x128xf32, #tpu.memory_space<vmem>>) target(%dma_start3A_120 : memref<10112x128xf32, #tpu.memory_space<vmem_shared>>) offsets(%dma_start3A_117 : memref<128xi32, #tpu.memory_space<vmem>>) semaphore(%dma_start3A_122 : memref<!tpu.dma_semaphore, #tpu.memory_space<semaphore_mem>>) {add = true}
      %dma_wait3A_123 = arith.constant 1 : i32
      %dma_wait3A_124 = arith.constant 1 : i32
      %dma_wait3A_125 = arith.constant 0 : i32
      %dma_wait3A_126 = arith.constant 0 : i32
      %dma_wait3A_127 = tpu.memref_slice %arg9[%dma_wait3A_123, %dma_wait3A_125, %dma_wait3A_126] : memref<2x128x128xf32, #tpu.memory_space<vmem>> -> memref<1x128x128xf32, #tpu.memory_space<vmem>>
      %dma_wait3A_128 = tpu.memref_squeeze %dma_wait3A_127 : memref<1x128x128xf32, #tpu.memory_space<vmem>> -> memref<128x128xf32, #tpu.memory_space<vmem>>
      %dma_wait3A_129 = arith.constant 0 : i32
      %dma_wait3A_130 = arith.constant 0 : i32
      %dma_wait3A_131 = tpu.memref_slice %arg4[%dma_wait3A_129, %dma_wait3A_130] : memref<10000x128xf32, #tpu.memory_space<hbm>> -> memref<128x128xf32, #tpu.memory_space<hbm>>
      %dma_wait3A_132 = tpu.memref_slice %arg11[%dma_wait3A_124] : memref<2x!tpu.dma_semaphore, #tpu.memory_space<semaphore_mem>> -> memref<1x!tpu.dma_semaphore, #tpu.memory_space<semaphore_mem>>
      %dma_wait3A_133 = tpu.memref_squeeze %dma_wait3A_132 : memref<1x!tpu.dma_semaphore, #tpu.memory_space<semaphore_mem>> -> memref<!tpu.dma_semaphore, #tpu.memory_space<semaphore_mem>>
      %dma_wait3A_134 = arith.constant 0 : i32
      %dma_wait3A_135 = arith.constant 0 : i32
      %dma_wait3A_136 = tpu.memref_slice %arg9[%dma_wait3A_123, %dma_wait3A_134, %dma_wait3A_135] : memref<2x128x128xf32, #tpu.memory_space<vmem>> -> memref<1x128x128xf32, #tpu.memory_space<vmem>>
      %dma_wait3A_137 = tpu.memref_squeeze %dma_wait3A_136 : memref<1x128x128xf32, #tpu.memory_space<vmem>> -> memref<128x128xf32, #tpu.memory_space<vmem>>
      %dma_wait3A_138 = arith.constant 0 : i32
      %dma_wait3A_139 = arith.constant 0 : i32
      %dma_wait3A_140 = tpu.memref_slice %arg4[%dma_wait3A_138, %dma_wait3A_139] : memref<10000x128xf32, #tpu.memory_space<hbm>> -> memref<128x128xf32, #tpu.memory_space<hbm>>
      tpu.wait_dma2 semaphore(%dma_wait3A_133 : memref<!tpu.dma_semaphore, #tpu.memory_space<semaphore_mem>>) src(%dma_wait3A_140 : memref<128x128xf32, #tpu.memory_space<hbm>>) dst(%dma_wait3A_137 : memref<128x128xf32, #tpu.memory_space<vmem>>)
      %dma_start3A_141 = arith.constant 1 : i32
      %dma_start3A_142 = arith.constant 1 : i32
      %dma_start3A_143 = arith.constant 1 : i32
      %dma_start3A_144 = arith.constant 1 : i32
      %dma_start3A_145 = arith.constant 0 : i32
      %dma_start3A_146 = arith.constant 0 : i32
      %dma_start3A_147 = tpu.memref_slice %arg9[%dma_start3A_141, %dma_start3A_145, %dma_start3A_146] : memref<2x128x128xf32, #tpu.memory_space<vmem>> -> memref<1x128x128xf32, #tpu.memory_space<vmem>>
      %dma_start3A_148 = tpu.memref_squeeze %dma_start3A_147 : memref<1x128x128xf32, #tpu.memory_space<vmem>> -> memref<128x128xf32, #tpu.memory_space<vmem>>
      %dma_start3A_149 = arith.constant 0 : i32
      %dma_start3A_150 = tpu.memref_slice %arg8[%dma_start3A_142, %dma_start3A_143, %dma_start3A_149] : memref<2x8x128xi32, #tpu.memory_space<vmem>> -> memref<1x1x128xi32, #tpu.memory_space<vmem>>
      %dma_start3A_151 = tpu.memref_squeeze %dma_start3A_150 : memref<1x1x128xi32, #tpu.memory_space<vmem>> -> memref<128xi32, #tpu.memory_space<vmem>>
      %dma_start3A_152 = arith.constant 0 : i32
      %dma_start3A_153 = arith.constant 0 : i32
      %dma_start3A_154 = tpu.memref_slice %arg10[%dma_start3A_152, %dma_start3A_153] : memref<10112x128xf32, #tpu.memory_space<vmem_shared>> -> memref<10112x128xf32, #tpu.memory_space<vmem_shared>>
      %dma_start3A_155 = tpu.memref_slice %arg12[%dma_start3A_144] : memref<2x!tpu.dma_semaphore, #tpu.memory_space<semaphore_mem>> -> memref<1x!tpu.dma_semaphore, #tpu.memory_space<semaphore_mem>>
      %dma_start3A_156 = tpu.memref_squeeze %dma_start3A_155 : memref<1x!tpu.dma_semaphore, #tpu.memory_space<semaphore_mem>> -> memref<!tpu.dma_semaphore, #tpu.memory_space<semaphore_mem>>
      tpu.enqueue_indirect_dma source(%dma_start3A_148 : memref<128x128xf32, #tpu.memory_space<vmem>>) target(%dma_start3A_154 : memref<10112x128xf32, #tpu.memory_space<vmem_shared>>) offsets(%dma_start3A_151 : memref<128xi32, #tpu.memory_space<vmem>>) semaphore(%dma_start3A_156 : memref<!tpu.dma_semaphore, #tpu.memory_space<semaphore_mem>>) {add = true}
      %dma_wait3A_157 = arith.constant 0 : i32
      %dma_wait3A_158 = arith.constant 0 : i32
      %dma_wait3A_159 = arith.constant 0 : i32
      %dma_wait3A_160 = arith.constant 0 : i32
      %dma_wait3A_161 = tpu.memref_slice %arg9[%dma_wait3A_157, %dma_wait3A_159, %dma_wait3A_160] : memref<2x128x128xf32, #tpu.memory_space<vmem>> -> memref<1x128x128xf32, #tpu.memory_space<vmem>>
      %dma_wait3A_162 = tpu.memref_squeeze %dma_wait3A_161 : memref<1x128x128xf32, #tpu.memory_space<vmem>> -> memref<128x128xf32, #tpu.memory_space<vmem>>
      %dma_wait3A_163 = arith.constant 0 : i32
      %dma_wait3A_164 = arith.constant 0 : i32
      %dma_wait3A_165 = tpu.memref_slice %arg4[%dma_wait3A_163, %dma_wait3A_164] : memref<10000x128xf32, #tpu.memory_space<hbm>> -> memref<128x128xf32, #tpu.memory_space<hbm>>
      %dma_wait3A_166 = tpu.memref_slice %arg12[%dma_wait3A_158] : memref<2x!tpu.dma_semaphore, #tpu.memory_space<semaphore_mem>> -> memref<1x!tpu.dma_semaphore, #tpu.memory_space<semaphore_mem>>
      %dma_wait3A_167 = tpu.memref_squeeze %dma_wait3A_166 : memref<1x!tpu.dma_semaphore, #tpu.memory_space<semaphore_mem>> -> memref<!tpu.dma_semaphore, #tpu.memory_space<semaphore_mem>>
      %dma_wait3A_168 = arith.constant 0 : i32
      %dma_wait3A_169 = arith.constant 0 : i32
      %dma_wait3A_170 = tpu.memref_slice %arg9[%dma_wait3A_157, %dma_wait3A_168, %dma_wait3A_169] : memref<2x128x128xf32, #tpu.memory_space<vmem>> -> memref<1x128x128xf32, #tpu.memory_space<vmem>>
      %dma_wait3A_171 = tpu.memref_squeeze %dma_wait3A_170 : memref<1x128x128xf32, #tpu.memory_space<vmem>> -> memref<128x128xf32, #tpu.memory_space<vmem>>
      %dma_wait3A_172 = arith.constant 0 : i32
      %dma_wait3A_173 = arith.constant 0 : i32
      %dma_wait3A_174 = tpu.memref_slice %arg4[%dma_wait3A_172, %dma_wait3A_173] : memref<10000x128xf32, #tpu.memory_space<hbm>> -> memref<128x128xf32, #tpu.memory_space<hbm>>
      tpu.wait_dma2 semaphore(%dma_wait3A_167 : memref<!tpu.dma_semaphore, #tpu.memory_space<semaphore_mem>>) src(%dma_wait3A_174 : memref<128x128xf32, #tpu.memory_space<hbm>>) dst(%dma_wait3A_171 : memref<128x128xf32, #tpu.memory_space<vmem>>)
      %dma_start3A_175 = arith.constant 1 : i32
      %dma_start3A_176 = arith.constant 2 : i32
      %dma_start3A_177 = arith.constant 0 : i32
      %dma_start3A_178 = arith.constant 0 : i32
      %dma_start3A_179 = arith.constant 0 : i32
      %dma_start3A_180 = arith.constant 0 : i32
      %dma_start3A_181 = tpu.memref_slice %arg9[%dma_start3A_177, %dma_start3A_179, %dma_start3A_180] : memref<2x128x128xf32, #tpu.memory_space<vmem>> -> memref<1x128x128xf32, #tpu.memory_space<vmem>>
      %dma_start3A_182 = tpu.memref_squeeze %dma_start3A_181 : memref<1x128x128xf32, #tpu.memory_space<vmem>> -> memref<128x128xf32, #tpu.memory_space<vmem>>
      %dma_start3A_183 = arith.constant 0 : i32
      %dma_start3A_184 = tpu.memref_slice %arg7[%dma_start3A_175, %dma_start3A_176, %dma_start3A_183] : memref<2x8x128xi32, #tpu.memory_space<vmem>> -> memref<1x1x128xi32, #tpu.memory_space<vmem>>
      %dma_start3A_185 = tpu.memref_squeeze %dma_start3A_184 : memref<1x1x128xi32, #tpu.memory_space<vmem>> -> memref<128xi32, #tpu.memory_space<vmem>>
      %dma_start3A_186 = arith.constant 0 : i32
      %dma_start3A_187 = arith.constant 0 : i32
      %dma_start3A_188 = tpu.memref_slice %arg4[%dma_start3A_186, %dma_start3A_187] : memref<10000x128xf32, #tpu.memory_space<hbm>> -> memref<10000x128xf32, #tpu.memory_space<hbm>>
      %dma_start3A_189 = tpu.memref_slice %arg11[%dma_start3A_178] : memref<2x!tpu.dma_semaphore, #tpu.memory_space<semaphore_mem>> -> memref<1x!tpu.dma_semaphore, #tpu.memory_space<semaphore_mem>>
      %dma_start3A_190 = tpu.memref_squeeze %dma_start3A_189 : memref<1x!tpu.dma_semaphore, #tpu.memory_space<semaphore_mem>> -> memref<!tpu.dma_semaphore, #tpu.memory_space<semaphore_mem>>
      tpu.enqueue_indirect_dma source(%dma_start3A_188 : memref<10000x128xf32, #tpu.memory_space<hbm>>) target(%dma_start3A_182 : memref<128x128xf32, #tpu.memory_space<vmem>>) offsets(%dma_start3A_185 : memref<128xi32, #tpu.memory_space<vmem>>) semaphore(%dma_start3A_190 : memref<!tpu.dma_semaphore, #tpu.memory_space<semaphore_mem>>)
      %dma_wait3A_191 = arith.constant 1 : i32
      %dma_wait3A_192 = arith.constant 1 : i32
      %dma_wait3A_193 = arith.constant 0 : i32
      %dma_wait3A_194 = arith.constant 0 : i32
      %dma_wait3A_195 = tpu.memref_slice %arg9[%dma_wait3A_191, %dma_wait3A_193, %dma_wait3A_194] : memref<2x128x128xf32, #tpu.memory_space<vmem>> -> memref<1x128x128xf32, #tpu.memory_space<vmem>>
      %dma_wait3A_196 = tpu.memref_squeeze %dma_wait3A_195 : memref<1x128x128xf32, #tpu.memory_space<vmem>> -> memref<128x128xf32, #tpu.memory_space<vmem>>
      %dma_wait3A_197 = arith.constant 0 : i32
      %dma_wait3A_198 = arith.constant 0 : i32
      %dma_wait3A_199 = tpu.memref_slice %arg4[%dma_wait3A_197, %dma_wait3A_198] : memref<10000x128xf32, #tpu.memory_space<hbm>> -> memref<128x128xf32, #tpu.memory_space<hbm>>
      %dma_wait3A_200 = tpu.memref_slice %arg12[%dma_wait3A_192] : memref<2x!tpu.dma_semaphore, #tpu.memory_space<semaphore_mem>> -> memref<1x!tpu.dma_semaphore, #tpu.memory_space<semaphore_mem>>
      %dma_wait3A_201 = tpu.memref_squeeze %dma_wait3A_200 : memref<1x!tpu.dma_semaphore, #tpu.memory_space<semaphore_mem>> -> memref<!tpu.dma_semaphore, #tpu.memory_space<semaphore_mem>>
      %dma_wait3A_202 = arith.constant 0 : i32
      %dma_wait3A_203 = arith.constant 0 : i32
      %dma_wait3A_204 = tpu.memref_slice %arg9[%dma_wait3A_191, %dma_wait3A_202, %dma_wait3A_203] : memref<2x128x128xf32, #tpu.memory_space<vmem>> -> memref<1x128x128xf32, #tpu.memory_space<vmem>>
      %dma_wait3A_205 = tpu.memref_squeeze %dma_wait3A_204 : memref<1x128x128xf32, #tpu.memory_space<vmem>> -> memref<128x128xf32, #tpu.memory_space<vmem>>
      %dma_wait3A_206 = arith.constant 0 : i32
      %dma_wait3A_207 = arith.constant 0 : i32
      %dma_wait3A_208 = tpu.memref_slice %arg4[%dma_wait3A_206, %dma_wait3A_207] : memref<10000x128xf32, #tpu.memory_space<hbm>> -> memref<128x128xf32, #tpu.memory_space<hbm>>
      tpu.wait_dma2 semaphore(%dma_wait3A_201 : memref<!tpu.dma_semaphore, #tpu.memory_space<semaphore_mem>>) src(%dma_wait3A_208 : memref<128x128xf32, #tpu.memory_space<hbm>>) dst(%dma_wait3A_205 : memref<128x128xf32, #tpu.memory_space<vmem>>)
      %dma_start3A_209 = arith.constant 1 : i32
      %dma_start3A_210 = arith.constant 3 : i32
      %dma_start3A_211 = arith.constant 1 : i32
      %dma_start3A_212 = arith.constant 1 : i32
      %dma_start3A_213 = arith.constant 0 : i32
      %dma_start3A_214 = arith.constant 0 : i32
      %dma_start3A_215 = tpu.memref_slice %arg9[%dma_start3A_211, %dma_start3A_213, %dma_start3A_214] : memref<2x128x128xf32, #tpu.memory_space<vmem>> -> memref<1x128x128xf32, #tpu.memory_space<vmem>>
      %dma_start3A_216 = tpu.memref_squeeze %dma_start3A_215 : memref<1x128x128xf32, #tpu.memory_space<vmem>> -> memref<128x128xf32, #tpu.memory_space<vmem>>
      %dma_start3A_217 = arith.constant 0 : i32
      %dma_start3A_218 = tpu.memref_slice %arg7[%dma_start3A_209, %dma_start3A_210, %dma_start3A_217] : memref<2x8x128xi32, #tpu.memory_space<vmem>> -> memref<1x1x128xi32, #tpu.memory_space<vmem>>
      %dma_start3A_219 = tpu.memref_squeeze %dma_start3A_218 : memref<1x1x128xi32, #tpu.memory_space<vmem>> -> memref<128xi32, #tpu.memory_space<vmem>>
      %dma_start3A_220 = arith.constant 0 : i32
      %dma_start3A_221 = arith.constant 0 : i32
      %dma_start3A_222 = tpu.memref_slice %arg4[%dma_start3A_220, %dma_start3A_221] : memref<10000x128xf32, #tpu.memory_space<hbm>> -> memref<10000x128xf32, #tpu.memory_space<hbm>>
      %dma_start3A_223 = tpu.memref_slice %arg11[%dma_start3A_212] : memref<2x!tpu.dma_semaphore, #tpu.memory_space<semaphore_mem>> -> memref<1x!tpu.dma_semaphore, #tpu.memory_space<semaphore_mem>>
      %dma_start3A_224 = tpu.memref_squeeze %dma_start3A_223 : memref<1x!tpu.dma_semaphore, #tpu.memory_space<semaphore_mem>> -> memref<!tpu.dma_semaphore, #tpu.memory_space<semaphore_mem>>
      tpu.enqueue_indirect_dma source(%dma_start3A_222 : memref<10000x128xf32, #tpu.memory_space<hbm>>) target(%dma_start3A_216 : memref<128x128xf32, #tpu.memory_space<vmem>>) offsets(%dma_start3A_219 : memref<128xi32, #tpu.memory_space<vmem>>) semaphore(%dma_start3A_224 : memref<!tpu.dma_semaphore, #tpu.memory_space<semaphore_mem>>)
      %dma_wait3A_225 = arith.constant 0 : i32
      %dma_wait3A_226 = arith.constant 0 : i32
      %dma_wait3A_227 = arith.constant 0 : i32
      %dma_wait3A_228 = arith.constant 0 : i32
      %dma_wait3A_229 = tpu.memref_slice %arg9[%dma_wait3A_225, %dma_wait3A_227, %dma_wait3A_228] : memref<2x128x128xf32, #tpu.memory_space<vmem>> -> memref<1x128x128xf32, #tpu.memory_space<vmem>>
      %dma_wait3A_230 = tpu.memref_squeeze %dma_wait3A_229 : memref<1x128x128xf32, #tpu.memory_space<vmem>> -> memref<128x128xf32, #tpu.memory_space<vmem>>
      %dma_wait3A_231 = arith.constant 0 : i32
      %dma_wait3A_232 = arith.constant 0 : i32
      %dma_wait3A_233 = tpu.memref_slice %arg4[%dma_wait3A_231, %dma_wait3A_232] : memref<10000x128xf32, #tpu.memory_space<hbm>> -> memref<128x128xf32, #tpu.memory_space<hbm>>
      %dma_wait3A_234 = tpu.memref_slice %arg11[%dma_wait3A_226] : memref<2x!tpu.dma_semaphore, #tpu.memory_space<semaphore_mem>> -> memref<1x!tpu.dma_semaphore, #tpu.memory_space<semaphore_mem>>
      %dma_wait3A_235 = tpu.memref_squeeze %dma_wait3A_234 : memref<1x!tpu.dma_semaphore, #tpu.memory_space<semaphore_mem>> -> memref<!tpu.dma_semaphore, #tpu.memory_space<semaphore_mem>>
      %dma_wait3A_236 = arith.constant 0 : i32
      %dma_wait3A_237 = arith.constant 0 : i32
      %dma_wait3A_238 = tpu.memref_slice %arg9[%dma_wait3A_225, %dma_wait3A_236, %dma_wait3A_237] : memref<2x128x128xf32, #tpu.memory_space<vmem>> -> memref<1x128x128xf32, #tpu.memory_space<vmem>>
      %dma_wait3A_239 = tpu.memref_squeeze %dma_wait3A_238 : memref<1x128x128xf32, #tpu.memory_space<vmem>> -> memref<128x128xf32, #tpu.memory_space<vmem>>
      %dma_wait3A_240 = arith.constant 0 : i32
      %dma_wait3A_241 = arith.constant 0 : i32
      %dma_wait3A_242 = tpu.memref_slice %arg4[%dma_wait3A_240, %dma_wait3A_241] : memref<10000x128xf32, #tpu.memory_space<hbm>> -> memref<128x128xf32, #tpu.memory_space<hbm>>
      tpu.wait_dma2 semaphore(%dma_wait3A_235 : memref<!tpu.dma_semaphore, #tpu.memory_space<semaphore_mem>>) src(%dma_wait3A_242 : memref<128x128xf32, #tpu.memory_space<hbm>>) dst(%dma_wait3A_239 : memref<128x128xf32, #tpu.memory_space<vmem>>)
      %dma_start3A_243 = arith.constant 0 : i32
      %dma_start3A_244 = arith.constant 1 : i32
      %dma_start3A_245 = arith.constant 2 : i32
      %dma_start3A_246 = arith.constant 0 : i32
      %dma_start3A_247 = arith.constant 0 : i32
      %dma_start3A_248 = arith.constant 0 : i32
      %dma_start3A_249 = tpu.memref_slice %arg9[%dma_start3A_243, %dma_start3A_247, %dma_start3A_248] : memref<2x128x128xf32, #tpu.memory_space<vmem>> -> memref<1x128x128xf32, #tpu.memory_space<vmem>>
      %dma_start3A_250 = tpu.memref_squeeze %dma_start3A_249 : memref<1x128x128xf32, #tpu.memory_space<vmem>> -> memref<128x128xf32, #tpu.memory_space<vmem>>
      %dma_start3A_251 = arith.constant 0 : i32
      %dma_start3A_252 = tpu.memref_slice %arg8[%dma_start3A_244, %dma_start3A_245, %dma_start3A_251] : memref<2x8x128xi32, #tpu.memory_space<vmem>> -> memref<1x1x128xi32, #tpu.memory_space<vmem>>
      %dma_start3A_253 = tpu.memref_squeeze %dma_start3A_252 : memref<1x1x128xi32, #tpu.memory_space<vmem>> -> memref<128xi32, #tpu.memory_space<vmem>>
      %dma_start3A_254 = arith.constant 0 : i32
      %dma_start3A_255 = arith.constant 0 : i32
      %dma_start3A_256 = tpu.memref_slice %arg10[%dma_start3A_254, %dma_start3A_255] : memref<10112x128xf32, #tpu.memory_space<vmem_shared>> -> memref<10112x128xf32, #tpu.memory_space<vmem_shared>>
      %dma_start3A_257 = tpu.memref_slice %arg12[%dma_start3A_246] : memref<2x!tpu.dma_semaphore, #tpu.memory_space<semaphore_mem>> -> memref<1x!tpu.dma_semaphore, #tpu.memory_space<semaphore_mem>>
      %dma_start3A_258 = tpu.memref_squeeze %dma_start3A_257 : memref<1x!tpu.dma_semaphore, #tpu.memory_space<semaphore_mem>> -> memref<!tpu.dma_semaphore, #tpu.memory_space<semaphore_mem>>
      tpu.enqueue_indirect_dma source(%dma_start3A_250 : memref<128x128xf32, #tpu.memory_space<vmem>>) target(%dma_start3A_256 : memref<10112x128xf32, #tpu.memory_space<vmem_shared>>) offsets(%dma_start3A_253 : memref<128xi32, #tpu.memory_space<vmem>>) semaphore(%dma_start3A_258 : memref<!tpu.dma_semaphore, #tpu.memory_space<semaphore_mem>>) {add = true}
      %dma_wait3A_259 = arith.constant 1 : i32
      %dma_wait3A_260 = arith.constant 1 : i32
      %dma_wait3A_261 = arith.constant 0 : i32
      %dma_wait3A_262 = arith.constant 0 : i32
      %dma_wait3A_263 = tpu.memref_slice %arg9[%dma_wait3A_259, %dma_wait3A_261, %dma_wait3A_262] : memref<2x128x128xf32, #tpu.memory_space<vmem>> -> memref<1x128x128xf32, #tpu.memory_space<vmem>>
      %dma_wait3A_264 = tpu.memref_squeeze %dma_wait3A_263 : memref<1x128x128xf32, #tpu.memory_space<vmem>> -> memref<128x128xf32, #tpu.memory_space<vmem>>
      %dma_wait3A_265 = arith.constant 0 : i32
      %dma_wait3A_266 = arith.constant 0 : i32
      %dma_wait3A_267 = tpu.memref_slice %arg4[%dma_wait3A_265, %dma_wait3A_266] : memref<10000x128xf32, #tpu.memory_space<hbm>> -> memref<128x128xf32, #tpu.memory_space<hbm>>
      %dma_wait3A_268 = tpu.memref_slice %arg11[%dma_wait3A_260] : memref<2x!tpu.dma_semaphore, #tpu.memory_space<semaphore_mem>> -> memref<1x!tpu.dma_semaphore, #tpu.memory_space<semaphore_mem>>
      %dma_wait3A_269 = tpu.memref_squeeze %dma_wait3A_268 : memref<1x!tpu.dma_semaphore, #tpu.memory_space<semaphore_mem>> -> memref<!tpu.dma_semaphore, #tpu.memory_space<semaphore_mem>>
      %dma_wait3A_270 = arith.constant 0 : i32
      %dma_wait3A_271 = arith.constant 0 : i32
      %dma_wait3A_272 = tpu.memref_slice %arg9[%dma_wait3A_259, %dma_wait3A_270, %dma_wait3A_271] : memref<2x128x128xf32, #tpu.memory_space<vmem>> -> memref<1x128x128xf32, #tpu.memory_space<vmem>>
      %dma_wait3A_273 = tpu.memref_squeeze %dma_wait3A_272 : memref<1x128x128xf32, #tpu.memory_space<vmem>> -> memref<128x128xf32, #tpu.memory_space<vmem>>
      %dma_wait3A_274 = arith.constant 0 : i32
      %dma_wait3A_275 = arith.constant 0 : i32
      %dma_wait3A_276 = tpu.memref_slice %arg4[%dma_wait3A_274, %dma_wait3A_275] : memref<10000x128xf32, #tpu.memory_space<hbm>> -> memref<128x128xf32, #tpu.memory_space<hbm>>
      tpu.wait_dma2 semaphore(%dma_wait3A_269 : memref<!tpu.dma_semaphore, #tpu.memory_space<semaphore_mem>>) src(%dma_wait3A_276 : memref<128x128xf32, #tpu.memory_space<hbm>>) dst(%dma_wait3A_273 : memref<128x128xf32, #tpu.memory_space<vmem>>)
      %dma_start3A_277 = arith.constant 1 : i32
      %dma_start3A_278 = arith.constant 1 : i32
      %dma_start3A_279 = arith.constant 3 : i32
      %dma_start3A_280 = arith.constant 1 : i32
      %dma_start3A_281 = arith.constant 0 : i32
      %dma_start3A_282 = arith.constant 0 : i32
      %dma_start3A_283 = tpu.memref_slice %arg9[%dma_start3A_277, %dma_start3A_281, %dma_start3A_282] : memref<2x128x128xf32, #tpu.memory_space<vmem>> -> memref<1x128x128xf32, #tpu.memory_space<vmem>>
      %dma_start3A_284 = tpu.memref_squeeze %dma_start3A_283 : memref<1x128x128xf32, #tpu.memory_space<vmem>> -> memref<128x128xf32, #tpu.memory_space<vmem>>
      %dma_start3A_285 = arith.constant 0 : i32
      %dma_start3A_286 = tpu.memref_slice %arg8[%dma_start3A_278, %dma_start3A_279, %dma_start3A_285] : memref<2x8x128xi32, #tpu.memory_space<vmem>> -> memref<1x1x128xi32, #tpu.memory_space<vmem>>
      %dma_start3A_287 = tpu.memref_squeeze %dma_start3A_286 : memref<1x1x128xi32, #tpu.memory_space<vmem>> -> memref<128xi32, #tpu.memory_space<vmem>>
      %dma_start3A_288 = arith.constant 0 : i32
      %dma_start3A_289 = arith.constant 0 : i32
      %dma_start3A_290 = tpu.memref_slice %arg10[%dma_start3A_288, %dma_start3A_289] : memref<10112x128xf32, #tpu.memory_space<vmem_shared>> -> memref<10112x128xf32, #tpu.memory_space<vmem_shared>>
      %dma_start3A_291 = tpu.memref_slice %arg12[%dma_start3A_280] : memref<2x!tpu.dma_semaphore, #tpu.memory_space<semaphore_mem>> -> memref<1x!tpu.dma_semaphore, #tpu.memory_space<semaphore_mem>>
      %dma_start3A_292 = tpu.memref_squeeze %dma_start3A_291 : memref<1x!tpu.dma_semaphore, #tpu.memory_space<semaphore_mem>> -> memref<!tpu.dma_semaphore, #tpu.memory_space<semaphore_mem>>
      tpu.enqueue_indirect_dma source(%dma_start3A_284 : memref<128x128xf32, #tpu.memory_space<vmem>>) target(%dma_start3A_290 : memref<10112x128xf32, #tpu.memory_space<vmem_shared>>) offsets(%dma_start3A_287 : memref<128xi32, #tpu.memory_space<vmem>>) semaphore(%dma_start3A_292 : memref<!tpu.dma_semaphore, #tpu.memory_space<semaphore_mem>>) {add = true}
      %dma_wait3A_293 = arith.constant 0 : i32
      %dma_wait3A_294 = arith.constant 0 : i32
      %dma_wait3A_295 = arith.constant 0 : i32
      %dma_wait3A_296 = arith.constant 0 : i32
      %dma_wait3A_297 = tpu.memref_slice %arg9[%dma_wait3A_293, %dma_wait3A_295, %dma_wait3A_296] : memref<2x128x128xf32, #tpu.memory_space<vmem>> -> memref<1x128x128xf32, #tpu.memory_space<vmem>>
      %dma_wait3A_298 = tpu.memref_squeeze %dma_wait3A_297 : memref<1x128x128xf32, #tpu.memory_space<vmem>> -> memref<128x128xf32, #tpu.memory_space<vmem>>
      %dma_wait3A_299 = arith.constant 0 : i32
      %dma_wait3A_300 = arith.constant 0 : i32
      %dma_wait3A_301 = tpu.memref_slice %arg4[%dma_wait3A_299, %dma_wait3A_300] : memref<10000x128xf32, #tpu.memory_space<hbm>> -> memref<128x128xf32, #tpu.memory_space<hbm>>
      %dma_wait3A_302 = tpu.memref_slice %arg12[%dma_wait3A_294] : memref<2x!tpu.dma_semaphore, #tpu.memory_space<semaphore_mem>> -> memref<1x!tpu.dma_semaphore, #tpu.memory_space<semaphore_mem>>
      %dma_wait3A_303 = tpu.memref_squeeze %dma_wait3A_302 : memref<1x!tpu.dma_semaphore, #tpu.memory_space<semaphore_mem>> -> memref<!tpu.dma_semaphore, #tpu.memory_space<semaphore_mem>>
      %dma_wait3A_304 = arith.constant 0 : i32
      %dma_wait3A_305 = arith.constant 0 : i32
      %dma_wait3A_306 = tpu.memref_slice %arg9[%dma_wait3A_293, %dma_wait3A_304, %dma_wait3A_305] : memref<2x128x128xf32, #tpu.memory_space<vmem>> -> memref<1x128x128xf32, #tpu.memory_space<vmem>>
      %dma_wait3A_307 = tpu.memref_squeeze %dma_wait3A_306 : memref<1x128x128xf32, #tpu.memory_space<vmem>> -> memref<128x128xf32, #tpu.memory_space<vmem>>
      %dma_wait3A_308 = arith.constant 0 : i32
      %dma_wait3A_309 = arith.constant 0 : i32
      %dma_wait3A_310 = tpu.memref_slice %arg4[%dma_wait3A_308, %dma_wait3A_309] : memref<10000x128xf32, #tpu.memory_space<hbm>> -> memref<128x128xf32, #tpu.memory_space<hbm>>
      tpu.wait_dma2 semaphore(%dma_wait3A_303 : memref<!tpu.dma_semaphore, #tpu.memory_space<semaphore_mem>>) src(%dma_wait3A_310 : memref<128x128xf32, #tpu.memory_space<hbm>>) dst(%dma_wait3A_307 : memref<128x128xf32, #tpu.memory_space<vmem>>)
      %dma_start3A_311 = arith.constant 1 : i32
      %dma_start3A_312 = arith.constant 4 : i32
      %dma_start3A_313 = arith.constant 0 : i32
      %dma_start3A_314 = arith.constant 0 : i32
      %dma_start3A_315 = arith.constant 0 : i32
      %dma_start3A_316 = arith.constant 0 : i32
      %dma_start3A_317 = tpu.memref_slice %arg9[%dma_start3A_313, %dma_start3A_315, %dma_start3A_316] : memref<2x128x128xf32, #tpu.memory_space<vmem>> -> memref<1x128x128xf32, #tpu.memory_space<vmem>>
      %dma_start3A_318 = tpu.memref_squeeze %dma_start3A_317 : memref<1x128x128xf32, #tpu.memory_space<vmem>> -> memref<128x128xf32, #tpu.memory_space<vmem>>
      %dma_start3A_319 = arith.constant 0 : i32
      %dma_start3A_320 = tpu.memref_slice %arg7[%dma_start3A_311, %dma_start3A_312, %dma_start3A_319] : memref<2x8x128xi32, #tpu.memory_space<vmem>> -> memref<1x1x128xi32, #tpu.memory_space<vmem>>
      %dma_start3A_321 = tpu.memref_squeeze %dma_start3A_320 : memref<1x1x128xi32, #tpu.memory_space<vmem>> -> memref<128xi32, #tpu.memory_space<vmem>>
      %dma_start3A_322 = arith.constant 0 : i32
      %dma_start3A_323 = arith.constant 0 : i32
      %dma_start3A_324 = tpu.memref_slice %arg4[%dma_start3A_322, %dma_start3A_323] : memref<10000x128xf32, #tpu.memory_space<hbm>> -> memref<10000x128xf32, #tpu.memory_space<hbm>>
      %dma_start3A_325 = tpu.memref_slice %arg11[%dma_start3A_314] : memref<2x!tpu.dma_semaphore, #tpu.memory_space<semaphore_mem>> -> memref<1x!tpu.dma_semaphore, #tpu.memory_space<semaphore_mem>>
      %dma_start3A_326 = tpu.memref_squeeze %dma_start3A_325 : memref<1x!tpu.dma_semaphore, #tpu.memory_space<semaphore_mem>> -> memref<!tpu.dma_semaphore, #tpu.memory_space<semaphore_mem>>
      tpu.enqueue_indirect_dma source(%dma_start3A_324 : memref<10000x128xf32, #tpu.memory_space<hbm>>) target(%dma_start3A_318 : memref<128x128xf32, #tpu.memory_space<vmem>>) offsets(%dma_start3A_321 : memref<128xi32, #tpu.memory_space<vmem>>) semaphore(%dma_start3A_326 : memref<!tpu.dma_semaphore, #tpu.memory_space<semaphore_mem>>)
      %dma_wait3A_327 = arith.constant 1 : i32
      %dma_wait3A_328 = arith.constant 1 : i32
      %dma_wait3A_329 = arith.constant 0 : i32
      %dma_wait3A_330 = arith.constant 0 : i32
      %dma_wait3A_331 = tpu.memref_slice %arg9[%dma_wait3A_327, %dma_wait3A_329, %dma_wait3A_330] : memref<2x128x128xf32, #tpu.memory_space<vmem>> -> memref<1x128x128xf32, #tpu.memory_space<vmem>>
      %dma_wait3A_332 = tpu.memref_squeeze %dma_wait3A_331 : memref<1x128x128xf32, #tpu.memory_space<vmem>> -> memref<128x128xf32, #tpu.memory_space<vmem>>
      %dma_wait3A_333 = arith.constant 0 : i32
      %dma_wait3A_334 = arith.constant 0 : i32
      %dma_wait3A_335 = tpu.memref_slice %arg4[%dma_wait3A_333, %dma_wait3A_334] : memref<10000x128xf32, #tpu.memory_space<hbm>> -> memref<128x128xf32, #tpu.memory_space<hbm>>
      %dma_wait3A_336 = tpu.memref_slice %arg12[%dma_wait3A_328] : memref<2x!tpu.dma_semaphore, #tpu.memory_space<semaphore_mem>> -> memref<1x!tpu.dma_semaphore, #tpu.memory_space<semaphore_mem>>
      %dma_wait3A_337 = tpu.memref_squeeze %dma_wait3A_336 : memref<1x!tpu.dma_semaphore, #tpu.memory_space<semaphore_mem>> -> memref<!tpu.dma_semaphore, #tpu.memory_space<semaphore_mem>>
      %dma_wait3A_338 = arith.constant 0 : i32
      %dma_wait3A_339 = arith.constant 0 : i32
      %dma_wait3A_340 = tpu.memref_slice %arg9[%dma_wait3A_327, %dma_wait3A_338, %dma_wait3A_339] : memref<2x128x128xf32, #tpu.memory_space<vmem>> -> memref<1x128x128xf32, #tpu.memory_space<vmem>>
      %dma_wait3A_341 = tpu.memref_squeeze %dma_wait3A_340 : memref<1x128x128xf32, #tpu.memory_space<vmem>> -> memref<128x128xf32, #tpu.memory_space<vmem>>
      %dma_wait3A_342 = arith.constant 0 : i32
      %dma_wait3A_343 = arith.constant 0 : i32
      %dma_wait3A_344 = tpu.memref_slice %arg4[%dma_wait3A_342, %dma_wait3A_343] : memref<10000x128xf32, #tpu.memory_space<hbm>> -> memref<128x128xf32, #tpu.memory_space<hbm>>
      tpu.wait_dma2 semaphore(%dma_wait3A_337 : memref<!tpu.dma_semaphore, #tpu.memory_space<semaphore_mem>>) src(%dma_wait3A_344 : memref<128x128xf32, #tpu.memory_space<hbm>>) dst(%dma_wait3A_341 : memref<128x128xf32, #tpu.memory_space<vmem>>)
      %dma_start3A_345 = arith.constant 1 : i32
      %dma_start3A_346 = arith.constant 5 : i32
      %dma_start3A_347 = arith.constant 1 : i32
      %dma_start3A_348 = arith.constant 1 : i32
      %dma_start3A_349 = arith.constant 0 : i32
      %dma_start3A_350 = arith.constant 0 : i32
      %dma_start3A_351 = tpu.memref_slice %arg9[%dma_start3A_347, %dma_start3A_349, %dma_start3A_350] : memref<2x128x128xf32, #tpu.memory_space<vmem>> -> memref<1x128x128xf32, #tpu.memory_space<vmem>>
      %dma_start3A_352 = tpu.memref_squeeze %dma_start3A_351 : memref<1x128x128xf32, #tpu.memory_space<vmem>> -> memref<128x128xf32, #tpu.memory_space<vmem>>
      %dma_start3A_353 = arith.constant 0 : i32
      %dma_start3A_354 = tpu.memref_slice %arg7[%dma_start3A_345, %dma_start3A_346, %dma_start3A_353] : memref<2x8x128xi32, #tpu.memory_space<vmem>> -> memref<1x1x128xi32, #tpu.memory_space<vmem>>
      %dma_start3A_355 = tpu.memref_squeeze %dma_start3A_354 : memref<1x1x128xi32, #tpu.memory_space<vmem>> -> memref<128xi32, #tpu.memory_space<vmem>>
      %dma_start3A_356 = arith.constant 0 : i32
      %dma_start3A_357 = arith.constant 0 : i32
      %dma_start3A_358 = tpu.memref_slice %arg4[%dma_start3A_356, %dma_start3A_357] : memref<10000x128xf32, #tpu.memory_space<hbm>> -> memref<10000x128xf32, #tpu.memory_space<hbm>>
      %dma_start3A_359 = tpu.memref_slice %arg11[%dma_start3A_348] : memref<2x!tpu.dma_semaphore, #tpu.memory_space<semaphore_mem>> -> memref<1x!tpu.dma_semaphore, #tpu.memory_space<semaphore_mem>>
      %dma_start3A_360 = tpu.memref_squeeze %dma_start3A_359 : memref<1x!tpu.dma_semaphore, #tpu.memory_space<semaphore_mem>> -> memref<!tpu.dma_semaphore, #tpu.memory_space<semaphore_mem>>
      tpu.enqueue_indirect_dma source(%dma_start3A_358 : memref<10000x128xf32, #tpu.memory_space<hbm>>) target(%dma_start3A_352 : memref<128x128xf32, #tpu.memory_space<vmem>>) offsets(%dma_start3A_355 : memref<128xi32, #tpu.memory_space<vmem>>) semaphore(%dma_start3A_360 : memref<!tpu.dma_semaphore, #tpu.memory_space<semaphore_mem>>)
      %dma_wait3A_361 = arith.constant 0 : i32
      %dma_wait3A_362 = arith.constant 0 : i32
      %dma_wait3A_363 = arith.constant 0 : i32
      %dma_wait3A_364 = arith.constant 0 : i32
      %dma_wait3A_365 = tpu.memref_slice %arg9[%dma_wait3A_361, %dma_wait3A_363, %dma_wait3A_364] : memref<2x128x128xf32, #tpu.memory_space<vmem>> -> memref<1x128x128xf32, #tpu.memory_space<vmem>>
      %dma_wait3A_366 = tpu.memref_squeeze %dma_wait3A_365 : memref<1x128x128xf32, #tpu.memory_space<vmem>> -> memref<128x128xf32, #tpu.memory_space<vmem>>
      %dma_wait3A_367 = arith.constant 0 : i32
      %dma_wait3A_368 = arith.constant 0 : i32
      %dma_wait3A_369 = tpu.memref_slice %arg4[%dma_wait3A_367, %dma_wait3A_368] : memref<10000x128xf32, #tpu.memory_space<hbm>> -> memref<128x128xf32, #tpu.memory_space<hbm>>
      %dma_wait3A_370 = tpu.memref_slice %arg11[%dma_wait3A_362] : memref<2x!tpu.dma_semaphore, #tpu.memory_space<semaphore_mem>> -> memref<1x!tpu.dma_semaphore, #tpu.memory_space<semaphore_mem>>
      %dma_wait3A_371 = tpu.memref_squeeze %dma_wait3A_370 : memref<1x!tpu.dma_semaphore, #tpu.memory_space<semaphore_mem>> -> memref<!tpu.dma_semaphore, #tpu.memory_space<semaphore_mem>>
      %dma_wait3A_372 = arith.constant 0 : i32
      %dma_wait3A_373 = arith.constant 0 : i32
      %dma_wait3A_374 = tpu.memref_slice %arg9[%dma_wait3A_361, %dma_wait3A_372, %dma_wait3A_373] : memref<2x128x128xf32, #tpu.memory_space<vmem>> -> memref<1x128x128xf32, #tpu.memory_space<vmem>>
      %dma_wait3A_375 = tpu.memref_squeeze %dma_wait3A_374 : memref<1x128x128xf32, #tpu.memory_space<vmem>> -> memref<128x128xf32, #tpu.memory_space<vmem>>
      %dma_wait3A_376 = arith.constant 0 : i32
      %dma_wait3A_377 = arith.constant 0 : i32
      %dma_wait3A_378 = tpu.memref_slice %arg4[%dma_wait3A_376, %dma_wait3A_377] : memref<10000x128xf32, #tpu.memory_space<hbm>> -> memref<128x128xf32, #tpu.memory_space<hbm>>
      tpu.wait_dma2 semaphore(%dma_wait3A_371 : memref<!tpu.dma_semaphore, #tpu.memory_space<semaphore_mem>>) src(%dma_wait3A_378 : memref<128x128xf32, #tpu.memory_space<hbm>>) dst(%dma_wait3A_375 : memref<128x128xf32, #tpu.memory_space<vmem>>)
      %dma_start3A_379 = arith.constant 0 : i32
      %dma_start3A_380 = arith.constant 1 : i32
      %dma_start3A_381 = arith.constant 4 : i32
      %dma_start3A_382 = arith.constant 0 : i32
      %dma_start3A_383 = arith.constant 0 : i32
      %dma_start3A_384 = arith.constant 0 : i32
      %dma_start3A_385 = tpu.memref_slice %arg9[%dma_start3A_379, %dma_start3A_383, %dma_start3A_384] : memref<2x128x128xf32, #tpu.memory_space<vmem>> -> memref<1x128x128xf32, #tpu.memory_space<vmem>>
      %dma_start3A_386 = tpu.memref_squeeze %dma_start3A_385 : memref<1x128x128xf32, #tpu.memory_space<vmem>> -> memref<128x128xf32, #tpu.memory_space<vmem>>
      %dma_start3A_387 = arith.constant 0 : i32
      %dma_start3A_388 = tpu.memref_slice %arg8[%dma_start3A_380, %dma_start3A_381, %dma_start3A_387] : memref<2x8x128xi32, #tpu.memory_space<vmem>> -> memref<1x1x128xi32, #tpu.memory_space<vmem>>
      %dma_start3A_389 = tpu.memref_squeeze %dma_start3A_388 : memref<1x1x128xi32, #tpu.memory_space<vmem>> -> memref<128xi32, #tpu.memory_space<vmem>>
      %dma_start3A_390 = arith.constant 0 : i32
      %dma_start3A_391 = arith.constant 0 : i32
      %dma_start3A_392 = tpu.memref_slice %arg10[%dma_start3A_390, %dma_start3A_391] : memref<10112x128xf32, #tpu.memory_space<vmem_shared>> -> memref<10112x128xf32, #tpu.memory_space<vmem_shared>>
      %dma_start3A_393 = tpu.memref_slice %arg12[%dma_start3A_382] : memref<2x!tpu.dma_semaphore, #tpu.memory_space<semaphore_mem>> -> memref<1x!tpu.dma_semaphore, #tpu.memory_space<semaphore_mem>>
      %dma_start3A_394 = tpu.memref_squeeze %dma_start3A_393 : memref<1x!tpu.dma_semaphore, #tpu.memory_space<semaphore_mem>> -> memref<!tpu.dma_semaphore, #tpu.memory_space<semaphore_mem>>
      tpu.enqueue_indirect_dma source(%dma_start3A_386 : memref<128x128xf32, #tpu.memory_space<vmem>>) target(%dma_start3A_392 : memref<10112x128xf32, #tpu.memory_space<vmem_shared>>) offsets(%dma_start3A_389 : memref<128xi32, #tpu.memory_space<vmem>>) semaphore(%dma_start3A_394 : memref<!tpu.dma_semaphore, #tpu.memory_space<semaphore_mem>>) {add = true}
      %dma_wait3A_395 = arith.constant 1 : i32
      %dma_wait3A_396 = arith.constant 1 : i32
      %dma_wait3A_397 = arith.constant 0 : i32
      %dma_wait3A_398 = arith.constant 0 : i32
      %dma_wait3A_399 = tpu.memref_slice %arg9[%dma_wait3A_395, %dma_wait3A_397, %dma_wait3A_398] : memref<2x128x128xf32, #tpu.memory_space<vmem>> -> memref<1x128x128xf32, #tpu.memory_space<vmem>>
      %dma_wait3A_400 = tpu.memref_squeeze %dma_wait3A_399 : memref<1x128x128xf32, #tpu.memory_space<vmem>> -> memref<128x128xf32, #tpu.memory_space<vmem>>
      %dma_wait3A_401 = arith.constant 0 : i32
      %dma_wait3A_402 = arith.constant 0 : i32
      %dma_wait3A_403 = tpu.memref_slice %arg4[%dma_wait3A_401, %dma_wait3A_402] : memref<10000x128xf32, #tpu.memory_space<hbm>> -> memref<128x128xf32, #tpu.memory_space<hbm>>
      %dma_wait3A_404 = tpu.memref_slice %arg11[%dma_wait3A_396] : memref<2x!tpu.dma_semaphore, #tpu.memory_space<semaphore_mem>> -> memref<1x!tpu.dma_semaphore, #tpu.memory_space<semaphore_mem>>
      %dma_wait3A_405 = tpu.memref_squeeze %dma_wait3A_404 : memref<1x!tpu.dma_semaphore, #tpu.memory_space<semaphore_mem>> -> memref<!tpu.dma_semaphore, #tpu.memory_space<semaphore_mem>>
      %dma_wait3A_406 = arith.constant 0 : i32
      %dma_wait3A_407 = arith.constant 0 : i32
      %dma_wait3A_408 = tpu.memref_slice %arg9[%dma_wait3A_395, %dma_wait3A_406, %dma_wait3A_407] : memref<2x128x128xf32, #tpu.memory_space<vmem>> -> memref<1x128x128xf32, #tpu.memory_space<vmem>>
      %dma_wait3A_409 = tpu.memref_squeeze %dma_wait3A_408 : memref<1x128x128xf32, #tpu.memory_space<vmem>> -> memref<128x128xf32, #tpu.memory_space<vmem>>
      %dma_wait3A_410 = arith.constant 0 : i32
      %dma_wait3A_411 = arith.constant 0 : i32
      %dma_wait3A_412 = tpu.memref_slice %arg4[%dma_wait3A_410, %dma_wait3A_411] : memref<10000x128xf32, #tpu.memory_space<hbm>> -> memref<128x128xf32, #tpu.memory_space<hbm>>
      tpu.wait_dma2 semaphore(%dma_wait3A_405 : memref<!tpu.dma_semaphore, #tpu.memory_space<semaphore_mem>>) src(%dma_wait3A_412 : memref<128x128xf32, #tpu.memory_space<hbm>>) dst(%dma_wait3A_409 : memref<128x128xf32, #tpu.memory_space<vmem>>)
      %dma_start3A_413 = arith.constant 1 : i32
      %dma_start3A_414 = arith.constant 1 : i32
      %dma_start3A_415 = arith.constant 5 : i32
      %dma_start3A_416 = arith.constant 1 : i32
      %dma_start3A_417 = arith.constant 0 : i32
      %dma_start3A_418 = arith.constant 0 : i32
      %dma_start3A_419 = tpu.memref_slice %arg9[%dma_start3A_413, %dma_start3A_417, %dma_start3A_418] : memref<2x128x128xf32, #tpu.memory_space<vmem>> -> memref<1x128x128xf32, #tpu.memory_space<vmem>>
      %dma_start3A_420 = tpu.memref_squeeze %dma_start3A_419 : memref<1x128x128xf32, #tpu.memory_space<vmem>> -> memref<128x128xf32, #tpu.memory_space<vmem>>
      %dma_start3A_421 = arith.constant 0 : i32
      %dma_start3A_422 = tpu.memref_slice %arg8[%dma_start3A_414, %dma_start3A_415, %dma_start3A_421] : memref<2x8x128xi32, #tpu.memory_space<vmem>> -> memref<1x1x128xi32, #tpu.memory_space<vmem>>
      %dma_start3A_423 = tpu.memref_squeeze %dma_start3A_422 : memref<1x1x128xi32, #tpu.memory_space<vmem>> -> memref<128xi32, #tpu.memory_space<vmem>>
      %dma_start3A_424 = arith.constant 0 : i32
      %dma_start3A_425 = arith.constant 0 : i32
      %dma_start3A_426 = tpu.memref_slice %arg10[%dma_start3A_424, %dma_start3A_425] : memref<10112x128xf32, #tpu.memory_space<vmem_shared>> -> memref<10112x128xf32, #tpu.memory_space<vmem_shared>>
      %dma_start3A_427 = tpu.memref_slice %arg12[%dma_start3A_416] : memref<2x!tpu.dma_semaphore, #tpu.memory_space<semaphore_mem>> -> memref<1x!tpu.dma_semaphore, #tpu.memory_space<semaphore_mem>>
      %dma_start3A_428 = tpu.memref_squeeze %dma_start3A_427 : memref<1x!tpu.dma_semaphore, #tpu.memory_space<semaphore_mem>> -> memref<!tpu.dma_semaphore, #tpu.memory_space<semaphore_mem>>
      tpu.enqueue_indirect_dma source(%dma_start3A_420 : memref<128x128xf32, #tpu.memory_space<vmem>>) target(%dma_start3A_426 : memref<10112x128xf32, #tpu.memory_space<vmem_shared>>) offsets(%dma_start3A_423 : memref<128xi32, #tpu.memory_space<vmem>>) semaphore(%dma_start3A_428 : memref<!tpu.dma_semaphore, #tpu.memory_space<semaphore_mem>>) {add = true}
      %dma_wait3A_429 = arith.constant 0 : i32
      %dma_wait3A_430 = arith.constant 0 : i32
      %dma_wait3A_431 = arith.constant 0 : i32
      %dma_wait3A_432 = arith.constant 0 : i32
      %dma_wait3A_433 = tpu.memref_slice %arg9[%dma_wait3A_429, %dma_wait3A_431, %dma_wait3A_432] : memref<2x128x128xf32, #tpu.memory_space<vmem>> -> memref<1x128x128xf32, #tpu.memory_space<vmem>>
      %dma_wait3A_434 = tpu.memref_squeeze %dma_wait3A_433 : memref<1x128x128xf32, #tpu.memory_space<vmem>> -> memref<128x128xf32, #tpu.memory_space<vmem>>
      %dma_wait3A_435 = arith.constant 0 : i32
      %dma_wait3A_436 = arith.constant 0 : i32
      %dma_wait3A_437 = tpu.memref_slice %arg4[%dma_wait3A_435, %dma_wait3A_436] : memref<10000x128xf32, #tpu.memory_space<hbm>> -> memref<128x128xf32, #tpu.memory_space<hbm>>
      %dma_wait3A_438 = tpu.memref_slice %arg12[%dma_wait3A_430] : memref<2x!tpu.dma_semaphore, #tpu.memory_space<semaphore_mem>> -> memref<1x!tpu.dma_semaphore, #tpu.memory_space<semaphore_mem>>
      %dma_wait3A_439 = tpu.memref_squeeze %dma_wait3A_438 : memref<1x!tpu.dma_semaphore, #tpu.memory_space<semaphore_mem>> -> memref<!tpu.dma_semaphore, #tpu.memory_space<semaphore_mem>>
      %dma_wait3A_440 = arith.constant 0 : i32
      %dma_wait3A_441 = arith.constant 0 : i32
      %dma_wait3A_442 = tpu.memref_slice %arg9[%dma_wait3A_429, %dma_wait3A_440, %dma_wait3A_441] : memref<2x128x128xf32, #tpu.memory_space<vmem>> -> memref<1x128x128xf32, #tpu.memory_space<vmem>>
      %dma_wait3A_443 = tpu.memref_squeeze %dma_wait3A_442 : memref<1x128x128xf32, #tpu.memory_space<vmem>> -> memref<128x128xf32, #tpu.memory_space<vmem>>
      %dma_wait3A_444 = arith.constant 0 : i32
      %dma_wait3A_445 = arith.constant 0 : i32
      %dma_wait3A_446 = tpu.memref_slice %arg4[%dma_wait3A_444, %dma_wait3A_445] : memref<10000x128xf32, #tpu.memory_space<hbm>> -> memref<128x128xf32, #tpu.memory_space<hbm>>
      tpu.wait_dma2 semaphore(%dma_wait3A_439 : memref<!tpu.dma_semaphore, #tpu.memory_space<semaphore_mem>>) src(%dma_wait3A_446 : memref<128x128xf32, #tpu.memory_space<hbm>>) dst(%dma_wait3A_443 : memref<128x128xf32, #tpu.memory_space<vmem>>)
      %dma_start3A_447 = arith.constant 1 : i32
      %dma_start3A_448 = arith.constant 6 : i32
      %dma_start3A_449 = arith.constant 0 : i32
      %dma_start3A_450 = arith.constant 0 : i32
      %dma_start3A_451 = arith.constant 0 : i32
      %dma_start3A_452 = arith.constant 0 : i32
      %dma_start3A_453 = tpu.memref_slice %arg9[%dma_start3A_449, %dma_start3A_451, %dma_start3A_452] : memref<2x128x128xf32, #tpu.memory_space<vmem>> -> memref<1x128x128xf32, #tpu.memory_space<vmem>>
      %dma_start3A_454 = tpu.memref_squeeze %dma_start3A_453 : memref<1x128x128xf32, #tpu.memory_space<vmem>> -> memref<128x128xf32, #tpu.memory_space<vmem>>
      %dma_start3A_455 = arith.constant 0 : i32
      %dma_start3A_456 = tpu.memref_slice %arg7[%dma_start3A_447, %dma_start3A_448, %dma_start3A_455] : memref<2x8x128xi32, #tpu.memory_space<vmem>> -> memref<1x1x128xi32, #tpu.memory_space<vmem>>
      %dma_start3A_457 = tpu.memref_squeeze %dma_start3A_456 : memref<1x1x128xi32, #tpu.memory_space<vmem>> -> memref<128xi32, #tpu.memory_space<vmem>>
      %dma_start3A_458 = arith.constant 0 : i32
      %dma_start3A_459 = arith.constant 0 : i32
      %dma_start3A_460 = tpu.memref_slice %arg4[%dma_start3A_458, %dma_start3A_459] : memref<10000x128xf32, #tpu.memory_space<hbm>> -> memref<10000x128xf32, #tpu.memory_space<hbm>>
      %dma_start3A_461 = tpu.memref_slice %arg11[%dma_start3A_450] : memref<2x!tpu.dma_semaphore, #tpu.memory_space<semaphore_mem>> -> memref<1x!tpu.dma_semaphore, #tpu.memory_space<semaphore_mem>>
      %dma_start3A_462 = tpu.memref_squeeze %dma_start3A_461 : memref<1x!tpu.dma_semaphore, #tpu.memory_space<semaphore_mem>> -> memref<!tpu.dma_semaphore, #tpu.memory_space<semaphore_mem>>
      tpu.enqueue_indirect_dma source(%dma_start3A_460 : memref<10000x128xf32, #tpu.memory_space<hbm>>) target(%dma_start3A_454 : memref<128x128xf32, #tpu.memory_space<vmem>>) offsets(%dma_start3A_457 : memref<128xi32, #tpu.memory_space<vmem>>) semaphore(%dma_start3A_462 : memref<!tpu.dma_semaphore, #tpu.memory_space<semaphore_mem>>)
      %dma_wait3A_463 = arith.constant 1 : i32
      %dma_wait3A_464 = arith.constant 1 : i32
      %dma_wait3A_465 = arith.constant 0 : i32
      %dma_wait3A_466 = arith.constant 0 : i32
      %dma_wait3A_467 = tpu.memref_slice %arg9[%dma_wait3A_463, %dma_wait3A_465, %dma_wait3A_466] : memref<2x128x128xf32, #tpu.memory_space<vmem>> -> memref<1x128x128xf32, #tpu.memory_space<vmem>>
      %dma_wait3A_468 = tpu.memref_squeeze %dma_wait3A_467 : memref<1x128x128xf32, #tpu.memory_space<vmem>> -> memref<128x128xf32, #tpu.memory_space<vmem>>
      %dma_wait3A_469 = arith.constant 0 : i32
      %dma_wait3A_470 = arith.constant 0 : i32
      %dma_wait3A_471 = tpu.memref_slice %arg4[%dma_wait3A_469, %dma_wait3A_470] : memref<10000x128xf32, #tpu.memory_space<hbm>> -> memref<128x128xf32, #tpu.memory_space<hbm>>
      %dma_wait3A_472 = tpu.memref_slice %arg12[%dma_wait3A_464] : memref<2x!tpu.dma_semaphore, #tpu.memory_space<semaphore_mem>> -> memref<1x!tpu.dma_semaphore, #tpu.memory_space<semaphore_mem>>
      %dma_wait3A_473 = tpu.memref_squeeze %dma_wait3A_472 : memref<1x!tpu.dma_semaphore, #tpu.memory_space<semaphore_mem>> -> memref<!tpu.dma_semaphore, #tpu.memory_space<semaphore_mem>>
      %dma_wait3A_474 = arith.constant 0 : i32
      %dma_wait3A_475 = arith.constant 0 : i32
      %dma_wait3A_476 = tpu.memref_slice %arg9[%dma_wait3A_463, %dma_wait3A_474, %dma_wait3A_475] : memref<2x128x128xf32, #tpu.memory_space<vmem>> -> memref<1x128x128xf32, #tpu.memory_space<vmem>>
      %dma_wait3A_477 = tpu.memref_squeeze %dma_wait3A_476 : memref<1x128x128xf32, #tpu.memory_space<vmem>> -> memref<128x128xf32, #tpu.memory_space<vmem>>
      %dma_wait3A_478 = arith.constant 0 : i32
      %dma_wait3A_479 = arith.constant 0 : i32
      %dma_wait3A_480 = tpu.memref_slice %arg4[%dma_wait3A_478, %dma_wait3A_479] : memref<10000x128xf32, #tpu.memory_space<hbm>> -> memref<128x128xf32, #tpu.memory_space<hbm>>
      tpu.wait_dma2 semaphore(%dma_wait3A_473 : memref<!tpu.dma_semaphore, #tpu.memory_space<semaphore_mem>>) src(%dma_wait3A_480 : memref<128x128xf32, #tpu.memory_space<hbm>>) dst(%dma_wait3A_477 : memref<128x128xf32, #tpu.memory_space<vmem>>)
      %dma_start3A_481 = arith.constant 1 : i32
      %dma_start3A_482 = arith.constant 7 : i32
      %dma_start3A_483 = arith.constant 1 : i32
      %dma_start3A_484 = arith.constant 1 : i32
      %dma_start3A_485 = arith.constant 0 : i32
      %dma_start3A_486 = arith.constant 0 : i32
      %dma_start3A_487 = tpu.memref_slice %arg9[%dma_start3A_483, %dma_start3A_485, %dma_start3A_486] : memref<2x128x128xf32, #tpu.memory_space<vmem>> -> memref<1x128x128xf32, #tpu.memory_space<vmem>>
      %dma_start3A_488 = tpu.memref_squeeze %dma_start3A_487 : memref<1x128x128xf32, #tpu.memory_space<vmem>> -> memref<128x128xf32, #tpu.memory_space<vmem>>
      %dma_start3A_489 = arith.constant 0 : i32
      %dma_start3A_490 = tpu.memref_slice %arg7[%dma_start3A_481, %dma_start3A_482, %dma_start3A_489] : memref<2x8x128xi32, #tpu.memory_space<vmem>> -> memref<1x1x128xi32, #tpu.memory_space<vmem>>
      %dma_start3A_491 = tpu.memref_squeeze %dma_start3A_490 : memref<1x1x128xi32, #tpu.memory_space<vmem>> -> memref<128xi32, #tpu.memory_space<vmem>>
      %dma_start3A_492 = arith.constant 0 : i32
      %dma_start3A_493 = arith.constant 0 : i32
      %dma_start3A_494 = tpu.memref_slice %arg4[%dma_start3A_492, %dma_start3A_493] : memref<10000x128xf32, #tpu.memory_space<hbm>> -> memref<10000x128xf32, #tpu.memory_space<hbm>>
      %dma_start3A_495 = tpu.memref_slice %arg11[%dma_start3A_484] : memref<2x!tpu.dma_semaphore, #tpu.memory_space<semaphore_mem>> -> memref<1x!tpu.dma_semaphore, #tpu.memory_space<semaphore_mem>>
      %dma_start3A_496 = tpu.memref_squeeze %dma_start3A_495 : memref<1x!tpu.dma_semaphore, #tpu.memory_space<semaphore_mem>> -> memref<!tpu.dma_semaphore, #tpu.memory_space<semaphore_mem>>
      tpu.enqueue_indirect_dma source(%dma_start3A_494 : memref<10000x128xf32, #tpu.memory_space<hbm>>) target(%dma_start3A_488 : memref<128x128xf32, #tpu.memory_space<vmem>>) offsets(%dma_start3A_491 : memref<128xi32, #tpu.memory_space<vmem>>) semaphore(%dma_start3A_496 : memref<!tpu.dma_semaphore, #tpu.memory_space<semaphore_mem>>)
      %dma_wait3A_497 = arith.constant 0 : i32
      %dma_wait3A_498 = arith.constant 0 : i32
      %dma_wait3A_499 = arith.constant 0 : i32
      %dma_wait3A_500 = arith.constant 0 : i32
      %dma_wait3A_501 = tpu.memref_slice %arg9[%dma_wait3A_497, %dma_wait3A_499, %dma_wait3A_500] : memref<2x128x128xf32, #tpu.memory_space<vmem>> -> memref<1x128x128xf32, #tpu.memory_space<vmem>>
      %dma_wait3A_502 = tpu.memref_squeeze %dma_wait3A_501 : memref<1x128x128xf32, #tpu.memory_space<vmem>> -> memref<128x128xf32, #tpu.memory_space<vmem>>
      %dma_wait3A_503 = arith.constant 0 : i32
      %dma_wait3A_504 = arith.constant 0 : i32
      %dma_wait3A_505 = tpu.memref_slice %arg4[%dma_wait3A_503, %dma_wait3A_504] : memref<10000x128xf32, #tpu.memory_space<hbm>> -> memref<128x128xf32, #tpu.memory_space<hbm>>
      %dma_wait3A_506 = tpu.memref_slice %arg11[%dma_wait3A_498] : memref<2x!tpu.dma_semaphore, #tpu.memory_space<semaphore_mem>> -> memref<1x!tpu.dma_semaphore, #tpu.memory_space<semaphore_mem>>
      %dma_wait3A_507 = tpu.memref_squeeze %dma_wait3A_506 : memref<1x!tpu.dma_semaphore, #tpu.memory_space<semaphore_mem>> -> memref<!tpu.dma_semaphore, #tpu.memory_space<semaphore_mem>>
      %dma_wait3A_508 = arith.constant 0 : i32
      %dma_wait3A_509 = arith.constant 0 : i32
      %dma_wait3A_510 = tpu.memref_slice %arg9[%dma_wait3A_497, %dma_wait3A_508, %dma_wait3A_509] : memref<2x128x128xf32, #tpu.memory_space<vmem>> -> memref<1x128x128xf32, #tpu.memory_space<vmem>>
      %dma_wait3A_511 = tpu.memref_squeeze %dma_wait3A_510 : memref<1x128x128xf32, #tpu.memory_space<vmem>> -> memref<128x128xf32, #tpu.memory_space<vmem>>
      %dma_wait3A_512 = arith.constant 0 : i32
      %dma_wait3A_513 = arith.constant 0 : i32
      %dma_wait3A_514 = tpu.memref_slice %arg4[%dma_wait3A_512, %dma_wait3A_513] : memref<10000x128xf32, #tpu.memory_space<hbm>> -> memref<128x128xf32, #tpu.memory_space<hbm>>
      tpu.wait_dma2 semaphore(%dma_wait3A_507 : memref<!tpu.dma_semaphore, #tpu.memory_space<semaphore_mem>>) src(%dma_wait3A_514 : memref<128x128xf32, #tpu.memory_space<hbm>>) dst(%dma_wait3A_511 : memref<128x128xf32, #tpu.memory_space<vmem>>)
      %dma_start3A_515 = arith.constant 0 : i32
      %dma_start3A_516 = arith.constant 1 : i32
      %dma_start3A_517 = arith.constant 6 : i32
      %dma_start3A_518 = arith.constant 0 : i32
      %dma_start3A_519 = arith.constant 0 : i32
      %dma_start3A_520 = arith.constant 0 : i32
      %dma_start3A_521 = tpu.memref_slice %arg9[%dma_start3A_515, %dma_start3A_519, %dma_start3A_520] : memref<2x128x128xf32, #tpu.memory_space<vmem>> -> memref<1x128x128xf32, #tpu.memory_space<vmem>>
      %dma_start3A_522 = tpu.memref_squeeze %dma_start3A_521 : memref<1x128x128xf32, #tpu.memory_space<vmem>> -> memref<128x128xf32, #tpu.memory_space<vmem>>
      %dma_start3A_523 = arith.constant 0 : i32
      %dma_start3A_524 = tpu.memref_slice %arg8[%dma_start3A_516, %dma_start3A_517, %dma_start3A_523] : memref<2x8x128xi32, #tpu.memory_space<vmem>> -> memref<1x1x128xi32, #tpu.memory_space<vmem>>
      %dma_start3A_525 = tpu.memref_squeeze %dma_start3A_524 : memref<1x1x128xi32, #tpu.memory_space<vmem>> -> memref<128xi32, #tpu.memory_space<vmem>>
      %dma_start3A_526 = arith.constant 0 : i32
      %dma_start3A_527 = arith.constant 0 : i32
      %dma_start3A_528 = tpu.memref_slice %arg10[%dma_start3A_526, %dma_start3A_527] : memref<10112x128xf32, #tpu.memory_space<vmem_shared>> -> memref<10112x128xf32, #tpu.memory_space<vmem_shared>>
      %dma_start3A_529 = tpu.memref_slice %arg12[%dma_start3A_518] : memref<2x!tpu.dma_semaphore, #tpu.memory_space<semaphore_mem>> -> memref<1x!tpu.dma_semaphore, #tpu.memory_space<semaphore_mem>>
      %dma_start3A_530 = tpu.memref_squeeze %dma_start3A_529 : memref<1x!tpu.dma_semaphore, #tpu.memory_space<semaphore_mem>> -> memref<!tpu.dma_semaphore, #tpu.memory_space<semaphore_mem>>
      tpu.enqueue_indirect_dma source(%dma_start3A_522 : memref<128x128xf32, #tpu.memory_space<vmem>>) target(%dma_start3A_528 : memref<10112x128xf32, #tpu.memory_space<vmem_shared>>) offsets(%dma_start3A_525 : memref<128xi32, #tpu.memory_space<vmem>>) semaphore(%dma_start3A_530 : memref<!tpu.dma_semaphore, #tpu.memory_space<semaphore_mem>>) {add = true}
      %dma_wait3A_531 = arith.constant 1 : i32
      %dma_wait3A_532 = arith.constant 1 : i32
      %dma_wait3A_533 = arith.constant 0 : i32
      %dma_wait3A_534 = arith.constant 0 : i32
      %dma_wait3A_535 = tpu.memref_slice %arg9[%dma_wait3A_531, %dma_wait3A_533, %dma_wait3A_534] : memref<2x128x128xf32, #tpu.memory_space<vmem>> -> memref<1x128x128xf32, #tpu.memory_space<vmem>>
      %dma_wait3A_536 = tpu.memref_squeeze %dma_wait3A_535 : memref<1x128x128xf32, #tpu.memory_space<vmem>> -> memref<128x128xf32, #tpu.memory_space<vmem>>
      %dma_wait3A_537 = arith.constant 0 : i32
      %dma_wait3A_538 = arith.constant 0 : i32
      %dma_wait3A_539 = tpu.memref_slice %arg4[%dma_wait3A_537, %dma_wait3A_538] : memref<10000x128xf32, #tpu.memory_space<hbm>> -> memref<128x128xf32, #tpu.memory_space<hbm>>
      %dma_wait3A_540 = tpu.memref_slice %arg11[%dma_wait3A_532] : memref<2x!tpu.dma_semaphore, #tpu.memory_space<semaphore_mem>> -> memref<1x!tpu.dma_semaphore, #tpu.memory_space<semaphore_mem>>
      %dma_wait3A_541 = tpu.memref_squeeze %dma_wait3A_540 : memref<1x!tpu.dma_semaphore, #tpu.memory_space<semaphore_mem>> -> memref<!tpu.dma_semaphore, #tpu.memory_space<semaphore_mem>>
      %dma_wait3A_542 = arith.constant 0 : i32
      %dma_wait3A_543 = arith.constant 0 : i32
      %dma_wait3A_544 = tpu.memref_slice %arg9[%dma_wait3A_531, %dma_wait3A_542, %dma_wait3A_543] : memref<2x128x128xf32, #tpu.memory_space<vmem>> -> memref<1x128x128xf32, #tpu.memory_space<vmem>>
      %dma_wait3A_545 = tpu.memref_squeeze %dma_wait3A_544 : memref<1x128x128xf32, #tpu.memory_space<vmem>> -> memref<128x128xf32, #tpu.memory_space<vmem>>
      %dma_wait3A_546 = arith.constant 0 : i32
      %dma_wait3A_547 = arith.constant 0 : i32
      %dma_wait3A_548 = tpu.memref_slice %arg4[%dma_wait3A_546, %dma_wait3A_547] : memref<10000x128xf32, #tpu.memory_space<hbm>> -> memref<128x128xf32, #tpu.memory_space<hbm>>
      tpu.wait_dma2 semaphore(%dma_wait3A_541 : memref<!tpu.dma_semaphore, #tpu.memory_space<semaphore_mem>>) src(%dma_wait3A_548 : memref<128x128xf32, #tpu.memory_space<hbm>>) dst(%dma_wait3A_545 : memref<128x128xf32, #tpu.memory_space<vmem>>)
      %dma_start3A_549 = arith.constant 1 : i32
      %dma_start3A_550 = arith.constant 1 : i32
      %dma_start3A_551 = arith.constant 7 : i32
      %dma_start3A_552 = arith.constant 1 : i32
      %dma_start3A_553 = arith.constant 0 : i32
      %dma_start3A_554 = arith.constant 0 : i32
      %dma_start3A_555 = tpu.memref_slice %arg9[%dma_start3A_549, %dma_start3A_553, %dma_start3A_554] : memref<2x128x128xf32, #tpu.memory_space<vmem>> -> memref<1x128x128xf32, #tpu.memory_space<vmem>>
      %dma_start3A_556 = tpu.memref_squeeze %dma_start3A_555 : memref<1x128x128xf32, #tpu.memory_space<vmem>> -> memref<128x128xf32, #tpu.memory_space<vmem>>
      %dma_start3A_557 = arith.constant 0 : i32
      %dma_start3A_558 = tpu.memref_slice %arg8[%dma_start3A_550, %dma_start3A_551, %dma_start3A_557] : memref<2x8x128xi32, #tpu.memory_space<vmem>> -> memref<1x1x128xi32, #tpu.memory_space<vmem>>
      %dma_start3A_559 = tpu.memref_squeeze %dma_start3A_558 : memref<1x1x128xi32, #tpu.memory_space<vmem>> -> memref<128xi32, #tpu.memory_space<vmem>>
      %dma_start3A_560 = arith.constant 0 : i32
      %dma_start3A_561 = arith.constant 0 : i32
      %dma_start3A_562 = tpu.memref_slice %arg10[%dma_start3A_560, %dma_start3A_561] : memref<10112x128xf32, #tpu.memory_space<vmem_shared>> -> memref<10112x128xf32, #tpu.memory_space<vmem_shared>>
      %dma_start3A_563 = tpu.memref_slice %arg12[%dma_start3A_552] : memref<2x!tpu.dma_semaphore, #tpu.memory_space<semaphore_mem>> -> memref<1x!tpu.dma_semaphore, #tpu.memory_space<semaphore_mem>>
      %dma_start3A_564 = tpu.memref_squeeze %dma_start3A_563 : memref<1x!tpu.dma_semaphore, #tpu.memory_space<semaphore_mem>> -> memref<!tpu.dma_semaphore, #tpu.memory_space<semaphore_mem>>
      tpu.enqueue_indirect_dma source(%dma_start3A_556 : memref<128x128xf32, #tpu.memory_space<vmem>>) target(%dma_start3A_562 : memref<10112x128xf32, #tpu.memory_space<vmem_shared>>) offsets(%dma_start3A_559 : memref<128xi32, #tpu.memory_space<vmem>>) semaphore(%dma_start3A_564 : memref<!tpu.dma_semaphore, #tpu.memory_space<semaphore_mem>>) {add = true}
      %dma_wait3A_565 = arith.constant 0 : i32
      %dma_wait3A_566 = arith.constant 0 : i32
      %dma_wait3A_567 = arith.constant 0 : i32
      %dma_wait3A_568 = arith.constant 0 : i32
      %dma_wait3A_569 = tpu.memref_slice %arg9[%dma_wait3A_565, %dma_wait3A_567, %dma_wait3A_568] : memref<2x128x128xf32, #tpu.memory_space<vmem>> -> memref<1x128x128xf32, #tpu.memory_space<vmem>>
      %dma_wait3A_570 = tpu.memref_squeeze %dma_wait3A_569 : memref<1x128x128xf32, #tpu.memory_space<vmem>> -> memref<128x128xf32, #tpu.memory_space<vmem>>
      %dma_wait3A_571 = arith.constant 0 : i32
      %dma_wait3A_572 = arith.constant 0 : i32
      %dma_wait3A_573 = tpu.memref_slice %arg4[%dma_wait3A_571, %dma_wait3A_572] : memref<10000x128xf32, #tpu.memory_space<hbm>> -> memref<128x128xf32, #tpu.memory_space<hbm>>
      %dma_wait3A_574 = tpu.memref_slice %arg12[%dma_wait3A_566] : memref<2x!tpu.dma_semaphore, #tpu.memory_space<semaphore_mem>> -> memref<1x!tpu.dma_semaphore, #tpu.memory_space<semaphore_mem>>
      %dma_wait3A_575 = tpu.memref_squeeze %dma_wait3A_574 : memref<1x!tpu.dma_semaphore, #tpu.memory_space<semaphore_mem>> -> memref<!tpu.dma_semaphore, #tpu.memory_space<semaphore_mem>>
      %dma_wait3A_576 = arith.constant 0 : i32
      %dma_wait3A_577 = arith.constant 0 : i32
      %dma_wait3A_578 = tpu.memref_slice %arg9[%dma_wait3A_565, %dma_wait3A_576, %dma_wait3A_577] : memref<2x128x128xf32, #tpu.memory_space<vmem>> -> memref<1x128x128xf32, #tpu.memory_space<vmem>>
      %dma_wait3A_579 = tpu.memref_squeeze %dma_wait3A_578 : memref<1x128x128xf32, #tpu.memory_space<vmem>> -> memref<128x128xf32, #tpu.memory_space<vmem>>
      %dma_wait3A_580 = arith.constant 0 : i32
      %dma_wait3A_581 = arith.constant 0 : i32
      %dma_wait3A_582 = tpu.memref_slice %arg4[%dma_wait3A_580, %dma_wait3A_581] : memref<10000x128xf32, #tpu.memory_space<hbm>> -> memref<128x128xf32, #tpu.memory_space<hbm>>
      tpu.wait_dma2 semaphore(%dma_wait3A_575 : memref<!tpu.dma_semaphore, #tpu.memory_space<semaphore_mem>>) src(%dma_wait3A_582 : memref<128x128xf32, #tpu.memory_space<hbm>>) dst(%dma_wait3A_579 : memref<128x128xf32, #tpu.memory_space<vmem>>)
      %dma_wait3A_583 = arith.constant 1 : i32
      %dma_wait3A_584 = arith.constant 1 : i32
      %dma_wait3A_585 = arith.constant 0 : i32
      %dma_wait3A_586 = arith.constant 0 : i32
      %dma_wait3A_587 = tpu.memref_slice %arg9[%dma_wait3A_583, %dma_wait3A_585, %dma_wait3A_586] : memref<2x128x128xf32, #tpu.memory_space<vmem>> -> memref<1x128x128xf32, #tpu.memory_space<vmem>>
      %dma_wait3A_588 = tpu.memref_squeeze %dma_wait3A_587 : memref<1x128x128xf32, #tpu.memory_space<vmem>> -> memref<128x128xf32, #tpu.memory_space<vmem>>
      %dma_wait3A_589 = arith.constant 0 : i32
      %dma_wait3A_590 = arith.constant 0 : i32
      %dma_wait3A_591 = tpu.memref_slice %arg4[%dma_wait3A_589, %dma_wait3A_590] : memref<10000x128xf32, #tpu.memory_space<hbm>> -> memref<128x128xf32, #tpu.memory_space<hbm>>
      %dma_wait3A_592 = tpu.memref_slice %arg12[%dma_wait3A_584] : memref<2x!tpu.dma_semaphore, #tpu.memory_space<semaphore_mem>> -> memref<1x!tpu.dma_semaphore, #tpu.memory_space<semaphore_mem>>
      %dma_wait3A_593 = tpu.memref_squeeze %dma_wait3A_592 : memref<1x!tpu.dma_semaphore, #tpu.memory_space<semaphore_mem>> -> memref<!tpu.dma_semaphore, #tpu.memory_space<semaphore_mem>>
      %dma_wait3A_594 = arith.constant 0 : i32
      %dma_wait3A_595 = arith.constant 0 : i32
      %dma_wait3A_596 = tpu.memref_slice %arg9[%dma_wait3A_583, %dma_wait3A_594, %dma_wait3A_595] : memref<2x128x128xf32, #tpu.memory_space<vmem>> -> memref<1x128x128xf32, #tpu.memory_space<vmem>>
      %dma_wait3A_597 = tpu.memref_squeeze %dma_wait3A_596 : memref<1x128x128xf32, #tpu.memory_space<vmem>> -> memref<128x128xf32, #tpu.memory_space<vmem>>
      %dma_wait3A_598 = arith.constant 0 : i32
      %dma_wait3A_599 = arith.constant 0 : i32
      %dma_wait3A_600 = tpu.memref_slice %arg4[%dma_wait3A_598, %dma_wait3A_599] : memref<10000x128xf32, #tpu.memory_space<hbm>> -> memref<128x128xf32, #tpu.memory_space<hbm>>
      tpu.wait_dma2 semaphore(%dma_wait3A_593 : memref<!tpu.dma_semaphore, #tpu.memory_space<semaphore_mem>>) src(%dma_wait3A_600 : memref<128x128xf32, #tpu.memory_space<hbm>>) dst(%dma_wait3A_597 : memref<128x128xf32, #tpu.memory_space<vmem>>)
    } else {
    }
    %barrier3A_10 = arith.constant 0 : index
    tpu.barrier barrier_id(%barrier3A_10)
    %mul3A_11 = arith.constant 632 : i32
    %mul3A_12 = arith.muli %arg1, %mul3A_11 : i32
    %mul3A_13 = arith.constant 632 : i32
    %mul3A_14 = arith.muli %arg1, %mul3A_13 : i32
    "tpu.region"() ({
      %run_scoped3A = tpu.sem_alloc : memref<!tpu.dma_semaphore, #tpu.memory_space<semaphore_mem>>
      %dma_start3A = arith.constant 0 : i32
      %dma_start3A_15 = tpu.memref_slice %arg6[%arg0, %mul3A_14, %dma_start3A] : memref<2x10112x128xf32, #tpu.memory_space<hbm>> -> memref<1x632x128xf32, #tpu.memory_space<hbm>>
      %dma_start3A_16 = tpu.memref_squeeze %dma_start3A_15 : memref<1x632x128xf32, #tpu.memory_space<hbm>> -> memref<632x128xf32, #tpu.memory_space<hbm>>
      %dma_start3A_17 = arith.constant 0 : i32
      %dma_start3A_18 = tpu.memref_slice %arg10[%mul3A_12, %dma_start3A_17] : memref<10112x128xf32, #tpu.memory_space<vmem_shared>> -> memref<632x128xf32, #tpu.memory_space<vmem_shared>>
      tpu.enqueue_dma source(%dma_start3A_18 : memref<632x128xf32, #tpu.memory_space<vmem_shared>>) target(%dma_start3A_16 : memref<632x128xf32, #tpu.memory_space<hbm>>) target_semaphore(%run_scoped3A : memref<!tpu.dma_semaphore, #tpu.memory_space<semaphore_mem>>)
      %dma_wait3A = arith.constant 0 : i32
      %dma_wait3A_19 = tpu.memref_slice %arg6[%arg0, %mul3A_14, %dma_wait3A] : memref<2x10112x128xf32, #tpu.memory_space<hbm>> -> memref<1x632x128xf32, #tpu.memory_space<hbm>>
      %dma_wait3A_20 = tpu.memref_squeeze %dma_wait3A_19 : memref<1x632x128xf32, #tpu.memory_space<hbm>> -> memref<632x128xf32, #tpu.memory_space<hbm>>
      %dma_wait3A_21 = arith.constant 0 : i32
      %dma_wait3A_22 = tpu.memref_slice %arg10[%mul3A_12, %dma_wait3A_21] : memref<10112x128xf32, #tpu.memory_space<vmem_shared>> -> memref<632x128xf32, #tpu.memory_space<vmem_shared>>
      tpu.wait_dma2 semaphore(%run_scoped3A : memref<!tpu.dma_semaphore, #tpu.memory_space<semaphore_mem>>) src(%dma_wait3A_22 : memref<632x128xf32, #tpu.memory_space<vmem_shared>>) dst(%dma_wait3A_20 : memref<632x128xf32, #tpu.memory_space<hbm>>)
      tpu.yield
    }) : () -> ()
    return
  }
}

module attributes {stable_mosaic.version = 14 : i64} {
  func.func @_mm_body(%arg0: i32, %arg1: memref<1000x128xf32, #tpu.memory_space<vmem>>, %arg2: memref<128x128xf32, #tpu.memory_space<vmem>>, %arg3: memref<1x128xf32, #tpu.memory_space<vmem>>, %arg4: memref<1000x128xf32, #tpu.memory_space<vmem>>) attributes {dimension_semantics = [#tpu.dimension_semantics<arbitrary>], iteration_bounds = array<i64: 10>, scalar_prefetch = 0 : i64, scratch_operands = 0 : i64, tpu.core_type = #tpu.core_type<tc>, window_params = [{transform_indices = @transform_0, window_bounds = array<i64: 1000, 128>}, {pipeline_mode = #tpu.pipeline_mode<synchronous>, transform_indices = @transform_1, window_bounds = array<i64: 128, 128>}, {pipeline_mode = #tpu.pipeline_mode<synchronous>, transform_indices = @transform_2, window_bounds = array<i64: 1, 128>}, {transform_indices = @transform_3, window_bounds = array<i64: 1000, 128>}]} {
    %get3A = arith.constant 0 : index
    %get3A_0 = arith.constant 0 : index
    %get3A_1 = vector.load %arg1[%get3A, %get3A_0] : memref<1000x128xf32, #tpu.memory_space<vmem>>, vector<1000x128xf32>
    %get3A_2 = arith.constant 0 : index
    %get3A_3 = arith.constant 0 : index
    %get3A_4 = vector.load %arg2[%get3A_2, %get3A_3] : memref<128x128xf32, #tpu.memory_space<vmem>>, vector<128x128xf32>
    %dot_general3A = arith.constant dense<0.000000e+00> : vector<1000x128xf32>
    %dot_general3A_5 = tpu.matmul %get3A_1, %get3A_4, %dot_general3A {dimension_numbers = #tpu.dot_dimension_numbers<[1], [0], [0], [1], [0, 0, 1, 1], [], []>, transpose_lhs_hint = false} : vector<1000x128xf32>, vector<128x128xf32>, vector<1000x128xf32> -> vector<1000x128xf32>
    %get3A_6 = arith.constant 0 : index
    %get3A_7 = arith.constant 0 : index
    %get3A_8 = vector.load %arg3[%get3A_6, %get3A_7] : memref<1x128xf32, #tpu.memory_space<vmem>>, vector<1x128xf32>
    %add3A = vector.broadcast %get3A_8 : vector<1x128xf32> to vector<1000x128xf32>
    %add3A_9 = arith.addf %dot_general3A_5, %add3A : vector<1000x128xf32>
    %swap3A = arith.constant 0 : index
    %swap3A_10 = arith.constant 0 : index
    %swap3A_11 = vector.load %arg4[%swap3A, %swap3A_10] : memref<1000x128xf32, #tpu.memory_space<vmem>>, vector<1000x128xf32>
    tpu.vector_store %arg4[%swap3A, %swap3A_10], %add3A_9 {strides = array<i32>} : memref<1000x128xf32, #tpu.memory_space<vmem>>, vector<1000x128xf32>,
    return
  }
  func.func @transform_0(%arg0: i32) -> (i32, i32) {
    %c0_i32 = arith.constant 0 : i32
    %c0_i32_0 = arith.constant 0 : i32
    return %arg0, %c0_i32 : i32, i32
  }
  func.func @transform_1(%arg0: i32) -> (i32, i32) {
    %c0_i32 = arith.constant 0 : i32
    %c0_i32_0 = arith.constant 0 : i32
    %c0_i32_1 = arith.constant 0 : i32
    return %c0_i32, %c0_i32_0 : i32, i32
  }
  func.func @transform_2(%arg0: i32) -> (i32, i32) {
    %c0_i32 = arith.constant 0 : i32
    %c0_i32_0 = arith.constant 0 : i32
    %c0_i32_1 = arith.constant 0 : i32
    return %c0_i32, %c0_i32_0 : i32, i32
  }
  func.func @transform_3(%arg0: i32) -> (i32, i32) {
    %c0_i32 = arith.constant 0 : i32
    %c0_i32_0 = arith.constant 0 : i32
    return %arg0, %c0_i32 : i32, i32
  }
}

module attributes {stable_mosaic.version = 14 : i64} {
  func.func @_add_body(%arg0: i32, %arg1: memref<1000x128xf32, #tpu.memory_space<vmem>>, %arg2: memref<1000x128xf32, #tpu.memory_space<vmem>>, %arg3: memref<1000x128xf32, #tpu.memory_space<vmem>>) attributes {dimension_semantics = [#tpu.dimension_semantics<arbitrary>], iteration_bounds = array<i64: 10>, scalar_prefetch = 0 : i64, scratch_operands = 0 : i64, tpu.core_type = #tpu.core_type<tc>, window_params = [{transform_indices = @transform_0, window_bounds = array<i64: 1000, 128>}, {transform_indices = @transform_1, window_bounds = array<i64: 1000, 128>}, {transform_indices = @transform_2, window_bounds = array<i64: 1000, 128>}]} {
    %get3A = arith.constant 0 : index
    %get3A_0 = arith.constant 0 : index
    %get3A_1 = vector.load %arg1[%get3A, %get3A_0] : memref<1000x128xf32, #tpu.memory_space<vmem>>, vector<1000x128xf32>
    %get3A_2 = arith.constant 0 : index
    %get3A_3 = arith.constant 0 : index
    %get3A_4 = vector.load %arg2[%get3A_2, %get3A_3] : memref<1000x128xf32, #tpu.memory_space<vmem>>, vector<1000x128xf32>
    %add3A = arith.addf %get3A_1, %get3A_4 : vector<1000x128xf32>
    %swap3A = arith.constant 0 : index
    %swap3A_5 = arith.constant 0 : index
    %swap3A_6 = vector.load %arg3[%swap3A, %swap3A_5] : memref<1000x128xf32, #tpu.memory_space<vmem>>, vector<1000x128xf32>
    tpu.vector_store %arg3[%swap3A, %swap3A_5], %add3A {strides = array<i32>} : memref<1000x128xf32, #tpu.memory_space<vmem>>, vector<1000x128xf32>,
    return
  }
  func.func @transform_0(%arg0: i32) -> (i32, i32) {
    %c0_i32 = arith.constant 0 : i32
    %c0_i32_0 = arith.constant 0 : i32
    return %arg0, %c0_i32 : i32, i32
  }
  func.func @transform_1(%arg0: i32) -> (i32, i32) {
    %c0_i32 = arith.constant 0 : i32
    %c0_i32_0 = arith.constant 0 : i32
    return %arg0, %c0_i32 : i32, i32
  }
  func.func @transform_2(%arg0: i32) -> (i32, i32) {
    %c0_i32 = arith.constant 0 : i32
    %c0_i32_0 = arith.constant 0 : i32
    return %arg0, %c0_i32 : i32, i32
  }
}

</mosaic_0001>

<sc_bundles>
// kernel: kernel.5.cloned.1.call-start
scs
__scs_entry_jumppad:
0x0: {  	(pc) =	sbr.rel $0x88, $3  }
0x1: {  	(tag) =	ssettag $0x0;
	lr =	simm.s32 $0x1  }
0x2: {  	[smem:$0x3F9D] =	sst lr;
	_ =	strace $0xD0000000  }
0x3: {  	_ = 	snop  }
0x4: {  	_ = 	snop  }
0x5: {  	_ = 	snop  }
0x6: {  	_ = 	snop  }
0x7: {  	_ = 	snop  }
__scs_overlays_trampoline_lowered:
0x8: {  	[smem:$0x3FAC] =	sst s0  }
0x9: {  	[smem:$0x3FAD] =	sst s1  }
0xa: {  	[smem:$0x3FAE] =	sst s2  }
0xb: {  	[smem:$0x3FAF] =	sst s3  }
0xc: {  	[smem:$0x3FB0] =	sst s4  }
0xd: {  	[smem:$0x3FB1] =	sst s5  }
0xe: {  	[smem:$0x3FB2] =	sst s6  }
0xf: {  	[smem:$0x3FB3] =	sst s7  }
0x10: {  	[smem:$0x3FB4] =	sst s8  }
0x11: {  	[smem:$0x3FB5] =	sst s9;
	s0 =	simm.s32 @!p0 $0x0  }
0x12: {  	s1 =	sld [smem:$0x3F9B];
	s0 =	simm.s32 @p0 $0x1  }
0x13: {  	[smem:$0x3FB6] =	sst s0;
	s0 =	simm.s32 @!p1 $0x0  }
0x14: {  	s2 =	sld [smem:$0x3F9A];
	s0 =	simm.s32 @p1 $0x1  }
0x15: {  	[smem:$0x3FB7] =	sst s0;
	s0 =	simm.s32 @!p2 $0x0  }
0x16: {  	s3 =	sld [smem:$0x3FDB];
	s0 =	simm.s32 @p2 $0x1  }
0x17: {  	s4 =	simm.s32 $0x1BF5;
	[smem:$0x3FB9] =	sst s0  }
0x18: {  	s0 =	sld [smem:$0x3F9C];
	_ =	swait.ge [sflag:s4], $0x0  }
0x19: {  	s7 =	sld [smem:$0x3F9D]  }
0x1a: {  	s8 =	sadd.s32 $0xFFFFE003, lr  }
0x1b: {  	s9 =	sadd.s32 $0xFFFFFEF7, lr;
	s5 =	simm.s32 $0xFFFFFFFF;
	p2 =	slt.u32 s8, $0xFFFFF086  }
0x1c: {  	p1 =	slt.u32 s9, $0xF7A;
	s5 =	simm.s32 @!p2 $0x0  }
0x1d: {  	s5 =	simm.s32 @p1 $0x1;
	p0 =	seq.s32 s7, s2  }
0x1e: {  	s7 =	smul.u32 @!p0 $0xF7A, s2;
	p2 =	seq.s32 @!p0 s5, $0x0  }
0x1f: {  	s9 =	smul.u32 $0xF7A, s1;
	s8 =	simm.s32 @!p0 $0x1BF5;
	p2 =	por !p2, p0  }
0x20: {  	[sflag:s8] =	ssyncset.s32 @!p0 $0xFFFFF086;
	s6 =	sadd.s32 @!p0 s3, s7;
	s7 =	simm.s32 @!p0 $0x108  }
0x21: {  	s3 =	sadd.s32 s3, s9;
	s6 =	sadd.s32 @!p0 $0x88, s6;
	s7 =	simm.s32 @p2 $0x1082  }
0x22: {  	[simem:s7], [sflag:s8] =	dma.local @!p0 [hbm:s6], $0xF7A  }
0x23: {  	s9 =	sor.u32 $0xD0000000, s2;
	s6 =	simm.s32 $0x108;
	_ =	swait.ge @!p0 [sflag:s8], $0x0  }
0x24: {  	s3 =	sadd.s32 $0x88, s3;
	s6 =	simm.s32 @!p1 $0x1082;
	[sflag:s4] =	ssyncset.s32 $0xFFFFF086  }
0x25: {  	[simem:s6], [sflag:s4] =	dma.local [hbm:s3], $0xF7A  }
0x26: {  	[smem:$0x3F9D] =	sst s1;
	(tag) =	ssettag s2;
	_ =	strace s9  }
0x27: {  	s1 =	sld [smem:$0x3FAD]  }
0x28: {  	s2 =	sld [smem:$0x3FAE]  }
0x29: {  	s4 =	sld [smem:$0x3FB0]  }
0x2a: {  	p0 =	seq.s32 s5, $0x0;
	s5 =	sld [smem:$0x3FB1]  }
0x2b: {  	s6 =	sld [smem:$0x3FB2]  }
0x2c: {  	s7 =	sld [smem:$0x3FB3]  }
0x2d: {  	s3 =	simm.s32 $0x108;
	s8 =	sld [smem:$0x3FB4]  }
0x2e: {  	s3 =	simm.s32 @!p0 $0x1082;
	s9 =	sld [smem:$0x3FB5]  }
0x2f: {  	lr =	sadd.s32 s0, s3;
	s0 =	sld [smem:$0x3FAC]  }
0x30: {  	s3 =	sld [smem:$0x3FAF]  }
0x31: {  	[smem:$0x3FB8] =	sst s10  }
0x32: {  	s10 =	sld [smem:$0x3FB6];
	_ =	sdelay $0x3  }
0x33: {  	p0 =	seq.s32 s10, $0x1;
	s10 =	sld [smem:$0x3FB8];
	_ =	sdelay $0x3  }
0x34: {  	[smem:$0x3FB8] =	sst s10  }
0x35: {  	s10 =	sld [smem:$0x3FB7];
	_ =	sdelay $0x3  }
0x36: {  	p1 =	seq.s32 s10, $0x1;
	s10 =	sld [smem:$0x3FB8];
	_ =	sdelay $0x3  }
0x37: {  	[smem:$0x3FB8] =	sst s10  }
0x38: {  	s10 =	sld [smem:$0x3FB9]  }
0x39: {  	_ = 	snop;
	(pc) =	sbr.ind lr, $3  }
0x3a: {  	_ = 	snop  }
0x3b: {  	_ = 	snop  }
0x3c: {  	p2 =	seq.s32 s10, $0x1;
	s10 =	sld [smem:$0x3FB8]  }
0x3d: {  	_ =	shalt  }
0x3e: {  	_ =	shalt  }
0x3f: {  	_ =	shalt  }
0x40: {  	_ =	shalt  }
0x41: {  	_ =	shalt  }
0x42: {  	_ =	shalt  }
0x43: {  	_ =	shalt  }
0x44: {  	_ =	shalt  }
0x45: {  	_ =	shalt  }
0x46: {  	_ =	shalt  }
0x47: {  	_ =	shalt  }
0x48: {  	_ =	shalt  }
0x49: {  	_ =	shalt  }
0x4a: {  	_ =	shalt  }
0x4b: {  	_ =	shalt  }
0x4c: {  	_ =	shalt  }
0x4d: {  	_ =	shalt  }
0x4e: {  	_ =	shalt  }
0x4f: {  	_ =	shalt  }
0x50: {  	_ =	shalt  }
0x51: {  	_ =	shalt  }
0x52: {  	_ =	shalt  }
0x53: {  	_ =	shalt  }
0x54: {  	_ =	shalt  }
0x55: {  	_ =	shalt  }
0x56: {  	_ =	shalt  }
0x57: {  	_ =	shalt  }
0x58: {  	_ =	shalt  }
0x59: {  	_ =	shalt  }
0x5a: {  	_ =	shalt  }
0x5b: {  	_ =	shalt  }
0x5c: {  	_ =	shalt  }
0x5d: {  	_ =	shalt  }
0x5e: {  	_ =	shalt  }
0x5f: {  	_ =	shalt  }
0x60: {  	_ =	shalt  }
0x61: {  	_ =	shalt  }
0x62: {  	_ =	shalt  }
0x63: {  	_ =	shalt  }
0x64: {  	_ =	shalt  }
0x65: {  	_ =	shalt  }
0x66: {  	_ =	shalt  }
0x67: {  	_ =	shalt  }
0x68: {  	_ =	shalt  }
0x69: {  	_ =	shalt  }
0x6a: {  	_ =	shalt  }
0x6b: {  	_ =	shalt  }
0x6c: {  	_ =	shalt  }
0x6d: {  	_ =	shalt  }
0x6e: {  	_ =	shalt  }
0x6f: {  	_ =	shalt  }
0x70: {  	_ =	shalt  }
0x71: {  	_ =	shalt  }
0x72: {  	_ =	shalt  }
0x73: {  	_ =	shalt  }
0x74: {  	_ =	shalt  }
0x75: {  	_ =	shalt  }
0x76: {  	_ =	shalt  }
0x77: {  	_ =	shalt  }
0x78: {  	_ =	shalt  }
0x79: {  	_ =	shalt  }
0x7a: {  	_ =	shalt  }
0x7b: {  	_ =	shalt  }
0x7c: {  	_ =	shalt  }
0x7d: {  	_ =	shalt  }
0x7e: {  	_ =	shalt  }
0x7f: {  	_ =	shalt  }
0x80: {  	_ =	shalt  }
0x81: {  	_ =	shalt  }
0x82: {  	_ =	shalt  }
0x83: {  	_ =	shalt  }
0x84: {  	_ =	shalt  }
0x85: {  	_ =	shalt  }
0x86: {  	_ =	shalt  }
0x87: {  	_ =	shalt  }
.Lfunc_end0:
.L_simem_size_0:
called_computation_lowered:
.L_overlay_start_0:
0x88: {  	s2 =	sld [smem:$0x3FD9]  }
0x89: {  	s3 =	sld [smem:$0x3FFE];
	_ =	sdelay $0x1  }
0x8a: {  	s1 =	srdreg.scid  }
0x8b: {  	s0 =	sand.u32 $0x1, s1  }
0x8c: {  	s17 =	sshll.u32 s0, $0xA;
	s2 =	sadd.s32 s3, s2  }
0x8d: {  	s2 =	sadd.s32 s2, s17  }
0x8e: {  	[smem:$0x3FC4] =	sst s2  }
0x8f: {  	_ = 	snop  }
0x90: {  	s2 =	sld [smem:$0x3FD0];
	(tm) =	ssettm $0x1  }
0x91: {  	s18 =	sld [smem:$0x3FFB];
	_ =	sdelay $0x3  }
0x92: {  	_ =	strace s18  }
0x93: {  	s3 =	sld [smem:$0x3FFC];
	_ =	sdelay $0x3  }
0x94: {  	_ =	strace s3  }
0x95: {  	s3 =	sld [smem:$0x3FFD];
	_ =	sdelay $0x3  }
0x96: {  	_ =	strace s3  }
0x97: {  	_ =	strace $0x8FFFFFFF  }
0x98: {  	s19 =	sld [smem:$0x3FDB];
	_ =	sdelay $0x1  }
0x99: {  	s4 =	simm.s32 $_scs_section_size  }
0x9a: {  	s5 =	simm.s32 $_size__tile_overlayer_lowered;
	s6 =	simm.s32 $_tile_overlayer_lowered  }
0x9b: {  	s22 =	simm.s32 $0x1BFF;
	s21 =	sshll.u32 s6, $0x1;
	s3 =	sadd.s32 s4, s19  }
0x9c: {  	s7 =	simm.s32 $0x0;
	s20 =	sshll.u32 s5, $0x1;
	s5 =	sadd.s32 s21, s3  }
0x9d: {  	[timem:s7], [sflag:s22] =	dma.local [hbm:s5], s20  }
0x9e: {  	_ =	swait.ge [sflag:s22], s20  }
0x9f: {  	s4 =	ssub.s32 $0x0, s20;
	[sflag:s22] =	ssyncset.done $0x0  }
0xa0: {  	[sflag:s22] =	ssyncadd.s32 s4;
	_ =	sdelay $0x1  }
0xa1: {  	s23 =	simm.s32 $0x1B8B  }
0xa2: {  	_ =	swait.ge [sflag:s23], $0x1  }
0xa3: {  	[sflag:s23] =	ssyncset.done $0x0  }
0xa4: {  	s25 =	simm.s32 $0x1B8E;
	s24 =	sld [smem:$0x3FFE];
	[sflag:s23] =	ssyncadd.s32 $0xFFFFFFFF  }
0xa5: {  	s26 =	simm.s32 $execute0_lowered;
	[smem:$0x3FD2] =	sst s25  }
0xa6: {  	s5 =	sshll.u32 s26, $0x1;
	_ =	strace $0x80000046;
	[dreg:$0x1] =	wrdreg $0xFFFFFFFF  }
0xa7: {  	s28 =	simm.s32 $_size_execute0_lowered;
	s3 =	sadd.s32 s3, s5;
	[dreg:$0x0] =	wrdreg $0x0  }
0xa8: {  	s5 =	sshll.u32 s28, $0x1;
	[dreg:$0x2] =	wrdreg s3  }
0xa9: {  	[dreg:$0x3] =	wrdreg s5  }
0xaa: {  	[dreg:$0x4] =	wrdreg $0xC0  }
0xab: {  	_ =	task [dreg:s7], $0x5FFFF  }
0xac: {  	[dreg:$0x1] =	wrdreg $0xFFFFFFFF  }
0xad: {  	[dreg:$0x0] =	wrdreg $0x60  }
0xae: {  	[dreg:$0x2] =	wrdreg s24  }
0xaf: {  	[dreg:$0x3] =	wrdreg s2  }
0xb0: {  	[dreg:$0x4] =	wrdreg $0x90000  }
0xb1: {  	[dreg:$0x5] =	wrdreg $0x9  }
0xb2: {  	_ =	task.clear_ibuf [dreg:s7], $0x6FFFF;
	_ =	strace $0x90000046  }
0xb3: {  	s29 =	simm.s32 $0x9;
	_ =	strace $0x80000048  }
0xb4: {  	_ =	swait.ge [sflag:s29], $0x1  }
0xb5: {  	[sflag:s29] =	ssyncadd.s32 $0xFFFFFFFF  }
0xb6: {  	_ =	strace $0x90000048  }
0xb7: {  	_ =	sfence  }
0xb8: {  	s30 =	sld [smem:$0x0];
	_ =	sdelay $0x2  }
0xb9: {  	s31 =	sshll.u32 s1, $0xD;
	s1 =	sshrl.u32 s1, $0x2  }
0xba: {  	s3 =	sand.u32 $0x4000, s31;
	s1 =	sadd.s32 s1, s30  }
0xbb: {  	s0 =	sor.u32 s3, s0;
	s1 =	sshll.u32 s1, $0x11  }
0xbc: {  	s0 =	sor.u32 s1, s0  }
0xbd: {  	s0 =	sadd.s32 $0x8F2B, s0  }
0xbe: {  	[sflag:s0] =	ssyncadd.remote.s32 $0x1  }
0xbf: {  	_ =	sfence.sel $0xFFFF  }
0xc0: {  	[dreg:$0x0] =	wrdreg $0xFFFFFFFF;
	(pc) =	sbr.abs _section_cstart, $3  }
0xc1: {  	[dreg:$0x1] =	wrdreg $0xFFFFFFFF  }
0xc2: {  	_ =	task.clear_ibuf [dreg:s7], $0x2FFFF;
	_ =	strace $0x9FFFFFFF  }
0xc3: {  	(tm) =	ssettm $0x7FFFFFFF  }
tec
execute0_lowered:
.L_overlay_start_1:
0x0: {  	(tag) =	ssettag $0x1  }
0x1: {  	s0 =	rddreg [dreg:$0x0]  }
0x2: {  	s2 =	rddreg [dreg:$0x1]  }
0x3: {  	s3 =	rddreg [dreg:$0x2];
	s13 =	stileid.u32  }
0x4: {  	s1 =	srdreg.scid;
	s4 =	simm.s32 $0x0;
	s28 =	simm.s32 $0x1  }
0x5: {  	s29 =	simm.s32 $0x2;
	s31 =	simm.s32 $0x3;
	s15 =	simm.s32 $0x980  }
0x6: {  	s30 =	simm.s32 $0x200;
	s5 =	smul.u32 $0x13C00, s13;
	s1 =	sand.u32 $0x1, s1  }
0x7: {  	[smem:$0x7FF] =	sst s4;
	s8 =	sadd.s32 $0xA800, s0;
	s11 =	smul.u32 $0x4F000, s13  }
0x8: {  	s9 =	sadd.s32 $0x800, s0;
	s19 =	sshll.u32 s13, $0x6;
	s12 =	smul.u32 $0x900, s13  }
0x9: {  	s22 =	sshll.u32 s13, $0x8;
	s13 =	simm.s32 $0x0;
	s6 =	smul.u32 $0x13C000, s1  }
0xa: {  	_ =	strace $0x80000047;
	s17 =	ssub.s32 $0x2, s1;
	p0 =	seq.s32 s1, $0x1  }
0xb: {  	s23 =	sor.u32 $0x9000, s22;
	s7 =	sshrl.u32 s5, $0x3;
	s10 =	sshrl.u32 s17, $0x1  }
0xc: {  	s18 =	sshrl.u32 s11, $0x2;
	s14 =	sadd.s32 s8, s12;
	s20 =	sor.u32 $0x80, s12  }
0xd: {  	s12 =	sadd.s32 s9, s12;
	s11 =	sor.u32 $0x9080, s22;
	s24 =	sadd.s32 s8, s23  }
0xe: {  	s22 =	simm.s32 $0x400;
	s5 =	sadd.s32 s5, s6;
	s7 =	sadd.s32 s7, s0  }
0xf: {  	s10 =	ssub.s32 s17, s10;
	s21 =	sadd.s32 s8, s20;
	[dreg:$0x8] =	wrdreg s24  }
0x10: {  	s1 =	sadd.s32 s9, s20;
	s25 =	sadd.s32 s8, s11;
	[dreg:$0x5] =	wrdreg s12  }
0x11: {  	s26 =	sadd.s32 s9, s11;
	[dreg:$0x4] =	wrdreg s14;
	s20 =	simm.s32 $0x6  }
0x12: {  	s24 =	simm.s32 $0x80;
	s11 =	simm.s32 $0x180;
	[dreg:$0x6] =	wrdreg s21  }
0x13: {  	s5 =	sshrl.u32 s5, $0x3;
	s6 =	sadd.s32 $0x14800, s7;
	[dreg:$0x7] =	wrdreg s1  }
0x14: {  	s7 =	sor.u32 $0x1C06, s19;
	s1 =	sadd.s32 s9, s23;
	[dreg:$0xa] =	wrdreg s25  }
0x15: {  	[dreg:$0xb] =	wrdreg s26;
	s17 =	smax.u32 s10, $0x1;
	s19 =	sadd.s32 $0x100, s14  }
.Ltmp0:
0x16: {  	s21 =	simm.s32 $0x800;
	s23 =	simm.s32 $0xC00;
	(pc) =	sbr.rel .LBB2_1-.Ltmp0, $4  }
0x17: {  	s25 =	simm.s32 $0x1000;
	s26 =	simm.s32 $0x5000;
	s9 =	simm.s32 $0x880  }
0x18: {  	s10 =	simm.s32 $0x100;
	s14 =	simm.s32 $0x900;
	s0 =	sadd.s32 s5, s0  }
0x19: {  	s5 =	sadd.s32 s18, s3;
	[dreg:$0x9] =	wrdreg s1;
	s18 =	sadd.s32 $0x100, s12  }
0x1a: {  	s1 =	simm.s32 $0x4;
	s12 =	simm.s32 $0x5;
	s16 =	sadd.s32 $0x3C000, s0  }
.LBB2_5:
0x1b: {  	s8 =	rddreg [dreg:$0x8]  }
0x1c: {  	[tilespmem:s4], [sflag:$0x6] =	stream.linear.gather [hbm4b:s8+s4], $0x400, $0x38;
	[tilespmem:$0x1CC00] =	vst v63  }
0x1d: {  	_ =	swait.ge [sflag:s20], $0x400  }
0x1e: {  	[sflag:s20] =	ssyncset.done $0x0  }
0x1f: {  	s8 =	rddreg [dreg:$0x9];
	[sflag:s20] =	ssyncadd.s32 $0xFFFFFC00  }
0x20: {  	[tilespmem:s21], [sflag:$0x6] =	stream.linear.gather [hbm4b:s8+s4], $0x400, $0x38;
	[tilespmem:$0x1CC00] =	vst v63  }
0x21: {  	_ =	swait.ge [sflag:s20], $0x400  }
0x22: {  	[sflag:s20] =	ssyncset.done $0x0  }
0x23: {  	s8 =	rddreg [dreg:$0xa];
	[sflag:s20] =	ssyncadd.s32 $0xFFFFFC00  }
0x24: {  	[tilespmem:s22], [sflag:$0x5] =	stream.linear.gather [hbm4b:s8+s4], $0x400, $0x38;
	[tilespmem:$0x1CC00] =	vst v63  }
0x25: {  	s8 =	rddreg [dreg:$0xb]  }
0x26: {  	[tilespmem:s23], [sflag:$0x5] =	stream.linear.gather [hbm4b:s8+s4], $0x400, $0x38;
	[tilespmem:$0x1CC00] =	vst v63  }
0x27: {  	_ = 	snop  }
0x28: {  	[tilespmem:s25], [sflag:$0x1] =	stream.indirect.gather [hbm4b:s2+s24], $0x80, s4, s24, $0xb8;
	[tilespmem:$0x1CC00] =	vst v63  }
0x29: {  	_ = 	snop  }
0x2a: {  	[tilespmem:s26], [sflag:$0x2] =	stream.indirect.gather [hbm4b:s2+s24], $0x80, s24, s24, $0xb8;
	[tilespmem:$0x1CC00] =	vst v63  }
0x2b: {  	_ =	swait.ge [sflag:s28], $0x4000  }
0x2c: {  	[sflag:s28] =	ssyncset.done $0x0  }
0x2d: {  	[sflag:s28] =	ssyncadd.s32 $0xFFFFC000  }
.LBB2_6:
0x2e: {  	[spmem:s3] =	stream.indirect.scatter.add.f32 [tilespmem:s25], [sflag:$0x3], $0x80, s21, s24, $0xb8;
	[tilespmem:$0x1CC00] =	vst v63  }
0x2f: {  	_ =	swait.ge [sflag:s29], $0x4000  }
0x30: {  	[sflag:s29] =	ssyncset.done $0x0  }
0x31: {  	[sflag:s29] =	ssyncadd.s32 $0xFFFFC000  }
0x32: {  	[spmem:s3] =	stream.indirect.scatter.add.f32 [tilespmem:s26], [sflag:$0x4], $0x80, s9, s24, $0xb8;
	[tilespmem:$0x1CC00] =	vst v63  }
0x33: {  	_ =	swait.ge [sflag:s31], $0x4000  }
0x34: {  	[sflag:s31] =	ssyncset.done $0x0  }
0x35: {  	[sflag:s31] =	ssyncadd.s32 $0xFFFFC000  }
0x36: {  	[tilespmem:s25], [sflag:$0x1] =	stream.indirect.gather [hbm4b:s2+s24], $0x80, s10, s24, $0xb8;
	[tilespmem:$0x1CC00] =	vst v63  }
0x37: {  	_ =	swait.ge [sflag:s1], $0x4000  }
0x38: {  	[sflag:s1] =	ssyncset.done $0x0  }
0x39: {  	[sflag:s1] =	ssyncadd.s32 $0xFFFFC000  }
0x3a: {  	[tilespmem:s26], [sflag:$0x2] =	stream.indirect.gather [hbm4b:s2+s24], $0x80, s11, s24, $0xb8;
	[tilespmem:$0x1CC00] =	vst v63  }
0x3b: {  	_ =	swait.ge [sflag:s28], $0x4000  }
0x3c: {  	[sflag:s28] =	ssyncset.done $0x0  }
0x3d: {  	[sflag:s28] =	ssyncadd.s32 $0xFFFFC000  }
0x3e: {  	[spmem:s3] =	stream.indirect.scatter.add.f32 [tilespmem:s25], [sflag:$0x3], $0x80, s14, s24, $0xb8;
	[tilespmem:$0x1CC00] =	vst v63  }
0x3f: {  	_ =	swait.ge [sflag:s29], $0x4000  }
0x40: {  	[sflag:s29] =	ssyncset.done $0x0  }
0x41: {  	[sflag:s29] =	ssyncadd.s32 $0xFFFFC000  }
0x42: {  	[spmem:s3] =	stream.indirect.scatter.add.f32 [tilespmem:s26], [sflag:$0x4], $0x80, s15, s24, $0xb8;
	[tilespmem:$0x1CC00] =	vst v63  }
0x43: {  	_ =	swait.ge [sflag:s31], $0x4000  }
0x44: {  	[sflag:s31] =	ssyncset.done $0x0  }
0x45: {  	[sflag:s31] =	ssyncadd.s32 $0xFFFFC000  }
0x46: {  	[tilespmem:s25], [sflag:$0x1] =	stream.indirect.gather [hbm4b:s2+s24], $0x80, s30, s24, $0xb8;
	[tilespmem:$0x1CC00] =	vst v63  }
0x47: {  	_ =	swait.ge [sflag:s1], $0x4000  }
0x48: {  	[sflag:s1] =	ssyncset.done $0x0  }
0x49: {  	s8 =	simm.s32 $0x280;
	[sflag:s1] =	ssyncadd.s32 $0xFFFFC000  }
0x4a: {  	[tilespmem:s26], [sflag:$0x2] =	stream.indirect.gather [hbm4b:s2+s24], $0x80, s8, s24, $0xb8;
	[tilespmem:$0x1CC00] =	vst v63  }
0x4b: {  	_ =	swait.ge [sflag:s28], $0x4000  }
0x4c: {  	[sflag:s28] =	ssyncset.done $0x0  }
0x4d: {  	s8 =	simm.s32 $0xA00;
	[sflag:s28] =	ssyncadd.s32 $0xFFFFC000  }
0x4e: {  	[spmem:s3] =	stream.indirect.scatter.add.f32 [tilespmem:s25], [sflag:$0x3], $0x80, s8, s24, $0xb8;
	[tilespmem:$0x1CC00] =	vst v63  }
0x4f: {  	_ =	swait.ge [sflag:s29], $0x4000  }
0x50: {  	[sflag:s29] =	ssyncset.done $0x0  }
0x51: {  	s8 =	simm.s32 $0xA80;
	[sflag:s29] =	ssyncadd.s32 $0xFFFFC000  }
0x52: {  	[spmem:s3] =	stream.indirect.scatter.add.f32 [tilespmem:s26], [sflag:$0x4], $0x80, s8, s24, $0xb8;
	[tilespmem:$0x1CC00] =	vst v63  }
0x53: {  	_ =	swait.ge [sflag:s31], $0x4000  }
0x54: {  	[sflag:s31] =	ssyncset.done $0x0  }
0x55: {  	s8 =	simm.s32 $0x300;
	[sflag:s31] =	ssyncadd.s32 $0xFFFFC000  }
0x56: {  	[tilespmem:s25], [sflag:$0x1] =	stream.indirect.gather [hbm4b:s2+s24], $0x80, s8, s24, $0xb8;
	[tilespmem:$0x1CC00] =	vst v63  }
0x57: {  	_ =	swait.ge [sflag:s1], $0x4000  }
0x58: {  	[sflag:s1] =	ssyncset.done $0x0  }
0x59: {  	s8 =	simm.s32 $0x380;
	[sflag:s1] =	ssyncadd.s32 $0xFFFFC000  }
0x5a: {  	[tilespmem:s26], [sflag:$0x2] =	stream.indirect.gather [hbm4b:s2+s24], $0x80, s8, s24, $0xb8;
	[tilespmem:$0x1CC00] =	vst v63  }
0x5b: {  	_ =	swait.ge [sflag:s28], $0x4000  }
0x5c: {  	[sflag:s28] =	ssyncset.done $0x0  }
0x5d: {  	s8 =	simm.s32 $0xB00;
	[sflag:s28] =	ssyncadd.s32 $0xFFFFC000  }
0x5e: {  	[spmem:s3] =	stream.indirect.scatter.add.f32 [tilespmem:s25], [sflag:$0x3], $0x80, s8, s24, $0xb8;
	[tilespmem:$0x1CC00] =	vst v63  }
0x5f: {  	_ =	swait.ge [sflag:s29], $0x4000  }
0x60: {  	[sflag:s29] =	ssyncset.done $0x0  }
0x61: {  	s8 =	simm.s32 $0xB80;
	[sflag:s29] =	ssyncadd.s32 $0xFFFFC000  }
0x62: {  	[spmem:s3] =	stream.indirect.scatter.add.f32 [tilespmem:s26], [sflag:$0x4], $0x80, s8, s24, $0xb8;
	[tilespmem:$0x1CC00] =	vst v63  }
0x63: {  	_ =	swait.ge [sflag:s12], $0x400  }
0x64: {  	[sflag:s12] =	ssyncset.done $0x0  }
0x65: {  	[sflag:s12] =	ssyncadd.s32 $0xFFFFFC00  }
0x66: {  	_ =	swait.ge [sflag:s12], $0x400  }
0x67: {  	[sflag:s12] =	ssyncset.done $0x0  }
0x68: {  	[sflag:s12] =	ssyncadd.s32 $0xFFFFFC00  }
0x69: {  	_ =	swait.ge [sflag:s31], $0x4000  }
0x6a: {  	[sflag:s31] =	ssyncset.done $0x0  }
0x6b: {  	[sflag:s31] =	ssyncadd.s32 $0xFFFFC000  }
0x6c: {  	[tilespmem:s25], [sflag:$0x1] =	stream.indirect.gather [hbm4b:s2+s24], $0x80, s22, s24, $0xb8;
	[tilespmem:$0x1CC00] =	vst v63  }
0x6d: {  	_ =	swait.ge [sflag:s1], $0x4000  }
0x6e: {  	[sflag:s1] =	ssyncset.done $0x0  }
0x6f: {  	s8 =	simm.s32 $0x480;
	[sflag:s1] =	ssyncadd.s32 $0xFFFFC000  }
0x70: {  	[tilespmem:s26], [sflag:$0x2] =	stream.indirect.gather [hbm4b:s2+s24], $0x80, s8, s24, $0xb8;
	[tilespmem:$0x1CC00] =	vst v63  }
0x71: {  	_ =	swait.ge [sflag:s28], $0x4000  }
0x72: {  	[sflag:s28] =	ssyncset.done $0x0  }
0x73: {  	[sflag:s28] =	ssyncadd.s32 $0xFFFFC000  }
0x74: {  	[spmem:s3] =	stream.indirect.scatter.add.f32 [tilespmem:s25], [sflag:$0x3], $0x80, s23, s24, $0xb8;
	[tilespmem:$0x1CC00] =	vst v63  }
0x75: {  	_ =	swait.ge [sflag:s29], $0x4000  }
0x76: {  	[sflag:s29] =	ssyncset.done $0x0  }
0x77: {  	s8 =	simm.s32 $0xC80;
	[sflag:s29] =	ssyncadd.s32 $0xFFFFC000  }
0x78: {  	[spmem:s3] =	stream.indirect.scatter.add.f32 [tilespmem:s26], [sflag:$0x4], $0x80, s8, s24, $0xb8;
	[tilespmem:$0x1CC00] =	vst v63  }
0x79: {  	_ =	swait.ge [sflag:s31], $0x4000  }
0x7a: {  	[sflag:s31] =	ssyncset.done $0x0  }
0x7b: {  	s8 =	simm.s32 $0x500;
	[sflag:s31] =	ssyncadd.s32 $0xFFFFC000  }
0x7c: {  	[tilespmem:s25], [sflag:$0x1] =	stream.indirect.gather [hbm4b:s2+s24], $0x80, s8, s24, $0xb8;
	[tilespmem:$0x1CC00] =	vst v63  }
0x7d: {  	_ =	swait.ge [sflag:s1], $0x4000  }
0x7e: {  	[sflag:s1] =	ssyncset.done $0x0  }
0x7f: {  	s8 =	simm.s32 $0x580;
	[sflag:s1] =	ssyncadd.s32 $0xFFFFC000  }
0x80: {  	[tilespmem:s26], [sflag:$0x2] =	stream.indirect.gather [hbm4b:s2+s24], $0x80, s8, s24, $0xb8;
	[tilespmem:$0x1CC00] =	vst v63  }
0x81: {  	_ =	swait.ge [sflag:s28], $0x4000  }
0x82: {  	[sflag:s28] =	ssyncset.done $0x0  }
0x83: {  	s8 =	simm.s32 $0xD00;
	[sflag:s28] =	ssyncadd.s32 $0xFFFFC000  }
0x84: {  	[spmem:s3] =	stream.indirect.scatter.add.f32 [tilespmem:s25], [sflag:$0x3], $0x80, s8, s24, $0xb8;
	[tilespmem:$0x1CC00] =	vst v63  }
0x85: {  	_ =	swait.ge [sflag:s29], $0x4000  }
0x86: {  	[sflag:s29] =	ssyncset.done $0x0  }
0x87: {  	s8 =	simm.s32 $0xD80;
	[sflag:s29] =	ssyncadd.s32 $0xFFFFC000  }
0x88: {  	[spmem:s3] =	stream.indirect.scatter.add.f32 [tilespmem:s26], [sflag:$0x4], $0x80, s8, s24, $0xb8;
	[tilespmem:$0x1CC00] =	vst v63  }
0x89: {  	_ =	swait.ge [sflag:s31], $0x4000  }
0x8a: {  	[sflag:s31] =	ssyncset.done $0x0  }
0x8b: {  	s8 =	simm.s32 $0x600;
	[sflag:s31] =	ssyncadd.s32 $0xFFFFC000  }
0x8c: {  	[tilespmem:s25], [sflag:$0x1] =	stream.indirect.gather [hbm4b:s2+s24], $0x80, s8, s24, $0xb8;
	[tilespmem:$0x1CC00] =	vst v63  }
0x8d: {  	_ =	swait.ge [sflag:s1], $0x4000  }
0x8e: {  	[sflag:s1] =	ssyncset.done $0x0  }
0x8f: {  	s8 =	simm.s32 $0x680;
	[sflag:s1] =	ssyncadd.s32 $0xFFFFC000  }
0x90: {  	[tilespmem:s26], [sflag:$0x2] =	stream.indirect.gather [hbm4b:s2+s24], $0x80, s8, s24, $0xb8;
	[tilespmem:$0x1CC00] =	vst v63  }
0x91: {  	_ =	swait.ge [sflag:s28], $0x4000  }
0x92: {  	[sflag:s28] =	ssyncset.done $0x0  }
0x93: {  	s8 =	simm.s32 $0xE00;
	[sflag:s28] =	ssyncadd.s32 $0xFFFFC000  }
0x94: {  	[spmem:s3] =	stream.indirect.scatter.add.f32 [tilespmem:s25], [sflag:$0x3], $0x80, s8, s24, $0xb8;
	[tilespmem:$0x1CC00] =	vst v63  }
0x95: {  	_ =	swait.ge [sflag:s29], $0x4000  }
0x96: {  	[sflag:s29] =	ssyncset.done $0x0  }
0x97: {  	s8 =	simm.s32 $0xE80;
	[sflag:s29] =	ssyncadd.s32 $0xFFFFC000  }
0x98: {  	[spmem:s3] =	stream.indirect.scatter.add.f32 [tilespmem:s26], [sflag:$0x4], $0x80, s8, s24, $0xb8;
	[tilespmem:$0x1CC00] =	vst v63  }
0x99: {  	_ =	swait.ge [sflag:s31], $0x4000  }
0x9a: {  	[sflag:s31] =	ssyncset.done $0x0  }
0x9b: {  	s8 =	simm.s32 $0x700;
	[sflag:s31] =	ssyncadd.s32 $0xFFFFC000  }
0x9c: {  	[tilespmem:s25], [sflag:$0x1] =	stream.indirect.gather [hbm4b:s2+s24], $0x80, s8, s24, $0xb8;
	[tilespmem:$0x1CC00] =	vst v63  }
0x9d: {  	_ =	swait.ge [sflag:s1], $0x4000  }
0x9e: {  	[sflag:s1] =	ssyncset.done $0x0  }
0x9f: {  	s8 =	simm.s32 $0x780;
	[sflag:s1] =	ssyncadd.s32 $0xFFFFC000  }
0xa0: {  	[tilespmem:s26], [sflag:$0x2] =	stream.indirect.gather [hbm4b:s2+s24], $0x80, s8, s24, $0xb8;
	[tilespmem:$0x1CC00] =	vst v63  }
0xa1: {  	_ =	swait.ge [sflag:s28], $0x4000  }
0xa2: {  	[sflag:s28] =	ssyncset.done $0x0  }
0xa3: {  	s8 =	simm.s32 $0xF00;
	[sflag:s28] =	ssyncadd.s32 $0xFFFFC000  }
0xa4: {  	[spmem:s3] =	stream.indirect.scatter.add.f32 [tilespmem:s25], [sflag:$0x3], $0x80, s8, s24, $0xb8;
	[tilespmem:$0x1CC00] =	vst v63  }
0xa5: {  	_ =	swait.ge [sflag:s29], $0x4000  }
0xa6: {  	[sflag:s29] =	ssyncset.done $0x0  }
0xa7: {  	s8 =	simm.s32 $0xF80;
	[sflag:s29] =	ssyncadd.s32 $0xFFFFC000  }
0xa8: {  	[spmem:s3] =	stream.indirect.scatter.add.f32 [tilespmem:s26], [sflag:$0x4], $0x80, s8, s24, $0xb8;
	[tilespmem:$0x1CC00] =	vst v63  }
0xa9: {  	_ =	swait.ge [sflag:s31], $0x4000  }
0xaa: {  	[sflag:s31] =	ssyncset.done $0x0  }
0xab: {  	[sflag:s31] =	ssyncadd.s32 $0xFFFFC000  }
0xac: {  	_ =	swait.ge [sflag:s1], $0x4000  }
0xad: {  	s13 =	sadd.s32 $0x1, s13;
	[sflag:s1] =	ssyncset.done $0x0  }
0xae: {  	p1 =	sne.s32 s13, s17;
	[sflag:s1] =	ssyncadd.s32 $0xFFFFC000  }
.Ltmp1:
0xaf: {  	[bflag:$0x0] =	sbarrier.arrive $0xFFFF;
	(pc) =	sbr.rel @!p1 .LBB2_7-.Ltmp1, $4  }
0xb0: {  	[hbm:s16], [sflag:s7] =	dma.local [spmem:s0], $0x2780  }
0xb1: {  	_ =	swait.ge [sflag:s20], $0x2780  }
0xb2: {  	[sflag:s20] =	ssyncset.done $0x0  }
0xb3: {  	[sflag:s20] =	ssyncadd.s32 $0xFFFFD880  }
.LBB2_1:
0xb4: {  	s0 =	sshrl.u32 s5, $0x3  }
0xb5: {  	[spmem:s0], [sflag:s7] =	dma.local [hbm:s6], $0x2780  }
.Ltmp2:
0xb6: {  	_ =	swait.ge [sflag:s20], $0x2780;
	(pc) =	sbr.rel @p0 .LBB2_5-.Ltmp2, $3  }
0xb7: {  	[sflag:s20] =	ssyncset.done $0x0  }
0xb8: {  	[sflag:s20] =	ssyncadd.s32 $0xFFFFD880  }
0xb9: {  	[bflag:$0x0] =	sbarrier.arrive $0xFFFF;
	_ =	sdelay $0x1  }
0xba: {  	s8 =	simm.s32 $0x0;
	s9 =	rddreg [dreg:$0x4]  }
0xbb: {  	[tilespmem:s8], [sflag:$0x6] =	stream.linear.gather [hbm4b:s9+s8], $0x400, $0x38;
	[tilespmem:$0x1CC00] =	vst v63  }
0xbc: {  	_ =	swait.ge [sflag:s20], $0x400  }
0xbd: {  	[sflag:s20] =	ssyncset.done $0x0  }
0xbe: {  	s10 =	rddreg [dreg:$0x5];
	[sflag:s20] =	ssyncadd.s32 $0xFFFFFC00  }
0xbf: {  	[tilespmem:s21], [sflag:$0x6] =	stream.linear.gather [hbm4b:s10+s8], $0x400, $0x38;
	[tilespmem:$0x1CC00] =	vst v63  }
0xc0: {  	_ =	swait.ge [sflag:s20], $0x400  }
0xc1: {  	[sflag:s20] =	ssyncset.done $0x0  }
0xc2: {  	s11 =	rddreg [dreg:$0x6];
	[sflag:s20] =	ssyncadd.s32 $0xFFFFFC00  }
0xc3: {  	[tilespmem:s22], [sflag:$0x5] =	stream.linear.gather [hbm4b:s11+s8], $0x400, $0x38;
	[tilespmem:$0x1CC00] =	vst v63  }
0xc4: {  	s14 =	rddreg [dreg:$0x7]  }
0xc5: {  	[tilespmem:s23], [sflag:$0x5] =	stream.linear.gather [hbm4b:s14+s8], $0x400, $0x38;
	[tilespmem:$0x1CC00] =	vst v63  }
0xc6: {  	_ = 	snop  }
0xc7: {  	[tilespmem:s25], [sflag:$0x1] =	stream.indirect.gather [hbm4b:s2+s24], $0x80, s8, s24, $0xb8;
	[tilespmem:$0x1CC00] =	vst v63  }
0xc8: {  	_ = 	snop  }
0xc9: {  	[tilespmem:s26], [sflag:$0x2] =	stream.indirect.gather [hbm4b:s2+s24], $0x80, s24, s24, $0xb8;
	[tilespmem:$0x1CC00] =	vst v63  }
0xca: {  	_ =	swait.ge [sflag:s28], $0x4000  }
0xcb: {  	s8 =	sand.u32 $0x400, s8;
	[sflag:s28] =	ssyncset.done $0x0  }
0xcc: {  	s9 =	sor.u32 $0x800, s8;
	[sflag:s28] =	ssyncadd.s32 $0xFFFFC000  }
0xcd: {  	[spmem:s3] =	stream.indirect.scatter.add.f32 [tilespmem:s25], [sflag:$0x3], $0x80, s9, s24, $0xb8;
	[tilespmem:$0x1CC00] =	vst v63  }
0xce: {  	_ =	swait.ge [sflag:s29], $0x4000  }
0xcf: {  	[sflag:s29] =	ssyncset.done $0x0  }
0xd0: {  	s10 =	sor.u32 $0x880, s8;
	[sflag:s29] =	ssyncadd.s32 $0xFFFFC000  }
0xd1: {  	[spmem:s3] =	stream.indirect.scatter.add.f32 [tilespmem:s26], [sflag:$0x4], $0x80, s10, s24, $0xb8;
	[tilespmem:$0x1CC00] =	vst v63  }
0xd2: {  	_ =	swait.ge [sflag:s31], $0x4000  }
0xd3: {  	[sflag:s31] =	ssyncset.done $0x0  }
0xd4: {  	s15 =	sor.u32 $0x100, s8;
	[sflag:s31] =	ssyncadd.s32 $0xFFFFC000  }
0xd5: {  	[tilespmem:s25], [sflag:$0x1] =	stream.indirect.gather [hbm4b:s2+s24], $0x80, s15, s24, $0xb8;
	[tilespmem:$0x1CC00] =	vst v63  }
0xd6: {  	_ =	swait.ge [sflag:s1], $0x4000  }
0xd7: {  	[sflag:s1] =	ssyncset.done $0x0  }
0xd8: {  	s30 =	sor.u32 $0x180, s8;
	[sflag:s1] =	ssyncadd.s32 $0xFFFFC000  }
0xd9: {  	[tilespmem:s26], [sflag:$0x2] =	stream.indirect.gather [hbm4b:s2+s24], $0x80, s30, s24, $0xb8;
	[tilespmem:$0x1CC00] =	vst v63  }
0xda: {  	_ =	swait.ge [sflag:s28], $0x4000  }
0xdb: {  	[sflag:s28] =	ssyncset.done $0x0  }
0xdc: {  	s11 =	sor.u32 $0x900, s8;
	[sflag:s28] =	ssyncadd.s32 $0xFFFFC000  }
0xdd: {  	[spmem:s3] =	stream.indirect.scatter.add.f32 [tilespmem:s25], [sflag:$0x3], $0x80, s11, s24, $0xb8;
	[tilespmem:$0x1CC00] =	vst v63  }
0xde: {  	_ =	swait.ge [sflag:s29], $0x4000  }
0xdf: {  	[sflag:s29] =	ssyncset.done $0x0  }
0xe0: {  	s14 =	sor.u32 $0x980, s8;
	[sflag:s29] =	ssyncadd.s32 $0xFFFFC000  }
0xe1: {  	[spmem:s3] =	stream.indirect.scatter.add.f32 [tilespmem:s26], [sflag:$0x4], $0x80, s14, s24, $0xb8;
	[tilespmem:$0x1CC00] =	vst v63  }
0xe2: {  	_ =	swait.ge [sflag:s31], $0x4000  }
0xe3: {  	[sflag:s31] =	ssyncset.done $0x0  }
0xe4: {  	s15 =	sor.u32 $0x200, s8;
	[sflag:s31] =	ssyncadd.s32 $0xFFFFC000  }
0xe5: {  	[tilespmem:s25], [sflag:$0x1] =	stream.indirect.gather [hbm4b:s2+s24], $0x80, s15, s24, $0xb8;
	[tilespmem:$0x1CC00] =	vst v63  }
0xe6: {  	_ =	swait.ge [sflag:s1], $0x4000  }
0xe7: {  	[sflag:s1] =	ssyncset.done $0x0  }
0xe8: {  	s30 =	sor.u32 $0x280, s8;
	[sflag:s1] =	ssyncadd.s32 $0xFFFFC000  }
0xe9: {  	[tilespmem:s26], [sflag:$0x2] =	stream.indirect.gather [hbm4b:s2+s24], $0x80, s30, s24, $0xb8;
	[tilespmem:$0x1CC00] =	vst v63  }
0xea: {  	_ =	swait.ge [sflag:s28], $0x4000  }
0xeb: {  	[sflag:s28] =	ssyncset.done $0x0  }
0xec: {  	s11 =	sor.u32 $0xA00, s8;
	[sflag:s28] =	ssyncadd.s32 $0xFFFFC000  }
0xed: {  	[spmem:s3] =	stream.indirect.scatter.add.f32 [tilespmem:s25], [sflag:$0x3], $0x80, s11, s24, $0xb8;
	[tilespmem:$0x1CC00] =	vst v63  }
0xee: {  	_ =	swait.ge [sflag:s29], $0x4000  }
0xef: {  	[sflag:s29] =	ssyncset.done $0x0  }
0xf0: {  	s14 =	sor.u32 $0xA80, s8;
	[sflag:s29] =	ssyncadd.s32 $0xFFFFC000  }
0xf1: {  	[spmem:s3] =	stream.indirect.scatter.add.f32 [tilespmem:s26], [sflag:$0x4], $0x80, s14, s24, $0xb8;
	[tilespmem:$0x1CC00] =	vst v63  }
0xf2: {  	_ =	swait.ge [sflag:s31], $0x4000  }
0xf3: {  	[sflag:s31] =	ssyncset.done $0x0  }
0xf4: {  	s15 =	sor.u32 $0x300, s8;
	[sflag:s31] =	ssyncadd.s32 $0xFFFFC000  }
0xf5: {  	[tilespmem:s25], [sflag:$0x1] =	stream.indirect.gather [hbm4b:s2+s24], $0x80, s15, s24, $0xb8;
	[tilespmem:$0x1CC00] =	vst v63  }
0xf6: {  	_ =	swait.ge [sflag:s1], $0x4000  }
0xf7: {  	[sflag:s1] =	ssyncset.done $0x0  }
0xf8: {  	s30 =	sor.u32 $0x380, s8;
	[sflag:s1] =	ssyncadd.s32 $0xFFFFC000  }
0xf9: {  	[tilespmem:s26], [sflag:$0x2] =	stream.indirect.gather [hbm4b:s2+s24], $0x80, s30, s24, $0xb8;
	[tilespmem:$0x1CC00] =	vst v63  }
0xfa: {  	_ =	swait.ge [sflag:s28], $0x4000  }
0xfb: {  	[sflag:s28] =	ssyncset.done $0x0  }
0xfc: {  	s11 =	sor.u32 $0xB00, s8;
	[sflag:s28] =	ssyncadd.s32 $0xFFFFC000  }
0xfd: {  	[spmem:s3] =	stream.indirect.scatter.add.f32 [tilespmem:s25], [sflag:$0x3], $0x80, s11, s24, $0xb8;
	[tilespmem:$0x1CC00] =	vst v63  }
0xfe: {  	_ =	swait.ge [sflag:s29], $0x4000  }
0xff: {  	[sflag:s29] =	ssyncset.done $0x0  }
0x100: {  	s14 =	sor.u32 $0xB80, s8;
	[sflag:s29] =	ssyncadd.s32 $0xFFFFC000  }
0x101: {  	[spmem:s3] =	stream.indirect.scatter.add.f32 [tilespmem:s26], [sflag:$0x4], $0x80, s14, s24, $0xb8;
	[tilespmem:$0x1CC00] =	vst v63  }
0x102: {  	_ =	swait.ge [sflag:s12], $0x400  }
0x103: {  	[sflag:s12] =	ssyncset.done $0x0  }
0x104: {  	[sflag:s12] =	ssyncadd.s32 $0xFFFFFC00  }
0x105: {  	_ =	swait.ge [sflag:s12], $0x400  }
0x106: {  	[sflag:s12] =	ssyncset.done $0x0  }
0x107: {  	[sflag:s12] =	ssyncadd.s32 $0xFFFFFC00  }
0x108: {  	_ =	swait.ge [sflag:s31], $0x4000  }
0x109: {  	[sflag:s31] =	ssyncset.done $0x0  }
0x10a: {  	s15 =	sxor.u32 $0x400, s8;
	[sflag:s31] =	ssyncadd.s32 $0xFFFFC000  }
0x10b: {  	[tilespmem:s25], [sflag:$0x1] =	stream.indirect.gather [hbm4b:s2+s24], $0x80, s15, s24, $0xb8;
	[tilespmem:$0x1CC00] =	vst v63  }
0x10c: {  	_ =	swait.ge [sflag:s1], $0x4000  }
0x10d: {  	[sflag:s1] =	ssyncset.done $0x0  }
0x10e: {  	s30 =	sxor.u32 $0x480, s8;
	[sflag:s1] =	ssyncadd.s32 $0xFFFFC000  }
0x10f: {  	[tilespmem:s26], [sflag:$0x2] =	stream.indirect.gather [hbm4b:s2+s24], $0x80, s30, s24, $0xb8;
	[tilespmem:$0x1CC00] =	vst v63  }
0x110: {  	_ = 	snop  }
0x111: {  	[tilespmem:s8], [sflag:$0x5] =	stream.linear.gather [hbm4b:s19+s4], $0x400, $0x38;
	[tilespmem:$0x1CC00] =	vst v63  }
0x112: {  	_ = 	snop  }
0x113: {  	[tilespmem:s9], [sflag:$0x5] =	stream.linear.gather [hbm4b:s18+s4], $0x400, $0x38;
	[tilespmem:$0x1CC00] =	vst v63  }
0x114: {  	s14 =	sadd.s32 $0x80, s18;
	s15 =	sadd.s32 $0x80, s19;
	_ =	swait.ge [sflag:s28], $0x4000  }
0x115: {  	s8 =	simm.s32 $0x400;
	s9 =	simm.s32 $0x800;
	[sflag:s28] =	ssyncset.done $0x0  }
.LBB2_3:
0x116: {  	s11 =	sand.u32 $0x400, s8  }
0x117: {  	[sflag:s28] =	ssyncadd.s32 $0xFFFFC000;
	s8 =	smov.u32 s9;
	s10 =	sadd.s32 $0x400, s9  }
0x118: {  	p1 =	seq.s32 s9, $0x3C00;
	s9 =	sor.u32 $0x800, s11  }
0x119: {  	[spmem:s3] =	stream.indirect.scatter.add.f32 [tilespmem:s25], [sflag:$0x3], $0x80, s9, s24, $0xb8;
	[tilespmem:$0x1CC00] =	vst v63  }
0x11a: {  	_ =	swait.ge [sflag:s29], $0x4000  }
0x11b: {  	[sflag:s29] =	ssyncset.done $0x0  }
0x11c: {  	s30 =	sor.u32 $0x880, s11;
	[sflag:s29] =	ssyncadd.s32 $0xFFFFC000  }
0x11d: {  	[spmem:s3] =	stream.indirect.scatter.add.f32 [tilespmem:s26], [sflag:$0x4], $0x80, s30, s24, $0xb8;
	[tilespmem:$0x1CC00] =	vst v63  }
0x11e: {  	_ =	swait.ge [sflag:s31], $0x4000  }
0x11f: {  	[sflag:s31] =	ssyncset.done $0x0  }
0x120: {  	s30 =	sor.u32 $0x100, s11;
	[sflag:s31] =	ssyncadd.s32 $0xFFFFC000  }
0x121: {  	[tilespmem:s25], [sflag:$0x1] =	stream.indirect.gather [hbm4b:s2+s24], $0x80, s30, s24, $0xb8;
	[tilespmem:$0x1CC00] =	vst v63  }
0x122: {  	_ =	swait.ge [sflag:s1], $0x4000  }
0x123: {  	[sflag:s1] =	ssyncset.done $0x0  }
0x124: {  	s30 =	sor.u32 $0x180, s11;
	[sflag:s1] =	ssyncadd.s32 $0xFFFFC000  }
0x125: {  	[tilespmem:s26], [sflag:$0x2] =	stream.indirect.gather [hbm4b:s2+s24], $0x80, s30, s24, $0xb8;
	[tilespmem:$0x1CC00] =	vst v63  }
0x126: {  	_ =	swait.ge [sflag:s28], $0x4000  }
0x127: {  	[sflag:s28] =	ssyncset.done $0x0  }
0x128: {  	s30 =	sor.u32 $0x900, s11;
	[sflag:s28] =	ssyncadd.s32 $0xFFFFC000  }
0x129: {  	[spmem:s3] =	stream.indirect.scatter.add.f32 [tilespmem:s25], [sflag:$0x3], $0x80, s30, s24, $0xb8;
	[tilespmem:$0x1CC00] =	vst v63  }
0x12a: {  	_ =	swait.ge [sflag:s29], $0x4000  }
0x12b: {  	[sflag:s29] =	ssyncset.done $0x0  }
0x12c: {  	s30 =	sor.u32 $0x980, s11;
	[sflag:s29] =	ssyncadd.s32 $0xFFFFC000  }
0x12d: {  	[spmem:s3] =	stream.indirect.scatter.add.f32 [tilespmem:s26], [sflag:$0x4], $0x80, s30, s24, $0xb8;
	[tilespmem:$0x1CC00] =	vst v63  }
0x12e: {  	_ =	swait.ge [sflag:s31], $0x4000  }
0x12f: {  	[sflag:s31] =	ssyncset.done $0x0  }
0x130: {  	s30 =	sor.u32 $0x200, s11;
	[sflag:s31] =	ssyncadd.s32 $0xFFFFC000  }
0x131: {  	[tilespmem:s25], [sflag:$0x1] =	stream.indirect.gather [hbm4b:s2+s24], $0x80, s30, s24, $0xb8;
	[tilespmem:$0x1CC00] =	vst v63  }
0x132: {  	_ =	swait.ge [sflag:s1], $0x4000  }
0x133: {  	[sflag:s1] =	ssyncset.done $0x0  }
0x134: {  	s30 =	sor.u32 $0x280, s11;
	[sflag:s1] =	ssyncadd.s32 $0xFFFFC000  }
0x135: {  	[tilespmem:s26], [sflag:$0x2] =	stream.indirect.gather [hbm4b:s2+s24], $0x80, s30, s24, $0xb8;
	[tilespmem:$0x1CC00] =	vst v63  }
0x136: {  	_ =	swait.ge [sflag:s28], $0x4000  }
0x137: {  	[sflag:s28] =	ssyncset.done $0x0  }
0x138: {  	s30 =	sor.u32 $0xA00, s11;
	[sflag:s28] =	ssyncadd.s32 $0xFFFFC000  }
0x139: {  	[spmem:s3] =	stream.indirect.scatter.add.f32 [tilespmem:s25], [sflag:$0x3], $0x80, s30, s24, $0xb8;
	[tilespmem:$0x1CC00] =	vst v63  }
0x13a: {  	_ =	swait.ge [sflag:s29], $0x4000  }
0x13b: {  	[sflag:s29] =	ssyncset.done $0x0  }
0x13c: {  	s30 =	sor.u32 $0xA80, s11;
	[sflag:s29] =	ssyncadd.s32 $0xFFFFC000  }
0x13d: {  	[spmem:s3] =	stream.indirect.scatter.add.f32 [tilespmem:s26], [sflag:$0x4], $0x80, s30, s24, $0xb8;
	[tilespmem:$0x1CC00] =	vst v63  }
0x13e: {  	_ =	swait.ge [sflag:s31], $0x4000  }
0x13f: {  	[sflag:s31] =	ssyncset.done $0x0  }
0x140: {  	s30 =	sor.u32 $0x300, s11;
	[sflag:s31] =	ssyncadd.s32 $0xFFFFC000  }
0x141: {  	[tilespmem:s25], [sflag:$0x1] =	stream.indirect.gather [hbm4b:s2+s24], $0x80, s30, s24, $0xb8;
	[tilespmem:$0x1CC00] =	vst v63  }
0x142: {  	_ =	swait.ge [sflag:s1], $0x4000  }
0x143: {  	[sflag:s1] =	ssyncset.done $0x0  }
0x144: {  	s30 =	sor.u32 $0x380, s11;
	[sflag:s1] =	ssyncadd.s32 $0xFFFFC000  }
0x145: {  	[tilespmem:s26], [sflag:$0x2] =	stream.indirect.gather [hbm4b:s2+s24], $0x80, s30, s24, $0xb8;
	[tilespmem:$0x1CC00] =	vst v63  }
0x146: {  	_ =	swait.ge [sflag:s28], $0x4000  }
0x147: {  	[sflag:s28] =	ssyncset.done $0x0  }
0x148: {  	s30 =	sor.u32 $0xB00, s11;
	[sflag:s28] =	ssyncadd.s32 $0xFFFFC000  }
0x149: {  	[spmem:s3] =	stream.indirect.scatter.add.f32 [tilespmem:s25], [sflag:$0x3], $0x80, s30, s24, $0xb8;
	[tilespmem:$0x1CC00] =	vst v63  }
0x14a: {  	_ =	swait.ge [sflag:s29], $0x4000  }
0x14b: {  	[sflag:s29] =	ssyncset.done $0x0  }
0x14c: {  	s30 =	sor.u32 $0xB80, s11;
	[sflag:s29] =	ssyncadd.s32 $0xFFFFC000  }
0x14d: {  	[spmem:s3] =	stream.indirect.scatter.add.f32 [tilespmem:s26], [sflag:$0x4], $0x80, s30, s24, $0xb8;
	[tilespmem:$0x1CC00] =	vst v63  }
0x14e: {  	_ =	swait.ge [sflag:s12], $0x400  }
0x14f: {  	[sflag:s12] =	ssyncset.done $0x0  }
0x150: {  	[sflag:s12] =	ssyncadd.s32 $0xFFFFFC00  }
0x151: {  	_ =	swait.ge [sflag:s12], $0x400  }
0x152: {  	[sflag:s12] =	ssyncset.done $0x0  }
0x153: {  	[sflag:s12] =	ssyncadd.s32 $0xFFFFFC00  }
0x154: {  	_ =	swait.ge [sflag:s31], $0x4000  }
0x155: {  	[sflag:s31] =	ssyncset.done $0x0  }
0x156: {  	s30 =	sxor.u32 $0x400, s11;
	[sflag:s31] =	ssyncadd.s32 $0xFFFFC000  }
0x157: {  	[tilespmem:s25], [sflag:$0x1] =	stream.indirect.gather [hbm4b:s2+s24], $0x80, s30, s24, $0xb8;
	[tilespmem:$0x1CC00] =	vst v63  }
0x158: {  	_ =	swait.ge [sflag:s1], $0x4000  }
0x159: {  	[sflag:s1] =	ssyncset.done $0x0  }
0x15a: {  	s30 =	sxor.u32 $0x480, s11;
	[sflag:s1] =	ssyncadd.s32 $0xFFFFC000  }
0x15b: {  	[tilespmem:s26], [sflag:$0x2] =	stream.indirect.gather [hbm4b:s2+s24], $0x80, s30, s24, $0xb8;
	[tilespmem:$0x1CC00] =	vst v63  }
0x15c: {  	_ = 	snop  }
0x15d: {  	[tilespmem:s11], [sflag:$0x5] =	stream.linear.gather [hbm4b:s15+s4], $0x400, $0x38;
	[tilespmem:$0x1CC00] =	vst v63  }
.Ltmp3:
0x15e: {  	_ = 	snop;
	(pc) =	sbr.rel @!p1 .LBB2_3-.Ltmp3, $4  }
0x15f: {  	_ = 	snop  }
0x160: {  	[tilespmem:s9], [sflag:$0x5] =	stream.linear.gather [hbm4b:s14+s4], $0x400, $0x38;
	[tilespmem:$0x1CC00] =	vst v63  }
0x161: {  	s15 =	sadd.s32 $0x80, s15;
	_ =	swait.ge [sflag:s28], $0x4000  }
0x162: {  	s14 =	sadd.s32 $0x80, s14;
	s9 =	smov.u32 s10;
	[sflag:s28] =	ssyncset.done $0x0  }
0x163: {  	s8 =	sand.u32 $0x400, s8  }
0x164: {  	[sflag:s28] =	ssyncadd.s32 $0xFFFFC000;
	s9 =	sor.u32 $0x800, s8  }
0x165: {  	[spmem:s3] =	stream.indirect.scatter.add.f32 [tilespmem:s25], [sflag:$0x3], $0x80, s9, s24, $0xb8;
	[tilespmem:$0x1CC00] =	vst v63  }
0x166: {  	_ =	swait.ge [sflag:s29], $0x4000  }
0x167: {  	[sflag:s29] =	ssyncset.done $0x0  }
0x168: {  	s10 =	sor.u32 $0x880, s8;
	[sflag:s29] =	ssyncadd.s32 $0xFFFFC000  }
0x169: {  	[spmem:s3] =	stream.indirect.scatter.add.f32 [tilespmem:s26], [sflag:$0x4], $0x80, s10, s24, $0xb8;
	[tilespmem:$0x1CC00] =	vst v63  }
0x16a: {  	_ =	swait.ge [sflag:s31], $0x4000  }
0x16b: {  	[sflag:s31] =	ssyncset.done $0x0  }
0x16c: {  	s11 =	sor.u32 $0x100, s8;
	[sflag:s31] =	ssyncadd.s32 $0xFFFFC000  }
0x16d: {  	[tilespmem:s25], [sflag:$0x1] =	stream.indirect.gather [hbm4b:s2+s24], $0x80, s11, s24, $0xb8;
	[tilespmem:$0x1CC00] =	vst v63  }
0x16e: {  	_ =	swait.ge [sflag:s1], $0x4000  }
0x16f: {  	[sflag:s1] =	ssyncset.done $0x0  }
0x170: {  	s11 =	sor.u32 $0x180, s8;
	[sflag:s1] =	ssyncadd.s32 $0xFFFFC000  }
0x171: {  	[tilespmem:s26], [sflag:$0x2] =	stream.indirect.gather [hbm4b:s2+s24], $0x80, s11, s24, $0xb8;
	[tilespmem:$0x1CC00] =	vst v63  }
0x172: {  	_ =	swait.ge [sflag:s28], $0x4000  }
0x173: {  	[sflag:s28] =	ssyncset.done $0x0  }
0x174: {  	s11 =	sor.u32 $0x900, s8;
	[sflag:s28] =	ssyncadd.s32 $0xFFFFC000  }
0x175: {  	[spmem:s3] =	stream.indirect.scatter.add.f32 [tilespmem:s25], [sflag:$0x3], $0x80, s11, s24, $0xb8;
	[tilespmem:$0x1CC00] =	vst v63  }
0x176: {  	_ =	swait.ge [sflag:s29], $0x4000  }
0x177: {  	[sflag:s29] =	ssyncset.done $0x0  }
0x178: {  	s11 =	sor.u32 $0x980, s8;
	[sflag:s29] =	ssyncadd.s32 $0xFFFFC000  }
0x179: {  	[spmem:s3] =	stream.indirect.scatter.add.f32 [tilespmem:s26], [sflag:$0x4], $0x80, s11, s24, $0xb8;
	[tilespmem:$0x1CC00] =	vst v63  }
0x17a: {  	_ =	swait.ge [sflag:s31], $0x4000  }
0x17b: {  	[sflag:s31] =	ssyncset.done $0x0  }
0x17c: {  	s11 =	sor.u32 $0x200, s8;
	[sflag:s31] =	ssyncadd.s32 $0xFFFFC000  }
0x17d: {  	[tilespmem:s25], [sflag:$0x1] =	stream.indirect.gather [hbm4b:s2+s24], $0x80, s11, s24, $0xb8;
	[tilespmem:$0x1CC00] =	vst v63  }
0x17e: {  	_ =	swait.ge [sflag:s1], $0x4000  }
0x17f: {  	[sflag:s1] =	ssyncset.done $0x0  }
0x180: {  	s11 =	sor.u32 $0x280, s8;
	[sflag:s1] =	ssyncadd.s32 $0xFFFFC000  }
0x181: {  	[tilespmem:s26], [sflag:$0x2] =	stream.indirect.gather [hbm4b:s2+s24], $0x80, s11, s24, $0xb8;
	[tilespmem:$0x1CC00] =	vst v63  }
0x182: {  	_ =	swait.ge [sflag:s28], $0x4000  }
0x183: {  	[sflag:s28] =	ssyncset.done $0x0  }
0x184: {  	s11 =	sor.u32 $0xA00, s8;
	[sflag:s28] =	ssyncadd.s32 $0xFFFFC000  }
0x185: {  	[spmem:s3] =	stream.indirect.scatter.add.f32 [tilespmem:s25], [sflag:$0x3], $0x80, s11, s24, $0xb8;
	[tilespmem:$0x1CC00] =	vst v63  }
0x186: {  	_ =	swait.ge [sflag:s29], $0x4000  }
0x187: {  	[sflag:s29] =	ssyncset.done $0x0  }
0x188: {  	s11 =	sor.u32 $0xA80, s8;
	[sflag:s29] =	ssyncadd.s32 $0xFFFFC000  }
0x189: {  	[spmem:s3] =	stream.indirect.scatter.add.f32 [tilespmem:s26], [sflag:$0x4], $0x80, s11, s24, $0xb8;
	[tilespmem:$0x1CC00] =	vst v63  }
0x18a: {  	_ =	swait.ge [sflag:s31], $0x4000  }
0x18b: {  	[sflag:s31] =	ssyncset.done $0x0  }
0x18c: {  	s11 =	sor.u32 $0x300, s8;
	[sflag:s31] =	ssyncadd.s32 $0xFFFFC000  }
0x18d: {  	[tilespmem:s25], [sflag:$0x1] =	stream.indirect.gather [hbm4b:s2+s24], $0x80, s11, s24, $0xb8;
	[tilespmem:$0x1CC00] =	vst v63  }
0x18e: {  	_ =	swait.ge [sflag:s1], $0x4000  }
0x18f: {  	[sflag:s1] =	ssyncset.done $0x0  }
0x190: {  	s11 =	sor.u32 $0x380, s8;
	[sflag:s1] =	ssyncadd.s32 $0xFFFFC000  }
0x191: {  	[tilespmem:s26], [sflag:$0x2] =	stream.indirect.gather [hbm4b:s2+s24], $0x80, s11, s24, $0xb8;
	[tilespmem:$0x1CC00] =	vst v63  }
0x192: {  	_ =	swait.ge [sflag:s28], $0x4000  }
0x193: {  	[sflag:s28] =	ssyncset.done $0x0  }
0x194: {  	s11 =	sor.u32 $0xB00, s8;
	[sflag:s28] =	ssyncadd.s32 $0xFFFFC000  }
0x195: {  	[spmem:s3] =	stream.indirect.scatter.add.f32 [tilespmem:s25], [sflag:$0x3], $0x80, s11, s24, $0xb8;
	[tilespmem:$0x1CC00] =	vst v63  }
0x196: {  	_ =	swait.ge [sflag:s29], $0x4000  }
0x197: {  	[sflag:s29] =	ssyncset.done $0x0  }
0x198: {  	s11 =	sor.u32 $0xB80, s8;
	[sflag:s29] =	ssyncadd.s32 $0xFFFFC000  }
0x199: {  	[spmem:s3] =	stream.indirect.scatter.add.f32 [tilespmem:s26], [sflag:$0x4], $0x80, s11, s24, $0xb8;
	[tilespmem:$0x1CC00] =	vst v63  }
0x19a: {  	_ =	swait.ge [sflag:s12], $0x400  }
0x19b: {  	[sflag:s12] =	ssyncset.done $0x0  }
0x19c: {  	[sflag:s12] =	ssyncadd.s32 $0xFFFFFC00  }
0x19d: {  	_ =	swait.ge [sflag:s12], $0x400  }
0x19e: {  	[sflag:s12] =	ssyncset.done $0x0  }
0x19f: {  	[sflag:s12] =	ssyncadd.s32 $0xFFFFFC00  }
0x1a0: {  	_ =	swait.ge [sflag:s31], $0x4000  }
0x1a1: {  	[sflag:s31] =	ssyncset.done $0x0  }
0x1a2: {  	s11 =	sxor.u32 $0x400, s8;
	[sflag:s31] =	ssyncadd.s32 $0xFFFFC000  }
0x1a3: {  	[tilespmem:s25], [sflag:$0x1] =	stream.indirect.gather [hbm4b:s2+s24], $0x80, s11, s24, $0xb8;
	[tilespmem:$0x1CC00] =	vst v63  }
0x1a4: {  	_ =	swait.ge [sflag:s1], $0x4000  }
0x1a5: {  	[sflag:s1] =	ssyncset.done $0x0  }
0x1a6: {  	s11 =	sxor.u32 $0x480, s8;
	[sflag:s1] =	ssyncadd.s32 $0xFFFFC000  }
0x1a7: {  	[tilespmem:s26], [sflag:$0x2] =	stream.indirect.gather [hbm4b:s2+s24], $0x80, s11, s24, $0xb8;
	[tilespmem:$0x1CC00] =	vst v63  }
0x1a8: {  	_ = 	snop  }
0x1a9: {  	[tilespmem:s8], [sflag:$0x5] =	stream.linear.gather [hbm4b:s15+s4], $0x400, $0x38;
	[tilespmem:$0x1CC00] =	vst v63  }
.Ltmp4:
0x1aa: {  	_ = 	snop;
	(pc) =	sbr.rel .LBB2_6-.Ltmp4, $4  }
0x1ab: {  	[tilespmem:s9], [sflag:$0x5] =	stream.linear.gather [hbm4b:s14+s4], $0x400, $0x38;
	[tilespmem:$0x1CC00] =	vst v63  }
0x1ac: {  	s30 =	simm.s32 $0x200;
	s10 =	simm.s32 $0x100;
	_ =	swait.ge [sflag:s28], $0x4000  }
0x1ad: {  	s11 =	simm.s32 $0x180;
	s15 =	simm.s32 $0x980;
	[sflag:s28] =	ssyncset.done $0x0  }
0x1ae: {  	s9 =	simm.s32 $0x880;
	s14 =	simm.s32 $0x900;
	[sflag:s28] =	ssyncadd.s32 $0xFFFFC000  }
.LBB2_7:
0x1af: {  	_ =	sfence.sel $0x180000  }
0x1b0: {  	[bflag:$0x0] =	sbarrier.arrive $0xFFFF  }
0x1b1: {  	_ =	strace $0x90000047  }
0x1b2: {  	s0 =	stileid.u32;
	[bflag:$0x2] =	sbarrier.arrive $0xFFFF  }
0x1b3: {  	p0 =	sne.s32 s0, $0x0;
	s0 =	rddreg [dreg:$0x3]  }
0x1b4: {  	s0 =	sadd.s32 @!p0 $0x100000, s0  }
0x1b5: {  	[sflag:s0] =	ssyncadd.tile.s32 @!p0 $0x1;
	_ =	shalt  }
.Lfunc_end2:
_tile_overlayer_lowered:
.L_overlay_start_2:
0x1b6: {  	(tag) =	ssettag $0x2  }
0x1b7: {  	s0 =	rddreg [dreg:$0x0];
	s2 =	stileid.u32  }
0x1b8: {  	s1 =	rddreg [dreg:$0x1];
	p0 =	sne.s32 s2, $0x0  }
0x1b9: {  	s3 =	rddreg [dreg:$0x2];
	[bflag:$0x3] =	sbarrier.arrive $0xFFFF;
	s2 =	simm.s32 @!p0 $0x1C06  }
0x1ba: {  	[timem:s3], [sflag:s2] =	dma.local @!p0 [hbm:s0], s1  }
0x1bb: {  	s0 =	simm.s32 @!p0 $0x6  }
0x1bc: {  	_ =	swait.ge @!p0 [sflag:s0], s1  }
0x1bd: {  	s1 =	ssub.s32 @!p0 $0x0, s1;
	[sflag:s0] =	ssyncset.done @!p0 $0x0  }
0x1be: {  	[sflag:s0] =	ssyncadd.s32 @!p0 s1  }
0x1bf: {  	[bflag:$0x3] =	sbarrier.arrive $0xFFFF  }
0x1c0: {  	_ =	shalt  }

</sc_bundles>
